<compile_context>
chip_gen: v7x
topology: tpu7x:2x2x1
jax: 0.10.2.dev20260603
libtpu: 0.0.44.dev20260713+nightly
codegen_flags: <defaults>
</compile_context>

<pallas_src>
import functools

import jax
import jax.numpy as jnp
from jax import lax
from jax.experimental import pallas as pl
from jax.experimental.pallas import tpu as pltpu
from jax.experimental.pallas import tpu_sc as plsc

E = 8
N_GROUP = 4
TOPK_GROUP = 2
TOP_K = 2
GROUP_SIZE = E // N_GROUP
ROUTED_SCALING = 2.5
NEG = -1e30
N_SHARED_CHUNKS = 4
L = 16
NW = 32


def _logits_kernel(x_ref, gw_ref, out_ref, xbf_ref):
    xb = x_ref[...].astype(jnp.bfloat16)
    xbf_ref[...] = xb
    out_ref[...] = jax.lax.dot_general(
        gw_ref[...], xb, (((1,), (1,)), ((), ())),
        preferred_element_type=jnp.float32)


def _make_sc_routing(t):
    tpw = t // NW
    mesh = plsc.VectorSubcoreMesh(core_axis_name="c", subcore_axis_name="s")

    @functools.partial(
        pl.kernel, mesh=mesh,
        out_type=jax.ShapeDtypeStruct((N_SHARED_CHUNKS + E, t), jnp.float32),
        scratch_types=[
            pltpu.VMEM((E, tpw), jnp.float32),
            pltpu.VMEM((N_SHARED_CHUNKS + E, tpw), jnp.float32),
            pltpu.VMEM((E, L), jnp.float32),
            pltpu.SemaphoreType.DMA,
        ],
    )
    def routing(lg_hbm, bias_hbm, out_hbm, lg_v, w_v, bias_v, sem):
        wid = lax.axis_index("s") * 2 + lax.axis_index("c")
        base = wid * tpw
        copies = [pltpu.async_copy(lg_hbm.at[e, pl.ds(base, tpw)],
                                   lg_v.at[e], sem) for e in range(E)]
        copies.append(pltpu.async_copy(bias_hbm, bias_v, sem))
        for c in copies:
            c.wait()
        ones = jnp.ones((L,), jnp.float32)
        for k in range(tpw // L):
            ds = pl.ds(k * L, L)
            sc = []
            for e in range(E):
                z = lg_v[e, ds]
                sc.append(1.0 / (1.0 + jnp.exp(-z)))
            sb = [sc[e] + bias_v[e] for e in range(E)]
            g = [sb[GROUP_SIZE * gi] + sb[GROUP_SIZE * gi + 1]
                 for gi in range(N_GROUP)]
            gmask = []
            for gi in range(N_GROUP):
                r = jnp.zeros((L,), jnp.float32)
                for gj in range(N_GROUP):
                    if gj == gi:
                        continue
                    beats = (g[gj] > g[gi]) if gj > gi else (g[gj] >= g[gi])
                    r = r + jnp.where(beats, 1.0, 0.0)
                gmask.append(r < TOPK_GROUP)
            ms = [jnp.where(gmask[e // GROUP_SIZE], sb[e], NEG)
                  for e in range(E)]
            wts = []
            for ei in range(E):
                r = jnp.zeros((L,), jnp.float32)
                for ej in range(E):
                    if ej == ei:
                        continue
                    beats = ((ms[ej] > ms[ei]) if ej > ei
                             else (ms[ej] >= ms[ei]))
                    r = r + jnp.where(beats, 1.0, 0.0)
                wts.append(jnp.where(r < TOP_K, sc[ei], 0.0))
            denom = wts[0]
            for e in range(1, E):
                denom = denom + wts[e]
            denom = denom + 1e-20
            for c in range(N_SHARED_CHUNKS):
                w_v[c, ds] = ones
            for e in range(E):
                w_v[N_SHARED_CHUNKS + e, ds] = (
                    ROUTED_SCALING * (wts[e] / denom))
        ocopies = [pltpu.async_copy(w_v.at[r], out_hbm.at[r, pl.ds(base, tpw)],
                                    sem) for r in range(N_SHARED_CHUNKS + E)]
        for c in ocopies:
            c.wait()

    return routing


def _moe_kernel(x_ref, wt_ref, up_ref, down_ref, sup_ref, sdown_ref, out_ref):
    step = pl.program_id(0)
    t = x_ref.shape[0]
    n_sub = 4
    ts = t // n_sub

    def mlp_acc(wu, wd, first, weighted):
        wub = wu.astype(jnp.bfloat16)
        wdb = wd.astype(jnp.bfloat16)
        for s in range(n_sub):
            sl = pl.ds(s * ts, ts)
            h = jax.lax.dot_general(
                x_ref[sl], wub, (((1,), (1,)), ((), ())),
                preferred_element_type=jnp.float32)
            h = jnp.square(jnp.maximum(h, 0.0)).astype(jnp.bfloat16)
            y = jax.lax.dot_general(
                h, wdb, (((1,), (1,)), ((), ())),
                preferred_element_type=jnp.float32)
            if weighted:
                y = wt_ref[0, sl] * y
            if first:
                out_ref[sl, :] = y
            else:
                out_ref[sl, :] += y

    @pl.when(step == 0)
    def _():
        mlp_acc(sup_ref[...], sdown_ref[...], True, False)

    @pl.when(jnp.logical_and(step > 0, step < N_SHARED_CHUNKS))
    def _():
        mlp_acc(sup_ref[...], sdown_ref[...], False, False)

    @pl.when(step >= N_SHARED_CHUNKS)
    def _():
        mlp_acc(up_ref[0], down_ref[0], False, True)


def kernel(hidden_states, gate_w, e_score_correction_bias, w_up, w_down,
           shared_w_up, shared_w_down):
    t, d = hidden_states.shape
    e, d_ff, _ = w_up.shape
    d_ff_sh = shared_w_up.shape[0]
    assert e == E and d_ff_sh == N_SHARED_CHUNKS * d_ff
    n_steps = N_SHARED_CHUNKS + E
    tpw = t // NW

    logits_t, x_bf = pl.pallas_call(
        _logits_kernel,
        out_shape=(jax.ShapeDtypeStruct((E, t), jnp.float32),
                   jax.ShapeDtypeStruct((t, d), jnp.bfloat16)),
    )(hidden_states, gate_w)

    bias16 = jnp.tile(e_score_correction_bias[:, None], (1, L))
    w_sc = _make_sc_routing(t)(logits_t, bias16)
    wt3 = w_sc.reshape(n_steps, t, 1)

    nsc = N_SHARED_CHUNKS
    out = pl.pallas_call(
        _moe_kernel,
        grid=(n_steps,),
        in_specs=[
            pl.BlockSpec((t, d), lambda i: (0, 0)),
            pl.BlockSpec((1, t, 1), lambda i: (i, 0, 0)),
            pl.BlockSpec((1, d_ff, d),
                         lambda i: (jnp.maximum(i - nsc, 0), 0, 0)),
            pl.BlockSpec((1, d, d_ff),
                         lambda i: (jnp.maximum(i - nsc, 0), 0, 0)),
            pl.BlockSpec((d_ff, d), lambda i: (jnp.minimum(i, nsc - 1), 0)),
            pl.BlockSpec((d, d_ff), lambda i: (0, jnp.minimum(i, nsc - 1))),
        ],
        out_specs=pl.BlockSpec((t, d), lambda i: (0, 0)),
        out_shape=jax.ShapeDtypeStruct((t, d), jnp.float32),
        compiler_params=pltpu.CompilerParams(
            dimension_semantics=("arbitrary",),
            vmem_limit_bytes=100 * 1024 * 1024,
        ),
    )(x_bf, wt3, w_up, w_down, shared_w_up, shared_w_down)
    return out

# --- scband reference (transcript-rebuilt; emitter-appended) ---
"""Pipeline reference for scband-nemotron-hmo-e-83236466196644 (READ-ONLY COPY).

The authoritative reference and input builder live on the scoring server;
editing this copy changes nothing except your own understanding.
"""

import jax, jax.numpy as jnp
import numpy as np

T = 2048
D = 1024
E = 8
TOP_K = 2
N_GROUP = 4
TOPK_GROUP = 2
D_FF = 512
D_FF_SHARED = 2048
ROUTED_SCALING = 2.5


def setup_inputs(seed: int = 0) -> dict:
    key = jax.random.key(seed)
    ks = jax.random.split(key, 8)
    hidden_states = jax.random.normal(ks[0], (T, D), dtype=jnp.float32)
    gate_w = jax.random.normal(ks[1], (E, D), dtype=jnp.float32) * 0.02
    e_score_correction_bias = jax.random.normal(ks[2], (E,), dtype=jnp.float32) * 0.01
    w_up = jax.random.normal(ks[3], (E, D_FF, D), dtype=jnp.float32) * 0.02
    w_down = jax.random.normal(ks[4], (E, D, D_FF), dtype=jnp.float32) * 0.02
    shared_w_up = jax.random.normal(ks[5], (D_FF_SHARED, D), dtype=jnp.float32) * 0.02
    shared_w_down = jax.random.normal(ks[6], (D, D_FF_SHARED), dtype=jnp.float32) * 0.02
    return {
        "hidden_states": hidden_states,
        "gate_w": gate_w,
        "e_score_correction_bias": e_score_correction_bias,
        "w_up": w_up,
        "w_down": w_down,
        "shared_w_up": shared_w_up,
        "shared_w_down": shared_w_down,
    }


def _relu2(x):
    return jnp.square(jax.nn.relu(x))


def reference(hidden_states, gate_w, e_score_correction_bias, w_up, w_down, shared_w_up, shared_w_down):
    num_tokens, hidden_dim = hidden_states.shape
    # gate in fp32
    router_logits = hidden_states.astype(jnp.float32) @ gate_w.T
    # biased grouped top-k with sigmoid scoring (DeepSeek-style)
    scores = jax.nn.sigmoid(router_logits)
    scores_for_choice = scores + e_score_correction_bias[None, :]
    group_size = E // N_GROUP
    gs = scores_for_choice.reshape(num_tokens, N_GROUP, group_size)
    # group score = sum of top-2 biased scores within each group
    k2 = min(2, group_size)
    group_scores = jax.lax.top_k(gs, k2)[0].sum(axis=-1)
    _, group_idx = jax.lax.top_k(group_scores, TOPK_GROUP)
    group_mask = jnp.zeros((num_tokens, N_GROUP), dtype=jnp.float32).at[
        jnp.arange(num_tokens)[:, None], group_idx
    ].set(1.0)
    expert_mask = jnp.repeat(group_mask, group_size, axis=1)
    masked_scores = jnp.where(expert_mask > 0, scores_for_choice, -jnp.inf)
    _, topk_idx = jax.lax.top_k(masked_scores, TOP_K)
    # weights come from unbiased sigmoid scores
    topk_w = jnp.take_along_axis(scores, topk_idx, axis=1)
    # renormalize (norm_topk_prob=True); topk routed_scaling_factor == 1.0
    topk_w = topk_w / (topk_w.sum(axis=-1, keepdims=True) + 1e-20)
    topk_w = topk_w.astype(hidden_states.dtype)
    # routed experts: non-gated MLP with relu^2 activation
    final = jnp.zeros_like(hidden_states)
    for e in range(E):
        w_e = ((topk_idx == e).astype(hidden_states.dtype) * topk_w).sum(axis=-1)
        h = hidden_states @ w_up[e].T
        h = _relu2(h)
        y = h @ w_down[e].T
        final = final + w_e[:, None] * y
    # shared experts (reduce_results=False)
    sh = hidden_states @ shared_w_up.T
    sh = _relu2(sh)
    shared_output = sh @ shared_w_down.T
    # dtype != float16 branch: scale routed output
    final = final * ROUTED_SCALING
    final = final + shared_output
    return final.reshape(num_tokens, hidden_dim)

if __name__ == "__main__":
    import jax
    _d = setup_inputs()
    print(jax.jit(kernel)(*tuple(_d.values())))

</pallas_src>

<mosaic_0001>
#map = affine_map<(d0, d1) -> (0, 0)>
module attributes {stable_mosaic.version = 14 : i64} {
  func.func @routing(%arg0: i32, %arg1: i32, %arg2: memref<8x2048xf32, #tpu.memory_space<hbm>>, %arg3: memref<8x16xf32, #tpu.memory_space<hbm>>, %arg4: memref<12x2048xf32, #tpu.memory_space<hbm>>, %arg5: memref<8x64xf32, #tpu.memory_space<vmem>>, %arg6: memref<12x64xf32, #tpu.memory_space<vmem>>, %arg7: memref<8x16xf32, #tpu.memory_space<vmem>>, %arg8: memref<!tpu.dma_semaphore, #tpu.memory_space<semaphore_mem>>) attributes {dimension_semantics = [#tpu.dimension_semantics<core_parallel>, #tpu.dimension_semantics<subcore_parallel>], iteration_bounds = array<i64: 2, 16>, scalar_prefetch = 0 : i64, scratch_operands = 4 : i64, tpu.core_type = #tpu.core_type<sc_vector_subcore>, window_params = [{transform_indices = #map}, {transform_indices = #map}, {transform_indices = #map}]} {
    %mul3A = arith.constant 2 : i32
    %mul3A_0 = arith.muli %arg1, %mul3A : i32
    %add3A = arith.addi %mul3A_0, %arg0 : i32
    %mul3A_1 = arith.constant 64 : i32
    %mul3A_2 = arith.muli %add3A, %mul3A_1 : i32
    %dma_start3A = arith.constant 0 : i32
    %dma_start3A_3 = arith.constant 0 : i32
    %dma_start3A_4 = arith.constant 0 : i32
    %dma_start3A_5 = tpu.memref_slice %arg5[%dma_start3A_3, %dma_start3A_4] : memref<8x64xf32, #tpu.memory_space<vmem>> -> memref<1x64xf32, #tpu.memory_space<vmem>>
    %dma_start3A_6 = tpu.memref_squeeze %dma_start3A_5 : memref<1x64xf32, #tpu.memory_space<vmem>> -> memref<64xf32, #tpu.memory_space<vmem>>
    %dma_start3A_7 = tpu.memref_slice %arg2[%dma_start3A, %mul3A_2] : memref<8x2048xf32, #tpu.memory_space<hbm>> -> memref<1x64xf32, #tpu.memory_space<hbm>>
    %dma_start3A_8 = tpu.memref_squeeze %dma_start3A_7 : memref<1x64xf32, #tpu.memory_space<hbm>> -> memref<64xf32, #tpu.memory_space<hbm>>
    %dma_start3A_9 = arith.constant 0 : i32
    %dma_start3A_10 = tpu.memref_slice %arg5[%dma_start3A_3, %dma_start3A_9] : memref<8x64xf32, #tpu.memory_space<vmem>> -> memref<1x64xf32, #tpu.memory_space<vmem>>
    %dma_start3A_11 = tpu.memref_squeeze %dma_start3A_10 : memref<1x64xf32, #tpu.memory_space<vmem>> -> memref<64xf32, #tpu.memory_space<vmem>>
    %dma_start3A_12 = tpu.memref_slice %arg2[%dma_start3A, %mul3A_2] : memref<8x2048xf32, #tpu.memory_space<hbm>> -> memref<1x64xf32, #tpu.memory_space<hbm>>
    %dma_start3A_13 = tpu.memref_squeeze %dma_start3A_12 : memref<1x64xf32, #tpu.memory_space<hbm>> -> memref<64xf32, #tpu.memory_space<hbm>>
    tpu.enqueue_dma source(%dma_start3A_13 : memref<64xf32, #tpu.memory_space<hbm>>) target(%dma_start3A_11 : memref<64xf32, #tpu.memory_space<vmem>>) target_semaphore(%arg8 : memref<!tpu.dma_semaphore, #tpu.memory_space<semaphore_mem>>)
    %dma_start3A_14 = arith.constant 1 : i32
    %dma_start3A_15 = arith.constant 1 : i32
    %dma_start3A_16 = arith.constant 0 : i32
    %dma_start3A_17 = tpu.memref_slice %arg5[%dma_start3A_15, %dma_start3A_16] : memref<8x64xf32, #tpu.memory_space<vmem>> -> memref<1x64xf32, #tpu.memory_space<vmem>>
    %dma_start3A_18 = tpu.memref_squeeze %dma_start3A_17 : memref<1x64xf32, #tpu.memory_space<vmem>> -> memref<64xf32, #tpu.memory_space<vmem>>
    %dma_start3A_19 = tpu.memref_slice %arg2[%dma_start3A_14, %mul3A_2] : memref<8x2048xf32, #tpu.memory_space<hbm>> -> memref<1x64xf32, #tpu.memory_space<hbm>>
    %dma_start3A_20 = tpu.memref_squeeze %dma_start3A_19 : memref<1x64xf32, #tpu.memory_space<hbm>> -> memref<64xf32, #tpu.memory_space<hbm>>
    %dma_start3A_21 = arith.constant 0 : i32
    %dma_start3A_22 = tpu.memref_slice %arg5[%dma_start3A_15, %dma_start3A_21] : memref<8x64xf32, #tpu.memory_space<vmem>> -> memref<1x64xf32, #tpu.memory_space<vmem>>
    %dma_start3A_23 = tpu.memref_squeeze %dma_start3A_22 : memref<1x64xf32, #tpu.memory_space<vmem>> -> memref<64xf32, #tpu.memory_space<vmem>>
    %dma_start3A_24 = tpu.memref_slice %arg2[%dma_start3A_14, %mul3A_2] : memref<8x2048xf32, #tpu.memory_space<hbm>> -> memref<1x64xf32, #tpu.memory_space<hbm>>
    %dma_start3A_25 = tpu.memref_squeeze %dma_start3A_24 : memref<1x64xf32, #tpu.memory_space<hbm>> -> memref<64xf32, #tpu.memory_space<hbm>>
    tpu.enqueue_dma source(%dma_start3A_25 : memref<64xf32, #tpu.memory_space<hbm>>) target(%dma_start3A_23 : memref<64xf32, #tpu.memory_space<vmem>>) target_semaphore(%arg8 : memref<!tpu.dma_semaphore, #tpu.memory_space<semaphore_mem>>)
    %dma_start3A_26 = arith.constant 2 : i32
    %dma_start3A_27 = arith.constant 2 : i32
    %dma_start3A_28 = arith.constant 0 : i32
    %dma_start3A_29 = tpu.memref_slice %arg5[%dma_start3A_27, %dma_start3A_28] : memref<8x64xf32, #tpu.memory_space<vmem>> -> memref<1x64xf32, #tpu.memory_space<vmem>>
    %dma_start3A_30 = tpu.memref_squeeze %dma_start3A_29 : memref<1x64xf32, #tpu.memory_space<vmem>> -> memref<64xf32, #tpu.memory_space<vmem>>
    %dma_start3A_31 = tpu.memref_slice %arg2[%dma_start3A_26, %mul3A_2] : memref<8x2048xf32, #tpu.memory_space<hbm>> -> memref<1x64xf32, #tpu.memory_space<hbm>>
    %dma_start3A_32 = tpu.memref_squeeze %dma_start3A_31 : memref<1x64xf32, #tpu.memory_space<hbm>> -> memref<64xf32, #tpu.memory_space<hbm>>
    %dma_start3A_33 = arith.constant 0 : i32
    %dma_start3A_34 = tpu.memref_slice %arg5[%dma_start3A_27, %dma_start3A_33] : memref<8x64xf32, #tpu.memory_space<vmem>> -> memref<1x64xf32, #tpu.memory_space<vmem>>
    %dma_start3A_35 = tpu.memref_squeeze %dma_start3A_34 : memref<1x64xf32, #tpu.memory_space<vmem>> -> memref<64xf32, #tpu.memory_space<vmem>>
    %dma_start3A_36 = tpu.memref_slice %arg2[%dma_start3A_26, %mul3A_2] : memref<8x2048xf32, #tpu.memory_space<hbm>> -> memref<1x64xf32, #tpu.memory_space<hbm>>
    %dma_start3A_37 = tpu.memref_squeeze %dma_start3A_36 : memref<1x64xf32, #tpu.memory_space<hbm>> -> memref<64xf32, #tpu.memory_space<hbm>>
    tpu.enqueue_dma source(%dma_start3A_37 : memref<64xf32, #tpu.memory_space<hbm>>) target(%dma_start3A_35 : memref<64xf32, #tpu.memory_space<vmem>>) target_semaphore(%arg8 : memref<!tpu.dma_semaphore, #tpu.memory_space<semaphore_mem>>)
    %dma_start3A_38 = arith.constant 3 : i32
    %dma_start3A_39 = arith.constant 3 : i32
    %dma_start3A_40 = arith.constant 0 : i32
    %dma_start3A_41 = tpu.memref_slice %arg5[%dma_start3A_39, %dma_start3A_40] : memref<8x64xf32, #tpu.memory_space<vmem>> -> memref<1x64xf32, #tpu.memory_space<vmem>>
    %dma_start3A_42 = tpu.memref_squeeze %dma_start3A_41 : memref<1x64xf32, #tpu.memory_space<vmem>> -> memref<64xf32, #tpu.memory_space<vmem>>
    %dma_start3A_43 = tpu.memref_slice %arg2[%dma_start3A_38, %mul3A_2] : memref<8x2048xf32, #tpu.memory_space<hbm>> -> memref<1x64xf32, #tpu.memory_space<hbm>>
    %dma_start3A_44 = tpu.memref_squeeze %dma_start3A_43 : memref<1x64xf32, #tpu.memory_space<hbm>> -> memref<64xf32, #tpu.memory_space<hbm>>
    %dma_start3A_45 = arith.constant 0 : i32
    %dma_start3A_46 = tpu.memref_slice %arg5[%dma_start3A_39, %dma_start3A_45] : memref<8x64xf32, #tpu.memory_space<vmem>> -> memref<1x64xf32, #tpu.memory_space<vmem>>
    %dma_start3A_47 = tpu.memref_squeeze %dma_start3A_46 : memref<1x64xf32, #tpu.memory_space<vmem>> -> memref<64xf32, #tpu.memory_space<vmem>>
    %dma_start3A_48 = tpu.memref_slice %arg2[%dma_start3A_38, %mul3A_2] : memref<8x2048xf32, #tpu.memory_space<hbm>> -> memref<1x64xf32, #tpu.memory_space<hbm>>
    %dma_start3A_49 = tpu.memref_squeeze %dma_start3A_48 : memref<1x64xf32, #tpu.memory_space<hbm>> -> memref<64xf32, #tpu.memory_space<hbm>>
    tpu.enqueue_dma source(%dma_start3A_49 : memref<64xf32, #tpu.memory_space<hbm>>) target(%dma_start3A_47 : memref<64xf32, #tpu.memory_space<vmem>>) target_semaphore(%arg8 : memref<!tpu.dma_semaphore, #tpu.memory_space<semaphore_mem>>)
    %dma_start3A_50 = arith.constant 4 : i32
    %dma_start3A_51 = arith.constant 4 : i32
    %dma_start3A_52 = arith.constant 0 : i32
    %dma_start3A_53 = tpu.memref_slice %arg5[%dma_start3A_51, %dma_start3A_52] : memref<8x64xf32, #tpu.memory_space<vmem>> -> memref<1x64xf32, #tpu.memory_space<vmem>>
    %dma_start3A_54 = tpu.memref_squeeze %dma_start3A_53 : memref<1x64xf32, #tpu.memory_space<vmem>> -> memref<64xf32, #tpu.memory_space<vmem>>
    %dma_start3A_55 = tpu.memref_slice %arg2[%dma_start3A_50, %mul3A_2] : memref<8x2048xf32, #tpu.memory_space<hbm>> -> memref<1x64xf32, #tpu.memory_space<hbm>>
    %dma_start3A_56 = tpu.memref_squeeze %dma_start3A_55 : memref<1x64xf32, #tpu.memory_space<hbm>> -> memref<64xf32, #tpu.memory_space<hbm>>
    %dma_start3A_57 = arith.constant 0 : i32
    %dma_start3A_58 = tpu.memref_slice %arg5[%dma_start3A_51, %dma_start3A_57] : memref<8x64xf32, #tpu.memory_space<vmem>> -> memref<1x64xf32, #tpu.memory_space<vmem>>
    %dma_start3A_59 = tpu.memref_squeeze %dma_start3A_58 : memref<1x64xf32, #tpu.memory_space<vmem>> -> memref<64xf32, #tpu.memory_space<vmem>>
    %dma_start3A_60 = tpu.memref_slice %arg2[%dma_start3A_50, %mul3A_2] : memref<8x2048xf32, #tpu.memory_space<hbm>> -> memref<1x64xf32, #tpu.memory_space<hbm>>
    %dma_start3A_61 = tpu.memref_squeeze %dma_start3A_60 : memref<1x64xf32, #tpu.memory_space<hbm>> -> memref<64xf32, #tpu.memory_space<hbm>>
    tpu.enqueue_dma source(%dma_start3A_61 : memref<64xf32, #tpu.memory_space<hbm>>) target(%dma_start3A_59 : memref<64xf32, #tpu.memory_space<vmem>>) target_semaphore(%arg8 : memref<!tpu.dma_semaphore, #tpu.memory_space<semaphore_mem>>)
    %dma_start3A_62 = arith.constant 5 : i32
    %dma_start3A_63 = arith.constant 5 : i32
    %dma_start3A_64 = arith.constant 0 : i32
    %dma_start3A_65 = tpu.memref_slice %arg5[%dma_start3A_63, %dma_start3A_64] : memref<8x64xf32, #tpu.memory_space<vmem>> -> memref<1x64xf32, #tpu.memory_space<vmem>>
    %dma_start3A_66 = tpu.memref_squeeze %dma_start3A_65 : memref<1x64xf32, #tpu.memory_space<vmem>> -> memref<64xf32, #tpu.memory_space<vmem>>
    %dma_start3A_67 = tpu.memref_slice %arg2[%dma_start3A_62, %mul3A_2] : memref<8x2048xf32, #tpu.memory_space<hbm>> -> memref<1x64xf32, #tpu.memory_space<hbm>>
    %dma_start3A_68 = tpu.memref_squeeze %dma_start3A_67 : memref<1x64xf32, #tpu.memory_space<hbm>> -> memref<64xf32, #tpu.memory_space<hbm>>
    %dma_start3A_69 = arith.constant 0 : i32
    %dma_start3A_70 = tpu.memref_slice %arg5[%dma_start3A_63, %dma_start3A_69] : memref<8x64xf32, #tpu.memory_space<vmem>> -> memref<1x64xf32, #tpu.memory_space<vmem>>
    %dma_start3A_71 = tpu.memref_squeeze %dma_start3A_70 : memref<1x64xf32, #tpu.memory_space<vmem>> -> memref<64xf32, #tpu.memory_space<vmem>>
    %dma_start3A_72 = tpu.memref_slice %arg2[%dma_start3A_62, %mul3A_2] : memref<8x2048xf32, #tpu.memory_space<hbm>> -> memref<1x64xf32, #tpu.memory_space<hbm>>
    %dma_start3A_73 = tpu.memref_squeeze %dma_start3A_72 : memref<1x64xf32, #tpu.memory_space<hbm>> -> memref<64xf32, #tpu.memory_space<hbm>>
    tpu.enqueue_dma source(%dma_start3A_73 : memref<64xf32, #tpu.memory_space<hbm>>) target(%dma_start3A_71 : memref<64xf32, #tpu.memory_space<vmem>>) target_semaphore(%arg8 : memref<!tpu.dma_semaphore, #tpu.memory_space<semaphore_mem>>)
    %dma_start3A_74 = arith.constant 6 : i32
    %dma_start3A_75 = arith.constant 6 : i32
    %dma_start3A_76 = arith.constant 0 : i32
    %dma_start3A_77 = tpu.memref_slice %arg5[%dma_start3A_75, %dma_start3A_76] : memref<8x64xf32, #tpu.memory_space<vmem>> -> memref<1x64xf32, #tpu.memory_space<vmem>>
    %dma_start3A_78 = tpu.memref_squeeze %dma_start3A_77 : memref<1x64xf32, #tpu.memory_space<vmem>> -> memref<64xf32, #tpu.memory_space<vmem>>
    %dma_start3A_79 = tpu.memref_slice %arg2[%dma_start3A_74, %mul3A_2] : memref<8x2048xf32, #tpu.memory_space<hbm>> -> memref<1x64xf32, #tpu.memory_space<hbm>>
    %dma_start3A_80 = tpu.memref_squeeze %dma_start3A_79 : memref<1x64xf32, #tpu.memory_space<hbm>> -> memref<64xf32, #tpu.memory_space<hbm>>
    %dma_start3A_81 = arith.constant 0 : i32
    %dma_start3A_82 = tpu.memref_slice %arg5[%dma_start3A_75, %dma_start3A_81] : memref<8x64xf32, #tpu.memory_space<vmem>> -> memref<1x64xf32, #tpu.memory_space<vmem>>
    %dma_start3A_83 = tpu.memref_squeeze %dma_start3A_82 : memref<1x64xf32, #tpu.memory_space<vmem>> -> memref<64xf32, #tpu.memory_space<vmem>>
    %dma_start3A_84 = tpu.memref_slice %arg2[%dma_start3A_74, %mul3A_2] : memref<8x2048xf32, #tpu.memory_space<hbm>> -> memref<1x64xf32, #tpu.memory_space<hbm>>
    %dma_start3A_85 = tpu.memref_squeeze %dma_start3A_84 : memref<1x64xf32, #tpu.memory_space<hbm>> -> memref<64xf32, #tpu.memory_space<hbm>>
    tpu.enqueue_dma source(%dma_start3A_85 : memref<64xf32, #tpu.memory_space<hbm>>) target(%dma_start3A_83 : memref<64xf32, #tpu.memory_space<vmem>>) target_semaphore(%arg8 : memref<!tpu.dma_semaphore, #tpu.memory_space<semaphore_mem>>)
    %dma_start3A_86 = arith.constant 7 : i32
    %dma_start3A_87 = arith.constant 7 : i32
    %dma_start3A_88 = arith.constant 0 : i32
    %dma_start3A_89 = tpu.memref_slice %arg5[%dma_start3A_87, %dma_start3A_88] : memref<8x64xf32, #tpu.memory_space<vmem>> -> memref<1x64xf32, #tpu.memory_space<vmem>>
    %dma_start3A_90 = tpu.memref_squeeze %dma_start3A_89 : memref<1x64xf32, #tpu.memory_space<vmem>> -> memref<64xf32, #tpu.memory_space<vmem>>
    %dma_start3A_91 = tpu.memref_slice %arg2[%dma_start3A_86, %mul3A_2] : memref<8x2048xf32, #tpu.memory_space<hbm>> -> memref<1x64xf32, #tpu.memory_space<hbm>>
    %dma_start3A_92 = tpu.memref_squeeze %dma_start3A_91 : memref<1x64xf32, #tpu.memory_space<hbm>> -> memref<64xf32, #tpu.memory_space<hbm>>
    %dma_start3A_93 = arith.constant 0 : i32
    %dma_start3A_94 = tpu.memref_slice %arg5[%dma_start3A_87, %dma_start3A_93] : memref<8x64xf32, #tpu.memory_space<vmem>> -> memref<1x64xf32, #tpu.memory_space<vmem>>
    %dma_start3A_95 = tpu.memref_squeeze %dma_start3A_94 : memref<1x64xf32, #tpu.memory_space<vmem>> -> memref<64xf32, #tpu.memory_space<vmem>>
    %dma_start3A_96 = tpu.memref_slice %arg2[%dma_start3A_86, %mul3A_2] : memref<8x2048xf32, #tpu.memory_space<hbm>> -> memref<1x64xf32, #tpu.memory_space<hbm>>
    %dma_start3A_97 = tpu.memref_squeeze %dma_start3A_96 : memref<1x64xf32, #tpu.memory_space<hbm>> -> memref<64xf32, #tpu.memory_space<hbm>>
    tpu.enqueue_dma source(%dma_start3A_97 : memref<64xf32, #tpu.memory_space<hbm>>) target(%dma_start3A_95 : memref<64xf32, #tpu.memory_space<vmem>>) target_semaphore(%arg8 : memref<!tpu.dma_semaphore, #tpu.memory_space<semaphore_mem>>)
    tpu.enqueue_dma source(%arg3 : memref<8x16xf32, #tpu.memory_space<hbm>>) target(%arg7 : memref<8x16xf32, #tpu.memory_space<vmem>>) target_semaphore(%arg8 : memref<!tpu.dma_semaphore, #tpu.memory_space<semaphore_mem>>)
    %dma_wait3A = arith.constant 0 : i32
    %dma_wait3A_98 = arith.constant 0 : i32
    %dma_wait3A_99 = arith.constant 0 : i32
    %dma_wait3A_100 = tpu.memref_slice %arg5[%dma_wait3A_98, %dma_wait3A_99] : memref<8x64xf32, #tpu.memory_space<vmem>> -> memref<1x64xf32, #tpu.memory_space<vmem>>
    %dma_wait3A_101 = tpu.memref_squeeze %dma_wait3A_100 : memref<1x64xf32, #tpu.memory_space<vmem>> -> memref<64xf32, #tpu.memory_space<vmem>>
    %dma_wait3A_102 = tpu.memref_slice %arg2[%dma_wait3A, %mul3A_2] : memref<8x2048xf32, #tpu.memory_space<hbm>> -> memref<1x64xf32, #tpu.memory_space<hbm>>
    %dma_wait3A_103 = tpu.memref_squeeze %dma_wait3A_102 : memref<1x64xf32, #tpu.memory_space<hbm>> -> memref<64xf32, #tpu.memory_space<hbm>>
    %dma_wait3A_104 = arith.constant 0 : i32
    %dma_wait3A_105 = tpu.memref_slice %arg5[%dma_wait3A_98, %dma_wait3A_104] : memref<8x64xf32, #tpu.memory_space<vmem>> -> memref<1x64xf32, #tpu.memory_space<vmem>>
    %dma_wait3A_106 = tpu.memref_squeeze %dma_wait3A_105 : memref<1x64xf32, #tpu.memory_space<vmem>> -> memref<64xf32, #tpu.memory_space<vmem>>
    %dma_wait3A_107 = tpu.memref_slice %arg2[%dma_wait3A, %mul3A_2] : memref<8x2048xf32, #tpu.memory_space<hbm>> -> memref<1x64xf32, #tpu.memory_space<hbm>>
    %dma_wait3A_108 = tpu.memref_squeeze %dma_wait3A_107 : memref<1x64xf32, #tpu.memory_space<hbm>> -> memref<64xf32, #tpu.memory_space<hbm>>
    tpu.wait_dma2 semaphore(%arg8 : memref<!tpu.dma_semaphore, #tpu.memory_space<semaphore_mem>>) src(%dma_wait3A_108 : memref<64xf32, #tpu.memory_space<hbm>>) dst(%dma_wait3A_106 : memref<64xf32, #tpu.memory_space<vmem>>)
    %dma_wait3A_109 = arith.constant 1 : i32
    %dma_wait3A_110 = arith.constant 1 : i32
    %dma_wait3A_111 = arith.constant 0 : i32
    %dma_wait3A_112 = tpu.memref_slice %arg5[%dma_wait3A_110, %dma_wait3A_111] : memref<8x64xf32, #tpu.memory_space<vmem>> -> memref<1x64xf32, #tpu.memory_space<vmem>>
    %dma_wait3A_113 = tpu.memref_squeeze %dma_wait3A_112 : memref<1x64xf32, #tpu.memory_space<vmem>> -> memref<64xf32, #tpu.memory_space<vmem>>
    %dma_wait3A_114 = tpu.memref_slice %arg2[%dma_wait3A_109, %mul3A_2] : memref<8x2048xf32, #tpu.memory_space<hbm>> -> memref<1x64xf32, #tpu.memory_space<hbm>>
    %dma_wait3A_115 = tpu.memref_squeeze %dma_wait3A_114 : memref<1x64xf32, #tpu.memory_space<hbm>> -> memref<64xf32, #tpu.memory_space<hbm>>
    %dma_wait3A_116 = arith.constant 0 : i32
    %dma_wait3A_117 = tpu.memref_slice %arg5[%dma_wait3A_110, %dma_wait3A_116] : memref<8x64xf32, #tpu.memory_space<vmem>> -> memref<1x64xf32, #tpu.memory_space<vmem>>
    %dma_wait3A_118 = tpu.memref_squeeze %dma_wait3A_117 : memref<1x64xf32, #tpu.memory_space<vmem>> -> memref<64xf32, #tpu.memory_space<vmem>>
    %dma_wait3A_119 = tpu.memref_slice %arg2[%dma_wait3A_109, %mul3A_2] : memref<8x2048xf32, #tpu.memory_space<hbm>> -> memref<1x64xf32, #tpu.memory_space<hbm>>
    %dma_wait3A_120 = tpu.memref_squeeze %dma_wait3A_119 : memref<1x64xf32, #tpu.memory_space<hbm>> -> memref<64xf32, #tpu.memory_space<hbm>>
    tpu.wait_dma2 semaphore(%arg8 : memref<!tpu.dma_semaphore, #tpu.memory_space<semaphore_mem>>) src(%dma_wait3A_120 : memref<64xf32, #tpu.memory_space<hbm>>) dst(%dma_wait3A_118 : memref<64xf32, #tpu.memory_space<vmem>>)
    %dma_wait3A_121 = arith.constant 2 : i32
    %dma_wait3A_122 = arith.constant 2 : i32
    %dma_wait3A_123 = arith.constant 0 : i32
    %dma_wait3A_124 = tpu.memref_slice %arg5[%dma_wait3A_122, %dma_wait3A_123] : memref<8x64xf32, #tpu.memory_space<vmem>> -> memref<1x64xf32, #tpu.memory_space<vmem>>
    %dma_wait3A_125 = tpu.memref_squeeze %dma_wait3A_124 : memref<1x64xf32, #tpu.memory_space<vmem>> -> memref<64xf32, #tpu.memory_space<vmem>>
    %dma_wait3A_126 = tpu.memref_slice %arg2[%dma_wait3A_121, %mul3A_2] : memref<8x2048xf32, #tpu.memory_space<hbm>> -> memref<1x64xf32, #tpu.memory_space<hbm>>
    %dma_wait3A_127 = tpu.memref_squeeze %dma_wait3A_126 : memref<1x64xf32, #tpu.memory_space<hbm>> -> memref<64xf32, #tpu.memory_space<hbm>>
    %dma_wait3A_128 = arith.constant 0 : i32
    %dma_wait3A_129 = tpu.memref_slice %arg5[%dma_wait3A_122, %dma_wait3A_128] : memref<8x64xf32, #tpu.memory_space<vmem>> -> memref<1x64xf32, #tpu.memory_space<vmem>>
    %dma_wait3A_130 = tpu.memref_squeeze %dma_wait3A_129 : memref<1x64xf32, #tpu.memory_space<vmem>> -> memref<64xf32, #tpu.memory_space<vmem>>
    %dma_wait3A_131 = tpu.memref_slice %arg2[%dma_wait3A_121, %mul3A_2] : memref<8x2048xf32, #tpu.memory_space<hbm>> -> memref<1x64xf32, #tpu.memory_space<hbm>>
    %dma_wait3A_132 = tpu.memref_squeeze %dma_wait3A_131 : memref<1x64xf32, #tpu.memory_space<hbm>> -> memref<64xf32, #tpu.memory_space<hbm>>
    tpu.wait_dma2 semaphore(%arg8 : memref<!tpu.dma_semaphore, #tpu.memory_space<semaphore_mem>>) src(%dma_wait3A_132 : memref<64xf32, #tpu.memory_space<hbm>>) dst(%dma_wait3A_130 : memref<64xf32, #tpu.memory_space<vmem>>)
    %dma_wait3A_133 = arith.constant 3 : i32
    %dma_wait3A_134 = arith.constant 3 : i32
    %dma_wait3A_135 = arith.constant 0 : i32
    %dma_wait3A_136 = tpu.memref_slice %arg5[%dma_wait3A_134, %dma_wait3A_135] : memref<8x64xf32, #tpu.memory_space<vmem>> -> memref<1x64xf32, #tpu.memory_space<vmem>>
    %dma_wait3A_137 = tpu.memref_squeeze %dma_wait3A_136 : memref<1x64xf32, #tpu.memory_space<vmem>> -> memref<64xf32, #tpu.memory_space<vmem>>
    %dma_wait3A_138 = tpu.memref_slice %arg2[%dma_wait3A_133, %mul3A_2] : memref<8x2048xf32, #tpu.memory_space<hbm>> -> memref<1x64xf32, #tpu.memory_space<hbm>>
    %dma_wait3A_139 = tpu.memref_squeeze %dma_wait3A_138 : memref<1x64xf32, #tpu.memory_space<hbm>> -> memref<64xf32, #tpu.memory_space<hbm>>
    %dma_wait3A_140 = arith.constant 0 : i32
    %dma_wait3A_141 = tpu.memref_slice %arg5[%dma_wait3A_134, %dma_wait3A_140] : memref<8x64xf32, #tpu.memory_space<vmem>> -> memref<1x64xf32, #tpu.memory_space<vmem>>
    %dma_wait3A_142 = tpu.memref_squeeze %dma_wait3A_141 : memref<1x64xf32, #tpu.memory_space<vmem>> -> memref<64xf32, #tpu.memory_space<vmem>>
    %dma_wait3A_143 = tpu.memref_slice %arg2[%dma_wait3A_133, %mul3A_2] : memref<8x2048xf32, #tpu.memory_space<hbm>> -> memref<1x64xf32, #tpu.memory_space<hbm>>
    %dma_wait3A_144 = tpu.memref_squeeze %dma_wait3A_143 : memref<1x64xf32, #tpu.memory_space<hbm>> -> memref<64xf32, #tpu.memory_space<hbm>>
    tpu.wait_dma2 semaphore(%arg8 : memref<!tpu.dma_semaphore, #tpu.memory_space<semaphore_mem>>) src(%dma_wait3A_144 : memref<64xf32, #tpu.memory_space<hbm>>) dst(%dma_wait3A_142 : memref<64xf32, #tpu.memory_space<vmem>>)
    %dma_wait3A_145 = arith.constant 4 : i32
    %dma_wait3A_146 = arith.constant 4 : i32
    %dma_wait3A_147 = arith.constant 0 : i32
    %dma_wait3A_148 = tpu.memref_slice %arg5[%dma_wait3A_146, %dma_wait3A_147] : memref<8x64xf32, #tpu.memory_space<vmem>> -> memref<1x64xf32, #tpu.memory_space<vmem>>
    %dma_wait3A_149 = tpu.memref_squeeze %dma_wait3A_148 : memref<1x64xf32, #tpu.memory_space<vmem>> -> memref<64xf32, #tpu.memory_space<vmem>>
    %dma_wait3A_150 = tpu.memref_slice %arg2[%dma_wait3A_145, %mul3A_2] : memref<8x2048xf32, #tpu.memory_space<hbm>> -> memref<1x64xf32, #tpu.memory_space<hbm>>
    %dma_wait3A_151 = tpu.memref_squeeze %dma_wait3A_150 : memref<1x64xf32, #tpu.memory_space<hbm>> -> memref<64xf32, #tpu.memory_space<hbm>>
    %dma_wait3A_152 = arith.constant 0 : i32
    %dma_wait3A_153 = tpu.memref_slice %arg5[%dma_wait3A_146, %dma_wait3A_152] : memref<8x64xf32, #tpu.memory_space<vmem>> -> memref<1x64xf32, #tpu.memory_space<vmem>>
    %dma_wait3A_154 = tpu.memref_squeeze %dma_wait3A_153 : memref<1x64xf32, #tpu.memory_space<vmem>> -> memref<64xf32, #tpu.memory_space<vmem>>
    %dma_wait3A_155 = tpu.memref_slice %arg2[%dma_wait3A_145, %mul3A_2] : memref<8x2048xf32, #tpu.memory_space<hbm>> -> memref<1x64xf32, #tpu.memory_space<hbm>>
    %dma_wait3A_156 = tpu.memref_squeeze %dma_wait3A_155 : memref<1x64xf32, #tpu.memory_space<hbm>> -> memref<64xf32, #tpu.memory_space<hbm>>
    tpu.wait_dma2 semaphore(%arg8 : memref<!tpu.dma_semaphore, #tpu.memory_space<semaphore_mem>>) src(%dma_wait3A_156 : memref<64xf32, #tpu.memory_space<hbm>>) dst(%dma_wait3A_154 : memref<64xf32, #tpu.memory_space<vmem>>)
    %dma_wait3A_157 = arith.constant 5 : i32
    %dma_wait3A_158 = arith.constant 5 : i32
    %dma_wait3A_159 = arith.constant 0 : i32
    %dma_wait3A_160 = tpu.memref_slice %arg5[%dma_wait3A_158, %dma_wait3A_159] : memref<8x64xf32, #tpu.memory_space<vmem>> -> memref<1x64xf32, #tpu.memory_space<vmem>>
    %dma_wait3A_161 = tpu.memref_squeeze %dma_wait3A_160 : memref<1x64xf32, #tpu.memory_space<vmem>> -> memref<64xf32, #tpu.memory_space<vmem>>
    %dma_wait3A_162 = tpu.memref_slice %arg2[%dma_wait3A_157, %mul3A_2] : memref<8x2048xf32, #tpu.memory_space<hbm>> -> memref<1x64xf32, #tpu.memory_space<hbm>>
    %dma_wait3A_163 = tpu.memref_squeeze %dma_wait3A_162 : memref<1x64xf32, #tpu.memory_space<hbm>> -> memref<64xf32, #tpu.memory_space<hbm>>
    %dma_wait3A_164 = arith.constant 0 : i32
    %dma_wait3A_165 = tpu.memref_slice %arg5[%dma_wait3A_158, %dma_wait3A_164] : memref<8x64xf32, #tpu.memory_space<vmem>> -> memref<1x64xf32, #tpu.memory_space<vmem>>
    %dma_wait3A_166 = tpu.memref_squeeze %dma_wait3A_165 : memref<1x64xf32, #tpu.memory_space<vmem>> -> memref<64xf32, #tpu.memory_space<vmem>>
    %dma_wait3A_167 = tpu.memref_slice %arg2[%dma_wait3A_157, %mul3A_2] : memref<8x2048xf32, #tpu.memory_space<hbm>> -> memref<1x64xf32, #tpu.memory_space<hbm>>
    %dma_wait3A_168 = tpu.memref_squeeze %dma_wait3A_167 : memref<1x64xf32, #tpu.memory_space<hbm>> -> memref<64xf32, #tpu.memory_space<hbm>>
    tpu.wait_dma2 semaphore(%arg8 : memref<!tpu.dma_semaphore, #tpu.memory_space<semaphore_mem>>) src(%dma_wait3A_168 : memref<64xf32, #tpu.memory_space<hbm>>) dst(%dma_wait3A_166 : memref<64xf32, #tpu.memory_space<vmem>>)
    %dma_wait3A_169 = arith.constant 6 : i32
    %dma_wait3A_170 = arith.constant 6 : i32
    %dma_wait3A_171 = arith.constant 0 : i32
    %dma_wait3A_172 = tpu.memref_slice %arg5[%dma_wait3A_170, %dma_wait3A_171] : memref<8x64xf32, #tpu.memory_space<vmem>> -> memref<1x64xf32, #tpu.memory_space<vmem>>
    %dma_wait3A_173 = tpu.memref_squeeze %dma_wait3A_172 : memref<1x64xf32, #tpu.memory_space<vmem>> -> memref<64xf32, #tpu.memory_space<vmem>>
    %dma_wait3A_174 = tpu.memref_slice %arg2[%dma_wait3A_169, %mul3A_2] : memref<8x2048xf32, #tpu.memory_space<hbm>> -> memref<1x64xf32, #tpu.memory_space<hbm>>
    %dma_wait3A_175 = tpu.memref_squeeze %dma_wait3A_174 : memref<1x64xf32, #tpu.memory_space<hbm>> -> memref<64xf32, #tpu.memory_space<hbm>>
    %dma_wait3A_176 = arith.constant 0 : i32
    %dma_wait3A_177 = tpu.memref_slice %arg5[%dma_wait3A_170, %dma_wait3A_176] : memref<8x64xf32, #tpu.memory_space<vmem>> -> memref<1x64xf32, #tpu.memory_space<vmem>>
    %dma_wait3A_178 = tpu.memref_squeeze %dma_wait3A_177 : memref<1x64xf32, #tpu.memory_space<vmem>> -> memref<64xf32, #tpu.memory_space<vmem>>
    %dma_wait3A_179 = tpu.memref_slice %arg2[%dma_wait3A_169, %mul3A_2] : memref<8x2048xf32, #tpu.memory_space<hbm>> -> memref<1x64xf32, #tpu.memory_space<hbm>>
    %dma_wait3A_180 = tpu.memref_squeeze %dma_wait3A_179 : memref<1x64xf32, #tpu.memory_space<hbm>> -> memref<64xf32, #tpu.memory_space<hbm>>
    tpu.wait_dma2 semaphore(%arg8 : memref<!tpu.dma_semaphore, #tpu.memory_space<semaphore_mem>>) src(%dma_wait3A_180 : memref<64xf32, #tpu.memory_space<hbm>>) dst(%dma_wait3A_178 : memref<64xf32, #tpu.memory_space<vmem>>)
    %dma_wait3A_181 = arith.constant 7 : i32
    %dma_wait3A_182 = arith.constant 7 : i32
    %dma_wait3A_183 = arith.constant 0 : i32
    %dma_wait3A_184 = tpu.memref_slice %arg5[%dma_wait3A_182, %dma_wait3A_183] : memref<8x64xf32, #tpu.memory_space<vmem>> -> memref<1x64xf32, #tpu.memory_space<vmem>>
    %dma_wait3A_185 = tpu.memref_squeeze %dma_wait3A_184 : memref<1x64xf32, #tpu.memory_space<vmem>> -> memref<64xf32, #tpu.memory_space<vmem>>
    %dma_wait3A_186 = tpu.memref_slice %arg2[%dma_wait3A_181, %mul3A_2] : memref<8x2048xf32, #tpu.memory_space<hbm>> -> memref<1x64xf32, #tpu.memory_space<hbm>>
    %dma_wait3A_187 = tpu.memref_squeeze %dma_wait3A_186 : memref<1x64xf32, #tpu.memory_space<hbm>> -> memref<64xf32, #tpu.memory_space<hbm>>
    %dma_wait3A_188 = arith.constant 0 : i32
    %dma_wait3A_189 = tpu.memref_slice %arg5[%dma_wait3A_182, %dma_wait3A_188] : memref<8x64xf32, #tpu.memory_space<vmem>> -> memref<1x64xf32, #tpu.memory_space<vmem>>
    %dma_wait3A_190 = tpu.memref_squeeze %dma_wait3A_189 : memref<1x64xf32, #tpu.memory_space<vmem>> -> memref<64xf32, #tpu.memory_space<vmem>>
    %dma_wait3A_191 = tpu.memref_slice %arg2[%dma_wait3A_181, %mul3A_2] : memref<8x2048xf32, #tpu.memory_space<hbm>> -> memref<1x64xf32, #tpu.memory_space<hbm>>
    %dma_wait3A_192 = tpu.memref_squeeze %dma_wait3A_191 : memref<1x64xf32, #tpu.memory_space<hbm>> -> memref<64xf32, #tpu.memory_space<hbm>>
    tpu.wait_dma2 semaphore(%arg8 : memref<!tpu.dma_semaphore, #tpu.memory_space<semaphore_mem>>) src(%dma_wait3A_192 : memref<64xf32, #tpu.memory_space<hbm>>) dst(%dma_wait3A_190 : memref<64xf32, #tpu.memory_space<vmem>>)
    tpu.wait_dma2 semaphore(%arg8 : memref<!tpu.dma_semaphore, #tpu.memory_space<semaphore_mem>>) src(%arg3 : memref<8x16xf32, #tpu.memory_space<hbm>>) dst(%arg7 : memref<8x16xf32, #tpu.memory_space<vmem>>)
    %broadcast_in_dim3A = arith.constant 1.000000e+00 : f32
    %broadcast_in_dim3A_193 = vector.broadcast %broadcast_in_dim3A : f32 to vector<16xf32>
    %get3A = arith.constant 0 : i32
    %get3A_194 = arith.index_cast %get3A : i32 to index
    %get3A_195 = arith.constant 0 : index
    %get3A_196 = tpu.vector_load %arg5[%get3A_194, %get3A_195] {strides = array<i32>} : memref<8x64xf32, #tpu.memory_space<vmem>>, vector<1x16xf32>,
    %get3A_197 = vector.shape_cast %get3A_196 : vector<1x16xf32> to vector<16xf32>
    %neg3A = arith.constant 0.000000e+00 : f32
    %neg3A_198 = vector.broadcast %neg3A : f32 to vector<16xf32>
    %neg3A_199 = arith.subf %neg3A_198, %get3A_197 : vector<16xf32>
    %exp3A = math.exp %neg3A_199 : vector<16xf32>
    %add3A_200 = arith.constant 1.000000e+00 : f32
    %add3A_201 = vector.broadcast %add3A_200 : f32 to vector<16xf32>
    %add3A_202 = arith.addf %add3A_201, %exp3A : vector<16xf32>
    %div3A = arith.constant 1.000000e+00 : f32
    %div3A_203 = vector.broadcast %div3A : f32 to vector<16xf32>
    %div3A_204 = arith.divf %div3A_203, %add3A_202 : vector<16xf32>
    %get3A_205 = arith.constant 1 : i32
    %get3A_206 = arith.index_cast %get3A_205 : i32 to index
    %get3A_207 = arith.constant 0 : index
    %get3A_208 = tpu.vector_load %arg5[%get3A_206, %get3A_207] {strides = array<i32>} : memref<8x64xf32, #tpu.memory_space<vmem>>, vector<1x16xf32>,
    %get3A_209 = vector.shape_cast %get3A_208 : vector<1x16xf32> to vector<16xf32>
    %neg3A_210 = arith.constant 0.000000e+00 : f32
    %neg3A_211 = vector.broadcast %neg3A_210 : f32 to vector<16xf32>
    %neg3A_212 = arith.subf %neg3A_211, %get3A_209 : vector<16xf32>
    %exp3A_213 = math.exp %neg3A_212 : vector<16xf32>
    %add3A_214 = arith.constant 1.000000e+00 : f32
    %add3A_215 = vector.broadcast %add3A_214 : f32 to vector<16xf32>
    %add3A_216 = arith.addf %add3A_215, %exp3A_213 : vector<16xf32>
    %div3A_217 = arith.constant 1.000000e+00 : f32
    %div3A_218 = vector.broadcast %div3A_217 : f32 to vector<16xf32>
    %div3A_219 = arith.divf %div3A_218, %add3A_216 : vector<16xf32>
    %get3A_220 = arith.constant 2 : i32
    %get3A_221 = arith.index_cast %get3A_220 : i32 to index
    %get3A_222 = arith.constant 0 : index
    %get3A_223 = tpu.vector_load %arg5[%get3A_221, %get3A_222] {strides = array<i32>} : memref<8x64xf32, #tpu.memory_space<vmem>>, vector<1x16xf32>,
    %get3A_224 = vector.shape_cast %get3A_223 : vector<1x16xf32> to vector<16xf32>
    %neg3A_225 = arith.constant 0.000000e+00 : f32
    %neg3A_226 = vector.broadcast %neg3A_225 : f32 to vector<16xf32>
    %neg3A_227 = arith.subf %neg3A_226, %get3A_224 : vector<16xf32>
    %exp3A_228 = math.exp %neg3A_227 : vector<16xf32>
    %add3A_229 = arith.constant 1.000000e+00 : f32
    %add3A_230 = vector.broadcast %add3A_229 : f32 to vector<16xf32>
    %add3A_231 = arith.addf %add3A_230, %exp3A_228 : vector<16xf32>
    %div3A_232 = arith.constant 1.000000e+00 : f32
    %div3A_233 = vector.broadcast %div3A_232 : f32 to vector<16xf32>
    %div3A_234 = arith.divf %div3A_233, %add3A_231 : vector<16xf32>
    %get3A_235 = arith.constant 3 : i32
    %get3A_236 = arith.index_cast %get3A_235 : i32 to index
    %get3A_237 = arith.constant 0 : index
    %get3A_238 = tpu.vector_load %arg5[%get3A_236, %get3A_237] {strides = array<i32>} : memref<8x64xf32, #tpu.memory_space<vmem>>, vector<1x16xf32>,
    %get3A_239 = vector.shape_cast %get3A_238 : vector<1x16xf32> to vector<16xf32>
    %neg3A_240 = arith.constant 0.000000e+00 : f32
    %neg3A_241 = vector.broadcast %neg3A_240 : f32 to vector<16xf32>
    %neg3A_242 = arith.subf %neg3A_241, %get3A_239 : vector<16xf32>
    %exp3A_243 = math.exp %neg3A_242 : vector<16xf32>
    %add3A_244 = arith.constant 1.000000e+00 : f32
    %add3A_245 = vector.broadcast %add3A_244 : f32 to vector<16xf32>
    %add3A_246 = arith.addf %add3A_245, %exp3A_243 : vector<16xf32>
    %div3A_247 = arith.constant 1.000000e+00 : f32
    %div3A_248 = vector.broadcast %div3A_247 : f32 to vector<16xf32>
    %div3A_249 = arith.divf %div3A_248, %add3A_246 : vector<16xf32>
    %get3A_250 = arith.constant 4 : i32
    %get3A_251 = arith.index_cast %get3A_250 : i32 to index
    %get3A_252 = arith.constant 0 : index
    %get3A_253 = tpu.vector_load %arg5[%get3A_251, %get3A_252] {strides = array<i32>} : memref<8x64xf32, #tpu.memory_space<vmem>>, vector<1x16xf32>,
    %get3A_254 = vector.shape_cast %get3A_253 : vector<1x16xf32> to vector<16xf32>
    %neg3A_255 = arith.constant 0.000000e+00 : f32
    %neg3A_256 = vector.broadcast %neg3A_255 : f32 to vector<16xf32>
    %neg3A_257 = arith.subf %neg3A_256, %get3A_254 : vector<16xf32>
    %exp3A_258 = math.exp %neg3A_257 : vector<16xf32>
    %add3A_259 = arith.constant 1.000000e+00 : f32
    %add3A_260 = vector.broadcast %add3A_259 : f32 to vector<16xf32>
    %add3A_261 = arith.addf %add3A_260, %exp3A_258 : vector<16xf32>
    %div3A_262 = arith.constant 1.000000e+00 : f32
    %div3A_263 = vector.broadcast %div3A_262 : f32 to vector<16xf32>
    %div3A_264 = arith.divf %div3A_263, %add3A_261 : vector<16xf32>
    %get3A_265 = arith.constant 5 : i32
    %get3A_266 = arith.index_cast %get3A_265 : i32 to index
    %get3A_267 = arith.constant 0 : index
    %get3A_268 = tpu.vector_load %arg5[%get3A_266, %get3A_267] {strides = array<i32>} : memref<8x64xf32, #tpu.memory_space<vmem>>, vector<1x16xf32>,
    %get3A_269 = vector.shape_cast %get3A_268 : vector<1x16xf32> to vector<16xf32>
    %neg3A_270 = arith.constant 0.000000e+00 : f32
    %neg3A_271 = vector.broadcast %neg3A_270 : f32 to vector<16xf32>
    %neg3A_272 = arith.subf %neg3A_271, %get3A_269 : vector<16xf32>
    %exp3A_273 = math.exp %neg3A_272 : vector<16xf32>
    %add3A_274 = arith.constant 1.000000e+00 : f32
    %add3A_275 = vector.broadcast %add3A_274 : f32 to vector<16xf32>
    %add3A_276 = arith.addf %add3A_275, %exp3A_273 : vector<16xf32>
    %div3A_277 = arith.constant 1.000000e+00 : f32
    %div3A_278 = vector.broadcast %div3A_277 : f32 to vector<16xf32>
    %div3A_279 = arith.divf %div3A_278, %add3A_276 : vector<16xf32>
    %get3A_280 = arith.constant 6 : i32
    %get3A_281 = arith.index_cast %get3A_280 : i32 to index
    %get3A_282 = arith.constant 0 : index
    %get3A_283 = tpu.vector_load %arg5[%get3A_281, %get3A_282] {strides = array<i32>} : memref<8x64xf32, #tpu.memory_space<vmem>>, vector<1x16xf32>,
    %get3A_284 = vector.shape_cast %get3A_283 : vector<1x16xf32> to vector<16xf32>
    %neg3A_285 = arith.constant 0.000000e+00 : f32
    %neg3A_286 = vector.broadcast %neg3A_285 : f32 to vector<16xf32>
    %neg3A_287 = arith.subf %neg3A_286, %get3A_284 : vector<16xf32>
    %exp3A_288 = math.exp %neg3A_287 : vector<16xf32>
    %add3A_289 = arith.constant 1.000000e+00 : f32
    %add3A_290 = vector.broadcast %add3A_289 : f32 to vector<16xf32>
    %add3A_291 = arith.addf %add3A_290, %exp3A_288 : vector<16xf32>
    %div3A_292 = arith.constant 1.000000e+00 : f32
    %div3A_293 = vector.broadcast %div3A_292 : f32 to vector<16xf32>
    %div3A_294 = arith.divf %div3A_293, %add3A_291 : vector<16xf32>
    %get3A_295 = arith.constant 7 : i32
    %get3A_296 = arith.index_cast %get3A_295 : i32 to index
    %get3A_297 = arith.constant 0 : index
    %get3A_298 = tpu.vector_load %arg5[%get3A_296, %get3A_297] {strides = array<i32>} : memref<8x64xf32, #tpu.memory_space<vmem>>, vector<1x16xf32>,
    %get3A_299 = vector.shape_cast %get3A_298 : vector<1x16xf32> to vector<16xf32>
    %neg3A_300 = arith.constant 0.000000e+00 : f32
    %neg3A_301 = vector.broadcast %neg3A_300 : f32 to vector<16xf32>
    %neg3A_302 = arith.subf %neg3A_301, %get3A_299 : vector<16xf32>
    %exp3A_303 = math.exp %neg3A_302 : vector<16xf32>
    %add3A_304 = arith.constant 1.000000e+00 : f32
    %add3A_305 = vector.broadcast %add3A_304 : f32 to vector<16xf32>
    %add3A_306 = arith.addf %add3A_305, %exp3A_303 : vector<16xf32>
    %div3A_307 = arith.constant 1.000000e+00 : f32
    %div3A_308 = vector.broadcast %div3A_307 : f32 to vector<16xf32>
    %div3A_309 = arith.divf %div3A_308, %add3A_306 : vector<16xf32>
    %get3A_310 = arith.constant 0 : i32
    %get3A_311 = arith.index_cast %get3A_310 : i32 to index
    %get3A_312 = arith.constant 0 : index
    %get3A_313 = tpu.vector_load %arg7[%get3A_311, %get3A_312] {strides = array<i32>} : memref<8x16xf32, #tpu.memory_space<vmem>>, vector<1x16xf32>,
    %get3A_314 = vector.shape_cast %get3A_313 : vector<1x16xf32> to vector<16xf32>
    %add3A_315 = arith.addf %div3A_204, %get3A_314 : vector<16xf32>
    %get3A_316 = arith.constant 1 : i32
    %get3A_317 = arith.index_cast %get3A_316 : i32 to index
    %get3A_318 = arith.constant 0 : index
    %get3A_319 = tpu.vector_load %arg7[%get3A_317, %get3A_318] {strides = array<i32>} : memref<8x16xf32, #tpu.memory_space<vmem>>, vector<1x16xf32>,
    %get3A_320 = vector.shape_cast %get3A_319 : vector<1x16xf32> to vector<16xf32>
    %add3A_321 = arith.addf %div3A_219, %get3A_320 : vector<16xf32>
    %get3A_322 = arith.constant 2 : i32
    %get3A_323 = arith.index_cast %get3A_322 : i32 to index
    %get3A_324 = arith.constant 0 : index
    %get3A_325 = tpu.vector_load %arg7[%get3A_323, %get3A_324] {strides = array<i32>} : memref<8x16xf32, #tpu.memory_space<vmem>>, vector<1x16xf32>,
    %get3A_326 = vector.shape_cast %get3A_325 : vector<1x16xf32> to vector<16xf32>
    %add3A_327 = arith.addf %div3A_234, %get3A_326 : vector<16xf32>
    %get3A_328 = arith.constant 3 : i32
    %get3A_329 = arith.index_cast %get3A_328 : i32 to index
    %get3A_330 = arith.constant 0 : index
    %get3A_331 = tpu.vector_load %arg7[%get3A_329, %get3A_330] {strides = array<i32>} : memref<8x16xf32, #tpu.memory_space<vmem>>, vector<1x16xf32>,
    %get3A_332 = vector.shape_cast %get3A_331 : vector<1x16xf32> to vector<16xf32>
    %add3A_333 = arith.addf %div3A_249, %get3A_332 : vector<16xf32>
    %get3A_334 = arith.constant 4 : i32
    %get3A_335 = arith.index_cast %get3A_334 : i32 to index
    %get3A_336 = arith.constant 0 : index
    %get3A_337 = tpu.vector_load %arg7[%get3A_335, %get3A_336] {strides = array<i32>} : memref<8x16xf32, #tpu.memory_space<vmem>>, vector<1x16xf32>,
    %get3A_338 = vector.shape_cast %get3A_337 : vector<1x16xf32> to vector<16xf32>
    %add3A_339 = arith.addf %div3A_264, %get3A_338 : vector<16xf32>
    %get3A_340 = arith.constant 5 : i32
    %get3A_341 = arith.index_cast %get3A_340 : i32 to index
    %get3A_342 = arith.constant 0 : index
    %get3A_343 = tpu.vector_load %arg7[%get3A_341, %get3A_342] {strides = array<i32>} : memref<8x16xf32, #tpu.memory_space<vmem>>, vector<1x16xf32>,
    %get3A_344 = vector.shape_cast %get3A_343 : vector<1x16xf32> to vector<16xf32>
    %add3A_345 = arith.addf %div3A_279, %get3A_344 : vector<16xf32>
    %get3A_346 = arith.constant 6 : i32
    %get3A_347 = arith.index_cast %get3A_346 : i32 to index
    %get3A_348 = arith.constant 0 : index
    %get3A_349 = tpu.vector_load %arg7[%get3A_347, %get3A_348] {strides = array<i32>} : memref<8x16xf32, #tpu.memory_space<vmem>>, vector<1x16xf32>,
    %get3A_350 = vector.shape_cast %get3A_349 : vector<1x16xf32> to vector<16xf32>
    %add3A_351 = arith.addf %div3A_294, %get3A_350 : vector<16xf32>
    %get3A_352 = arith.constant 7 : i32
    %get3A_353 = arith.index_cast %get3A_352 : i32 to index
    %get3A_354 = arith.constant 0 : index
    %get3A_355 = tpu.vector_load %arg7[%get3A_353, %get3A_354] {strides = array<i32>} : memref<8x16xf32, #tpu.memory_space<vmem>>, vector<1x16xf32>,
    %get3A_356 = vector.shape_cast %get3A_355 : vector<1x16xf32> to vector<16xf32>
    %add3A_357 = arith.addf %div3A_309, %get3A_356 : vector<16xf32>
    %add3A_358 = arith.addf %add3A_315, %add3A_321 : vector<16xf32>
    %add3A_359 = arith.addf %add3A_327, %add3A_333 : vector<16xf32>
    %add3A_360 = arith.addf %add3A_339, %add3A_345 : vector<16xf32>
    %add3A_361 = arith.addf %add3A_351, %add3A_357 : vector<16xf32>
    %broadcast_in_dim3A_362 = arith.constant 0.000000e+00 : f32
    %broadcast_in_dim3A_363 = vector.broadcast %broadcast_in_dim3A_362 : f32 to vector<16xf32>
    %gt3A = arith.cmpf ogt, %add3A_359, %add3A_358 : vector<16xf32>
    %jit3A = arith.constant 1.000000e+00 : f32
    %jit3A_364 = arith.constant 0.000000e+00 : f32
    %broadcast_in_dim3A_365 = vector.broadcast %jit3A : f32 to vector<16xf32>
    %broadcast_in_dim3A_366 = vector.broadcast %jit3A_364 : f32 to vector<16xf32>
    %select_n3A = arith.select %gt3A, %broadcast_in_dim3A_365, %broadcast_in_dim3A_366 : vector<16xi1>, vector<16xf32>
    %add3A_367 = arith.addf %broadcast_in_dim3A_363, %select_n3A : vector<16xf32>
    %gt3A_368 = arith.cmpf ogt, %add3A_360, %add3A_358 : vector<16xf32>
    %jit3A_369 = arith.constant 1.000000e+00 : f32
    %jit3A_370 = arith.constant 0.000000e+00 : f32
    %broadcast_in_dim3A_371 = vector.broadcast %jit3A_369 : f32 to vector<16xf32>
    %broadcast_in_dim3A_372 = vector.broadcast %jit3A_370 : f32 to vector<16xf32>
    %select_n3A_373 = arith.select %gt3A_368, %broadcast_in_dim3A_371, %broadcast_in_dim3A_372 : vector<16xi1>, vector<16xf32>
    %add3A_374 = arith.addf %add3A_367, %select_n3A_373 : vector<16xf32>
    %gt3A_375 = arith.cmpf ogt, %add3A_361, %add3A_358 : vector<16xf32>
    %jit3A_376 = arith.constant 1.000000e+00 : f32
    %jit3A_377 = arith.constant 0.000000e+00 : f32
    %broadcast_in_dim3A_378 = vector.broadcast %jit3A_376 : f32 to vector<16xf32>
    %broadcast_in_dim3A_379 = vector.broadcast %jit3A_377 : f32 to vector<16xf32>
    %select_n3A_380 = arith.select %gt3A_375, %broadcast_in_dim3A_378, %broadcast_in_dim3A_379 : vector<16xi1>, vector<16xf32>
    %add3A_381 = arith.addf %add3A_374, %select_n3A_380 : vector<16xf32>
    %lt3A = arith.constant 2.000000e+00 : f32
    %lt3A_382 = vector.broadcast %lt3A : f32 to vector<16xf32>
    %lt3A_383 = arith.cmpf olt, %add3A_381, %lt3A_382 : vector<16xf32>
    %broadcast_in_dim3A_384 = arith.constant 0.000000e+00 : f32
    %broadcast_in_dim3A_385 = vector.broadcast %broadcast_in_dim3A_384 : f32 to vector<16xf32>
    %ge3A = arith.cmpf oge, %add3A_358, %add3A_359 : vector<16xf32>
    %jit3A_386 = arith.constant 1.000000e+00 : f32
    %jit3A_387 = arith.constant 0.000000e+00 : f32
    %broadcast_in_dim3A_388 = vector.broadcast %jit3A_386 : f32 to vector<16xf32>
    %broadcast_in_dim3A_389 = vector.broadcast %jit3A_387 : f32 to vector<16xf32>
    %select_n3A_390 = arith.select %ge3A, %broadcast_in_dim3A_388, %broadcast_in_dim3A_389 : vector<16xi1>, vector<16xf32>
    %add3A_391 = arith.addf %broadcast_in_dim3A_385, %select_n3A_390 : vector<16xf32>
    %gt3A_392 = arith.cmpf ogt, %add3A_360, %add3A_359 : vector<16xf32>
    %jit3A_393 = arith.constant 1.000000e+00 : f32
    %jit3A_394 = arith.constant 0.000000e+00 : f32
    %broadcast_in_dim3A_395 = vector.broadcast %jit3A_393 : f32 to vector<16xf32>
    %broadcast_in_dim3A_396 = vector.broadcast %jit3A_394 : f32 to vector<16xf32>
    %select_n3A_397 = arith.select %gt3A_392, %broadcast_in_dim3A_395, %broadcast_in_dim3A_396 : vector<16xi1>, vector<16xf32>
    %add3A_398 = arith.addf %add3A_391, %select_n3A_397 : vector<16xf32>
    %gt3A_399 = arith.cmpf ogt, %add3A_361, %add3A_359 : vector<16xf32>
    %jit3A_400 = arith.constant 1.000000e+00 : f32
    %jit3A_401 = arith.constant 0.000000e+00 : f32
    %broadcast_in_dim3A_402 = vector.broadcast %jit3A_400 : f32 to vector<16xf32>
    %broadcast_in_dim3A_403 = vector.broadcast %jit3A_401 : f32 to vector<16xf32>
    %select_n3A_404 = arith.select %gt3A_399, %broadcast_in_dim3A_402, %broadcast_in_dim3A_403 : vector<16xi1>, vector<16xf32>
    %add3A_405 = arith.addf %add3A_398, %select_n3A_404 : vector<16xf32>
    %lt3A_406 = arith.constant 2.000000e+00 : f32
    %lt3A_407 = vector.broadcast %lt3A_406 : f32 to vector<16xf32>
    %lt3A_408 = arith.cmpf olt, %add3A_405, %lt3A_407 : vector<16xf32>
    %broadcast_in_dim3A_409 = arith.constant 0.000000e+00 : f32
    %broadcast_in_dim3A_410 = vector.broadcast %broadcast_in_dim3A_409 : f32 to vector<16xf32>
    %ge3A_411 = arith.cmpf oge, %add3A_358, %add3A_360 : vector<16xf32>
    %jit3A_412 = arith.constant 1.000000e+00 : f32
    %jit3A_413 = arith.constant 0.000000e+00 : f32
    %broadcast_in_dim3A_414 = vector.broadcast %jit3A_412 : f32 to vector<16xf32>
    %broadcast_in_dim3A_415 = vector.broadcast %jit3A_413 : f32 to vector<16xf32>
    %select_n3A_416 = arith.select %ge3A_411, %broadcast_in_dim3A_414, %broadcast_in_dim3A_415 : vector<16xi1>, vector<16xf32>
    %add3A_417 = arith.addf %broadcast_in_dim3A_410, %select_n3A_416 : vector<16xf32>
    %ge3A_418 = arith.cmpf oge, %add3A_359, %add3A_360 : vector<16xf32>
    %jit3A_419 = arith.constant 1.000000e+00 : f32
    %jit3A_420 = arith.constant 0.000000e+00 : f32
    %broadcast_in_dim3A_421 = vector.broadcast %jit3A_419 : f32 to vector<16xf32>
    %broadcast_in_dim3A_422 = vector.broadcast %jit3A_420 : f32 to vector<16xf32>
    %select_n3A_423 = arith.select %ge3A_418, %broadcast_in_dim3A_421, %broadcast_in_dim3A_422 : vector<16xi1>, vector<16xf32>
    %add3A_424 = arith.addf %add3A_417, %select_n3A_423 : vector<16xf32>
    %gt3A_425 = arith.cmpf ogt, %add3A_361, %add3A_360 : vector<16xf32>
    %jit3A_426 = arith.constant 1.000000e+00 : f32
    %jit3A_427 = arith.constant 0.000000e+00 : f32
    %broadcast_in_dim3A_428 = vector.broadcast %jit3A_426 : f32 to vector<16xf32>
    %broadcast_in_dim3A_429 = vector.broadcast %jit3A_427 : f32 to vector<16xf32>
    %select_n3A_430 = arith.select %gt3A_425, %broadcast_in_dim3A_428, %broadcast_in_dim3A_429 : vector<16xi1>, vector<16xf32>
    %add3A_431 = arith.addf %add3A_424, %select_n3A_430 : vector<16xf32>
    %lt3A_432 = arith.constant 2.000000e+00 : f32
    %lt3A_433 = vector.broadcast %lt3A_432 : f32 to vector<16xf32>
    %lt3A_434 = arith.cmpf olt, %add3A_431, %lt3A_433 : vector<16xf32>
    %broadcast_in_dim3A_435 = arith.constant 0.000000e+00 : f32
    %broadcast_in_dim3A_436 = vector.broadcast %broadcast_in_dim3A_435 : f32 to vector<16xf32>
    %ge3A_437 = arith.cmpf oge, %add3A_358, %add3A_361 : vector<16xf32>
    %jit3A_438 = arith.constant 1.000000e+00 : f32
    %jit3A_439 = arith.constant 0.000000e+00 : f32
    %broadcast_in_dim3A_440 = vector.broadcast %jit3A_438 : f32 to vector<16xf32>
    %broadcast_in_dim3A_441 = vector.broadcast %jit3A_439 : f32 to vector<16xf32>
    %select_n3A_442 = arith.select %ge3A_437, %broadcast_in_dim3A_440, %broadcast_in_dim3A_441 : vector<16xi1>, vector<16xf32>
    %add3A_443 = arith.addf %broadcast_in_dim3A_436, %select_n3A_442 : vector<16xf32>
    %ge3A_444 = arith.cmpf oge, %add3A_359, %add3A_361 : vector<16xf32>
    %jit3A_445 = arith.constant 1.000000e+00 : f32
    %jit3A_446 = arith.constant 0.000000e+00 : f32
    %broadcast_in_dim3A_447 = vector.broadcast %jit3A_445 : f32 to vector<16xf32>
    %broadcast_in_dim3A_448 = vector.broadcast %jit3A_446 : f32 to vector<16xf32>
    %select_n3A_449 = arith.select %ge3A_444, %broadcast_in_dim3A_447, %broadcast_in_dim3A_448 : vector<16xi1>, vector<16xf32>
    %add3A_450 = arith.addf %add3A_443, %select_n3A_449 : vector<16xf32>
    %ge3A_451 = arith.cmpf oge, %add3A_360, %add3A_361 : vector<16xf32>
    %jit3A_452 = arith.constant 1.000000e+00 : f32
    %jit3A_453 = arith.constant 0.000000e+00 : f32
    %broadcast_in_dim3A_454 = vector.broadcast %jit3A_452 : f32 to vector<16xf32>
    %broadcast_in_dim3A_455 = vector.broadcast %jit3A_453 : f32 to vector<16xf32>
    %select_n3A_456 = arith.select %ge3A_451, %broadcast_in_dim3A_454, %broadcast_in_dim3A_455 : vector<16xi1>, vector<16xf32>
    %add3A_457 = arith.addf %add3A_450, %select_n3A_456 : vector<16xf32>
    %lt3A_458 = arith.constant 2.000000e+00 : f32
    %lt3A_459 = vector.broadcast %lt3A_458 : f32 to vector<16xf32>
    %lt3A_460 = arith.cmpf olt, %add3A_457, %lt3A_459 : vector<16xf32>
    %jit3A_461 = arith.constant -1.000000e+30 : f32
    %broadcast_in_dim3A_462 = vector.broadcast %jit3A_461 : f32 to vector<16xf32>
    %select_n3A_463 = arith.select %lt3A_383, %add3A_315, %broadcast_in_dim3A_462 : vector<16xi1>, vector<16xf32>
    %jit3A_464 = arith.constant -1.000000e+30 : f32
    %broadcast_in_dim3A_465 = vector.broadcast %jit3A_464 : f32 to vector<16xf32>
    %select_n3A_466 = arith.select %lt3A_383, %add3A_321, %broadcast_in_dim3A_465 : vector<16xi1>, vector<16xf32>
    %jit3A_467 = arith.constant -1.000000e+30 : f32
    %broadcast_in_dim3A_468 = vector.broadcast %jit3A_467 : f32 to vector<16xf32>
    %select_n3A_469 = arith.select %lt3A_408, %add3A_327, %broadcast_in_dim3A_468 : vector<16xi1>, vector<16xf32>
    %jit3A_470 = arith.constant -1.000000e+30 : f32
    %broadcast_in_dim3A_471 = vector.broadcast %jit3A_470 : f32 to vector<16xf32>
    %select_n3A_472 = arith.select %lt3A_408, %add3A_333, %broadcast_in_dim3A_471 : vector<16xi1>, vector<16xf32>
    %jit3A_473 = arith.constant -1.000000e+30 : f32
    %broadcast_in_dim3A_474 = vector.broadcast %jit3A_473 : f32 to vector<16xf32>
    %select_n3A_475 = arith.select %lt3A_434, %add3A_339, %broadcast_in_dim3A_474 : vector<16xi1>, vector<16xf32>
    %jit3A_476 = arith.constant -1.000000e+30 : f32
    %broadcast_in_dim3A_477 = vector.broadcast %jit3A_476 : f32 to vector<16xf32>
    %select_n3A_478 = arith.select %lt3A_434, %add3A_345, %broadcast_in_dim3A_477 : vector<16xi1>, vector<16xf32>
    %jit3A_479 = arith.constant -1.000000e+30 : f32
    %broadcast_in_dim3A_480 = vector.broadcast %jit3A_479 : f32 to vector<16xf32>
    %select_n3A_481 = arith.select %lt3A_460, %add3A_351, %broadcast_in_dim3A_480 : vector<16xi1>, vector<16xf32>
    %jit3A_482 = arith.constant -1.000000e+30 : f32
    %broadcast_in_dim3A_483 = vector.broadcast %jit3A_482 : f32 to vector<16xf32>
    %select_n3A_484 = arith.select %lt3A_460, %add3A_357, %broadcast_in_dim3A_483 : vector<16xi1>, vector<16xf32>
    %broadcast_in_dim3A_485 = arith.constant 0.000000e+00 : f32
    %broadcast_in_dim3A_486 = vector.broadcast %broadcast_in_dim3A_485 : f32 to vector<16xf32>
    %gt3A_487 = arith.cmpf ogt, %select_n3A_466, %select_n3A_463 : vector<16xf32>
    %jit3A_488 = arith.constant 1.000000e+00 : f32
    %jit3A_489 = arith.constant 0.000000e+00 : f32
    %broadcast_in_dim3A_490 = vector.broadcast %jit3A_488 : f32 to vector<16xf32>
    %broadcast_in_dim3A_491 = vector.broadcast %jit3A_489 : f32 to vector<16xf32>
    %select_n3A_492 = arith.select %gt3A_487, %broadcast_in_dim3A_490, %broadcast_in_dim3A_491 : vector<16xi1>, vector<16xf32>
    %add3A_493 = arith.addf %broadcast_in_dim3A_486, %select_n3A_492 : vector<16xf32>
    %gt3A_494 = arith.cmpf ogt, %select_n3A_469, %select_n3A_463 : vector<16xf32>
    %jit3A_495 = arith.constant 1.000000e+00 : f32
    %jit3A_496 = arith.constant 0.000000e+00 : f32
    %broadcast_in_dim3A_497 = vector.broadcast %jit3A_495 : f32 to vector<16xf32>
    %broadcast_in_dim3A_498 = vector.broadcast %jit3A_496 : f32 to vector<16xf32>
    %select_n3A_499 = arith.select %gt3A_494, %broadcast_in_dim3A_497, %broadcast_in_dim3A_498 : vector<16xi1>, vector<16xf32>
    %add3A_500 = arith.addf %add3A_493, %select_n3A_499 : vector<16xf32>
    %gt3A_501 = arith.cmpf ogt, %select_n3A_472, %select_n3A_463 : vector<16xf32>
    %jit3A_502 = arith.constant 1.000000e+00 : f32
    %jit3A_503 = arith.constant 0.000000e+00 : f32
    %broadcast_in_dim3A_504 = vector.broadcast %jit3A_502 : f32 to vector<16xf32>
    %broadcast_in_dim3A_505 = vector.broadcast %jit3A_503 : f32 to vector<16xf32>
    %select_n3A_506 = arith.select %gt3A_501, %broadcast_in_dim3A_504, %broadcast_in_dim3A_505 : vector<16xi1>, vector<16xf32>
    %add3A_507 = arith.addf %add3A_500, %select_n3A_506 : vector<16xf32>
    %gt3A_508 = arith.cmpf ogt, %select_n3A_475, %select_n3A_463 : vector<16xf32>
    %jit3A_509 = arith.constant 1.000000e+00 : f32
    %jit3A_510 = arith.constant 0.000000e+00 : f32
    %broadcast_in_dim3A_511 = vector.broadcast %jit3A_509 : f32 to vector<16xf32>
    %broadcast_in_dim3A_512 = vector.broadcast %jit3A_510 : f32 to vector<16xf32>
    %select_n3A_513 = arith.select %gt3A_508, %broadcast_in_dim3A_511, %broadcast_in_dim3A_512 : vector<16xi1>, vector<16xf32>
    %add3A_514 = arith.addf %add3A_507, %select_n3A_513 : vector<16xf32>
    %gt3A_515 = arith.cmpf ogt, %select_n3A_478, %select_n3A_463 : vector<16xf32>
    %jit3A_516 = arith.constant 1.000000e+00 : f32
    %jit3A_517 = arith.constant 0.000000e+00 : f32
    %broadcast_in_dim3A_518 = vector.broadcast %jit3A_516 : f32 to vector<16xf32>
    %broadcast_in_dim3A_519 = vector.broadcast %jit3A_517 : f32 to vector<16xf32>
    %select_n3A_520 = arith.select %gt3A_515, %broadcast_in_dim3A_518, %broadcast_in_dim3A_519 : vector<16xi1>, vector<16xf32>
    %add3A_521 = arith.addf %add3A_514, %select_n3A_520 : vector<16xf32>
    %gt3A_522 = arith.cmpf ogt, %select_n3A_481, %select_n3A_463 : vector<16xf32>
    %jit3A_523 = arith.constant 1.000000e+00 : f32
    %jit3A_524 = arith.constant 0.000000e+00 : f32
    %broadcast_in_dim3A_525 = vector.broadcast %jit3A_523 : f32 to vector<16xf32>
    %broadcast_in_dim3A_526 = vector.broadcast %jit3A_524 : f32 to vector<16xf32>
    %select_n3A_527 = arith.select %gt3A_522, %broadcast_in_dim3A_525, %broadcast_in_dim3A_526 : vector<16xi1>, vector<16xf32>
    %add3A_528 = arith.addf %add3A_521, %select_n3A_527 : vector<16xf32>
    %gt3A_529 = arith.cmpf ogt, %select_n3A_484, %select_n3A_463 : vector<16xf32>
    %jit3A_530 = arith.constant 1.000000e+00 : f32
    %jit3A_531 = arith.constant 0.000000e+00 : f32
    %broadcast_in_dim3A_532 = vector.broadcast %jit3A_530 : f32 to vector<16xf32>
    %broadcast_in_dim3A_533 = vector.broadcast %jit3A_531 : f32 to vector<16xf32>
    %select_n3A_534 = arith.select %gt3A_529, %broadcast_in_dim3A_532, %broadcast_in_dim3A_533 : vector<16xi1>, vector<16xf32>
    %add3A_535 = arith.addf %add3A_528, %select_n3A_534 : vector<16xf32>
    %lt3A_536 = arith.constant 2.000000e+00 : f32
    %lt3A_537 = vector.broadcast %lt3A_536 : f32 to vector<16xf32>
    %lt3A_538 = arith.cmpf olt, %add3A_535, %lt3A_537 : vector<16xf32>
    %jit3A_539 = arith.constant 0.000000e+00 : f32
    %broadcast_in_dim3A_540 = vector.broadcast %jit3A_539 : f32 to vector<16xf32>
    %select_n3A_541 = arith.select %lt3A_538, %div3A_204, %broadcast_in_dim3A_540 : vector<16xi1>, vector<16xf32>
    %broadcast_in_dim3A_542 = arith.constant 0.000000e+00 : f32
    %broadcast_in_dim3A_543 = vector.broadcast %broadcast_in_dim3A_542 : f32 to vector<16xf32>
    %ge3A_544 = arith.cmpf oge, %select_n3A_463, %select_n3A_466 : vector<16xf32>
    %jit3A_545 = arith.constant 1.000000e+00 : f32
    %jit3A_546 = arith.constant 0.000000e+00 : f32
    %broadcast_in_dim3A_547 = vector.broadcast %jit3A_545 : f32 to vector<16xf32>
    %broadcast_in_dim3A_548 = vector.broadcast %jit3A_546 : f32 to vector<16xf32>
    %select_n3A_549 = arith.select %ge3A_544, %broadcast_in_dim3A_547, %broadcast_in_dim3A_548 : vector<16xi1>, vector<16xf32>
    %add3A_550 = arith.addf %broadcast_in_dim3A_543, %select_n3A_549 : vector<16xf32>
    %gt3A_551 = arith.cmpf ogt, %select_n3A_469, %select_n3A_466 : vector<16xf32>
    %jit3A_552 = arith.constant 1.000000e+00 : f32
    %jit3A_553 = arith.constant 0.000000e+00 : f32
    %broadcast_in_dim3A_554 = vector.broadcast %jit3A_552 : f32 to vector<16xf32>
    %broadcast_in_dim3A_555 = vector.broadcast %jit3A_553 : f32 to vector<16xf32>
    %select_n3A_556 = arith.select %gt3A_551, %broadcast_in_dim3A_554, %broadcast_in_dim3A_555 : vector<16xi1>, vector<16xf32>
    %add3A_557 = arith.addf %add3A_550, %select_n3A_556 : vector<16xf32>
    %gt3A_558 = arith.cmpf ogt, %select_n3A_472, %select_n3A_466 : vector<16xf32>
    %jit3A_559 = arith.constant 1.000000e+00 : f32
    %jit3A_560 = arith.constant 0.000000e+00 : f32
    %broadcast_in_dim3A_561 = vector.broadcast %jit3A_559 : f32 to vector<16xf32>
    %broadcast_in_dim3A_562 = vector.broadcast %jit3A_560 : f32 to vector<16xf32>
    %select_n3A_563 = arith.select %gt3A_558, %broadcast_in_dim3A_561, %broadcast_in_dim3A_562 : vector<16xi1>, vector<16xf32>
    %add3A_564 = arith.addf %add3A_557, %select_n3A_563 : vector<16xf32>
    %gt3A_565 = arith.cmpf ogt, %select_n3A_475, %select_n3A_466 : vector<16xf32>
    %jit3A_566 = arith.constant 1.000000e+00 : f32
    %jit3A_567 = arith.constant 0.000000e+00 : f32
    %broadcast_in_dim3A_568 = vector.broadcast %jit3A_566 : f32 to vector<16xf32>
    %broadcast_in_dim3A_569 = vector.broadcast %jit3A_567 : f32 to vector<16xf32>
    %select_n3A_570 = arith.select %gt3A_565, %broadcast_in_dim3A_568, %broadcast_in_dim3A_569 : vector<16xi1>, vector<16xf32>
    %add3A_571 = arith.addf %add3A_564, %select_n3A_570 : vector<16xf32>
    %gt3A_572 = arith.cmpf ogt, %select_n3A_478, %select_n3A_466 : vector<16xf32>
    %jit3A_573 = arith.constant 1.000000e+00 : f32
    %jit3A_574 = arith.constant 0.000000e+00 : f32
    %broadcast_in_dim3A_575 = vector.broadcast %jit3A_573 : f32 to vector<16xf32>
    %broadcast_in_dim3A_576 = vector.broadcast %jit3A_574 : f32 to vector<16xf32>
    %select_n3A_577 = arith.select %gt3A_572, %broadcast_in_dim3A_575, %broadcast_in_dim3A_576 : vector<16xi1>, vector<16xf32>
    %add3A_578 = arith.addf %add3A_571, %select_n3A_577 : vector<16xf32>
    %gt3A_579 = arith.cmpf ogt, %select_n3A_481, %select_n3A_466 : vector<16xf32>
    %jit3A_580 = arith.constant 1.000000e+00 : f32
    %jit3A_581 = arith.constant 0.000000e+00 : f32
    %broadcast_in_dim3A_582 = vector.broadcast %jit3A_580 : f32 to vector<16xf32>
    %broadcast_in_dim3A_583 = vector.broadcast %jit3A_581 : f32 to vector<16xf32>
    %select_n3A_584 = arith.select %gt3A_579, %broadcast_in_dim3A_582, %broadcast_in_dim3A_583 : vector<16xi1>, vector<16xf32>
    %add3A_585 = arith.addf %add3A_578, %select_n3A_584 : vector<16xf32>
    %gt3A_586 = arith.cmpf ogt, %select_n3A_484, %select_n3A_466 : vector<16xf32>
    %jit3A_587 = arith.constant 1.000000e+00 : f32
    %jit3A_588 = arith.constant 0.000000e+00 : f32
    %broadcast_in_dim3A_589 = vector.broadcast %jit3A_587 : f32 to vector<16xf32>
    %broadcast_in_dim3A_590 = vector.broadcast %jit3A_588 : f32 to vector<16xf32>
    %select_n3A_591 = arith.select %gt3A_586, %broadcast_in_dim3A_589, %broadcast_in_dim3A_590 : vector<16xi1>, vector<16xf32>
    %add3A_592 = arith.addf %add3A_585, %select_n3A_591 : vector<16xf32>
    %lt3A_593 = arith.constant 2.000000e+00 : f32
    %lt3A_594 = vector.broadcast %lt3A_593 : f32 to vector<16xf32>
    %lt3A_595 = arith.cmpf olt, %add3A_592, %lt3A_594 : vector<16xf32>
    %jit3A_596 = arith.constant 0.000000e+00 : f32
    %broadcast_in_dim3A_597 = vector.broadcast %jit3A_596 : f32 to vector<16xf32>
    %select_n3A_598 = arith.select %lt3A_595, %div3A_219, %broadcast_in_dim3A_597 : vector<16xi1>, vector<16xf32>
    %broadcast_in_dim3A_599 = arith.constant 0.000000e+00 : f32
    %broadcast_in_dim3A_600 = vector.broadcast %broadcast_in_dim3A_599 : f32 to vector<16xf32>
    %ge3A_601 = arith.cmpf oge, %select_n3A_463, %select_n3A_469 : vector<16xf32>
    %jit3A_602 = arith.constant 1.000000e+00 : f32
    %jit3A_603 = arith.constant 0.000000e+00 : f32
    %broadcast_in_dim3A_604 = vector.broadcast %jit3A_602 : f32 to vector<16xf32>
    %broadcast_in_dim3A_605 = vector.broadcast %jit3A_603 : f32 to vector<16xf32>
    %select_n3A_606 = arith.select %ge3A_601, %broadcast_in_dim3A_604, %broadcast_in_dim3A_605 : vector<16xi1>, vector<16xf32>
    %add3A_607 = arith.addf %broadcast_in_dim3A_600, %select_n3A_606 : vector<16xf32>
    %ge3A_608 = arith.cmpf oge, %select_n3A_466, %select_n3A_469 : vector<16xf32>
    %jit3A_609 = arith.constant 1.000000e+00 : f32
    %jit3A_610 = arith.constant 0.000000e+00 : f32
    %broadcast_in_dim3A_611 = vector.broadcast %jit3A_609 : f32 to vector<16xf32>
    %broadcast_in_dim3A_612 = vector.broadcast %jit3A_610 : f32 to vector<16xf32>
    %select_n3A_613 = arith.select %ge3A_608, %broadcast_in_dim3A_611, %broadcast_in_dim3A_612 : vector<16xi1>, vector<16xf32>
    %add3A_614 = arith.addf %add3A_607, %select_n3A_613 : vector<16xf32>
    %gt3A_615 = arith.cmpf ogt, %select_n3A_472, %select_n3A_469 : vector<16xf32>
    %jit3A_616 = arith.constant 1.000000e+00 : f32
    %jit3A_617 = arith.constant 0.000000e+00 : f32
    %broadcast_in_dim3A_618 = vector.broadcast %jit3A_616 : f32 to vector<16xf32>
    %broadcast_in_dim3A_619 = vector.broadcast %jit3A_617 : f32 to vector<16xf32>
    %select_n3A_620 = arith.select %gt3A_615, %broadcast_in_dim3A_618, %broadcast_in_dim3A_619 : vector<16xi1>, vector<16xf32>
    %add3A_621 = arith.addf %add3A_614, %select_n3A_620 : vector<16xf32>
    %gt3A_622 = arith.cmpf ogt, %select_n3A_475, %select_n3A_469 : vector<16xf32>
    %jit3A_623 = arith.constant 1.000000e+00 : f32
    %jit3A_624 = arith.constant 0.000000e+00 : f32
    %broadcast_in_dim3A_625 = vector.broadcast %jit3A_623 : f32 to vector<16xf32>
    %broadcast_in_dim3A_626 = vector.broadcast %jit3A_624 : f32 to vector<16xf32>
    %select_n3A_627 = arith.select %gt3A_622, %broadcast_in_dim3A_625, %broadcast_in_dim3A_626 : vector<16xi1>, vector<16xf32>
    %add3A_628 = arith.addf %add3A_621, %select_n3A_627 : vector<16xf32>
    %gt3A_629 = arith.cmpf ogt, %select_n3A_478, %select_n3A_469 : vector<16xf32>
    %jit3A_630 = arith.constant 1.000000e+00 : f32
    %jit3A_631 = arith.constant 0.000000e+00 : f32
    %broadcast_in_dim3A_632 = vector.broadcast %jit3A_630 : f32 to vector<16xf32>
    %broadcast_in_dim3A_633 = vector.broadcast %jit3A_631 : f32 to vector<16xf32>
    %select_n3A_634 = arith.select %gt3A_629, %broadcast_in_dim3A_632, %broadcast_in_dim3A_633 : vector<16xi1>, vector<16xf32>
    %add3A_635 = arith.addf %add3A_628, %select_n3A_634 : vector<16xf32>
    %gt3A_636 = arith.cmpf ogt, %select_n3A_481, %select_n3A_469 : vector<16xf32>
    %jit3A_637 = arith.constant 1.000000e+00 : f32
    %jit3A_638 = arith.constant 0.000000e+00 : f32
    %broadcast_in_dim3A_639 = vector.broadcast %jit3A_637 : f32 to vector<16xf32>
    %broadcast_in_dim3A_640 = vector.broadcast %jit3A_638 : f32 to vector<16xf32>
    %select_n3A_641 = arith.select %gt3A_636, %broadcast_in_dim3A_639, %broadcast_in_dim3A_640 : vector<16xi1>, vector<16xf32>
    %add3A_642 = arith.addf %add3A_635, %select_n3A_641 : vector<16xf32>
    %gt3A_643 = arith.cmpf ogt, %select_n3A_484, %select_n3A_469 : vector<16xf32>
    %jit3A_644 = arith.constant 1.000000e+00 : f32
    %jit3A_645 = arith.constant 0.000000e+00 : f32
    %broadcast_in_dim3A_646 = vector.broadcast %jit3A_644 : f32 to vector<16xf32>
    %broadcast_in_dim3A_647 = vector.broadcast %jit3A_645 : f32 to vector<16xf32>
    %select_n3A_648 = arith.select %gt3A_643, %broadcast_in_dim3A_646, %broadcast_in_dim3A_647 : vector<16xi1>, vector<16xf32>
    %add3A_649 = arith.addf %add3A_642, %select_n3A_648 : vector<16xf32>
    %lt3A_650 = arith.constant 2.000000e+00 : f32
    %lt3A_651 = vector.broadcast %lt3A_650 : f32 to vector<16xf32>
    %lt3A_652 = arith.cmpf olt, %add3A_649, %lt3A_651 : vector<16xf32>
    %jit3A_653 = arith.constant 0.000000e+00 : f32
    %broadcast_in_dim3A_654 = vector.broadcast %jit3A_653 : f32 to vector<16xf32>
    %select_n3A_655 = arith.select %lt3A_652, %div3A_234, %broadcast_in_dim3A_654 : vector<16xi1>, vector<16xf32>
    %broadcast_in_dim3A_656 = arith.constant 0.000000e+00 : f32
    %broadcast_in_dim3A_657 = vector.broadcast %broadcast_in_dim3A_656 : f32 to vector<16xf32>
    %ge3A_658 = arith.cmpf oge, %select_n3A_463, %select_n3A_472 : vector<16xf32>
    %jit3A_659 = arith.constant 1.000000e+00 : f32
    %jit3A_660 = arith.constant 0.000000e+00 : f32
    %broadcast_in_dim3A_661 = vector.broadcast %jit3A_659 : f32 to vector<16xf32>
    %broadcast_in_dim3A_662 = vector.broadcast %jit3A_660 : f32 to vector<16xf32>
    %select_n3A_663 = arith.select %ge3A_658, %broadcast_in_dim3A_661, %broadcast_in_dim3A_662 : vector<16xi1>, vector<16xf32>
    %add3A_664 = arith.addf %broadcast_in_dim3A_657, %select_n3A_663 : vector<16xf32>
    %ge3A_665 = arith.cmpf oge, %select_n3A_466, %select_n3A_472 : vector<16xf32>
    %jit3A_666 = arith.constant 1.000000e+00 : f32
    %jit3A_667 = arith.constant 0.000000e+00 : f32
    %broadcast_in_dim3A_668 = vector.broadcast %jit3A_666 : f32 to vector<16xf32>
    %broadcast_in_dim3A_669 = vector.broadcast %jit3A_667 : f32 to vector<16xf32>
    %select_n3A_670 = arith.select %ge3A_665, %broadcast_in_dim3A_668, %broadcast_in_dim3A_669 : vector<16xi1>, vector<16xf32>
    %add3A_671 = arith.addf %add3A_664, %select_n3A_670 : vector<16xf32>
    %ge3A_672 = arith.cmpf oge, %select_n3A_469, %select_n3A_472 : vector<16xf32>
    %jit3A_673 = arith.constant 1.000000e+00 : f32
    %jit3A_674 = arith.constant 0.000000e+00 : f32
    %broadcast_in_dim3A_675 = vector.broadcast %jit3A_673 : f32 to vector<16xf32>
    %broadcast_in_dim3A_676 = vector.broadcast %jit3A_674 : f32 to vector<16xf32>
    %select_n3A_677 = arith.select %ge3A_672, %broadcast_in_dim3A_675, %broadcast_in_dim3A_676 : vector<16xi1>, vector<16xf32>
    %add3A_678 = arith.addf %add3A_671, %select_n3A_677 : vector<16xf32>
    %gt3A_679 = arith.cmpf ogt, %select_n3A_475, %select_n3A_472 : vector<16xf32>
    %jit3A_680 = arith.constant 1.000000e+00 : f32
    %jit3A_681 = arith.constant 0.000000e+00 : f32
    %broadcast_in_dim3A_682 = vector.broadcast %jit3A_680 : f32 to vector<16xf32>
    %broadcast_in_dim3A_683 = vector.broadcast %jit3A_681 : f32 to vector<16xf32>
    %select_n3A_684 = arith.select %gt3A_679, %broadcast_in_dim3A_682, %broadcast_in_dim3A_683 : vector<16xi1>, vector<16xf32>
    %add3A_685 = arith.addf %add3A_678, %select_n3A_684 : vector<16xf32>
    %gt3A_686 = arith.cmpf ogt, %select_n3A_478, %select_n3A_472 : vector<16xf32>
    %jit3A_687 = arith.constant 1.000000e+00 : f32
    %jit3A_688 = arith.constant 0.000000e+00 : f32
    %broadcast_in_dim3A_689 = vector.broadcast %jit3A_687 : f32 to vector<16xf32>
    %broadcast_in_dim3A_690 = vector.broadcast %jit3A_688 : f32 to vector<16xf32>
    %select_n3A_691 = arith.select %gt3A_686, %broadcast_in_dim3A_689, %broadcast_in_dim3A_690 : vector<16xi1>, vector<16xf32>
    %add3A_692 = arith.addf %add3A_685, %select_n3A_691 : vector<16xf32>
    %gt3A_693 = arith.cmpf ogt, %select_n3A_481, %select_n3A_472 : vector<16xf32>
    %jit3A_694 = arith.constant 1.000000e+00 : f32
    %jit3A_695 = arith.constant 0.000000e+00 : f32
    %broadcast_in_dim3A_696 = vector.broadcast %jit3A_694 : f32 to vector<16xf32>
    %broadcast_in_dim3A_697 = vector.broadcast %jit3A_695 : f32 to vector<16xf32>
    %select_n3A_698 = arith.select %gt3A_693, %broadcast_in_dim3A_696, %broadcast_in_dim3A_697 : vector<16xi1>, vector<16xf32>
    %add3A_699 = arith.addf %add3A_692, %select_n3A_698 : vector<16xf32>
    %gt3A_700 = arith.cmpf ogt, %select_n3A_484, %select_n3A_472 : vector<16xf32>
    %jit3A_701 = arith.constant 1.000000e+00 : f32
    %jit3A_702 = arith.constant 0.000000e+00 : f32
    %broadcast_in_dim3A_703 = vector.broadcast %jit3A_701 : f32 to vector<16xf32>
    %broadcast_in_dim3A_704 = vector.broadcast %jit3A_702 : f32 to vector<16xf32>
    %select_n3A_705 = arith.select %gt3A_700, %broadcast_in_dim3A_703, %broadcast_in_dim3A_704 : vector<16xi1>, vector<16xf32>
    %add3A_706 = arith.addf %add3A_699, %select_n3A_705 : vector<16xf32>
    %lt3A_707 = arith.constant 2.000000e+00 : f32
    %lt3A_708 = vector.broadcast %lt3A_707 : f32 to vector<16xf32>
    %lt3A_709 = arith.cmpf olt, %add3A_706, %lt3A_708 : vector<16xf32>
    %jit3A_710 = arith.constant 0.000000e+00 : f32
    %broadcast_in_dim3A_711 = vector.broadcast %jit3A_710 : f32 to vector<16xf32>
    %select_n3A_712 = arith.select %lt3A_709, %div3A_249, %broadcast_in_dim3A_711 : vector<16xi1>, vector<16xf32>
    %broadcast_in_dim3A_713 = arith.constant 0.000000e+00 : f32
    %broadcast_in_dim3A_714 = vector.broadcast %broadcast_in_dim3A_713 : f32 to vector<16xf32>
    %ge3A_715 = arith.cmpf oge, %select_n3A_463, %select_n3A_475 : vector<16xf32>
    %jit3A_716 = arith.constant 1.000000e+00 : f32
    %jit3A_717 = arith.constant 0.000000e+00 : f32
    %broadcast_in_dim3A_718 = vector.broadcast %jit3A_716 : f32 to vector<16xf32>
    %broadcast_in_dim3A_719 = vector.broadcast %jit3A_717 : f32 to vector<16xf32>
    %select_n3A_720 = arith.select %ge3A_715, %broadcast_in_dim3A_718, %broadcast_in_dim3A_719 : vector<16xi1>, vector<16xf32>
    %add3A_721 = arith.addf %broadcast_in_dim3A_714, %select_n3A_720 : vector<16xf32>
    %ge3A_722 = arith.cmpf oge, %select_n3A_466, %select_n3A_475 : vector<16xf32>
    %jit3A_723 = arith.constant 1.000000e+00 : f32
    %jit3A_724 = arith.constant 0.000000e+00 : f32
    %broadcast_in_dim3A_725 = vector.broadcast %jit3A_723 : f32 to vector<16xf32>
    %broadcast_in_dim3A_726 = vector.broadcast %jit3A_724 : f32 to vector<16xf32>
    %select_n3A_727 = arith.select %ge3A_722, %broadcast_in_dim3A_725, %broadcast_in_dim3A_726 : vector<16xi1>, vector<16xf32>
    %add3A_728 = arith.addf %add3A_721, %select_n3A_727 : vector<16xf32>
    %ge3A_729 = arith.cmpf oge, %select_n3A_469, %select_n3A_475 : vector<16xf32>
    %jit3A_730 = arith.constant 1.000000e+00 : f32
    %jit3A_731 = arith.constant 0.000000e+00 : f32
    %broadcast_in_dim3A_732 = vector.broadcast %jit3A_730 : f32 to vector<16xf32>
    %broadcast_in_dim3A_733 = vector.broadcast %jit3A_731 : f32 to vector<16xf32>
    %select_n3A_734 = arith.select %ge3A_729, %broadcast_in_dim3A_732, %broadcast_in_dim3A_733 : vector<16xi1>, vector<16xf32>
    %add3A_735 = arith.addf %add3A_728, %select_n3A_734 : vector<16xf32>
    %ge3A_736 = arith.cmpf oge, %select_n3A_472, %select_n3A_475 : vector<16xf32>
    %jit3A_737 = arith.constant 1.000000e+00 : f32
    %jit3A_738 = arith.constant 0.000000e+00 : f32
    %broadcast_in_dim3A_739 = vector.broadcast %jit3A_737 : f32 to vector<16xf32>
    %broadcast_in_dim3A_740 = vector.broadcast %jit3A_738 : f32 to vector<16xf32>
    %select_n3A_741 = arith.select %ge3A_736, %broadcast_in_dim3A_739, %broadcast_in_dim3A_740 : vector<16xi1>, vector<16xf32>
    %add3A_742 = arith.addf %add3A_735, %select_n3A_741 : vector<16xf32>
    %gt3A_743 = arith.cmpf ogt, %select_n3A_478, %select_n3A_475 : vector<16xf32>
    %jit3A_744 = arith.constant 1.000000e+00 : f32
    %jit3A_745 = arith.constant 0.000000e+00 : f32
    %broadcast_in_dim3A_746 = vector.broadcast %jit3A_744 : f32 to vector<16xf32>
    %broadcast_in_dim3A_747 = vector.broadcast %jit3A_745 : f32 to vector<16xf32>
    %select_n3A_748 = arith.select %gt3A_743, %broadcast_in_dim3A_746, %broadcast_in_dim3A_747 : vector<16xi1>, vector<16xf32>
    %add3A_749 = arith.addf %add3A_742, %select_n3A_748 : vector<16xf32>
    %gt3A_750 = arith.cmpf ogt, %select_n3A_481, %select_n3A_475 : vector<16xf32>
    %jit3A_751 = arith.constant 1.000000e+00 : f32
    %jit3A_752 = arith.constant 0.000000e+00 : f32
    %broadcast_in_dim3A_753 = vector.broadcast %jit3A_751 : f32 to vector<16xf32>
    %broadcast_in_dim3A_754 = vector.broadcast %jit3A_752 : f32 to vector<16xf32>
    %select_n3A_755 = arith.select %gt3A_750, %broadcast_in_dim3A_753, %broadcast_in_dim3A_754 : vector<16xi1>, vector<16xf32>
    %add3A_756 = arith.addf %add3A_749, %select_n3A_755 : vector<16xf32>
    %gt3A_757 = arith.cmpf ogt, %select_n3A_484, %select_n3A_475 : vector<16xf32>
    %jit3A_758 = arith.constant 1.000000e+00 : f32
    %jit3A_759 = arith.constant 0.000000e+00 : f32
    %broadcast_in_dim3A_760 = vector.broadcast %jit3A_758 : f32 to vector<16xf32>
    %broadcast_in_dim3A_761 = vector.broadcast %jit3A_759 : f32 to vector<16xf32>
    %select_n3A_762 = arith.select %gt3A_757, %broadcast_in_dim3A_760, %broadcast_in_dim3A_761 : vector<16xi1>, vector<16xf32>
    %add3A_763 = arith.addf %add3A_756, %select_n3A_762 : vector<16xf32>
    %lt3A_764 = arith.constant 2.000000e+00 : f32
    %lt3A_765 = vector.broadcast %lt3A_764 : f32 to vector<16xf32>
    %lt3A_766 = arith.cmpf olt, %add3A_763, %lt3A_765 : vector<16xf32>
    %jit3A_767 = arith.constant 0.000000e+00 : f32
    %broadcast_in_dim3A_768 = vector.broadcast %jit3A_767 : f32 to vector<16xf32>
    %select_n3A_769 = arith.select %lt3A_766, %div3A_264, %broadcast_in_dim3A_768 : vector<16xi1>, vector<16xf32>
    %broadcast_in_dim3A_770 = arith.constant 0.000000e+00 : f32
    %broadcast_in_dim3A_771 = vector.broadcast %broadcast_in_dim3A_770 : f32 to vector<16xf32>
    %ge3A_772 = arith.cmpf oge, %select_n3A_463, %select_n3A_478 : vector<16xf32>
    %jit3A_773 = arith.constant 1.000000e+00 : f32
    %jit3A_774 = arith.constant 0.000000e+00 : f32
    %broadcast_in_dim3A_775 = vector.broadcast %jit3A_773 : f32 to vector<16xf32>
    %broadcast_in_dim3A_776 = vector.broadcast %jit3A_774 : f32 to vector<16xf32>
    %select_n3A_777 = arith.select %ge3A_772, %broadcast_in_dim3A_775, %broadcast_in_dim3A_776 : vector<16xi1>, vector<16xf32>
    %add3A_778 = arith.addf %broadcast_in_dim3A_771, %select_n3A_777 : vector<16xf32>
    %ge3A_779 = arith.cmpf oge, %select_n3A_466, %select_n3A_478 : vector<16xf32>
    %jit3A_780 = arith.constant 1.000000e+00 : f32
    %jit3A_781 = arith.constant 0.000000e+00 : f32
    %broadcast_in_dim3A_782 = vector.broadcast %jit3A_780 : f32 to vector<16xf32>
    %broadcast_in_dim3A_783 = vector.broadcast %jit3A_781 : f32 to vector<16xf32>
    %select_n3A_784 = arith.select %ge3A_779, %broadcast_in_dim3A_782, %broadcast_in_dim3A_783 : vector<16xi1>, vector<16xf32>
    %add3A_785 = arith.addf %add3A_778, %select_n3A_784 : vector<16xf32>
    %ge3A_786 = arith.cmpf oge, %select_n3A_469, %select_n3A_478 : vector<16xf32>
    %jit3A_787 = arith.constant 1.000000e+00 : f32
    %jit3A_788 = arith.constant 0.000000e+00 : f32
    %broadcast_in_dim3A_789 = vector.broadcast %jit3A_787 : f32 to vector<16xf32>
    %broadcast_in_dim3A_790 = vector.broadcast %jit3A_788 : f32 to vector<16xf32>
    %select_n3A_791 = arith.select %ge3A_786, %broadcast_in_dim3A_789, %broadcast_in_dim3A_790 : vector<16xi1>, vector<16xf32>
    %add3A_792 = arith.addf %add3A_785, %select_n3A_791 : vector<16xf32>
    %ge3A_793 = arith.cmpf oge, %select_n3A_472, %select_n3A_478 : vector<16xf32>
    %jit3A_794 = arith.constant 1.000000e+00 : f32
    %jit3A_795 = arith.constant 0.000000e+00 : f32
    %broadcast_in_dim3A_796 = vector.broadcast %jit3A_794 : f32 to vector<16xf32>
    %broadcast_in_dim3A_797 = vector.broadcast %jit3A_795 : f32 to vector<16xf32>
    %select_n3A_798 = arith.select %ge3A_793, %broadcast_in_dim3A_796, %broadcast_in_dim3A_797 : vector<16xi1>, vector<16xf32>
    %add3A_799 = arith.addf %add3A_792, %select_n3A_798 : vector<16xf32>
    %ge3A_800 = arith.cmpf oge, %select_n3A_475, %select_n3A_478 : vector<16xf32>
    %jit3A_801 = arith.constant 1.000000e+00 : f32
    %jit3A_802 = arith.constant 0.000000e+00 : f32
    %broadcast_in_dim3A_803 = vector.broadcast %jit3A_801 : f32 to vector<16xf32>
    %broadcast_in_dim3A_804 = vector.broadcast %jit3A_802 : f32 to vector<16xf32>
    %select_n3A_805 = arith.select %ge3A_800, %broadcast_in_dim3A_803, %broadcast_in_dim3A_804 : vector<16xi1>, vector<16xf32>
    %add3A_806 = arith.addf %add3A_799, %select_n3A_805 : vector<16xf32>
    %gt3A_807 = arith.cmpf ogt, %select_n3A_481, %select_n3A_478 : vector<16xf32>
    %jit3A_808 = arith.constant 1.000000e+00 : f32
    %jit3A_809 = arith.constant 0.000000e+00 : f32
    %broadcast_in_dim3A_810 = vector.broadcast %jit3A_808 : f32 to vector<16xf32>
    %broadcast_in_dim3A_811 = vector.broadcast %jit3A_809 : f32 to vector<16xf32>
    %select_n3A_812 = arith.select %gt3A_807, %broadcast_in_dim3A_810, %broadcast_in_dim3A_811 : vector<16xi1>, vector<16xf32>
    %add3A_813 = arith.addf %add3A_806, %select_n3A_812 : vector<16xf32>
    %gt3A_814 = arith.cmpf ogt, %select_n3A_484, %select_n3A_478 : vector<16xf32>
    %jit3A_815 = arith.constant 1.000000e+00 : f32
    %jit3A_816 = arith.constant 0.000000e+00 : f32
    %broadcast_in_dim3A_817 = vector.broadcast %jit3A_815 : f32 to vector<16xf32>
    %broadcast_in_dim3A_818 = vector.broadcast %jit3A_816 : f32 to vector<16xf32>
    %select_n3A_819 = arith.select %gt3A_814, %broadcast_in_dim3A_817, %broadcast_in_dim3A_818 : vector<16xi1>, vector<16xf32>
    %add3A_820 = arith.addf %add3A_813, %select_n3A_819 : vector<16xf32>
    %lt3A_821 = arith.constant 2.000000e+00 : f32
    %lt3A_822 = vector.broadcast %lt3A_821 : f32 to vector<16xf32>
    %lt3A_823 = arith.cmpf olt, %add3A_820, %lt3A_822 : vector<16xf32>
    %jit3A_824 = arith.constant 0.000000e+00 : f32
    %broadcast_in_dim3A_825 = vector.broadcast %jit3A_824 : f32 to vector<16xf32>
    %select_n3A_826 = arith.select %lt3A_823, %div3A_279, %broadcast_in_dim3A_825 : vector<16xi1>, vector<16xf32>
    %broadcast_in_dim3A_827 = arith.constant 0.000000e+00 : f32
    %broadcast_in_dim3A_828 = vector.broadcast %broadcast_in_dim3A_827 : f32 to vector<16xf32>
    %ge3A_829 = arith.cmpf oge, %select_n3A_463, %select_n3A_481 : vector<16xf32>
    %jit3A_830 = arith.constant 1.000000e+00 : f32
    %jit3A_831 = arith.constant 0.000000e+00 : f32
    %broadcast_in_dim3A_832 = vector.broadcast %jit3A_830 : f32 to vector<16xf32>
    %broadcast_in_dim3A_833 = vector.broadcast %jit3A_831 : f32 to vector<16xf32>
    %select_n3A_834 = arith.select %ge3A_829, %broadcast_in_dim3A_832, %broadcast_in_dim3A_833 : vector<16xi1>, vector<16xf32>
    %add3A_835 = arith.addf %broadcast_in_dim3A_828, %select_n3A_834 : vector<16xf32>
    %ge3A_836 = arith.cmpf oge, %select_n3A_466, %select_n3A_481 : vector<16xf32>
    %jit3A_837 = arith.constant 1.000000e+00 : f32
    %jit3A_838 = arith.constant 0.000000e+00 : f32
    %broadcast_in_dim3A_839 = vector.broadcast %jit3A_837 : f32 to vector<16xf32>
    %broadcast_in_dim3A_840 = vector.broadcast %jit3A_838 : f32 to vector<16xf32>
    %select_n3A_841 = arith.select %ge3A_836, %broadcast_in_dim3A_839, %broadcast_in_dim3A_840 : vector<16xi1>, vector<16xf32>
    %add3A_842 = arith.addf %add3A_835, %select_n3A_841 : vector<16xf32>
    %ge3A_843 = arith.cmpf oge, %select_n3A_469, %select_n3A_481 : vector<16xf32>
    %jit3A_844 = arith.constant 1.000000e+00 : f32
    %jit3A_845 = arith.constant 0.000000e+00 : f32
    %broadcast_in_dim3A_846 = vector.broadcast %jit3A_844 : f32 to vector<16xf32>
    %broadcast_in_dim3A_847 = vector.broadcast %jit3A_845 : f32 to vector<16xf32>
    %select_n3A_848 = arith.select %ge3A_843, %broadcast_in_dim3A_846, %broadcast_in_dim3A_847 : vector<16xi1>, vector<16xf32>
    %add3A_849 = arith.addf %add3A_842, %select_n3A_848 : vector<16xf32>
    %ge3A_850 = arith.cmpf oge, %select_n3A_472, %select_n3A_481 : vector<16xf32>
    %jit3A_851 = arith.constant 1.000000e+00 : f32
    %jit3A_852 = arith.constant 0.000000e+00 : f32
    %broadcast_in_dim3A_853 = vector.broadcast %jit3A_851 : f32 to vector<16xf32>
    %broadcast_in_dim3A_854 = vector.broadcast %jit3A_852 : f32 to vector<16xf32>
    %select_n3A_855 = arith.select %ge3A_850, %broadcast_in_dim3A_853, %broadcast_in_dim3A_854 : vector<16xi1>, vector<16xf32>
    %add3A_856 = arith.addf %add3A_849, %select_n3A_855 : vector<16xf32>
    %ge3A_857 = arith.cmpf oge, %select_n3A_475, %select_n3A_481 : vector<16xf32>
    %jit3A_858 = arith.constant 1.000000e+00 : f32
    %jit3A_859 = arith.constant 0.000000e+00 : f32
    %broadcast_in_dim3A_860 = vector.broadcast %jit3A_858 : f32 to vector<16xf32>
    %broadcast_in_dim3A_861 = vector.broadcast %jit3A_859 : f32 to vector<16xf32>
    %select_n3A_862 = arith.select %ge3A_857, %broadcast_in_dim3A_860, %broadcast_in_dim3A_861 : vector<16xi1>, vector<16xf32>
    %add3A_863 = arith.addf %add3A_856, %select_n3A_862 : vector<16xf32>
    %ge3A_864 = arith.cmpf oge, %select_n3A_478, %select_n3A_481 : vector<16xf32>
    %jit3A_865 = arith.constant 1.000000e+00 : f32
    %jit3A_866 = arith.constant 0.000000e+00 : f32
    %broadcast_in_dim3A_867 = vector.broadcast %jit3A_865 : f32 to vector<16xf32>
    %broadcast_in_dim3A_868 = vector.broadcast %jit3A_866 : f32 to vector<16xf32>
    %select_n3A_869 = arith.select %ge3A_864, %broadcast_in_dim3A_867, %broadcast_in_dim3A_868 : vector<16xi1>, vector<16xf32>
    %add3A_870 = arith.addf %add3A_863, %select_n3A_869 : vector<16xf32>
    %gt3A_871 = arith.cmpf ogt, %select_n3A_484, %select_n3A_481 : vector<16xf32>
    %jit3A_872 = arith.constant 1.000000e+00 : f32
    %jit3A_873 = arith.constant 0.000000e+00 : f32
    %broadcast_in_dim3A_874 = vector.broadcast %jit3A_872 : f32 to vector<16xf32>
    %broadcast_in_dim3A_875 = vector.broadcast %jit3A_873 : f32 to vector<16xf32>
    %select_n3A_876 = arith.select %gt3A_871, %broadcast_in_dim3A_874, %broadcast_in_dim3A_875 : vector<16xi1>, vector<16xf32>
    %add3A_877 = arith.addf %add3A_870, %select_n3A_876 : vector<16xf32>
    %lt3A_878 = arith.constant 2.000000e+00 : f32
    %lt3A_879 = vector.broadcast %lt3A_878 : f32 to vector<16xf32>
    %lt3A_880 = arith.cmpf olt, %add3A_877, %lt3A_879 : vector<16xf32>
    %jit3A_881 = arith.constant 0.000000e+00 : f32
    %broadcast_in_dim3A_882 = vector.broadcast %jit3A_881 : f32 to vector<16xf32>
    %select_n3A_883 = arith.select %lt3A_880, %div3A_294, %broadcast_in_dim3A_882 : vector<16xi1>, vector<16xf32>
    %broadcast_in_dim3A_884 = arith.constant 0.000000e+00 : f32
    %broadcast_in_dim3A_885 = vector.broadcast %broadcast_in_dim3A_884 : f32 to vector<16xf32>
    %ge3A_886 = arith.cmpf oge, %select_n3A_463, %select_n3A_484 : vector<16xf32>
    %jit3A_887 = arith.constant 1.000000e+00 : f32
    %jit3A_888 = arith.constant 0.000000e+00 : f32
    %broadcast_in_dim3A_889 = vector.broadcast %jit3A_887 : f32 to vector<16xf32>
    %broadcast_in_dim3A_890 = vector.broadcast %jit3A_888 : f32 to vector<16xf32>
    %select_n3A_891 = arith.select %ge3A_886, %broadcast_in_dim3A_889, %broadcast_in_dim3A_890 : vector<16xi1>, vector<16xf32>
    %add3A_892 = arith.addf %broadcast_in_dim3A_885, %select_n3A_891 : vector<16xf32>
    %ge3A_893 = arith.cmpf oge, %select_n3A_466, %select_n3A_484 : vector<16xf32>
    %jit3A_894 = arith.constant 1.000000e+00 : f32
    %jit3A_895 = arith.constant 0.000000e+00 : f32
    %broadcast_in_dim3A_896 = vector.broadcast %jit3A_894 : f32 to vector<16xf32>
    %broadcast_in_dim3A_897 = vector.broadcast %jit3A_895 : f32 to vector<16xf32>
    %select_n3A_898 = arith.select %ge3A_893, %broadcast_in_dim3A_896, %broadcast_in_dim3A_897 : vector<16xi1>, vector<16xf32>
    %add3A_899 = arith.addf %add3A_892, %select_n3A_898 : vector<16xf32>
    %ge3A_900 = arith.cmpf oge, %select_n3A_469, %select_n3A_484 : vector<16xf32>
    %jit3A_901 = arith.constant 1.000000e+00 : f32
    %jit3A_902 = arith.constant 0.000000e+00 : f32
    %broadcast_in_dim3A_903 = vector.broadcast %jit3A_901 : f32 to vector<16xf32>
    %broadcast_in_dim3A_904 = vector.broadcast %jit3A_902 : f32 to vector<16xf32>
    %select_n3A_905 = arith.select %ge3A_900, %broadcast_in_dim3A_903, %broadcast_in_dim3A_904 : vector<16xi1>, vector<16xf32>
    %add3A_906 = arith.addf %add3A_899, %select_n3A_905 : vector<16xf32>
    %ge3A_907 = arith.cmpf oge, %select_n3A_472, %select_n3A_484 : vector<16xf32>
    %jit3A_908 = arith.constant 1.000000e+00 : f32
    %jit3A_909 = arith.constant 0.000000e+00 : f32
    %broadcast_in_dim3A_910 = vector.broadcast %jit3A_908 : f32 to vector<16xf32>
    %broadcast_in_dim3A_911 = vector.broadcast %jit3A_909 : f32 to vector<16xf32>
    %select_n3A_912 = arith.select %ge3A_907, %broadcast_in_dim3A_910, %broadcast_in_dim3A_911 : vector<16xi1>, vector<16xf32>
    %add3A_913 = arith.addf %add3A_906, %select_n3A_912 : vector<16xf32>
    %ge3A_914 = arith.cmpf oge, %select_n3A_475, %select_n3A_484 : vector<16xf32>
    %jit3A_915 = arith.constant 1.000000e+00 : f32
    %jit3A_916 = arith.constant 0.000000e+00 : f32
    %broadcast_in_dim3A_917 = vector.broadcast %jit3A_915 : f32 to vector<16xf32>
    %broadcast_in_dim3A_918 = vector.broadcast %jit3A_916 : f32 to vector<16xf32>
    %select_n3A_919 = arith.select %ge3A_914, %broadcast_in_dim3A_917, %broadcast_in_dim3A_918 : vector<16xi1>, vector<16xf32>
    %add3A_920 = arith.addf %add3A_913, %select_n3A_919 : vector<16xf32>
    %ge3A_921 = arith.cmpf oge, %select_n3A_478, %select_n3A_484 : vector<16xf32>
    %jit3A_922 = arith.constant 1.000000e+00 : f32
    %jit3A_923 = arith.constant 0.000000e+00 : f32
    %broadcast_in_dim3A_924 = vector.broadcast %jit3A_922 : f32 to vector<16xf32>
    %broadcast_in_dim3A_925 = vector.broadcast %jit3A_923 : f32 to vector<16xf32>
    %select_n3A_926 = arith.select %ge3A_921, %broadcast_in_dim3A_924, %broadcast_in_dim3A_925 : vector<16xi1>, vector<16xf32>
    %add3A_927 = arith.addf %add3A_920, %select_n3A_926 : vector<16xf32>
    %ge3A_928 = arith.cmpf oge, %select_n3A_481, %select_n3A_484 : vector<16xf32>
    %jit3A_929 = arith.constant 1.000000e+00 : f32
    %jit3A_930 = arith.constant 0.000000e+00 : f32
    %broadcast_in_dim3A_931 = vector.broadcast %jit3A_929 : f32 to vector<16xf32>
    %broadcast_in_dim3A_932 = vector.broadcast %jit3A_930 : f32 to vector<16xf32>
    %select_n3A_933 = arith.select %ge3A_928, %broadcast_in_dim3A_931, %broadcast_in_dim3A_932 : vector<16xi1>, vector<16xf32>
    %add3A_934 = arith.addf %add3A_927, %select_n3A_933 : vector<16xf32>
    %lt3A_935 = arith.constant 2.000000e+00 : f32
    %lt3A_936 = vector.broadcast %lt3A_935 : f32 to vector<16xf32>
    %lt3A_937 = arith.cmpf olt, %add3A_934, %lt3A_936 : vector<16xf32>
    %jit3A_938 = arith.constant 0.000000e+00 : f32
    %broadcast_in_dim3A_939 = vector.broadcast %jit3A_938 : f32 to vector<16xf32>
    %select_n3A_940 = arith.select %lt3A_937, %div3A_309, %broadcast_in_dim3A_939 : vector<16xi1>, vector<16xf32>
    %add3A_941 = arith.addf %select_n3A_541, %select_n3A_598 : vector<16xf32>
    %add3A_942 = arith.addf %add3A_941, %select_n3A_655 : vector<16xf32>
    %add3A_943 = arith.addf %add3A_942, %select_n3A_712 : vector<16xf32>
    %add3A_944 = arith.addf %add3A_943, %select_n3A_769 : vector<16xf32>
    %add3A_945 = arith.addf %add3A_944, %select_n3A_826 : vector<16xf32>
    %add3A_946 = arith.addf %add3A_945, %select_n3A_883 : vector<16xf32>
    %add3A_947 = arith.addf %add3A_946, %select_n3A_940 : vector<16xf32>
    %add3A_948 = arith.constant 9.99999968E-21 : f32
    %add3A_949 = vector.broadcast %add3A_948 : f32 to vector<16xf32>
    %add3A_950 = arith.addf %add3A_947, %add3A_949 : vector<16xf32>
    %swap3A = arith.constant 0 : i32
    %swap3A_951 = arith.index_cast %swap3A : i32 to index
    %swap3A_952 = arith.constant 0 : index
    %swap3A_953 = tpu.vector_load %arg6[%swap3A_951, %swap3A_952] {strides = array<i32>} : memref<12x64xf32, #tpu.memory_space<vmem>>, vector<1x16xf32>,
    %swap3A_954 = vector.shape_cast %swap3A_953 : vector<1x16xf32> to vector<16xf32>
    %swap3A_955 = vector.shape_cast %broadcast_in_dim3A_193 : vector<16xf32> to vector<1x16xf32>
    tpu.vector_store %arg6[%swap3A_951, %swap3A_952], %swap3A_955 {strides = array<i32>} : memref<12x64xf32, #tpu.memory_space<vmem>>, vector<1x16xf32>,
    %swap3A_956 = arith.constant 1 : i32
    %swap3A_957 = arith.index_cast %swap3A_956 : i32 to index
    %swap3A_958 = arith.constant 0 : index
    %swap3A_959 = tpu.vector_load %arg6[%swap3A_957, %swap3A_958] {strides = array<i32>} : memref<12x64xf32, #tpu.memory_space<vmem>>, vector<1x16xf32>,
    %swap3A_960 = vector.shape_cast %swap3A_959 : vector<1x16xf32> to vector<16xf32>
    %swap3A_961 = vector.shape_cast %broadcast_in_dim3A_193 : vector<16xf32> to vector<1x16xf32>
    tpu.vector_store %arg6[%swap3A_957, %swap3A_958], %swap3A_961 {strides = array<i32>} : memref<12x64xf32, #tpu.memory_space<vmem>>, vector<1x16xf32>,
    %swap3A_962 = arith.constant 2 : i32
    %swap3A_963 = arith.index_cast %swap3A_962 : i32 to index
    %swap3A_964 = arith.constant 0 : index
    %swap3A_965 = tpu.vector_load %arg6[%swap3A_963, %swap3A_964] {strides = array<i32>} : memref<12x64xf32, #tpu.memory_space<vmem>>, vector<1x16xf32>,
    %swap3A_966 = vector.shape_cast %swap3A_965 : vector<1x16xf32> to vector<16xf32>
    %swap3A_967 = vector.shape_cast %broadcast_in_dim3A_193 : vector<16xf32> to vector<1x16xf32>
    tpu.vector_store %arg6[%swap3A_963, %swap3A_964], %swap3A_967 {strides = array<i32>} : memref<12x64xf32, #tpu.memory_space<vmem>>, vector<1x16xf32>,
    %swap3A_968 = arith.constant 3 : i32
    %swap3A_969 = arith.index_cast %swap3A_968 : i32 to index
    %swap3A_970 = arith.constant 0 : index
    %swap3A_971 = tpu.vector_load %arg6[%swap3A_969, %swap3A_970] {strides = array<i32>} : memref<12x64xf32, #tpu.memory_space<vmem>>, vector<1x16xf32>,
    %swap3A_972 = vector.shape_cast %swap3A_971 : vector<1x16xf32> to vector<16xf32>
    %swap3A_973 = vector.shape_cast %broadcast_in_dim3A_193 : vector<16xf32> to vector<1x16xf32>
    tpu.vector_store %arg6[%swap3A_969, %swap3A_970], %swap3A_973 {strides = array<i32>} : memref<12x64xf32, #tpu.memory_space<vmem>>, vector<1x16xf32>,
    %div3A_974 = arith.divf %select_n3A_541, %add3A_950 : vector<16xf32>
    %mul3A_975 = arith.constant 2.500000e+00 : f32
    %mul3A_976 = vector.broadcast %mul3A_975 : f32 to vector<16xf32>
    %mul3A_977 = arith.mulf %mul3A_976, %div3A_974 : vector<16xf32>
    %swap3A_978 = arith.constant 4 : i32
    %swap3A_979 = arith.index_cast %swap3A_978 : i32 to index
    %swap3A_980 = arith.constant 0 : index
    %swap3A_981 = tpu.vector_load %arg6[%swap3A_979, %swap3A_980] {strides = array<i32>} : memref<12x64xf32, #tpu.memory_space<vmem>>, vector<1x16xf32>,
    %swap3A_982 = vector.shape_cast %swap3A_981 : vector<1x16xf32> to vector<16xf32>
    %swap3A_983 = vector.shape_cast %mul3A_977 : vector<16xf32> to vector<1x16xf32>
    tpu.vector_store %arg6[%swap3A_979, %swap3A_980], %swap3A_983 {strides = array<i32>} : memref<12x64xf32, #tpu.memory_space<vmem>>, vector<1x16xf32>,
    %div3A_984 = arith.divf %select_n3A_598, %add3A_950 : vector<16xf32>
    %mul3A_985 = arith.constant 2.500000e+00 : f32
    %mul3A_986 = vector.broadcast %mul3A_985 : f32 to vector<16xf32>
    %mul3A_987 = arith.mulf %mul3A_986, %div3A_984 : vector<16xf32>
    %swap3A_988 = arith.constant 5 : i32
    %swap3A_989 = arith.index_cast %swap3A_988 : i32 to index
    %swap3A_990 = arith.constant 0 : index
    %swap3A_991 = tpu.vector_load %arg6[%swap3A_989, %swap3A_990] {strides = array<i32>} : memref<12x64xf32, #tpu.memory_space<vmem>>, vector<1x16xf32>,
    %swap3A_992 = vector.shape_cast %swap3A_991 : vector<1x16xf32> to vector<16xf32>
    %swap3A_993 = vector.shape_cast %mul3A_987 : vector<16xf32> to vector<1x16xf32>
    tpu.vector_store %arg6[%swap3A_989, %swap3A_990], %swap3A_993 {strides = array<i32>} : memref<12x64xf32, #tpu.memory_space<vmem>>, vector<1x16xf32>,
    %div3A_994 = arith.divf %select_n3A_655, %add3A_950 : vector<16xf32>
    %mul3A_995 = arith.constant 2.500000e+00 : f32
    %mul3A_996 = vector.broadcast %mul3A_995 : f32 to vector<16xf32>
    %mul3A_997 = arith.mulf %mul3A_996, %div3A_994 : vector<16xf32>
    %swap3A_998 = arith.constant 6 : i32
    %swap3A_999 = arith.index_cast %swap3A_998 : i32 to index
    %swap3A_1000 = arith.constant 0 : index
    %swap3A_1001 = tpu.vector_load %arg6[%swap3A_999, %swap3A_1000] {strides = array<i32>} : memref<12x64xf32, #tpu.memory_space<vmem>>, vector<1x16xf32>,
    %swap3A_1002 = vector.shape_cast %swap3A_1001 : vector<1x16xf32> to vector<16xf32>
    %swap3A_1003 = vector.shape_cast %mul3A_997 : vector<16xf32> to vector<1x16xf32>
    tpu.vector_store %arg6[%swap3A_999, %swap3A_1000], %swap3A_1003 {strides = array<i32>} : memref<12x64xf32, #tpu.memory_space<vmem>>, vector<1x16xf32>,
    %div3A_1004 = arith.divf %select_n3A_712, %add3A_950 : vector<16xf32>
    %mul3A_1005 = arith.constant 2.500000e+00 : f32
    %mul3A_1006 = vector.broadcast %mul3A_1005 : f32 to vector<16xf32>
    %mul3A_1007 = arith.mulf %mul3A_1006, %div3A_1004 : vector<16xf32>
    %swap3A_1008 = arith.constant 7 : i32
    %swap3A_1009 = arith.index_cast %swap3A_1008 : i32 to index
    %swap3A_1010 = arith.constant 0 : index
    %swap3A_1011 = tpu.vector_load %arg6[%swap3A_1009, %swap3A_1010] {strides = array<i32>} : memref<12x64xf32, #tpu.memory_space<vmem>>, vector<1x16xf32>,
    %swap3A_1012 = vector.shape_cast %swap3A_1011 : vector<1x16xf32> to vector<16xf32>
    %swap3A_1013 = vector.shape_cast %mul3A_1007 : vector<16xf32> to vector<1x16xf32>
    tpu.vector_store %arg6[%swap3A_1009, %swap3A_1010], %swap3A_1013 {strides = array<i32>} : memref<12x64xf32, #tpu.memory_space<vmem>>, vector<1x16xf32>,
    %div3A_1014 = arith.divf %select_n3A_769, %add3A_950 : vector<16xf32>
    %mul3A_1015 = arith.constant 2.500000e+00 : f32
    %mul3A_1016 = vector.broadcast %mul3A_1015 : f32 to vector<16xf32>
    %mul3A_1017 = arith.mulf %mul3A_1016, %div3A_1014 : vector<16xf32>
    %swap3A_1018 = arith.constant 8 : i32
    %swap3A_1019 = arith.index_cast %swap3A_1018 : i32 to index
    %swap3A_1020 = arith.constant 0 : index
    %swap3A_1021 = tpu.vector_load %arg6[%swap3A_1019, %swap3A_1020] {strides = array<i32>} : memref<12x64xf32, #tpu.memory_space<vmem>>, vector<1x16xf32>,
    %swap3A_1022 = vector.shape_cast %swap3A_1021 : vector<1x16xf32> to vector<16xf32>
    %swap3A_1023 = vector.shape_cast %mul3A_1017 : vector<16xf32> to vector<1x16xf32>
    tpu.vector_store %arg6[%swap3A_1019, %swap3A_1020], %swap3A_1023 {strides = array<i32>} : memref<12x64xf32, #tpu.memory_space<vmem>>, vector<1x16xf32>,
    %div3A_1024 = arith.divf %select_n3A_826, %add3A_950 : vector<16xf32>
    %mul3A_1025 = arith.constant 2.500000e+00 : f32
    %mul3A_1026 = vector.broadcast %mul3A_1025 : f32 to vector<16xf32>
    %mul3A_1027 = arith.mulf %mul3A_1026, %div3A_1024 : vector<16xf32>
    %swap3A_1028 = arith.constant 9 : i32
    %swap3A_1029 = arith.index_cast %swap3A_1028 : i32 to index
    %swap3A_1030 = arith.constant 0 : index
    %swap3A_1031 = tpu.vector_load %arg6[%swap3A_1029, %swap3A_1030] {strides = array<i32>} : memref<12x64xf32, #tpu.memory_space<vmem>>, vector<1x16xf32>,
    %swap3A_1032 = vector.shape_cast %swap3A_1031 : vector<1x16xf32> to vector<16xf32>
    %swap3A_1033 = vector.shape_cast %mul3A_1027 : vector<16xf32> to vector<1x16xf32>
    tpu.vector_store %arg6[%swap3A_1029, %swap3A_1030], %swap3A_1033 {strides = array<i32>} : memref<12x64xf32, #tpu.memory_space<vmem>>, vector<1x16xf32>,
    %div3A_1034 = arith.divf %select_n3A_883, %add3A_950 : vector<16xf32>
    %mul3A_1035 = arith.constant 2.500000e+00 : f32
    %mul3A_1036 = vector.broadcast %mul3A_1035 : f32 to vector<16xf32>
    %mul3A_1037 = arith.mulf %mul3A_1036, %div3A_1034 : vector<16xf32>
    %swap3A_1038 = arith.constant 10 : i32
    %swap3A_1039 = arith.index_cast %swap3A_1038 : i32 to index
    %swap3A_1040 = arith.constant 0 : index
    %swap3A_1041 = tpu.vector_load %arg6[%swap3A_1039, %swap3A_1040] {strides = array<i32>} : memref<12x64xf32, #tpu.memory_space<vmem>>, vector<1x16xf32>,
    %swap3A_1042 = vector.shape_cast %swap3A_1041 : vector<1x16xf32> to vector<16xf32>
    %swap3A_1043 = vector.shape_cast %mul3A_1037 : vector<16xf32> to vector<1x16xf32>
    tpu.vector_store %arg6[%swap3A_1039, %swap3A_1040], %swap3A_1043 {strides = array<i32>} : memref<12x64xf32, #tpu.memory_space<vmem>>, vector<1x16xf32>,
    %div3A_1044 = arith.divf %select_n3A_940, %add3A_950 : vector<16xf32>
    %mul3A_1045 = arith.constant 2.500000e+00 : f32
    %mul3A_1046 = vector.broadcast %mul3A_1045 : f32 to vector<16xf32>
    %mul3A_1047 = arith.mulf %mul3A_1046, %div3A_1044 : vector<16xf32>
    %swap3A_1048 = arith.constant 11 : i32
    %swap3A_1049 = arith.index_cast %swap3A_1048 : i32 to index
    %swap3A_1050 = arith.constant 0 : index
    %swap3A_1051 = tpu.vector_load %arg6[%swap3A_1049, %swap3A_1050] {strides = array<i32>} : memref<12x64xf32, #tpu.memory_space<vmem>>, vector<1x16xf32>,
    %swap3A_1052 = vector.shape_cast %swap3A_1051 : vector<1x16xf32> to vector<16xf32>
    %swap3A_1053 = vector.shape_cast %mul3A_1047 : vector<16xf32> to vector<1x16xf32>
    tpu.vector_store %arg6[%swap3A_1049, %swap3A_1050], %swap3A_1053 {strides = array<i32>} : memref<12x64xf32, #tpu.memory_space<vmem>>, vector<1x16xf32>,
    %get3A_1054 = arith.constant 0 : i32
    %get3A_1055 = arith.index_cast %get3A_1054 : i32 to index
    %get3A_1056 = arith.constant 16 : index
    %get3A_1057 = tpu.vector_load %arg5[%get3A_1055, %get3A_1056] {strides = array<i32>} : memref<8x64xf32, #tpu.memory_space<vmem>>, vector<1x16xf32>,
    %get3A_1058 = vector.shape_cast %get3A_1057 : vector<1x16xf32> to vector<16xf32>
    %neg3A_1059 = arith.constant 0.000000e+00 : f32
    %neg3A_1060 = vector.broadcast %neg3A_1059 : f32 to vector<16xf32>
    %neg3A_1061 = arith.subf %neg3A_1060, %get3A_1058 : vector<16xf32>
    %exp3A_1062 = math.exp %neg3A_1061 : vector<16xf32>
    %add3A_1063 = arith.constant 1.000000e+00 : f32
    %add3A_1064 = vector.broadcast %add3A_1063 : f32 to vector<16xf32>
    %add3A_1065 = arith.addf %add3A_1064, %exp3A_1062 : vector<16xf32>
    %div3A_1066 = arith.constant 1.000000e+00 : f32
    %div3A_1067 = vector.broadcast %div3A_1066 : f32 to vector<16xf32>
    %div3A_1068 = arith.divf %div3A_1067, %add3A_1065 : vector<16xf32>
    %get3A_1069 = arith.constant 1 : i32
    %get3A_1070 = arith.index_cast %get3A_1069 : i32 to index
    %get3A_1071 = arith.constant 16 : index
    %get3A_1072 = tpu.vector_load %arg5[%get3A_1070, %get3A_1071] {strides = array<i32>} : memref<8x64xf32, #tpu.memory_space<vmem>>, vector<1x16xf32>,
    %get3A_1073 = vector.shape_cast %get3A_1072 : vector<1x16xf32> to vector<16xf32>
    %neg3A_1074 = arith.constant 0.000000e+00 : f32
    %neg3A_1075 = vector.broadcast %neg3A_1074 : f32 to vector<16xf32>
    %neg3A_1076 = arith.subf %neg3A_1075, %get3A_1073 : vector<16xf32>
    %exp3A_1077 = math.exp %neg3A_1076 : vector<16xf32>
    %add3A_1078 = arith.constant 1.000000e+00 : f32
    %add3A_1079 = vector.broadcast %add3A_1078 : f32 to vector<16xf32>
    %add3A_1080 = arith.addf %add3A_1079, %exp3A_1077 : vector<16xf32>
    %div3A_1081 = arith.constant 1.000000e+00 : f32
    %div3A_1082 = vector.broadcast %div3A_1081 : f32 to vector<16xf32>
    %div3A_1083 = arith.divf %div3A_1082, %add3A_1080 : vector<16xf32>
    %get3A_1084 = arith.constant 2 : i32
    %get3A_1085 = arith.index_cast %get3A_1084 : i32 to index
    %get3A_1086 = arith.constant 16 : index
    %get3A_1087 = tpu.vector_load %arg5[%get3A_1085, %get3A_1086] {strides = array<i32>} : memref<8x64xf32, #tpu.memory_space<vmem>>, vector<1x16xf32>,
    %get3A_1088 = vector.shape_cast %get3A_1087 : vector<1x16xf32> to vector<16xf32>
    %neg3A_1089 = arith.constant 0.000000e+00 : f32
    %neg3A_1090 = vector.broadcast %neg3A_1089 : f32 to vector<16xf32>
    %neg3A_1091 = arith.subf %neg3A_1090, %get3A_1088 : vector<16xf32>
    %exp3A_1092 = math.exp %neg3A_1091 : vector<16xf32>
    %add3A_1093 = arith.constant 1.000000e+00 : f32
    %add3A_1094 = vector.broadcast %add3A_1093 : f32 to vector<16xf32>
    %add3A_1095 = arith.addf %add3A_1094, %exp3A_1092 : vector<16xf32>
    %div3A_1096 = arith.constant 1.000000e+00 : f32
    %div3A_1097 = vector.broadcast %div3A_1096 : f32 to vector<16xf32>
    %div3A_1098 = arith.divf %div3A_1097, %add3A_1095 : vector<16xf32>
    %get3A_1099 = arith.constant 3 : i32
    %get3A_1100 = arith.index_cast %get3A_1099 : i32 to index
    %get3A_1101 = arith.constant 16 : index
    %get3A_1102 = tpu.vector_load %arg5[%get3A_1100, %get3A_1101] {strides = array<i32>} : memref<8x64xf32, #tpu.memory_space<vmem>>, vector<1x16xf32>,
    %get3A_1103 = vector.shape_cast %get3A_1102 : vector<1x16xf32> to vector<16xf32>
    %neg3A_1104 = arith.constant 0.000000e+00 : f32
    %neg3A_1105 = vector.broadcast %neg3A_1104 : f32 to vector<16xf32>
    %neg3A_1106 = arith.subf %neg3A_1105, %get3A_1103 : vector<16xf32>
    %exp3A_1107 = math.exp %neg3A_1106 : vector<16xf32>
    %add3A_1108 = arith.constant 1.000000e+00 : f32
    %add3A_1109 = vector.broadcast %add3A_1108 : f32 to vector<16xf32>
    %add3A_1110 = arith.addf %add3A_1109, %exp3A_1107 : vector<16xf32>
    %div3A_1111 = arith.constant 1.000000e+00 : f32
    %div3A_1112 = vector.broadcast %div3A_1111 : f32 to vector<16xf32>
    %div3A_1113 = arith.divf %div3A_1112, %add3A_1110 : vector<16xf32>
    %get3A_1114 = arith.constant 4 : i32
    %get3A_1115 = arith.index_cast %get3A_1114 : i32 to index
    %get3A_1116 = arith.constant 16 : index
    %get3A_1117 = tpu.vector_load %arg5[%get3A_1115, %get3A_1116] {strides = array<i32>} : memref<8x64xf32, #tpu.memory_space<vmem>>, vector<1x16xf32>,
    %get3A_1118 = vector.shape_cast %get3A_1117 : vector<1x16xf32> to vector<16xf32>
    %neg3A_1119 = arith.constant 0.000000e+00 : f32
    %neg3A_1120 = vector.broadcast %neg3A_1119 : f32 to vector<16xf32>
    %neg3A_1121 = arith.subf %neg3A_1120, %get3A_1118 : vector<16xf32>
    %exp3A_1122 = math.exp %neg3A_1121 : vector<16xf32>
    %add3A_1123 = arith.constant 1.000000e+00 : f32
    %add3A_1124 = vector.broadcast %add3A_1123 : f32 to vector<16xf32>
    %add3A_1125 = arith.addf %add3A_1124, %exp3A_1122 : vector<16xf32>
    %div3A_1126 = arith.constant 1.000000e+00 : f32
    %div3A_1127 = vector.broadcast %div3A_1126 : f32 to vector<16xf32>
    %div3A_1128 = arith.divf %div3A_1127, %add3A_1125 : vector<16xf32>
    %get3A_1129 = arith.constant 5 : i32
    %get3A_1130 = arith.index_cast %get3A_1129 : i32 to index
    %get3A_1131 = arith.constant 16 : index
    %get3A_1132 = tpu.vector_load %arg5[%get3A_1130, %get3A_1131] {strides = array<i32>} : memref<8x64xf32, #tpu.memory_space<vmem>>, vector<1x16xf32>,
    %get3A_1133 = vector.shape_cast %get3A_1132 : vector<1x16xf32> to vector<16xf32>
    %neg3A_1134 = arith.constant 0.000000e+00 : f32
    %neg3A_1135 = vector.broadcast %neg3A_1134 : f32 to vector<16xf32>
    %neg3A_1136 = arith.subf %neg3A_1135, %get3A_1133 : vector<16xf32>
    %exp3A_1137 = math.exp %neg3A_1136 : vector<16xf32>
    %add3A_1138 = arith.constant 1.000000e+00 : f32
    %add3A_1139 = vector.broadcast %add3A_1138 : f32 to vector<16xf32>
    %add3A_1140 = arith.addf %add3A_1139, %exp3A_1137 : vector<16xf32>
    %div3A_1141 = arith.constant 1.000000e+00 : f32
    %div3A_1142 = vector.broadcast %div3A_1141 : f32 to vector<16xf32>
    %div3A_1143 = arith.divf %div3A_1142, %add3A_1140 : vector<16xf32>
    %get3A_1144 = arith.constant 6 : i32
    %get3A_1145 = arith.index_cast %get3A_1144 : i32 to index
    %get3A_1146 = arith.constant 16 : index
    %get3A_1147 = tpu.vector_load %arg5[%get3A_1145, %get3A_1146] {strides = array<i32>} : memref<8x64xf32, #tpu.memory_space<vmem>>, vector<1x16xf32>,
    %get3A_1148 = vector.shape_cast %get3A_1147 : vector<1x16xf32> to vector<16xf32>
    %neg3A_1149 = arith.constant 0.000000e+00 : f32
    %neg3A_1150 = vector.broadcast %neg3A_1149 : f32 to vector<16xf32>
    %neg3A_1151 = arith.subf %neg3A_1150, %get3A_1148 : vector<16xf32>
    %exp3A_1152 = math.exp %neg3A_1151 : vector<16xf32>
    %add3A_1153 = arith.constant 1.000000e+00 : f32
    %add3A_1154 = vector.broadcast %add3A_1153 : f32 to vector<16xf32>
    %add3A_1155 = arith.addf %add3A_1154, %exp3A_1152 : vector<16xf32>
    %div3A_1156 = arith.constant 1.000000e+00 : f32
    %div3A_1157 = vector.broadcast %div3A_1156 : f32 to vector<16xf32>
    %div3A_1158 = arith.divf %div3A_1157, %add3A_1155 : vector<16xf32>
    %get3A_1159 = arith.constant 7 : i32
    %get3A_1160 = arith.index_cast %get3A_1159 : i32 to index
    %get3A_1161 = arith.constant 16 : index
    %get3A_1162 = tpu.vector_load %arg5[%get3A_1160, %get3A_1161] {strides = array<i32>} : memref<8x64xf32, #tpu.memory_space<vmem>>, vector<1x16xf32>,
    %get3A_1163 = vector.shape_cast %get3A_1162 : vector<1x16xf32> to vector<16xf32>
    %neg3A_1164 = arith.constant 0.000000e+00 : f32
    %neg3A_1165 = vector.broadcast %neg3A_1164 : f32 to vector<16xf32>
    %neg3A_1166 = arith.subf %neg3A_1165, %get3A_1163 : vector<16xf32>
    %exp3A_1167 = math.exp %neg3A_1166 : vector<16xf32>
    %add3A_1168 = arith.constant 1.000000e+00 : f32
    %add3A_1169 = vector.broadcast %add3A_1168 : f32 to vector<16xf32>
    %add3A_1170 = arith.addf %add3A_1169, %exp3A_1167 : vector<16xf32>
    %div3A_1171 = arith.constant 1.000000e+00 : f32
    %div3A_1172 = vector.broadcast %div3A_1171 : f32 to vector<16xf32>
    %div3A_1173 = arith.divf %div3A_1172, %add3A_1170 : vector<16xf32>
    %get3A_1174 = arith.constant 0 : i32
    %get3A_1175 = arith.index_cast %get3A_1174 : i32 to index
    %get3A_1176 = arith.constant 0 : index
    %get3A_1177 = tpu.vector_load %arg7[%get3A_1175, %get3A_1176] {strides = array<i32>} : memref<8x16xf32, #tpu.memory_space<vmem>>, vector<1x16xf32>,
    %get3A_1178 = vector.shape_cast %get3A_1177 : vector<1x16xf32> to vector<16xf32>
    %add3A_1179 = arith.addf %div3A_1068, %get3A_1178 : vector<16xf32>
    %get3A_1180 = arith.constant 1 : i32
    %get3A_1181 = arith.index_cast %get3A_1180 : i32 to index
    %get3A_1182 = arith.constant 0 : index
    %get3A_1183 = tpu.vector_load %arg7[%get3A_1181, %get3A_1182] {strides = array<i32>} : memref<8x16xf32, #tpu.memory_space<vmem>>, vector<1x16xf32>,
    %get3A_1184 = vector.shape_cast %get3A_1183 : vector<1x16xf32> to vector<16xf32>
    %add3A_1185 = arith.addf %div3A_1083, %get3A_1184 : vector<16xf32>
    %get3A_1186 = arith.constant 2 : i32
    %get3A_1187 = arith.index_cast %get3A_1186 : i32 to index
    %get3A_1188 = arith.constant 0 : index
    %get3A_1189 = tpu.vector_load %arg7[%get3A_1187, %get3A_1188] {strides = array<i32>} : memref<8x16xf32, #tpu.memory_space<vmem>>, vector<1x16xf32>,
    %get3A_1190 = vector.shape_cast %get3A_1189 : vector<1x16xf32> to vector<16xf32>
    %add3A_1191 = arith.addf %div3A_1098, %get3A_1190 : vector<16xf32>
    %get3A_1192 = arith.constant 3 : i32
    %get3A_1193 = arith.index_cast %get3A_1192 : i32 to index
    %get3A_1194 = arith.constant 0 : index
    %get3A_1195 = tpu.vector_load %arg7[%get3A_1193, %get3A_1194] {strides = array<i32>} : memref<8x16xf32, #tpu.memory_space<vmem>>, vector<1x16xf32>,
    %get3A_1196 = vector.shape_cast %get3A_1195 : vector<1x16xf32> to vector<16xf32>
    %add3A_1197 = arith.addf %div3A_1113, %get3A_1196 : vector<16xf32>
    %get3A_1198 = arith.constant 4 : i32
    %get3A_1199 = arith.index_cast %get3A_1198 : i32 to index
    %get3A_1200 = arith.constant 0 : index
    %get3A_1201 = tpu.vector_load %arg7[%get3A_1199, %get3A_1200] {strides = array<i32>} : memref<8x16xf32, #tpu.memory_space<vmem>>, vector<1x16xf32>,
    %get3A_1202 = vector.shape_cast %get3A_1201 : vector<1x16xf32> to vector<16xf32>
    %add3A_1203 = arith.addf %div3A_1128, %get3A_1202 : vector<16xf32>
    %get3A_1204 = arith.constant 5 : i32
    %get3A_1205 = arith.index_cast %get3A_1204 : i32 to index
    %get3A_1206 = arith.constant 0 : index
    %get3A_1207 = tpu.vector_load %arg7[%get3A_1205, %get3A_1206] {strides = array<i32>} : memref<8x16xf32, #tpu.memory_space<vmem>>, vector<1x16xf32>,
    %get3A_1208 = vector.shape_cast %get3A_1207 : vector<1x16xf32> to vector<16xf32>
    %add3A_1209 = arith.addf %div3A_1143, %get3A_1208 : vector<16xf32>
    %get3A_1210 = arith.constant 6 : i32
    %get3A_1211 = arith.index_cast %get3A_1210 : i32 to index
    %get3A_1212 = arith.constant 0 : index
    %get3A_1213 = tpu.vector_load %arg7[%get3A_1211, %get3A_1212] {strides = array<i32>} : memref<8x16xf32, #tpu.memory_space<vmem>>, vector<1x16xf32>,
    %get3A_1214 = vector.shape_cast %get3A_1213 : vector<1x16xf32> to vector<16xf32>
    %add3A_1215 = arith.addf %div3A_1158, %get3A_1214 : vector<16xf32>
    %get3A_1216 = arith.constant 7 : i32
    %get3A_1217 = arith.index_cast %get3A_1216 : i32 to index
    %get3A_1218 = arith.constant 0 : index
    %get3A_1219 = tpu.vector_load %arg7[%get3A_1217, %get3A_1218] {strides = array<i32>} : memref<8x16xf32, #tpu.memory_space<vmem>>, vector<1x16xf32>,
    %get3A_1220 = vector.shape_cast %get3A_1219 : vector<1x16xf32> to vector<16xf32>
    %add3A_1221 = arith.addf %div3A_1173, %get3A_1220 : vector<16xf32>
    %add3A_1222 = arith.addf %add3A_1179, %add3A_1185 : vector<16xf32>
    %add3A_1223 = arith.addf %add3A_1191, %add3A_1197 : vector<16xf32>
    %add3A_1224 = arith.addf %add3A_1203, %add3A_1209 : vector<16xf32>
    %add3A_1225 = arith.addf %add3A_1215, %add3A_1221 : vector<16xf32>
    %broadcast_in_dim3A_1226 = arith.constant 0.000000e+00 : f32
    %broadcast_in_dim3A_1227 = vector.broadcast %broadcast_in_dim3A_1226 : f32 to vector<16xf32>
    %gt3A_1228 = arith.cmpf ogt, %add3A_1223, %add3A_1222 : vector<16xf32>
    %jit3A_1229 = arith.constant 1.000000e+00 : f32
    %jit3A_1230 = arith.constant 0.000000e+00 : f32
    %broadcast_in_dim3A_1231 = vector.broadcast %jit3A_1229 : f32 to vector<16xf32>
    %broadcast_in_dim3A_1232 = vector.broadcast %jit3A_1230 : f32 to vector<16xf32>
    %select_n3A_1233 = arith.select %gt3A_1228, %broadcast_in_dim3A_1231, %broadcast_in_dim3A_1232 : vector<16xi1>, vector<16xf32>
    %add3A_1234 = arith.addf %broadcast_in_dim3A_1227, %select_n3A_1233 : vector<16xf32>
    %gt3A_1235 = arith.cmpf ogt, %add3A_1224, %add3A_1222 : vector<16xf32>
    %jit3A_1236 = arith.constant 1.000000e+00 : f32
    %jit3A_1237 = arith.constant 0.000000e+00 : f32
    %broadcast_in_dim3A_1238 = vector.broadcast %jit3A_1236 : f32 to vector<16xf32>
    %broadcast_in_dim3A_1239 = vector.broadcast %jit3A_1237 : f32 to vector<16xf32>
    %select_n3A_1240 = arith.select %gt3A_1235, %broadcast_in_dim3A_1238, %broadcast_in_dim3A_1239 : vector<16xi1>, vector<16xf32>
    %add3A_1241 = arith.addf %add3A_1234, %select_n3A_1240 : vector<16xf32>
    %gt3A_1242 = arith.cmpf ogt, %add3A_1225, %add3A_1222 : vector<16xf32>
    %jit3A_1243 = arith.constant 1.000000e+00 : f32
    %jit3A_1244 = arith.constant 0.000000e+00 : f32
    %broadcast_in_dim3A_1245 = vector.broadcast %jit3A_1243 : f32 to vector<16xf32>
    %broadcast_in_dim3A_1246 = vector.broadcast %jit3A_1244 : f32 to vector<16xf32>
    %select_n3A_1247 = arith.select %gt3A_1242, %broadcast_in_dim3A_1245, %broadcast_in_dim3A_1246 : vector<16xi1>, vector<16xf32>
    %add3A_1248 = arith.addf %add3A_1241, %select_n3A_1247 : vector<16xf32>
    %lt3A_1249 = arith.constant 2.000000e+00 : f32
    %lt3A_1250 = vector.broadcast %lt3A_1249 : f32 to vector<16xf32>
    %lt3A_1251 = arith.cmpf olt, %add3A_1248, %lt3A_1250 : vector<16xf32>
    %broadcast_in_dim3A_1252 = arith.constant 0.000000e+00 : f32
    %broadcast_in_dim3A_1253 = vector.broadcast %broadcast_in_dim3A_1252 : f32 to vector<16xf32>
    %ge3A_1254 = arith.cmpf oge, %add3A_1222, %add3A_1223 : vector<16xf32>
    %jit3A_1255 = arith.constant 1.000000e+00 : f32
    %jit3A_1256 = arith.constant 0.000000e+00 : f32
    %broadcast_in_dim3A_1257 = vector.broadcast %jit3A_1255 : f32 to vector<16xf32>
    %broadcast_in_dim3A_1258 = vector.broadcast %jit3A_1256 : f32 to vector<16xf32>
    %select_n3A_1259 = arith.select %ge3A_1254, %broadcast_in_dim3A_1257, %broadcast_in_dim3A_1258 : vector<16xi1>, vector<16xf32>
    %add3A_1260 = arith.addf %broadcast_in_dim3A_1253, %select_n3A_1259 : vector<16xf32>
    %gt3A_1261 = arith.cmpf ogt, %add3A_1224, %add3A_1223 : vector<16xf32>
    %jit3A_1262 = arith.constant 1.000000e+00 : f32
    %jit3A_1263 = arith.constant 0.000000e+00 : f32
    %broadcast_in_dim3A_1264 = vector.broadcast %jit3A_1262 : f32 to vector<16xf32>
    %broadcast_in_dim3A_1265 = vector.broadcast %jit3A_1263 : f32 to vector<16xf32>
    %select_n3A_1266 = arith.select %gt3A_1261, %broadcast_in_dim3A_1264, %broadcast_in_dim3A_1265 : vector<16xi1>, vector<16xf32>
    %add3A_1267 = arith.addf %add3A_1260, %select_n3A_1266 : vector<16xf32>
    %gt3A_1268 = arith.cmpf ogt, %add3A_1225, %add3A_1223 : vector<16xf32>
    %jit3A_1269 = arith.constant 1.000000e+00 : f32
    %jit3A_1270 = arith.constant 0.000000e+00 : f32
    %broadcast_in_dim3A_1271 = vector.broadcast %jit3A_1269 : f32 to vector<16xf32>
    %broadcast_in_dim3A_1272 = vector.broadcast %jit3A_1270 : f32 to vector<16xf32>
    %select_n3A_1273 = arith.select %gt3A_1268, %broadcast_in_dim3A_1271, %broadcast_in_dim3A_1272 : vector<16xi1>, vector<16xf32>
    %add3A_1274 = arith.addf %add3A_1267, %select_n3A_1273 : vector<16xf32>
    %lt3A_1275 = arith.constant 2.000000e+00 : f32
    %lt3A_1276 = vector.broadcast %lt3A_1275 : f32 to vector<16xf32>
    %lt3A_1277 = arith.cmpf olt, %add3A_1274, %lt3A_1276 : vector<16xf32>
    %broadcast_in_dim3A_1278 = arith.constant 0.000000e+00 : f32
    %broadcast_in_dim3A_1279 = vector.broadcast %broadcast_in_dim3A_1278 : f32 to vector<16xf32>
    %ge3A_1280 = arith.cmpf oge, %add3A_1222, %add3A_1224 : vector<16xf32>
    %jit3A_1281 = arith.constant 1.000000e+00 : f32
    %jit3A_1282 = arith.constant 0.000000e+00 : f32
    %broadcast_in_dim3A_1283 = vector.broadcast %jit3A_1281 : f32 to vector<16xf32>
    %broadcast_in_dim3A_1284 = vector.broadcast %jit3A_1282 : f32 to vector<16xf32>
    %select_n3A_1285 = arith.select %ge3A_1280, %broadcast_in_dim3A_1283, %broadcast_in_dim3A_1284 : vector<16xi1>, vector<16xf32>
    %add3A_1286 = arith.addf %broadcast_in_dim3A_1279, %select_n3A_1285 : vector<16xf32>
    %ge3A_1287 = arith.cmpf oge, %add3A_1223, %add3A_1224 : vector<16xf32>
    %jit3A_1288 = arith.constant 1.000000e+00 : f32
    %jit3A_1289 = arith.constant 0.000000e+00 : f32
    %broadcast_in_dim3A_1290 = vector.broadcast %jit3A_1288 : f32 to vector<16xf32>
    %broadcast_in_dim3A_1291 = vector.broadcast %jit3A_1289 : f32 to vector<16xf32>
    %select_n3A_1292 = arith.select %ge3A_1287, %broadcast_in_dim3A_1290, %broadcast_in_dim3A_1291 : vector<16xi1>, vector<16xf32>
    %add3A_1293 = arith.addf %add3A_1286, %select_n3A_1292 : vector<16xf32>
    %gt3A_1294 = arith.cmpf ogt, %add3A_1225, %add3A_1224 : vector<16xf32>
    %jit3A_1295 = arith.constant 1.000000e+00 : f32
    %jit3A_1296 = arith.constant 0.000000e+00 : f32
    %broadcast_in_dim3A_1297 = vector.broadcast %jit3A_1295 : f32 to vector<16xf32>
    %broadcast_in_dim3A_1298 = vector.broadcast %jit3A_1296 : f32 to vector<16xf32>
    %select_n3A_1299 = arith.select %gt3A_1294, %broadcast_in_dim3A_1297, %broadcast_in_dim3A_1298 : vector<16xi1>, vector<16xf32>
    %add3A_1300 = arith.addf %add3A_1293, %select_n3A_1299 : vector<16xf32>
    %lt3A_1301 = arith.constant 2.000000e+00 : f32
    %lt3A_1302 = vector.broadcast %lt3A_1301 : f32 to vector<16xf32>
    %lt3A_1303 = arith.cmpf olt, %add3A_1300, %lt3A_1302 : vector<16xf32>
    %broadcast_in_dim3A_1304 = arith.constant 0.000000e+00 : f32
    %broadcast_in_dim3A_1305 = vector.broadcast %broadcast_in_dim3A_1304 : f32 to vector<16xf32>
    %ge3A_1306 = arith.cmpf oge, %add3A_1222, %add3A_1225 : vector<16xf32>
    %jit3A_1307 = arith.constant 1.000000e+00 : f32
    %jit3A_1308 = arith.constant 0.000000e+00 : f32
    %broadcast_in_dim3A_1309 = vector.broadcast %jit3A_1307 : f32 to vector<16xf32>
    %broadcast_in_dim3A_1310 = vector.broadcast %jit3A_1308 : f32 to vector<16xf32>
    %select_n3A_1311 = arith.select %ge3A_1306, %broadcast_in_dim3A_1309, %broadcast_in_dim3A_1310 : vector<16xi1>, vector<16xf32>
    %add3A_1312 = arith.addf %broadcast_in_dim3A_1305, %select_n3A_1311 : vector<16xf32>
    %ge3A_1313 = arith.cmpf oge, %add3A_1223, %add3A_1225 : vector<16xf32>
    %jit3A_1314 = arith.constant 1.000000e+00 : f32
    %jit3A_1315 = arith.constant 0.000000e+00 : f32
    %broadcast_in_dim3A_1316 = vector.broadcast %jit3A_1314 : f32 to vector<16xf32>
    %broadcast_in_dim3A_1317 = vector.broadcast %jit3A_1315 : f32 to vector<16xf32>
    %select_n3A_1318 = arith.select %ge3A_1313, %broadcast_in_dim3A_1316, %broadcast_in_dim3A_1317 : vector<16xi1>, vector<16xf32>
    %add3A_1319 = arith.addf %add3A_1312, %select_n3A_1318 : vector<16xf32>
    %ge3A_1320 = arith.cmpf oge, %add3A_1224, %add3A_1225 : vector<16xf32>
    %jit3A_1321 = arith.constant 1.000000e+00 : f32
    %jit3A_1322 = arith.constant 0.000000e+00 : f32
    %broadcast_in_dim3A_1323 = vector.broadcast %jit3A_1321 : f32 to vector<16xf32>
    %broadcast_in_dim3A_1324 = vector.broadcast %jit3A_1322 : f32 to vector<16xf32>
    %select_n3A_1325 = arith.select %ge3A_1320, %broadcast_in_dim3A_1323, %broadcast_in_dim3A_1324 : vector<16xi1>, vector<16xf32>
    %add3A_1326 = arith.addf %add3A_1319, %select_n3A_1325 : vector<16xf32>
    %lt3A_1327 = arith.constant 2.000000e+00 : f32
    %lt3A_1328 = vector.broadcast %lt3A_1327 : f32 to vector<16xf32>
    %lt3A_1329 = arith.cmpf olt, %add3A_1326, %lt3A_1328 : vector<16xf32>
    %jit3A_1330 = arith.constant -1.000000e+30 : f32
    %broadcast_in_dim3A_1331 = vector.broadcast %jit3A_1330 : f32 to vector<16xf32>
    %select_n3A_1332 = arith.select %lt3A_1251, %add3A_1179, %broadcast_in_dim3A_1331 : vector<16xi1>, vector<16xf32>
    %jit3A_1333 = arith.constant -1.000000e+30 : f32
    %broadcast_in_dim3A_1334 = vector.broadcast %jit3A_1333 : f32 to vector<16xf32>
    %select_n3A_1335 = arith.select %lt3A_1251, %add3A_1185, %broadcast_in_dim3A_1334 : vector<16xi1>, vector<16xf32>
    %jit3A_1336 = arith.constant -1.000000e+30 : f32
    %broadcast_in_dim3A_1337 = vector.broadcast %jit3A_1336 : f32 to vector<16xf32>
    %select_n3A_1338 = arith.select %lt3A_1277, %add3A_1191, %broadcast_in_dim3A_1337 : vector<16xi1>, vector<16xf32>
    %jit3A_1339 = arith.constant -1.000000e+30 : f32
    %broadcast_in_dim3A_1340 = vector.broadcast %jit3A_1339 : f32 to vector<16xf32>
    %select_n3A_1341 = arith.select %lt3A_1277, %add3A_1197, %broadcast_in_dim3A_1340 : vector<16xi1>, vector<16xf32>
    %jit3A_1342 = arith.constant -1.000000e+30 : f32
    %broadcast_in_dim3A_1343 = vector.broadcast %jit3A_1342 : f32 to vector<16xf32>
    %select_n3A_1344 = arith.select %lt3A_1303, %add3A_1203, %broadcast_in_dim3A_1343 : vector<16xi1>, vector<16xf32>
    %jit3A_1345 = arith.constant -1.000000e+30 : f32
    %broadcast_in_dim3A_1346 = vector.broadcast %jit3A_1345 : f32 to vector<16xf32>
    %select_n3A_1347 = arith.select %lt3A_1303, %add3A_1209, %broadcast_in_dim3A_1346 : vector<16xi1>, vector<16xf32>
    %jit3A_1348 = arith.constant -1.000000e+30 : f32
    %broadcast_in_dim3A_1349 = vector.broadcast %jit3A_1348 : f32 to vector<16xf32>
    %select_n3A_1350 = arith.select %lt3A_1329, %add3A_1215, %broadcast_in_dim3A_1349 : vector<16xi1>, vector<16xf32>
    %jit3A_1351 = arith.constant -1.000000e+30 : f32
    %broadcast_in_dim3A_1352 = vector.broadcast %jit3A_1351 : f32 to vector<16xf32>
    %select_n3A_1353 = arith.select %lt3A_1329, %add3A_1221, %broadcast_in_dim3A_1352 : vector<16xi1>, vector<16xf32>
    %broadcast_in_dim3A_1354 = arith.constant 0.000000e+00 : f32
    %broadcast_in_dim3A_1355 = vector.broadcast %broadcast_in_dim3A_1354 : f32 to vector<16xf32>
    %gt3A_1356 = arith.cmpf ogt, %select_n3A_1335, %select_n3A_1332 : vector<16xf32>
    %jit3A_1357 = arith.constant 1.000000e+00 : f32
    %jit3A_1358 = arith.constant 0.000000e+00 : f32
    %broadcast_in_dim3A_1359 = vector.broadcast %jit3A_1357 : f32 to vector<16xf32>
    %broadcast_in_dim3A_1360 = vector.broadcast %jit3A_1358 : f32 to vector<16xf32>
    %select_n3A_1361 = arith.select %gt3A_1356, %broadcast_in_dim3A_1359, %broadcast_in_dim3A_1360 : vector<16xi1>, vector<16xf32>
    %add3A_1362 = arith.addf %broadcast_in_dim3A_1355, %select_n3A_1361 : vector<16xf32>
    %gt3A_1363 = arith.cmpf ogt, %select_n3A_1338, %select_n3A_1332 : vector<16xf32>
    %jit3A_1364 = arith.constant 1.000000e+00 : f32
    %jit3A_1365 = arith.constant 0.000000e+00 : f32
    %broadcast_in_dim3A_1366 = vector.broadcast %jit3A_1364 : f32 to vector<16xf32>
    %broadcast_in_dim3A_1367 = vector.broadcast %jit3A_1365 : f32 to vector<16xf32>
    %select_n3A_1368 = arith.select %gt3A_1363, %broadcast_in_dim3A_1366, %broadcast_in_dim3A_1367 : vector<16xi1>, vector<16xf32>
    %add3A_1369 = arith.addf %add3A_1362, %select_n3A_1368 : vector<16xf32>
    %gt3A_1370 = arith.cmpf ogt, %select_n3A_1341, %select_n3A_1332 : vector<16xf32>
    %jit3A_1371 = arith.constant 1.000000e+00 : f32
    %jit3A_1372 = arith.constant 0.000000e+00 : f32
    %broadcast_in_dim3A_1373 = vector.broadcast %jit3A_1371 : f32 to vector<16xf32>
    %broadcast_in_dim3A_1374 = vector.broadcast %jit3A_1372 : f32 to vector<16xf32>
    %select_n3A_1375 = arith.select %gt3A_1370, %broadcast_in_dim3A_1373, %broadcast_in_dim3A_1374 : vector<16xi1>, vector<16xf32>
    %add3A_1376 = arith.addf %add3A_1369, %select_n3A_1375 : vector<16xf32>
    %gt3A_1377 = arith.cmpf ogt, %select_n3A_1344, %select_n3A_1332 : vector<16xf32>
    %jit3A_1378 = arith.constant 1.000000e+00 : f32
    %jit3A_1379 = arith.constant 0.000000e+00 : f32
    %broadcast_in_dim3A_1380 = vector.broadcast %jit3A_1378 : f32 to vector<16xf32>
    %broadcast_in_dim3A_1381 = vector.broadcast %jit3A_1379 : f32 to vector<16xf32>
    %select_n3A_1382 = arith.select %gt3A_1377, %broadcast_in_dim3A_1380, %broadcast_in_dim3A_1381 : vector<16xi1>, vector<16xf32>
    %add3A_1383 = arith.addf %add3A_1376, %select_n3A_1382 : vector<16xf32>
    %gt3A_1384 = arith.cmpf ogt, %select_n3A_1347, %select_n3A_1332 : vector<16xf32>
    %jit3A_1385 = arith.constant 1.000000e+00 : f32
    %jit3A_1386 = arith.constant 0.000000e+00 : f32
    %broadcast_in_dim3A_1387 = vector.broadcast %jit3A_1385 : f32 to vector<16xf32>
    %broadcast_in_dim3A_1388 = vector.broadcast %jit3A_1386 : f32 to vector<16xf32>
    %select_n3A_1389 = arith.select %gt3A_1384, %broadcast_in_dim3A_1387, %broadcast_in_dim3A_1388 : vector<16xi1>, vector<16xf32>
    %add3A_1390 = arith.addf %add3A_1383, %select_n3A_1389 : vector<16xf32>
    %gt3A_1391 = arith.cmpf ogt, %select_n3A_1350, %select_n3A_1332 : vector<16xf32>
    %jit3A_1392 = arith.constant 1.000000e+00 : f32
    %jit3A_1393 = arith.constant 0.000000e+00 : f32
    %broadcast_in_dim3A_1394 = vector.broadcast %jit3A_1392 : f32 to vector<16xf32>
    %broadcast_in_dim3A_1395 = vector.broadcast %jit3A_1393 : f32 to vector<16xf32>
    %select_n3A_1396 = arith.select %gt3A_1391, %broadcast_in_dim3A_1394, %broadcast_in_dim3A_1395 : vector<16xi1>, vector<16xf32>
    %add3A_1397 = arith.addf %add3A_1390, %select_n3A_1396 : vector<16xf32>
    %gt3A_1398 = arith.cmpf ogt, %select_n3A_1353, %select_n3A_1332 : vector<16xf32>
    %jit3A_1399 = arith.constant 1.000000e+00 : f32
    %jit3A_1400 = arith.constant 0.000000e+00 : f32
    %broadcast_in_dim3A_1401 = vector.broadcast %jit3A_1399 : f32 to vector<16xf32>
    %broadcast_in_dim3A_1402 = vector.broadcast %jit3A_1400 : f32 to vector<16xf32>
    %select_n3A_1403 = arith.select %gt3A_1398, %broadcast_in_dim3A_1401, %broadcast_in_dim3A_1402 : vector<16xi1>, vector<16xf32>
    %add3A_1404 = arith.addf %add3A_1397, %select_n3A_1403 : vector<16xf32>
    %lt3A_1405 = arith.constant 2.000000e+00 : f32
    %lt3A_1406 = vector.broadcast %lt3A_1405 : f32 to vector<16xf32>
    %lt3A_1407 = arith.cmpf olt, %add3A_1404, %lt3A_1406 : vector<16xf32>
    %jit3A_1408 = arith.constant 0.000000e+00 : f32
    %broadcast_in_dim3A_1409 = vector.broadcast %jit3A_1408 : f32 to vector<16xf32>
    %select_n3A_1410 = arith.select %lt3A_1407, %div3A_1068, %broadcast_in_dim3A_1409 : vector<16xi1>, vector<16xf32>
    %broadcast_in_dim3A_1411 = arith.constant 0.000000e+00 : f32
    %broadcast_in_dim3A_1412 = vector.broadcast %broadcast_in_dim3A_1411 : f32 to vector<16xf32>
    %ge3A_1413 = arith.cmpf oge, %select_n3A_1332, %select_n3A_1335 : vector<16xf32>
    %jit3A_1414 = arith.constant 1.000000e+00 : f32
    %jit3A_1415 = arith.constant 0.000000e+00 : f32
    %broadcast_in_dim3A_1416 = vector.broadcast %jit3A_1414 : f32 to vector<16xf32>
    %broadcast_in_dim3A_1417 = vector.broadcast %jit3A_1415 : f32 to vector<16xf32>
    %select_n3A_1418 = arith.select %ge3A_1413, %broadcast_in_dim3A_1416, %broadcast_in_dim3A_1417 : vector<16xi1>, vector<16xf32>
    %add3A_1419 = arith.addf %broadcast_in_dim3A_1412, %select_n3A_1418 : vector<16xf32>
    %gt3A_1420 = arith.cmpf ogt, %select_n3A_1338, %select_n3A_1335 : vector<16xf32>
    %jit3A_1421 = arith.constant 1.000000e+00 : f32
    %jit3A_1422 = arith.constant 0.000000e+00 : f32
    %broadcast_in_dim3A_1423 = vector.broadcast %jit3A_1421 : f32 to vector<16xf32>
    %broadcast_in_dim3A_1424 = vector.broadcast %jit3A_1422 : f32 to vector<16xf32>
    %select_n3A_1425 = arith.select %gt3A_1420, %broadcast_in_dim3A_1423, %broadcast_in_dim3A_1424 : vector<16xi1>, vector<16xf32>
    %add3A_1426 = arith.addf %add3A_1419, %select_n3A_1425 : vector<16xf32>
    %gt3A_1427 = arith.cmpf ogt, %select_n3A_1341, %select_n3A_1335 : vector<16xf32>
    %jit3A_1428 = arith.constant 1.000000e+00 : f32
    %jit3A_1429 = arith.constant 0.000000e+00 : f32
    %broadcast_in_dim3A_1430 = vector.broadcast %jit3A_1428 : f32 to vector<16xf32>
    %broadcast_in_dim3A_1431 = vector.broadcast %jit3A_1429 : f32 to vector<16xf32>
    %select_n3A_1432 = arith.select %gt3A_1427, %broadcast_in_dim3A_1430, %broadcast_in_dim3A_1431 : vector<16xi1>, vector<16xf32>
    %add3A_1433 = arith.addf %add3A_1426, %select_n3A_1432 : vector<16xf32>
    %gt3A_1434 = arith.cmpf ogt, %select_n3A_1344, %select_n3A_1335 : vector<16xf32>
    %jit3A_1435 = arith.constant 1.000000e+00 : f32
    %jit3A_1436 = arith.constant 0.000000e+00 : f32
    %broadcast_in_dim3A_1437 = vector.broadcast %jit3A_1435 : f32 to vector<16xf32>
    %broadcast_in_dim3A_1438 = vector.broadcast %jit3A_1436 : f32 to vector<16xf32>
    %select_n3A_1439 = arith.select %gt3A_1434, %broadcast_in_dim3A_1437, %broadcast_in_dim3A_1438 : vector<16xi1>, vector<16xf32>
    %add3A_1440 = arith.addf %add3A_1433, %select_n3A_1439 : vector<16xf32>
    %gt3A_1441 = arith.cmpf ogt, %select_n3A_1347, %select_n3A_1335 : vector<16xf32>
    %jit3A_1442 = arith.constant 1.000000e+00 : f32
    %jit3A_1443 = arith.constant 0.000000e+00 : f32
    %broadcast_in_dim3A_1444 = vector.broadcast %jit3A_1442 : f32 to vector<16xf32>
    %broadcast_in_dim3A_1445 = vector.broadcast %jit3A_1443 : f32 to vector<16xf32>
    %select_n3A_1446 = arith.select %gt3A_1441, %broadcast_in_dim3A_1444, %broadcast_in_dim3A_1445 : vector<16xi1>, vector<16xf32>
    %add3A_1447 = arith.addf %add3A_1440, %select_n3A_1446 : vector<16xf32>
    %gt3A_1448 = arith.cmpf ogt, %select_n3A_1350, %select_n3A_1335 : vector<16xf32>
    %jit3A_1449 = arith.constant 1.000000e+00 : f32
    %jit3A_1450 = arith.constant 0.000000e+00 : f32
    %broadcast_in_dim3A_1451 = vector.broadcast %jit3A_1449 : f32 to vector<16xf32>
    %broadcast_in_dim3A_1452 = vector.broadcast %jit3A_1450 : f32 to vector<16xf32>
    %select_n3A_1453 = arith.select %gt3A_1448, %broadcast_in_dim3A_1451, %broadcast_in_dim3A_1452 : vector<16xi1>, vector<16xf32>
    %add3A_1454 = arith.addf %add3A_1447, %select_n3A_1453 : vector<16xf32>
    %gt3A_1455 = arith.cmpf ogt, %select_n3A_1353, %select_n3A_1335 : vector<16xf32>
    %jit3A_1456 = arith.constant 1.000000e+00 : f32
    %jit3A_1457 = arith.constant 0.000000e+00 : f32
    %broadcast_in_dim3A_1458 = vector.broadcast %jit3A_1456 : f32 to vector<16xf32>
    %broadcast_in_dim3A_1459 = vector.broadcast %jit3A_1457 : f32 to vector<16xf32>
    %select_n3A_1460 = arith.select %gt3A_1455, %broadcast_in_dim3A_1458, %broadcast_in_dim3A_1459 : vector<16xi1>, vector<16xf32>
    %add3A_1461 = arith.addf %add3A_1454, %select_n3A_1460 : vector<16xf32>
    %lt3A_1462 = arith.constant 2.000000e+00 : f32
    %lt3A_1463 = vector.broadcast %lt3A_1462 : f32 to vector<16xf32>
    %lt3A_1464 = arith.cmpf olt, %add3A_1461, %lt3A_1463 : vector<16xf32>
    %jit3A_1465 = arith.constant 0.000000e+00 : f32
    %broadcast_in_dim3A_1466 = vector.broadcast %jit3A_1465 : f32 to vector<16xf32>
    %select_n3A_1467 = arith.select %lt3A_1464, %div3A_1083, %broadcast_in_dim3A_1466 : vector<16xi1>, vector<16xf32>
    %broadcast_in_dim3A_1468 = arith.constant 0.000000e+00 : f32
    %broadcast_in_dim3A_1469 = vector.broadcast %broadcast_in_dim3A_1468 : f32 to vector<16xf32>
    %ge3A_1470 = arith.cmpf oge, %select_n3A_1332, %select_n3A_1338 : vector<16xf32>
    %jit3A_1471 = arith.constant 1.000000e+00 : f32
    %jit3A_1472 = arith.constant 0.000000e+00 : f32
    %broadcast_in_dim3A_1473 = vector.broadcast %jit3A_1471 : f32 to vector<16xf32>
    %broadcast_in_dim3A_1474 = vector.broadcast %jit3A_1472 : f32 to vector<16xf32>
    %select_n3A_1475 = arith.select %ge3A_1470, %broadcast_in_dim3A_1473, %broadcast_in_dim3A_1474 : vector<16xi1>, vector<16xf32>
    %add3A_1476 = arith.addf %broadcast_in_dim3A_1469, %select_n3A_1475 : vector<16xf32>
    %ge3A_1477 = arith.cmpf oge, %select_n3A_1335, %select_n3A_1338 : vector<16xf32>
    %jit3A_1478 = arith.constant 1.000000e+00 : f32
    %jit3A_1479 = arith.constant 0.000000e+00 : f32
    %broadcast_in_dim3A_1480 = vector.broadcast %jit3A_1478 : f32 to vector<16xf32>
    %broadcast_in_dim3A_1481 = vector.broadcast %jit3A_1479 : f32 to vector<16xf32>
    %select_n3A_1482 = arith.select %ge3A_1477, %broadcast_in_dim3A_1480, %broadcast_in_dim3A_1481 : vector<16xi1>, vector<16xf32>
    %add3A_1483 = arith.addf %add3A_1476, %select_n3A_1482 : vector<16xf32>
    %gt3A_1484 = arith.cmpf ogt, %select_n3A_1341, %select_n3A_1338 : vector<16xf32>
    %jit3A_1485 = arith.constant 1.000000e+00 : f32
    %jit3A_1486 = arith.constant 0.000000e+00 : f32
    %broadcast_in_dim3A_1487 = vector.broadcast %jit3A_1485 : f32 to vector<16xf32>
    %broadcast_in_dim3A_1488 = vector.broadcast %jit3A_1486 : f32 to vector<16xf32>
    %select_n3A_1489 = arith.select %gt3A_1484, %broadcast_in_dim3A_1487, %broadcast_in_dim3A_1488 : vector<16xi1>, vector<16xf32>
    %add3A_1490 = arith.addf %add3A_1483, %select_n3A_1489 : vector<16xf32>
    %gt3A_1491 = arith.cmpf ogt, %select_n3A_1344, %select_n3A_1338 : vector<16xf32>
    %jit3A_1492 = arith.constant 1.000000e+00 : f32
    %jit3A_1493 = arith.constant 0.000000e+00 : f32
    %broadcast_in_dim3A_1494 = vector.broadcast %jit3A_1492 : f32 to vector<16xf32>
    %broadcast_in_dim3A_1495 = vector.broadcast %jit3A_1493 : f32 to vector<16xf32>
    %select_n3A_1496 = arith.select %gt3A_1491, %broadcast_in_dim3A_1494, %broadcast_in_dim3A_1495 : vector<16xi1>, vector<16xf32>
    %add3A_1497 = arith.addf %add3A_1490, %select_n3A_1496 : vector<16xf32>
    %gt3A_1498 = arith.cmpf ogt, %select_n3A_1347, %select_n3A_1338 : vector<16xf32>
    %jit3A_1499 = arith.constant 1.000000e+00 : f32
    %jit3A_1500 = arith.constant 0.000000e+00 : f32
    %broadcast_in_dim3A_1501 = vector.broadcast %jit3A_1499 : f32 to vector<16xf32>
    %broadcast_in_dim3A_1502 = vector.broadcast %jit3A_1500 : f32 to vector<16xf32>
    %select_n3A_1503 = arith.select %gt3A_1498, %broadcast_in_dim3A_1501, %broadcast_in_dim3A_1502 : vector<16xi1>, vector<16xf32>
    %add3A_1504 = arith.addf %add3A_1497, %select_n3A_1503 : vector<16xf32>
    %gt3A_1505 = arith.cmpf ogt, %select_n3A_1350, %select_n3A_1338 : vector<16xf32>
    %jit3A_1506 = arith.constant 1.000000e+00 : f32
    %jit3A_1507 = arith.constant 0.000000e+00 : f32
    %broadcast_in_dim3A_1508 = vector.broadcast %jit3A_1506 : f32 to vector<16xf32>
    %broadcast_in_dim3A_1509 = vector.broadcast %jit3A_1507 : f32 to vector<16xf32>
    %select_n3A_1510 = arith.select %gt3A_1505, %broadcast_in_dim3A_1508, %broadcast_in_dim3A_1509 : vector<16xi1>, vector<16xf32>
    %add3A_1511 = arith.addf %add3A_1504, %select_n3A_1510 : vector<16xf32>
    %gt3A_1512 = arith.cmpf ogt, %select_n3A_1353, %select_n3A_1338 : vector<16xf32>
    %jit3A_1513 = arith.constant 1.000000e+00 : f32
    %jit3A_1514 = arith.constant 0.000000e+00 : f32
    %broadcast_in_dim3A_1515 = vector.broadcast %jit3A_1513 : f32 to vector<16xf32>
    %broadcast_in_dim3A_1516 = vector.broadcast %jit3A_1514 : f32 to vector<16xf32>
    %select_n3A_1517 = arith.select %gt3A_1512, %broadcast_in_dim3A_1515, %broadcast_in_dim3A_1516 : vector<16xi1>, vector<16xf32>
    %add3A_1518 = arith.addf %add3A_1511, %select_n3A_1517 : vector<16xf32>
    %lt3A_1519 = arith.constant 2.000000e+00 : f32
    %lt3A_1520 = vector.broadcast %lt3A_1519 : f32 to vector<16xf32>
    %lt3A_1521 = arith.cmpf olt, %add3A_1518, %lt3A_1520 : vector<16xf32>
    %jit3A_1522 = arith.constant 0.000000e+00 : f32
    %broadcast_in_dim3A_1523 = vector.broadcast %jit3A_1522 : f32 to vector<16xf32>
    %select_n3A_1524 = arith.select %lt3A_1521, %div3A_1098, %broadcast_in_dim3A_1523 : vector<16xi1>, vector<16xf32>
    %broadcast_in_dim3A_1525 = arith.constant 0.000000e+00 : f32
    %broadcast_in_dim3A_1526 = vector.broadcast %broadcast_in_dim3A_1525 : f32 to vector<16xf32>
    %ge3A_1527 = arith.cmpf oge, %select_n3A_1332, %select_n3A_1341 : vector<16xf32>
    %jit3A_1528 = arith.constant 1.000000e+00 : f32
    %jit3A_1529 = arith.constant 0.000000e+00 : f32
    %broadcast_in_dim3A_1530 = vector.broadcast %jit3A_1528 : f32 to vector<16xf32>
    %broadcast_in_dim3A_1531 = vector.broadcast %jit3A_1529 : f32 to vector<16xf32>
    %select_n3A_1532 = arith.select %ge3A_1527, %broadcast_in_dim3A_1530, %broadcast_in_dim3A_1531 : vector<16xi1>, vector<16xf32>
    %add3A_1533 = arith.addf %broadcast_in_dim3A_1526, %select_n3A_1532 : vector<16xf32>
    %ge3A_1534 = arith.cmpf oge, %select_n3A_1335, %select_n3A_1341 : vector<16xf32>
    %jit3A_1535 = arith.constant 1.000000e+00 : f32
    %jit3A_1536 = arith.constant 0.000000e+00 : f32
    %broadcast_in_dim3A_1537 = vector.broadcast %jit3A_1535 : f32 to vector<16xf32>
    %broadcast_in_dim3A_1538 = vector.broadcast %jit3A_1536 : f32 to vector<16xf32>
    %select_n3A_1539 = arith.select %ge3A_1534, %broadcast_in_dim3A_1537, %broadcast_in_dim3A_1538 : vector<16xi1>, vector<16xf32>
    %add3A_1540 = arith.addf %add3A_1533, %select_n3A_1539 : vector<16xf32>
    %ge3A_1541 = arith.cmpf oge, %select_n3A_1338, %select_n3A_1341 : vector<16xf32>
    %jit3A_1542 = arith.constant 1.000000e+00 : f32
    %jit3A_1543 = arith.constant 0.000000e+00 : f32
    %broadcast_in_dim3A_1544 = vector.broadcast %jit3A_1542 : f32 to vector<16xf32>
    %broadcast_in_dim3A_1545 = vector.broadcast %jit3A_1543 : f32 to vector<16xf32>
    %select_n3A_1546 = arith.select %ge3A_1541, %broadcast_in_dim3A_1544, %broadcast_in_dim3A_1545 : vector<16xi1>, vector<16xf32>
    %add3A_1547 = arith.addf %add3A_1540, %select_n3A_1546 : vector<16xf32>
    %gt3A_1548 = arith.cmpf ogt, %select_n3A_1344, %select_n3A_1341 : vector<16xf32>
    %jit3A_1549 = arith.constant 1.000000e+00 : f32
    %jit3A_1550 = arith.constant 0.000000e+00 : f32
    %broadcast_in_dim3A_1551 = vector.broadcast %jit3A_1549 : f32 to vector<16xf32>
    %broadcast_in_dim3A_1552 = vector.broadcast %jit3A_1550 : f32 to vector<16xf32>
    %select_n3A_1553 = arith.select %gt3A_1548, %broadcast_in_dim3A_1551, %broadcast_in_dim3A_1552 : vector<16xi1>, vector<16xf32>
    %add3A_1554 = arith.addf %add3A_1547, %select_n3A_1553 : vector<16xf32>
    %gt3A_1555 = arith.cmpf ogt, %select_n3A_1347, %select_n3A_1341 : vector<16xf32>
    %jit3A_1556 = arith.constant 1.000000e+00 : f32
    %jit3A_1557 = arith.constant 0.000000e+00 : f32
    %broadcast_in_dim3A_1558 = vector.broadcast %jit3A_1556 : f32 to vector<16xf32>
    %broadcast_in_dim3A_1559 = vector.broadcast %jit3A_1557 : f32 to vector<16xf32>
    %select_n3A_1560 = arith.select %gt3A_1555, %broadcast_in_dim3A_1558, %broadcast_in_dim3A_1559 : vector<16xi1>, vector<16xf32>
    %add3A_1561 = arith.addf %add3A_1554, %select_n3A_1560 : vector<16xf32>
    %gt3A_1562 = arith.cmpf ogt, %select_n3A_1350, %select_n3A_1341 : vector<16xf32>
    %jit3A_1563 = arith.constant 1.000000e+00 : f32
    %jit3A_1564 = arith.constant 0.000000e+00 : f32
    %broadcast_in_dim3A_1565 = vector.broadcast %jit3A_1563 : f32 to vector<16xf32>
    %broadcast_in_dim3A_1566 = vector.broadcast %jit3A_1564 : f32 to vector<16xf32>
    %select_n3A_1567 = arith.select %gt3A_1562, %broadcast_in_dim3A_1565, %broadcast_in_dim3A_1566 : vector<16xi1>, vector<16xf32>
    %add3A_1568 = arith.addf %add3A_1561, %select_n3A_1567 : vector<16xf32>
    %gt3A_1569 = arith.cmpf ogt, %select_n3A_1353, %select_n3A_1341 : vector<16xf32>
    %jit3A_1570 = arith.constant 1.000000e+00 : f32
    %jit3A_1571 = arith.constant 0.000000e+00 : f32
    %broadcast_in_dim3A_1572 = vector.broadcast %jit3A_1570 : f32 to vector<16xf32>
    %broadcast_in_dim3A_1573 = vector.broadcast %jit3A_1571 : f32 to vector<16xf32>
    %select_n3A_1574 = arith.select %gt3A_1569, %broadcast_in_dim3A_1572, %broadcast_in_dim3A_1573 : vector<16xi1>, vector<16xf32>
    %add3A_1575 = arith.addf %add3A_1568, %select_n3A_1574 : vector<16xf32>
    %lt3A_1576 = arith.constant 2.000000e+00 : f32
    %lt3A_1577 = vector.broadcast %lt3A_1576 : f32 to vector<16xf32>
    %lt3A_1578 = arith.cmpf olt, %add3A_1575, %lt3A_1577 : vector<16xf32>
    %jit3A_1579 = arith.constant 0.000000e+00 : f32
    %broadcast_in_dim3A_1580 = vector.broadcast %jit3A_1579 : f32 to vector<16xf32>
    %select_n3A_1581 = arith.select %lt3A_1578, %div3A_1113, %broadcast_in_dim3A_1580 : vector<16xi1>, vector<16xf32>
    %broadcast_in_dim3A_1582 = arith.constant 0.000000e+00 : f32
    %broadcast_in_dim3A_1583 = vector.broadcast %broadcast_in_dim3A_1582 : f32 to vector<16xf32>
    %ge3A_1584 = arith.cmpf oge, %select_n3A_1332, %select_n3A_1344 : vector<16xf32>
    %jit3A_1585 = arith.constant 1.000000e+00 : f32
    %jit3A_1586 = arith.constant 0.000000e+00 : f32
    %broadcast_in_dim3A_1587 = vector.broadcast %jit3A_1585 : f32 to vector<16xf32>
    %broadcast_in_dim3A_1588 = vector.broadcast %jit3A_1586 : f32 to vector<16xf32>
    %select_n3A_1589 = arith.select %ge3A_1584, %broadcast_in_dim3A_1587, %broadcast_in_dim3A_1588 : vector<16xi1>, vector<16xf32>
    %add3A_1590 = arith.addf %broadcast_in_dim3A_1583, %select_n3A_1589 : vector<16xf32>
    %ge3A_1591 = arith.cmpf oge, %select_n3A_1335, %select_n3A_1344 : vector<16xf32>
    %jit3A_1592 = arith.constant 1.000000e+00 : f32
    %jit3A_1593 = arith.constant 0.000000e+00 : f32
    %broadcast_in_dim3A_1594 = vector.broadcast %jit3A_1592 : f32 to vector<16xf32>
    %broadcast_in_dim3A_1595 = vector.broadcast %jit3A_1593 : f32 to vector<16xf32>
    %select_n3A_1596 = arith.select %ge3A_1591, %broadcast_in_dim3A_1594, %broadcast_in_dim3A_1595 : vector<16xi1>, vector<16xf32>
    %add3A_1597 = arith.addf %add3A_1590, %select_n3A_1596 : vector<16xf32>
    %ge3A_1598 = arith.cmpf oge, %select_n3A_1338, %select_n3A_1344 : vector<16xf32>
    %jit3A_1599 = arith.constant 1.000000e+00 : f32
    %jit3A_1600 = arith.constant 0.000000e+00 : f32
    %broadcast_in_dim3A_1601 = vector.broadcast %jit3A_1599 : f32 to vector<16xf32>
    %broadcast_in_dim3A_1602 = vector.broadcast %jit3A_1600 : f32 to vector<16xf32>
    %select_n3A_1603 = arith.select %ge3A_1598, %broadcast_in_dim3A_1601, %broadcast_in_dim3A_1602 : vector<16xi1>, vector<16xf32>
    %add3A_1604 = arith.addf %add3A_1597, %select_n3A_1603 : vector<16xf32>
    %ge3A_1605 = arith.cmpf oge, %select_n3A_1341, %select_n3A_1344 : vector<16xf32>
    %jit3A_1606 = arith.constant 1.000000e+00 : f32
    %jit3A_1607 = arith.constant 0.000000e+00 : f32
    %broadcast_in_dim3A_1608 = vector.broadcast %jit3A_1606 : f32 to vector<16xf32>
    %broadcast_in_dim3A_1609 = vector.broadcast %jit3A_1607 : f32 to vector<16xf32>
    %select_n3A_1610 = arith.select %ge3A_1605, %broadcast_in_dim3A_1608, %broadcast_in_dim3A_1609 : vector<16xi1>, vector<16xf32>
    %add3A_1611 = arith.addf %add3A_1604, %select_n3A_1610 : vector<16xf32>
    %gt3A_1612 = arith.cmpf ogt, %select_n3A_1347, %select_n3A_1344 : vector<16xf32>
    %jit3A_1613 = arith.constant 1.000000e+00 : f32
    %jit3A_1614 = arith.constant 0.000000e+00 : f32
    %broadcast_in_dim3A_1615 = vector.broadcast %jit3A_1613 : f32 to vector<16xf32>
    %broadcast_in_dim3A_1616 = vector.broadcast %jit3A_1614 : f32 to vector<16xf32>
    %select_n3A_1617 = arith.select %gt3A_1612, %broadcast_in_dim3A_1615, %broadcast_in_dim3A_1616 : vector<16xi1>, vector<16xf32>
    %add3A_1618 = arith.addf %add3A_1611, %select_n3A_1617 : vector<16xf32>
    %gt3A_1619 = arith.cmpf ogt, %select_n3A_1350, %select_n3A_1344 : vector<16xf32>
    %jit3A_1620 = arith.constant 1.000000e+00 : f32
    %jit3A_1621 = arith.constant 0.000000e+00 : f32
    %broadcast_in_dim3A_1622 = vector.broadcast %jit3A_1620 : f32 to vector<16xf32>
    %broadcast_in_dim3A_1623 = vector.broadcast %jit3A_1621 : f32 to vector<16xf32>
    %select_n3A_1624 = arith.select %gt3A_1619, %broadcast_in_dim3A_1622, %broadcast_in_dim3A_1623 : vector<16xi1>, vector<16xf32>
    %add3A_1625 = arith.addf %add3A_1618, %select_n3A_1624 : vector<16xf32>
    %gt3A_1626 = arith.cmpf ogt, %select_n3A_1353, %select_n3A_1344 : vector<16xf32>
    %jit3A_1627 = arith.constant 1.000000e+00 : f32
    %jit3A_1628 = arith.constant 0.000000e+00 : f32
    %broadcast_in_dim3A_1629 = vector.broadcast %jit3A_1627 : f32 to vector<16xf32>
    %broadcast_in_dim3A_1630 = vector.broadcast %jit3A_1628 : f32 to vector<16xf32>
    %select_n3A_1631 = arith.select %gt3A_1626, %broadcast_in_dim3A_1629, %broadcast_in_dim3A_1630 : vector<16xi1>, vector<16xf32>
    %add3A_1632 = arith.addf %add3A_1625, %select_n3A_1631 : vector<16xf32>
    %lt3A_1633 = arith.constant 2.000000e+00 : f32
    %lt3A_1634 = vector.broadcast %lt3A_1633 : f32 to vector<16xf32>
    %lt3A_1635 = arith.cmpf olt, %add3A_1632, %lt3A_1634 : vector<16xf32>
    %jit3A_1636 = arith.constant 0.000000e+00 : f32
    %broadcast_in_dim3A_1637 = vector.broadcast %jit3A_1636 : f32 to vector<16xf32>
    %select_n3A_1638 = arith.select %lt3A_1635, %div3A_1128, %broadcast_in_dim3A_1637 : vector<16xi1>, vector<16xf32>
    %broadcast_in_dim3A_1639 = arith.constant 0.000000e+00 : f32
    %broadcast_in_dim3A_1640 = vector.broadcast %broadcast_in_dim3A_1639 : f32 to vector<16xf32>
    %ge3A_1641 = arith.cmpf oge, %select_n3A_1332, %select_n3A_1347 : vector<16xf32>
    %jit3A_1642 = arith.constant 1.000000e+00 : f32
    %jit3A_1643 = arith.constant 0.000000e+00 : f32
    %broadcast_in_dim3A_1644 = vector.broadcast %jit3A_1642 : f32 to vector<16xf32>
    %broadcast_in_dim3A_1645 = vector.broadcast %jit3A_1643 : f32 to vector<16xf32>
    %select_n3A_1646 = arith.select %ge3A_1641, %broadcast_in_dim3A_1644, %broadcast_in_dim3A_1645 : vector<16xi1>, vector<16xf32>
    %add3A_1647 = arith.addf %broadcast_in_dim3A_1640, %select_n3A_1646 : vector<16xf32>
    %ge3A_1648 = arith.cmpf oge, %select_n3A_1335, %select_n3A_1347 : vector<16xf32>
    %jit3A_1649 = arith.constant 1.000000e+00 : f32
    %jit3A_1650 = arith.constant 0.000000e+00 : f32
    %broadcast_in_dim3A_1651 = vector.broadcast %jit3A_1649 : f32 to vector<16xf32>
    %broadcast_in_dim3A_1652 = vector.broadcast %jit3A_1650 : f32 to vector<16xf32>
    %select_n3A_1653 = arith.select %ge3A_1648, %broadcast_in_dim3A_1651, %broadcast_in_dim3A_1652 : vector<16xi1>, vector<16xf32>
    %add3A_1654 = arith.addf %add3A_1647, %select_n3A_1653 : vector<16xf32>
    %ge3A_1655 = arith.cmpf oge, %select_n3A_1338, %select_n3A_1347 : vector<16xf32>
    %jit3A_1656 = arith.constant 1.000000e+00 : f32
    %jit3A_1657 = arith.constant 0.000000e+00 : f32
    %broadcast_in_dim3A_1658 = vector.broadcast %jit3A_1656 : f32 to vector<16xf32>
    %broadcast_in_dim3A_1659 = vector.broadcast %jit3A_1657 : f32 to vector<16xf32>
    %select_n3A_1660 = arith.select %ge3A_1655, %broadcast_in_dim3A_1658, %broadcast_in_dim3A_1659 : vector<16xi1>, vector<16xf32>
    %add3A_1661 = arith.addf %add3A_1654, %select_n3A_1660 : vector<16xf32>
    %ge3A_1662 = arith.cmpf oge, %select_n3A_1341, %select_n3A_1347 : vector<16xf32>
    %jit3A_1663 = arith.constant 1.000000e+00 : f32
    %jit3A_1664 = arith.constant 0.000000e+00 : f32
    %broadcast_in_dim3A_1665 = vector.broadcast %jit3A_1663 : f32 to vector<16xf32>
    %broadcast_in_dim3A_1666 = vector.broadcast %jit3A_1664 : f32 to vector<16xf32>
    %select_n3A_1667 = arith.select %ge3A_1662, %broadcast_in_dim3A_1665, %broadcast_in_dim3A_1666 : vector<16xi1>, vector<16xf32>
    %add3A_1668 = arith.addf %add3A_1661, %select_n3A_1667 : vector<16xf32>
    %ge3A_1669 = arith.cmpf oge, %select_n3A_1344, %select_n3A_1347 : vector<16xf32>
    %jit3A_1670 = arith.constant 1.000000e+00 : f32
    %jit3A_1671 = arith.constant 0.000000e+00 : f32
    %broadcast_in_dim3A_1672 = vector.broadcast %jit3A_1670 : f32 to vector<16xf32>
    %broadcast_in_dim3A_1673 = vector.broadcast %jit3A_1671 : f32 to vector<16xf32>
    %select_n3A_1674 = arith.select %ge3A_1669, %broadcast_in_dim3A_1672, %broadcast_in_dim3A_1673 : vector<16xi1>, vector<16xf32>
    %add3A_1675 = arith.addf %add3A_1668, %select_n3A_1674 : vector<16xf32>
    %gt3A_1676 = arith.cmpf ogt, %select_n3A_1350, %select_n3A_1347 : vector<16xf32>
    %jit3A_1677 = arith.constant 1.000000e+00 : f32
    %jit3A_1678 = arith.constant 0.000000e+00 : f32
    %broadcast_in_dim3A_1679 = vector.broadcast %jit3A_1677 : f32 to vector<16xf32>
    %broadcast_in_dim3A_1680 = vector.broadcast %jit3A_1678 : f32 to vector<16xf32>
    %select_n3A_1681 = arith.select %gt3A_1676, %broadcast_in_dim3A_1679, %broadcast_in_dim3A_1680 : vector<16xi1>, vector<16xf32>
    %add3A_1682 = arith.addf %add3A_1675, %select_n3A_1681 : vector<16xf32>
    %gt3A_1683 = arith.cmpf ogt, %select_n3A_1353, %select_n3A_1347 : vector<16xf32>
    %jit3A_1684 = arith.constant 1.000000e+00 : f32
    %jit3A_1685 = arith.constant 0.000000e+00 : f32
    %broadcast_in_dim3A_1686 = vector.broadcast %jit3A_1684 : f32 to vector<16xf32>
    %broadcast_in_dim3A_1687 = vector.broadcast %jit3A_1685 : f32 to vector<16xf32>
    %select_n3A_1688 = arith.select %gt3A_1683, %broadcast_in_dim3A_1686, %broadcast_in_dim3A_1687 : vector<16xi1>, vector<16xf32>
    %add3A_1689 = arith.addf %add3A_1682, %select_n3A_1688 : vector<16xf32>
    %lt3A_1690 = arith.constant 2.000000e+00 : f32
    %lt3A_1691 = vector.broadcast %lt3A_1690 : f32 to vector<16xf32>
    %lt3A_1692 = arith.cmpf olt, %add3A_1689, %lt3A_1691 : vector<16xf32>
    %jit3A_1693 = arith.constant 0.000000e+00 : f32
    %broadcast_in_dim3A_1694 = vector.broadcast %jit3A_1693 : f32 to vector<16xf32>
    %select_n3A_1695 = arith.select %lt3A_1692, %div3A_1143, %broadcast_in_dim3A_1694 : vector<16xi1>, vector<16xf32>
    %broadcast_in_dim3A_1696 = arith.constant 0.000000e+00 : f32
    %broadcast_in_dim3A_1697 = vector.broadcast %broadcast_in_dim3A_1696 : f32 to vector<16xf32>
    %ge3A_1698 = arith.cmpf oge, %select_n3A_1332, %select_n3A_1350 : vector<16xf32>
    %jit3A_1699 = arith.constant 1.000000e+00 : f32
    %jit3A_1700 = arith.constant 0.000000e+00 : f32
    %broadcast_in_dim3A_1701 = vector.broadcast %jit3A_1699 : f32 to vector<16xf32>
    %broadcast_in_dim3A_1702 = vector.broadcast %jit3A_1700 : f32 to vector<16xf32>
    %select_n3A_1703 = arith.select %ge3A_1698, %broadcast_in_dim3A_1701, %broadcast_in_dim3A_1702 : vector<16xi1>, vector<16xf32>
    %add3A_1704 = arith.addf %broadcast_in_dim3A_1697, %select_n3A_1703 : vector<16xf32>
    %ge3A_1705 = arith.cmpf oge, %select_n3A_1335, %select_n3A_1350 : vector<16xf32>
    %jit3A_1706 = arith.constant 1.000000e+00 : f32
    %jit3A_1707 = arith.constant 0.000000e+00 : f32
    %broadcast_in_dim3A_1708 = vector.broadcast %jit3A_1706 : f32 to vector<16xf32>
    %broadcast_in_dim3A_1709 = vector.broadcast %jit3A_1707 : f32 to vector<16xf32>
    %select_n3A_1710 = arith.select %ge3A_1705, %broadcast_in_dim3A_1708, %broadcast_in_dim3A_1709 : vector<16xi1>, vector<16xf32>
    %add3A_1711 = arith.addf %add3A_1704, %select_n3A_1710 : vector<16xf32>
    %ge3A_1712 = arith.cmpf oge, %select_n3A_1338, %select_n3A_1350 : vector<16xf32>
    %jit3A_1713 = arith.constant 1.000000e+00 : f32
    %jit3A_1714 = arith.constant 0.000000e+00 : f32
    %broadcast_in_dim3A_1715 = vector.broadcast %jit3A_1713 : f32 to vector<16xf32>
    %broadcast_in_dim3A_1716 = vector.broadcast %jit3A_1714 : f32 to vector<16xf32>
    %select_n3A_1717 = arith.select %ge3A_1712, %broadcast_in_dim3A_1715, %broadcast_in_dim3A_1716 : vector<16xi1>, vector<16xf32>
    %add3A_1718 = arith.addf %add3A_1711, %select_n3A_1717 : vector<16xf32>
    %ge3A_1719 = arith.cmpf oge, %select_n3A_1341, %select_n3A_1350 : vector<16xf32>
    %jit3A_1720 = arith.constant 1.000000e+00 : f32
    %jit3A_1721 = arith.constant 0.000000e+00 : f32
    %broadcast_in_dim3A_1722 = vector.broadcast %jit3A_1720 : f32 to vector<16xf32>
    %broadcast_in_dim3A_1723 = vector.broadcast %jit3A_1721 : f32 to vector<16xf32>
    %select_n3A_1724 = arith.select %ge3A_1719, %broadcast_in_dim3A_1722, %broadcast_in_dim3A_1723 : vector<16xi1>, vector<16xf32>
    %add3A_1725 = arith.addf %add3A_1718, %select_n3A_1724 : vector<16xf32>
    %ge3A_1726 = arith.cmpf oge, %select_n3A_1344, %select_n3A_1350 : vector<16xf32>
    %jit3A_1727 = arith.constant 1.000000e+00 : f32
    %jit3A_1728 = arith.constant 0.000000e+00 : f32
    %broadcast_in_dim3A_1729 = vector.broadcast %jit3A_1727 : f32 to vector<16xf32>
    %broadcast_in_dim3A_1730 = vector.broadcast %jit3A_1728 : f32 to vector<16xf32>
    %select_n3A_1731 = arith.select %ge3A_1726, %broadcast_in_dim3A_1729, %broadcast_in_dim3A_1730 : vector<16xi1>, vector<16xf32>
    %add3A_1732 = arith.addf %add3A_1725, %select_n3A_1731 : vector<16xf32>
    %ge3A_1733 = arith.cmpf oge, %select_n3A_1347, %select_n3A_1350 : vector<16xf32>
    %jit3A_1734 = arith.constant 1.000000e+00 : f32
    %jit3A_1735 = arith.constant 0.000000e+00 : f32
    %broadcast_in_dim3A_1736 = vector.broadcast %jit3A_1734 : f32 to vector<16xf32>
    %broadcast_in_dim3A_1737 = vector.broadcast %jit3A_1735 : f32 to vector<16xf32>
    %select_n3A_1738 = arith.select %ge3A_1733, %broadcast_in_dim3A_1736, %broadcast_in_dim3A_1737 : vector<16xi1>, vector<16xf32>
    %add3A_1739 = arith.addf %add3A_1732, %select_n3A_1738 : vector<16xf32>
    %gt3A_1740 = arith.cmpf ogt, %select_n3A_1353, %select_n3A_1350 : vector<16xf32>
    %jit3A_1741 = arith.constant 1.000000e+00 : f32
    %jit3A_1742 = arith.constant 0.000000e+00 : f32
    %broadcast_in_dim3A_1743 = vector.broadcast %jit3A_1741 : f32 to vector<16xf32>
    %broadcast_in_dim3A_1744 = vector.broadcast %jit3A_1742 : f32 to vector<16xf32>
    %select_n3A_1745 = arith.select %gt3A_1740, %broadcast_in_dim3A_1743, %broadcast_in_dim3A_1744 : vector<16xi1>, vector<16xf32>
    %add3A_1746 = arith.addf %add3A_1739, %select_n3A_1745 : vector<16xf32>
    %lt3A_1747 = arith.constant 2.000000e+00 : f32
    %lt3A_1748 = vector.broadcast %lt3A_1747 : f32 to vector<16xf32>
    %lt3A_1749 = arith.cmpf olt, %add3A_1746, %lt3A_1748 : vector<16xf32>
    %jit3A_1750 = arith.constant 0.000000e+00 : f32
    %broadcast_in_dim3A_1751 = vector.broadcast %jit3A_1750 : f32 to vector<16xf32>
    %select_n3A_1752 = arith.select %lt3A_1749, %div3A_1158, %broadcast_in_dim3A_1751 : vector<16xi1>, vector<16xf32>
    %broadcast_in_dim3A_1753 = arith.constant 0.000000e+00 : f32
    %broadcast_in_dim3A_1754 = vector.broadcast %broadcast_in_dim3A_1753 : f32 to vector<16xf32>
    %ge3A_1755 = arith.cmpf oge, %select_n3A_1332, %select_n3A_1353 : vector<16xf32>
    %jit3A_1756 = arith.constant 1.000000e+00 : f32
    %jit3A_1757 = arith.constant 0.000000e+00 : f32
    %broadcast_in_dim3A_1758 = vector.broadcast %jit3A_1756 : f32 to vector<16xf32>
    %broadcast_in_dim3A_1759 = vector.broadcast %jit3A_1757 : f32 to vector<16xf32>
    %select_n3A_1760 = arith.select %ge3A_1755, %broadcast_in_dim3A_1758, %broadcast_in_dim3A_1759 : vector<16xi1>, vector<16xf32>
    %add3A_1761 = arith.addf %broadcast_in_dim3A_1754, %select_n3A_1760 : vector<16xf32>
    %ge3A_1762 = arith.cmpf oge, %select_n3A_1335, %select_n3A_1353 : vector<16xf32>
    %jit3A_1763 = arith.constant 1.000000e+00 : f32
    %jit3A_1764 = arith.constant 0.000000e+00 : f32
    %broadcast_in_dim3A_1765 = vector.broadcast %jit3A_1763 : f32 to vector<16xf32>
    %broadcast_in_dim3A_1766 = vector.broadcast %jit3A_1764 : f32 to vector<16xf32>
    %select_n3A_1767 = arith.select %ge3A_1762, %broadcast_in_dim3A_1765, %broadcast_in_dim3A_1766 : vector<16xi1>, vector<16xf32>
    %add3A_1768 = arith.addf %add3A_1761, %select_n3A_1767 : vector<16xf32>
    %ge3A_1769 = arith.cmpf oge, %select_n3A_1338, %select_n3A_1353 : vector<16xf32>
    %jit3A_1770 = arith.constant 1.000000e+00 : f32
    %jit3A_1771 = arith.constant 0.000000e+00 : f32
    %broadcast_in_dim3A_1772 = vector.broadcast %jit3A_1770 : f32 to vector<16xf32>
    %broadcast_in_dim3A_1773 = vector.broadcast %jit3A_1771 : f32 to vector<16xf32>
    %select_n3A_1774 = arith.select %ge3A_1769, %broadcast_in_dim3A_1772, %broadcast_in_dim3A_1773 : vector<16xi1>, vector<16xf32>
    %add3A_1775 = arith.addf %add3A_1768, %select_n3A_1774 : vector<16xf32>
    %ge3A_1776 = arith.cmpf oge, %select_n3A_1341, %select_n3A_1353 : vector<16xf32>
    %jit3A_1777 = arith.constant 1.000000e+00 : f32
    %jit3A_1778 = arith.constant 0.000000e+00 : f32
    %broadcast_in_dim3A_1779 = vector.broadcast %jit3A_1777 : f32 to vector<16xf32>
    %broadcast_in_dim3A_1780 = vector.broadcast %jit3A_1778 : f32 to vector<16xf32>
    %select_n3A_1781 = arith.select %ge3A_1776, %broadcast_in_dim3A_1779, %broadcast_in_dim3A_1780 : vector<16xi1>, vector<16xf32>
    %add3A_1782 = arith.addf %add3A_1775, %select_n3A_1781 : vector<16xf32>
    %ge3A_1783 = arith.cmpf oge, %select_n3A_1344, %select_n3A_1353 : vector<16xf32>
    %jit3A_1784 = arith.constant 1.000000e+00 : f32
    %jit3A_1785 = arith.constant 0.000000e+00 : f32
    %broadcast_in_dim3A_1786 = vector.broadcast %jit3A_1784 : f32 to vector<16xf32>
    %broadcast_in_dim3A_1787 = vector.broadcast %jit3A_1785 : f32 to vector<16xf32>
    %select_n3A_1788 = arith.select %ge3A_1783, %broadcast_in_dim3A_1786, %broadcast_in_dim3A_1787 : vector<16xi1>, vector<16xf32>
    %add3A_1789 = arith.addf %add3A_1782, %select_n3A_1788 : vector<16xf32>
    %ge3A_1790 = arith.cmpf oge, %select_n3A_1347, %select_n3A_1353 : vector<16xf32>
    %jit3A_1791 = arith.constant 1.000000e+00 : f32
    %jit3A_1792 = arith.constant 0.000000e+00 : f32
    %broadcast_in_dim3A_1793 = vector.broadcast %jit3A_1791 : f32 to vector<16xf32>
    %broadcast_in_dim3A_1794 = vector.broadcast %jit3A_1792 : f32 to vector<16xf32>
    %select_n3A_1795 = arith.select %ge3A_1790, %broadcast_in_dim3A_1793, %broadcast_in_dim3A_1794 : vector<16xi1>, vector<16xf32>
    %add3A_1796 = arith.addf %add3A_1789, %select_n3A_1795 : vector<16xf32>
    %ge3A_1797 = arith.cmpf oge, %select_n3A_1350, %select_n3A_1353 : vector<16xf32>
    %jit3A_1798 = arith.constant 1.000000e+00 : f32
    %jit3A_1799 = arith.constant 0.000000e+00 : f32
    %broadcast_in_dim3A_1800 = vector.broadcast %jit3A_1798 : f32 to vector<16xf32>
    %broadcast_in_dim3A_1801 = vector.broadcast %jit3A_1799 : f32 to vector<16xf32>
    %select_n3A_1802 = arith.select %ge3A_1797, %broadcast_in_dim3A_1800, %broadcast_in_dim3A_1801 : vector<16xi1>, vector<16xf32>
    %add3A_1803 = arith.addf %add3A_1796, %select_n3A_1802 : vector<16xf32>
    %lt3A_1804 = arith.constant 2.000000e+00 : f32
    %lt3A_1805 = vector.broadcast %lt3A_1804 : f32 to vector<16xf32>
    %lt3A_1806 = arith.cmpf olt, %add3A_1803, %lt3A_1805 : vector<16xf32>
    %jit3A_1807 = arith.constant 0.000000e+00 : f32
    %broadcast_in_dim3A_1808 = vector.broadcast %jit3A_1807 : f32 to vector<16xf32>
    %select_n3A_1809 = arith.select %lt3A_1806, %div3A_1173, %broadcast_in_dim3A_1808 : vector<16xi1>, vector<16xf32>
    %add3A_1810 = arith.addf %select_n3A_1410, %select_n3A_1467 : vector<16xf32>
    %add3A_1811 = arith.addf %add3A_1810, %select_n3A_1524 : vector<16xf32>
    %add3A_1812 = arith.addf %add3A_1811, %select_n3A_1581 : vector<16xf32>
    %add3A_1813 = arith.addf %add3A_1812, %select_n3A_1638 : vector<16xf32>
    %add3A_1814 = arith.addf %add3A_1813, %select_n3A_1695 : vector<16xf32>
    %add3A_1815 = arith.addf %add3A_1814, %select_n3A_1752 : vector<16xf32>
    %add3A_1816 = arith.addf %add3A_1815, %select_n3A_1809 : vector<16xf32>
    %add3A_1817 = arith.constant 9.99999968E-21 : f32
    %add3A_1818 = vector.broadcast %add3A_1817 : f32 to vector<16xf32>
    %add3A_1819 = arith.addf %add3A_1816, %add3A_1818 : vector<16xf32>
    %swap3A_1820 = arith.constant 0 : i32
    %swap3A_1821 = arith.index_cast %swap3A_1820 : i32 to index
    %swap3A_1822 = arith.constant 16 : index
    %swap3A_1823 = tpu.vector_load %arg6[%swap3A_1821, %swap3A_1822] {strides = array<i32>} : memref<12x64xf32, #tpu.memory_space<vmem>>, vector<1x16xf32>,
    %swap3A_1824 = vector.shape_cast %swap3A_1823 : vector<1x16xf32> to vector<16xf32>
    %swap3A_1825 = vector.shape_cast %broadcast_in_dim3A_193 : vector<16xf32> to vector<1x16xf32>
    tpu.vector_store %arg6[%swap3A_1821, %swap3A_1822], %swap3A_1825 {strides = array<i32>} : memref<12x64xf32, #tpu.memory_space<vmem>>, vector<1x16xf32>,
    %swap3A_1826 = arith.constant 1 : i32
    %swap3A_1827 = arith.index_cast %swap3A_1826 : i32 to index
    %swap3A_1828 = arith.constant 16 : index
    %swap3A_1829 = tpu.vector_load %arg6[%swap3A_1827, %swap3A_1828] {strides = array<i32>} : memref<12x64xf32, #tpu.memory_space<vmem>>, vector<1x16xf32>,
    %swap3A_1830 = vector.shape_cast %swap3A_1829 : vector<1x16xf32> to vector<16xf32>
    %swap3A_1831 = vector.shape_cast %broadcast_in_dim3A_193 : vector<16xf32> to vector<1x16xf32>
    tpu.vector_store %arg6[%swap3A_1827, %swap3A_1828], %swap3A_1831 {strides = array<i32>} : memref<12x64xf32, #tpu.memory_space<vmem>>, vector<1x16xf32>,
    %swap3A_1832 = arith.constant 2 : i32
    %swap3A_1833 = arith.index_cast %swap3A_1832 : i32 to index
    %swap3A_1834 = arith.constant 16 : index
    %swap3A_1835 = tpu.vector_load %arg6[%swap3A_1833, %swap3A_1834] {strides = array<i32>} : memref<12x64xf32, #tpu.memory_space<vmem>>, vector<1x16xf32>,
    %swap3A_1836 = vector.shape_cast %swap3A_1835 : vector<1x16xf32> to vector<16xf32>
    %swap3A_1837 = vector.shape_cast %broadcast_in_dim3A_193 : vector<16xf32> to vector<1x16xf32>
    tpu.vector_store %arg6[%swap3A_1833, %swap3A_1834], %swap3A_1837 {strides = array<i32>} : memref<12x64xf32, #tpu.memory_space<vmem>>, vector<1x16xf32>,
    %swap3A_1838 = arith.constant 3 : i32
    %swap3A_1839 = arith.index_cast %swap3A_1838 : i32 to index
    %swap3A_1840 = arith.constant 16 : index
    %swap3A_1841 = tpu.vector_load %arg6[%swap3A_1839, %swap3A_1840] {strides = array<i32>} : memref<12x64xf32, #tpu.memory_space<vmem>>, vector<1x16xf32>,
    %swap3A_1842 = vector.shape_cast %swap3A_1841 : vector<1x16xf32> to vector<16xf32>
    %swap3A_1843 = vector.shape_cast %broadcast_in_dim3A_193 : vector<16xf32> to vector<1x16xf32>
    tpu.vector_store %arg6[%swap3A_1839, %swap3A_1840], %swap3A_1843 {strides = array<i32>} : memref<12x64xf32, #tpu.memory_space<vmem>>, vector<1x16xf32>,
    %div3A_1844 = arith.divf %select_n3A_1410, %add3A_1819 : vector<16xf32>
    %mul3A_1845 = arith.constant 2.500000e+00 : f32
    %mul3A_1846 = vector.broadcast %mul3A_1845 : f32 to vector<16xf32>
    %mul3A_1847 = arith.mulf %mul3A_1846, %div3A_1844 : vector<16xf32>
    %swap3A_1848 = arith.constant 4 : i32
    %swap3A_1849 = arith.index_cast %swap3A_1848 : i32 to index
    %swap3A_1850 = arith.constant 16 : index
    %swap3A_1851 = tpu.vector_load %arg6[%swap3A_1849, %swap3A_1850] {strides = array<i32>} : memref<12x64xf32, #tpu.memory_space<vmem>>, vector<1x16xf32>,
    %swap3A_1852 = vector.shape_cast %swap3A_1851 : vector<1x16xf32> to vector<16xf32>
    %swap3A_1853 = vector.shape_cast %mul3A_1847 : vector<16xf32> to vector<1x16xf32>
    tpu.vector_store %arg6[%swap3A_1849, %swap3A_1850], %swap3A_1853 {strides = array<i32>} : memref<12x64xf32, #tpu.memory_space<vmem>>, vector<1x16xf32>,
    %div3A_1854 = arith.divf %select_n3A_1467, %add3A_1819 : vector<16xf32>
    %mul3A_1855 = arith.constant 2.500000e+00 : f32
    %mul3A_1856 = vector.broadcast %mul3A_1855 : f32 to vector<16xf32>
    %mul3A_1857 = arith.mulf %mul3A_1856, %div3A_1854 : vector<16xf32>
    %swap3A_1858 = arith.constant 5 : i32
    %swap3A_1859 = arith.index_cast %swap3A_1858 : i32 to index
    %swap3A_1860 = arith.constant 16 : index
    %swap3A_1861 = tpu.vector_load %arg6[%swap3A_1859, %swap3A_1860] {strides = array<i32>} : memref<12x64xf32, #tpu.memory_space<vmem>>, vector<1x16xf32>,
    %swap3A_1862 = vector.shape_cast %swap3A_1861 : vector<1x16xf32> to vector<16xf32>
    %swap3A_1863 = vector.shape_cast %mul3A_1857 : vector<16xf32> to vector<1x16xf32>
    tpu.vector_store %arg6[%swap3A_1859, %swap3A_1860], %swap3A_1863 {strides = array<i32>} : memref<12x64xf32, #tpu.memory_space<vmem>>, vector<1x16xf32>,
    %div3A_1864 = arith.divf %select_n3A_1524, %add3A_1819 : vector<16xf32>
    %mul3A_1865 = arith.constant 2.500000e+00 : f32
    %mul3A_1866 = vector.broadcast %mul3A_1865 : f32 to vector<16xf32>
    %mul3A_1867 = arith.mulf %mul3A_1866, %div3A_1864 : vector<16xf32>
    %swap3A_1868 = arith.constant 6 : i32
    %swap3A_1869 = arith.index_cast %swap3A_1868 : i32 to index
    %swap3A_1870 = arith.constant 16 : index
    %swap3A_1871 = tpu.vector_load %arg6[%swap3A_1869, %swap3A_1870] {strides = array<i32>} : memref<12x64xf32, #tpu.memory_space<vmem>>, vector<1x16xf32>,
    %swap3A_1872 = vector.shape_cast %swap3A_1871 : vector<1x16xf32> to vector<16xf32>
    %swap3A_1873 = vector.shape_cast %mul3A_1867 : vector<16xf32> to vector<1x16xf32>
    tpu.vector_store %arg6[%swap3A_1869, %swap3A_1870], %swap3A_1873 {strides = array<i32>} : memref<12x64xf32, #tpu.memory_space<vmem>>, vector<1x16xf32>,
    %div3A_1874 = arith.divf %select_n3A_1581, %add3A_1819 : vector<16xf32>
    %mul3A_1875 = arith.constant 2.500000e+00 : f32
    %mul3A_1876 = vector.broadcast %mul3A_1875 : f32 to vector<16xf32>
    %mul3A_1877 = arith.mulf %mul3A_1876, %div3A_1874 : vector<16xf32>
    %swap3A_1878 = arith.constant 7 : i32
    %swap3A_1879 = arith.index_cast %swap3A_1878 : i32 to index
    %swap3A_1880 = arith.constant 16 : index
    %swap3A_1881 = tpu.vector_load %arg6[%swap3A_1879, %swap3A_1880] {strides = array<i32>} : memref<12x64xf32, #tpu.memory_space<vmem>>, vector<1x16xf32>,
    %swap3A_1882 = vector.shape_cast %swap3A_1881 : vector<1x16xf32> to vector<16xf32>
    %swap3A_1883 = vector.shape_cast %mul3A_1877 : vector<16xf32> to vector<1x16xf32>
    tpu.vector_store %arg6[%swap3A_1879, %swap3A_1880], %swap3A_1883 {strides = array<i32>} : memref<12x64xf32, #tpu.memory_space<vmem>>, vector<1x16xf32>,
    %div3A_1884 = arith.divf %select_n3A_1638, %add3A_1819 : vector<16xf32>
    %mul3A_1885 = arith.constant 2.500000e+00 : f32
    %mul3A_1886 = vector.broadcast %mul3A_1885 : f32 to vector<16xf32>
    %mul3A_1887 = arith.mulf %mul3A_1886, %div3A_1884 : vector<16xf32>
    %swap3A_1888 = arith.constant 8 : i32
    %swap3A_1889 = arith.index_cast %swap3A_1888 : i32 to index
    %swap3A_1890 = arith.constant 16 : index
    %swap3A_1891 = tpu.vector_load %arg6[%swap3A_1889, %swap3A_1890] {strides = array<i32>} : memref<12x64xf32, #tpu.memory_space<vmem>>, vector<1x16xf32>,
    %swap3A_1892 = vector.shape_cast %swap3A_1891 : vector<1x16xf32> to vector<16xf32>
    %swap3A_1893 = vector.shape_cast %mul3A_1887 : vector<16xf32> to vector<1x16xf32>
    tpu.vector_store %arg6[%swap3A_1889, %swap3A_1890], %swap3A_1893 {strides = array<i32>} : memref<12x64xf32, #tpu.memory_space<vmem>>, vector<1x16xf32>,
    %div3A_1894 = arith.divf %select_n3A_1695, %add3A_1819 : vector<16xf32>
    %mul3A_1895 = arith.constant 2.500000e+00 : f32
    %mul3A_1896 = vector.broadcast %mul3A_1895 : f32 to vector<16xf32>
    %mul3A_1897 = arith.mulf %mul3A_1896, %div3A_1894 : vector<16xf32>
    %swap3A_1898 = arith.constant 9 : i32
    %swap3A_1899 = arith.index_cast %swap3A_1898 : i32 to index
    %swap3A_1900 = arith.constant 16 : index
    %swap3A_1901 = tpu.vector_load %arg6[%swap3A_1899, %swap3A_1900] {strides = array<i32>} : memref<12x64xf32, #tpu.memory_space<vmem>>, vector<1x16xf32>,
    %swap3A_1902 = vector.shape_cast %swap3A_1901 : vector<1x16xf32> to vector<16xf32>
    %swap3A_1903 = vector.shape_cast %mul3A_1897 : vector<16xf32> to vector<1x16xf32>
    tpu.vector_store %arg6[%swap3A_1899, %swap3A_1900], %swap3A_1903 {strides = array<i32>} : memref<12x64xf32, #tpu.memory_space<vmem>>, vector<1x16xf32>,
    %div3A_1904 = arith.divf %select_n3A_1752, %add3A_1819 : vector<16xf32>
    %mul3A_1905 = arith.constant 2.500000e+00 : f32
    %mul3A_1906 = vector.broadcast %mul3A_1905 : f32 to vector<16xf32>
    %mul3A_1907 = arith.mulf %mul3A_1906, %div3A_1904 : vector<16xf32>
    %swap3A_1908 = arith.constant 10 : i32
    %swap3A_1909 = arith.index_cast %swap3A_1908 : i32 to index
    %swap3A_1910 = arith.constant 16 : index
    %swap3A_1911 = tpu.vector_load %arg6[%swap3A_1909, %swap3A_1910] {strides = array<i32>} : memref<12x64xf32, #tpu.memory_space<vmem>>, vector<1x16xf32>,
    %swap3A_1912 = vector.shape_cast %swap3A_1911 : vector<1x16xf32> to vector<16xf32>
    %swap3A_1913 = vector.shape_cast %mul3A_1907 : vector<16xf32> to vector<1x16xf32>
    tpu.vector_store %arg6[%swap3A_1909, %swap3A_1910], %swap3A_1913 {strides = array<i32>} : memref<12x64xf32, #tpu.memory_space<vmem>>, vector<1x16xf32>,
    %div3A_1914 = arith.divf %select_n3A_1809, %add3A_1819 : vector<16xf32>
    %mul3A_1915 = arith.constant 2.500000e+00 : f32
    %mul3A_1916 = vector.broadcast %mul3A_1915 : f32 to vector<16xf32>
    %mul3A_1917 = arith.mulf %mul3A_1916, %div3A_1914 : vector<16xf32>
    %swap3A_1918 = arith.constant 11 : i32
    %swap3A_1919 = arith.index_cast %swap3A_1918 : i32 to index
    %swap3A_1920 = arith.constant 16 : index
    %swap3A_1921 = tpu.vector_load %arg6[%swap3A_1919, %swap3A_1920] {strides = array<i32>} : memref<12x64xf32, #tpu.memory_space<vmem>>, vector<1x16xf32>,
    %swap3A_1922 = vector.shape_cast %swap3A_1921 : vector<1x16xf32> to vector<16xf32>
    %swap3A_1923 = vector.shape_cast %mul3A_1917 : vector<16xf32> to vector<1x16xf32>
    tpu.vector_store %arg6[%swap3A_1919, %swap3A_1920], %swap3A_1923 {strides = array<i32>} : memref<12x64xf32, #tpu.memory_space<vmem>>, vector<1x16xf32>,
    %get3A_1924 = arith.constant 0 : i32
    %get3A_1925 = arith.index_cast %get3A_1924 : i32 to index
    %get3A_1926 = arith.constant 32 : index
    %get3A_1927 = tpu.vector_load %arg5[%get3A_1925, %get3A_1926] {strides = array<i32>} : memref<8x64xf32, #tpu.memory_space<vmem>>, vector<1x16xf32>,
    %get3A_1928 = vector.shape_cast %get3A_1927 : vector<1x16xf32> to vector<16xf32>
    %neg3A_1929 = arith.constant 0.000000e+00 : f32
    %neg3A_1930 = vector.broadcast %neg3A_1929 : f32 to vector<16xf32>
    %neg3A_1931 = arith.subf %neg3A_1930, %get3A_1928 : vector<16xf32>
    %exp3A_1932 = math.exp %neg3A_1931 : vector<16xf32>
    %add3A_1933 = arith.constant 1.000000e+00 : f32
    %add3A_1934 = vector.broadcast %add3A_1933 : f32 to vector<16xf32>
    %add3A_1935 = arith.addf %add3A_1934, %exp3A_1932 : vector<16xf32>
    %div3A_1936 = arith.constant 1.000000e+00 : f32
    %div3A_1937 = vector.broadcast %div3A_1936 : f32 to vector<16xf32>
    %div3A_1938 = arith.divf %div3A_1937, %add3A_1935 : vector<16xf32>
    %get3A_1939 = arith.constant 1 : i32
    %get3A_1940 = arith.index_cast %get3A_1939 : i32 to index
    %get3A_1941 = arith.constant 32 : index
    %get3A_1942 = tpu.vector_load %arg5[%get3A_1940, %get3A_1941] {strides = array<i32>} : memref<8x64xf32, #tpu.memory_space<vmem>>, vector<1x16xf32>,
    %get3A_1943 = vector.shape_cast %get3A_1942 : vector<1x16xf32> to vector<16xf32>
    %neg3A_1944 = arith.constant 0.000000e+00 : f32
    %neg3A_1945 = vector.broadcast %neg3A_1944 : f32 to vector<16xf32>
    %neg3A_1946 = arith.subf %neg3A_1945, %get3A_1943 : vector<16xf32>
    %exp3A_1947 = math.exp %neg3A_1946 : vector<16xf32>
    %add3A_1948 = arith.constant 1.000000e+00 : f32
    %add3A_1949 = vector.broadcast %add3A_1948 : f32 to vector<16xf32>
    %add3A_1950 = arith.addf %add3A_1949, %exp3A_1947 : vector<16xf32>
    %div3A_1951 = arith.constant 1.000000e+00 : f32
    %div3A_1952 = vector.broadcast %div3A_1951 : f32 to vector<16xf32>
    %div3A_1953 = arith.divf %div3A_1952, %add3A_1950 : vector<16xf32>
    %get3A_1954 = arith.constant 2 : i32
    %get3A_1955 = arith.index_cast %get3A_1954 : i32 to index
    %get3A_1956 = arith.constant 32 : index
    %get3A_1957 = tpu.vector_load %arg5[%get3A_1955, %get3A_1956] {strides = array<i32>} : memref<8x64xf32, #tpu.memory_space<vmem>>, vector<1x16xf32>,
    %get3A_1958 = vector.shape_cast %get3A_1957 : vector<1x16xf32> to vector<16xf32>
    %neg3A_1959 = arith.constant 0.000000e+00 : f32
    %neg3A_1960 = vector.broadcast %neg3A_1959 : f32 to vector<16xf32>
    %neg3A_1961 = arith.subf %neg3A_1960, %get3A_1958 : vector<16xf32>
    %exp3A_1962 = math.exp %neg3A_1961 : vector<16xf32>
    %add3A_1963 = arith.constant 1.000000e+00 : f32
    %add3A_1964 = vector.broadcast %add3A_1963 : f32 to vector<16xf32>
    %add3A_1965 = arith.addf %add3A_1964, %exp3A_1962 : vector<16xf32>
    %div3A_1966 = arith.constant 1.000000e+00 : f32
    %div3A_1967 = vector.broadcast %div3A_1966 : f32 to vector<16xf32>
    %div3A_1968 = arith.divf %div3A_1967, %add3A_1965 : vector<16xf32>
    %get3A_1969 = arith.constant 3 : i32
    %get3A_1970 = arith.index_cast %get3A_1969 : i32 to index
    %get3A_1971 = arith.constant 32 : index
    %get3A_1972 = tpu.vector_load %arg5[%get3A_1970, %get3A_1971] {strides = array<i32>} : memref<8x64xf32, #tpu.memory_space<vmem>>, vector<1x16xf32>,
    %get3A_1973 = vector.shape_cast %get3A_1972 : vector<1x16xf32> to vector<16xf32>
    %neg3A_1974 = arith.constant 0.000000e+00 : f32
    %neg3A_1975 = vector.broadcast %neg3A_1974 : f32 to vector<16xf32>
    %neg3A_1976 = arith.subf %neg3A_1975, %get3A_1973 : vector<16xf32>
    %exp3A_1977 = math.exp %neg3A_1976 : vector<16xf32>
    %add3A_1978 = arith.constant 1.000000e+00 : f32
    %add3A_1979 = vector.broadcast %add3A_1978 : f32 to vector<16xf32>
    %add3A_1980 = arith.addf %add3A_1979, %exp3A_1977 : vector<16xf32>
    %div3A_1981 = arith.constant 1.000000e+00 : f32
    %div3A_1982 = vector.broadcast %div3A_1981 : f32 to vector<16xf32>
    %div3A_1983 = arith.divf %div3A_1982, %add3A_1980 : vector<16xf32>
    %get3A_1984 = arith.constant 4 : i32
    %get3A_1985 = arith.index_cast %get3A_1984 : i32 to index
    %get3A_1986 = arith.constant 32 : index
    %get3A_1987 = tpu.vector_load %arg5[%get3A_1985, %get3A_1986] {strides = array<i32>} : memref<8x64xf32, #tpu.memory_space<vmem>>, vector<1x16xf32>,
    %get3A_1988 = vector.shape_cast %get3A_1987 : vector<1x16xf32> to vector<16xf32>
    %neg3A_1989 = arith.constant 0.000000e+00 : f32
    %neg3A_1990 = vector.broadcast %neg3A_1989 : f32 to vector<16xf32>
    %neg3A_1991 = arith.subf %neg3A_1990, %get3A_1988 : vector<16xf32>
    %exp3A_1992 = math.exp %neg3A_1991 : vector<16xf32>
    %add3A_1993 = arith.constant 1.000000e+00 : f32
    %add3A_1994 = vector.broadcast %add3A_1993 : f32 to vector<16xf32>
    %add3A_1995 = arith.addf %add3A_1994, %exp3A_1992 : vector<16xf32>
    %div3A_1996 = arith.constant 1.000000e+00 : f32
    %div3A_1997 = vector.broadcast %div3A_1996 : f32 to vector<16xf32>
    %div3A_1998 = arith.divf %div3A_1997, %add3A_1995 : vector<16xf32>
    %get3A_1999 = arith.constant 5 : i32
    %get3A_2000 = arith.index_cast %get3A_1999 : i32 to index
    %get3A_2001 = arith.constant 32 : index
    %get3A_2002 = tpu.vector_load %arg5[%get3A_2000, %get3A_2001] {strides = array<i32>} : memref<8x64xf32, #tpu.memory_space<vmem>>, vector<1x16xf32>,
    %get3A_2003 = vector.shape_cast %get3A_2002 : vector<1x16xf32> to vector<16xf32>
    %neg3A_2004 = arith.constant 0.000000e+00 : f32
    %neg3A_2005 = vector.broadcast %neg3A_2004 : f32 to vector<16xf32>
    %neg3A_2006 = arith.subf %neg3A_2005, %get3A_2003 : vector<16xf32>
    %exp3A_2007 = math.exp %neg3A_2006 : vector<16xf32>
    %add3A_2008 = arith.constant 1.000000e+00 : f32
    %add3A_2009 = vector.broadcast %add3A_2008 : f32 to vector<16xf32>
    %add3A_2010 = arith.addf %add3A_2009, %exp3A_2007 : vector<16xf32>
    %div3A_2011 = arith.constant 1.000000e+00 : f32
    %div3A_2012 = vector.broadcast %div3A_2011 : f32 to vector<16xf32>
    %div3A_2013 = arith.divf %div3A_2012, %add3A_2010 : vector<16xf32>
    %get3A_2014 = arith.constant 6 : i32
    %get3A_2015 = arith.index_cast %get3A_2014 : i32 to index
    %get3A_2016 = arith.constant 32 : index
    %get3A_2017 = tpu.vector_load %arg5[%get3A_2015, %get3A_2016] {strides = array<i32>} : memref<8x64xf32, #tpu.memory_space<vmem>>, vector<1x16xf32>,
    %get3A_2018 = vector.shape_cast %get3A_2017 : vector<1x16xf32> to vector<16xf32>
    %neg3A_2019 = arith.constant 0.000000e+00 : f32
    %neg3A_2020 = vector.broadcast %neg3A_2019 : f32 to vector<16xf32>
    %neg3A_2021 = arith.subf %neg3A_2020, %get3A_2018 : vector<16xf32>
    %exp3A_2022 = math.exp %neg3A_2021 : vector<16xf32>
    %add3A_2023 = arith.constant 1.000000e+00 : f32
    %add3A_2024 = vector.broadcast %add3A_2023 : f32 to vector<16xf32>
    %add3A_2025 = arith.addf %add3A_2024, %exp3A_2022 : vector<16xf32>
    %div3A_2026 = arith.constant 1.000000e+00 : f32
    %div3A_2027 = vector.broadcast %div3A_2026 : f32 to vector<16xf32>
    %div3A_2028 = arith.divf %div3A_2027, %add3A_2025 : vector<16xf32>
    %get3A_2029 = arith.constant 7 : i32
    %get3A_2030 = arith.index_cast %get3A_2029 : i32 to index
    %get3A_2031 = arith.constant 32 : index
    %get3A_2032 = tpu.vector_load %arg5[%get3A_2030, %get3A_2031] {strides = array<i32>} : memref<8x64xf32, #tpu.memory_space<vmem>>, vector<1x16xf32>,
    %get3A_2033 = vector.shape_cast %get3A_2032 : vector<1x16xf32> to vector<16xf32>
    %neg3A_2034 = arith.constant 0.000000e+00 : f32
    %neg3A_2035 = vector.broadcast %neg3A_2034 : f32 to vector<16xf32>
    %neg3A_2036 = arith.subf %neg3A_2035, %get3A_2033 : vector<16xf32>
    %exp3A_2037 = math.exp %neg3A_2036 : vector<16xf32>
    %add3A_2038 = arith.constant 1.000000e+00 : f32
    %add3A_2039 = vector.broadcast %add3A_2038 : f32 to vector<16xf32>
    %add3A_2040 = arith.addf %add3A_2039, %exp3A_2037 : vector<16xf32>
    %div3A_2041 = arith.constant 1.000000e+00 : f32
    %div3A_2042 = vector.broadcast %div3A_2041 : f32 to vector<16xf32>
    %div3A_2043 = arith.divf %div3A_2042, %add3A_2040 : vector<16xf32>
    %get3A_2044 = arith.constant 0 : i32
    %get3A_2045 = arith.index_cast %get3A_2044 : i32 to index
    %get3A_2046 = arith.constant 0 : index
    %get3A_2047 = tpu.vector_load %arg7[%get3A_2045, %get3A_2046] {strides = array<i32>} : memref<8x16xf32, #tpu.memory_space<vmem>>, vector<1x16xf32>,
    %get3A_2048 = vector.shape_cast %get3A_2047 : vector<1x16xf32> to vector<16xf32>
    %add3A_2049 = arith.addf %div3A_1938, %get3A_2048 : vector<16xf32>
    %get3A_2050 = arith.constant 1 : i32
    %get3A_2051 = arith.index_cast %get3A_2050 : i32 to index
    %get3A_2052 = arith.constant 0 : index
    %get3A_2053 = tpu.vector_load %arg7[%get3A_2051, %get3A_2052] {strides = array<i32>} : memref<8x16xf32, #tpu.memory_space<vmem>>, vector<1x16xf32>,
    %get3A_2054 = vector.shape_cast %get3A_2053 : vector<1x16xf32> to vector<16xf32>
    %add3A_2055 = arith.addf %div3A_1953, %get3A_2054 : vector<16xf32>
    %get3A_2056 = arith.constant 2 : i32
    %get3A_2057 = arith.index_cast %get3A_2056 : i32 to index
    %get3A_2058 = arith.constant 0 : index
    %get3A_2059 = tpu.vector_load %arg7[%get3A_2057, %get3A_2058] {strides = array<i32>} : memref<8x16xf32, #tpu.memory_space<vmem>>, vector<1x16xf32>,
    %get3A_2060 = vector.shape_cast %get3A_2059 : vector<1x16xf32> to vector<16xf32>
    %add3A_2061 = arith.addf %div3A_1968, %get3A_2060 : vector<16xf32>
    %get3A_2062 = arith.constant 3 : i32
    %get3A_2063 = arith.index_cast %get3A_2062 : i32 to index
    %get3A_2064 = arith.constant 0 : index
    %get3A_2065 = tpu.vector_load %arg7[%get3A_2063, %get3A_2064] {strides = array<i32>} : memref<8x16xf32, #tpu.memory_space<vmem>>, vector<1x16xf32>,
    %get3A_2066 = vector.shape_cast %get3A_2065 : vector<1x16xf32> to vector<16xf32>
    %add3A_2067 = arith.addf %div3A_1983, %get3A_2066 : vector<16xf32>
    %get3A_2068 = arith.constant 4 : i32
    %get3A_2069 = arith.index_cast %get3A_2068 : i32 to index
    %get3A_2070 = arith.constant 0 : index
    %get3A_2071 = tpu.vector_load %arg7[%get3A_2069, %get3A_2070] {strides = array<i32>} : memref<8x16xf32, #tpu.memory_space<vmem>>, vector<1x16xf32>,
    %get3A_2072 = vector.shape_cast %get3A_2071 : vector<1x16xf32> to vector<16xf32>
    %add3A_2073 = arith.addf %div3A_1998, %get3A_2072 : vector<16xf32>
    %get3A_2074 = arith.constant 5 : i32
    %get3A_2075 = arith.index_cast %get3A_2074 : i32 to index
    %get3A_2076 = arith.constant 0 : index
    %get3A_2077 = tpu.vector_load %arg7[%get3A_2075, %get3A_2076] {strides = array<i32>} : memref<8x16xf32, #tpu.memory_space<vmem>>, vector<1x16xf32>,
    %get3A_2078 = vector.shape_cast %get3A_2077 : vector<1x16xf32> to vector<16xf32>
    %add3A_2079 = arith.addf %div3A_2013, %get3A_2078 : vector<16xf32>
    %get3A_2080 = arith.constant 6 : i32
    %get3A_2081 = arith.index_cast %get3A_2080 : i32 to index
    %get3A_2082 = arith.constant 0 : index
    %get3A_2083 = tpu.vector_load %arg7[%get3A_2081, %get3A_2082] {strides = array<i32>} : memref<8x16xf32, #tpu.memory_space<vmem>>, vector<1x16xf32>,
    %get3A_2084 = vector.shape_cast %get3A_2083 : vector<1x16xf32> to vector<16xf32>
    %add3A_2085 = arith.addf %div3A_2028, %get3A_2084 : vector<16xf32>
    %get3A_2086 = arith.constant 7 : i32
    %get3A_2087 = arith.index_cast %get3A_2086 : i32 to index
    %get3A_2088 = arith.constant 0 : index
    %get3A_2089 = tpu.vector_load %arg7[%get3A_2087, %get3A_2088] {strides = array<i32>} : memref<8x16xf32, #tpu.memory_space<vmem>>, vector<1x16xf32>,
    %get3A_2090 = vector.shape_cast %get3A_2089 : vector<1x16xf32> to vector<16xf32>
    %add3A_2091 = arith.addf %div3A_2043, %get3A_2090 : vector<16xf32>
    %add3A_2092 = arith.addf %add3A_2049, %add3A_2055 : vector<16xf32>
    %add3A_2093 = arith.addf %add3A_2061, %add3A_2067 : vector<16xf32>
    %add3A_2094 = arith.addf %add3A_2073, %add3A_2079 : vector<16xf32>
    %add3A_2095 = arith.addf %add3A_2085, %add3A_2091 : vector<16xf32>
    %broadcast_in_dim3A_2096 = arith.constant 0.000000e+00 : f32
    %broadcast_in_dim3A_2097 = vector.broadcast %broadcast_in_dim3A_2096 : f32 to vector<16xf32>
    %gt3A_2098 = arith.cmpf ogt, %add3A_2093, %add3A_2092 : vector<16xf32>
    %jit3A_2099 = arith.constant 1.000000e+00 : f32
    %jit3A_2100 = arith.constant 0.000000e+00 : f32
    %broadcast_in_dim3A_2101 = vector.broadcast %jit3A_2099 : f32 to vector<16xf32>
    %broadcast_in_dim3A_2102 = vector.broadcast %jit3A_2100 : f32 to vector<16xf32>
    %select_n3A_2103 = arith.select %gt3A_2098, %broadcast_in_dim3A_2101, %broadcast_in_dim3A_2102 : vector<16xi1>, vector<16xf32>
    %add3A_2104 = arith.addf %broadcast_in_dim3A_2097, %select_n3A_2103 : vector<16xf32>
    %gt3A_2105 = arith.cmpf ogt, %add3A_2094, %add3A_2092 : vector<16xf32>
    %jit3A_2106 = arith.constant 1.000000e+00 : f32
    %jit3A_2107 = arith.constant 0.000000e+00 : f32
    %broadcast_in_dim3A_2108 = vector.broadcast %jit3A_2106 : f32 to vector<16xf32>
    %broadcast_in_dim3A_2109 = vector.broadcast %jit3A_2107 : f32 to vector<16xf32>
    %select_n3A_2110 = arith.select %gt3A_2105, %broadcast_in_dim3A_2108, %broadcast_in_dim3A_2109 : vector<16xi1>, vector<16xf32>
    %add3A_2111 = arith.addf %add3A_2104, %select_n3A_2110 : vector<16xf32>
    %gt3A_2112 = arith.cmpf ogt, %add3A_2095, %add3A_2092 : vector<16xf32>
    %jit3A_2113 = arith.constant 1.000000e+00 : f32
    %jit3A_2114 = arith.constant 0.000000e+00 : f32
    %broadcast_in_dim3A_2115 = vector.broadcast %jit3A_2113 : f32 to vector<16xf32>
    %broadcast_in_dim3A_2116 = vector.broadcast %jit3A_2114 : f32 to vector<16xf32>
    %select_n3A_2117 = arith.select %gt3A_2112, %broadcast_in_dim3A_2115, %broadcast_in_dim3A_2116 : vector<16xi1>, vector<16xf32>
    %add3A_2118 = arith.addf %add3A_2111, %select_n3A_2117 : vector<16xf32>
    %lt3A_2119 = arith.constant 2.000000e+00 : f32
    %lt3A_2120 = vector.broadcast %lt3A_2119 : f32 to vector<16xf32>
    %lt3A_2121 = arith.cmpf olt, %add3A_2118, %lt3A_2120 : vector<16xf32>
    %broadcast_in_dim3A_2122 = arith.constant 0.000000e+00 : f32
    %broadcast_in_dim3A_2123 = vector.broadcast %broadcast_in_dim3A_2122 : f32 to vector<16xf32>
    %ge3A_2124 = arith.cmpf oge, %add3A_2092, %add3A_2093 : vector<16xf32>
    %jit3A_2125 = arith.constant 1.000000e+00 : f32
    %jit3A_2126 = arith.constant 0.000000e+00 : f32
    %broadcast_in_dim3A_2127 = vector.broadcast %jit3A_2125 : f32 to vector<16xf32>
    %broadcast_in_dim3A_2128 = vector.broadcast %jit3A_2126 : f32 to vector<16xf32>
    %select_n3A_2129 = arith.select %ge3A_2124, %broadcast_in_dim3A_2127, %broadcast_in_dim3A_2128 : vector<16xi1>, vector<16xf32>
    %add3A_2130 = arith.addf %broadcast_in_dim3A_2123, %select_n3A_2129 : vector<16xf32>
    %gt3A_2131 = arith.cmpf ogt, %add3A_2094, %add3A_2093 : vector<16xf32>
    %jit3A_2132 = arith.constant 1.000000e+00 : f32
    %jit3A_2133 = arith.constant 0.000000e+00 : f32
    %broadcast_in_dim3A_2134 = vector.broadcast %jit3A_2132 : f32 to vector<16xf32>
    %broadcast_in_dim3A_2135 = vector.broadcast %jit3A_2133 : f32 to vector<16xf32>
    %select_n3A_2136 = arith.select %gt3A_2131, %broadcast_in_dim3A_2134, %broadcast_in_dim3A_2135 : vector<16xi1>, vector<16xf32>
    %add3A_2137 = arith.addf %add3A_2130, %select_n3A_2136 : vector<16xf32>
    %gt3A_2138 = arith.cmpf ogt, %add3A_2095, %add3A_2093 : vector<16xf32>
    %jit3A_2139 = arith.constant 1.000000e+00 : f32
    %jit3A_2140 = arith.constant 0.000000e+00 : f32
    %broadcast_in_dim3A_2141 = vector.broadcast %jit3A_2139 : f32 to vector<16xf32>
    %broadcast_in_dim3A_2142 = vector.broadcast %jit3A_2140 : f32 to vector<16xf32>
    %select_n3A_2143 = arith.select %gt3A_2138, %broadcast_in_dim3A_2141, %broadcast_in_dim3A_2142 : vector<16xi1>, vector<16xf32>
    %add3A_2144 = arith.addf %add3A_2137, %select_n3A_2143 : vector<16xf32>
    %lt3A_2145 = arith.constant 2.000000e+00 : f32
    %lt3A_2146 = vector.broadcast %lt3A_2145 : f32 to vector<16xf32>
    %lt3A_2147 = arith.cmpf olt, %add3A_2144, %lt3A_2146 : vector<16xf32>
    %broadcast_in_dim3A_2148 = arith.constant 0.000000e+00 : f32
    %broadcast_in_dim3A_2149 = vector.broadcast %broadcast_in_dim3A_2148 : f32 to vector<16xf32>
    %ge3A_2150 = arith.cmpf oge, %add3A_2092, %add3A_2094 : vector<16xf32>
    %jit3A_2151 = arith.constant 1.000000e+00 : f32
    %jit3A_2152 = arith.constant 0.000000e+00 : f32
    %broadcast_in_dim3A_2153 = vector.broadcast %jit3A_2151 : f32 to vector<16xf32>
    %broadcast_in_dim3A_2154 = vector.broadcast %jit3A_2152 : f32 to vector<16xf32>
    %select_n3A_2155 = arith.select %ge3A_2150, %broadcast_in_dim3A_2153, %broadcast_in_dim3A_2154 : vector<16xi1>, vector<16xf32>
    %add3A_2156 = arith.addf %broadcast_in_dim3A_2149, %select_n3A_2155 : vector<16xf32>
    %ge3A_2157 = arith.cmpf oge, %add3A_2093, %add3A_2094 : vector<16xf32>
    %jit3A_2158 = arith.constant 1.000000e+00 : f32
    %jit3A_2159 = arith.constant 0.000000e+00 : f32
    %broadcast_in_dim3A_2160 = vector.broadcast %jit3A_2158 : f32 to vector<16xf32>
    %broadcast_in_dim3A_2161 = vector.broadcast %jit3A_2159 : f32 to vector<16xf32>
    %select_n3A_2162 = arith.select %ge3A_2157, %broadcast_in_dim3A_2160, %broadcast_in_dim3A_2161 : vector<16xi1>, vector<16xf32>
    %add3A_2163 = arith.addf %add3A_2156, %select_n3A_2162 : vector<16xf32>
    %gt3A_2164 = arith.cmpf ogt, %add3A_2095, %add3A_2094 : vector<16xf32>
    %jit3A_2165 = arith.constant 1.000000e+00 : f32
    %jit3A_2166 = arith.constant 0.000000e+00 : f32
    %broadcast_in_dim3A_2167 = vector.broadcast %jit3A_2165 : f32 to vector<16xf32>
    %broadcast_in_dim3A_2168 = vector.broadcast %jit3A_2166 : f32 to vector<16xf32>
    %select_n3A_2169 = arith.select %gt3A_2164, %broadcast_in_dim3A_2167, %broadcast_in_dim3A_2168 : vector<16xi1>, vector<16xf32>
    %add3A_2170 = arith.addf %add3A_2163, %select_n3A_2169 : vector<16xf32>
    %lt3A_2171 = arith.constant 2.000000e+00 : f32
    %lt3A_2172 = vector.broadcast %lt3A_2171 : f32 to vector<16xf32>
    %lt3A_2173 = arith.cmpf olt, %add3A_2170, %lt3A_2172 : vector<16xf32>
    %broadcast_in_dim3A_2174 = arith.constant 0.000000e+00 : f32
    %broadcast_in_dim3A_2175 = vector.broadcast %broadcast_in_dim3A_2174 : f32 to vector<16xf32>
    %ge3A_2176 = arith.cmpf oge, %add3A_2092, %add3A_2095 : vector<16xf32>
    %jit3A_2177 = arith.constant 1.000000e+00 : f32
    %jit3A_2178 = arith.constant 0.000000e+00 : f32
    %broadcast_in_dim3A_2179 = vector.broadcast %jit3A_2177 : f32 to vector<16xf32>
    %broadcast_in_dim3A_2180 = vector.broadcast %jit3A_2178 : f32 to vector<16xf32>
    %select_n3A_2181 = arith.select %ge3A_2176, %broadcast_in_dim3A_2179, %broadcast_in_dim3A_2180 : vector<16xi1>, vector<16xf32>
    %add3A_2182 = arith.addf %broadcast_in_dim3A_2175, %select_n3A_2181 : vector<16xf32>
    %ge3A_2183 = arith.cmpf oge, %add3A_2093, %add3A_2095 : vector<16xf32>
    %jit3A_2184 = arith.constant 1.000000e+00 : f32
    %jit3A_2185 = arith.constant 0.000000e+00 : f32
    %broadcast_in_dim3A_2186 = vector.broadcast %jit3A_2184 : f32 to vector<16xf32>
    %broadcast_in_dim3A_2187 = vector.broadcast %jit3A_2185 : f32 to vector<16xf32>
    %select_n3A_2188 = arith.select %ge3A_2183, %broadcast_in_dim3A_2186, %broadcast_in_dim3A_2187 : vector<16xi1>, vector<16xf32>
    %add3A_2189 = arith.addf %add3A_2182, %select_n3A_2188 : vector<16xf32>
    %ge3A_2190 = arith.cmpf oge, %add3A_2094, %add3A_2095 : vector<16xf32>
    %jit3A_2191 = arith.constant 1.000000e+00 : f32
    %jit3A_2192 = arith.constant 0.000000e+00 : f32
    %broadcast_in_dim3A_2193 = vector.broadcast %jit3A_2191 : f32 to vector<16xf32>
    %broadcast_in_dim3A_2194 = vector.broadcast %jit3A_2192 : f32 to vector<16xf32>
    %select_n3A_2195 = arith.select %ge3A_2190, %broadcast_in_dim3A_2193, %broadcast_in_dim3A_2194 : vector<16xi1>, vector<16xf32>
    %add3A_2196 = arith.addf %add3A_2189, %select_n3A_2195 : vector<16xf32>
    %lt3A_2197 = arith.constant 2.000000e+00 : f32
    %lt3A_2198 = vector.broadcast %lt3A_2197 : f32 to vector<16xf32>
    %lt3A_2199 = arith.cmpf olt, %add3A_2196, %lt3A_2198 : vector<16xf32>
    %jit3A_2200 = arith.constant -1.000000e+30 : f32
    %broadcast_in_dim3A_2201 = vector.broadcast %jit3A_2200 : f32 to vector<16xf32>
    %select_n3A_2202 = arith.select %lt3A_2121, %add3A_2049, %broadcast_in_dim3A_2201 : vector<16xi1>, vector<16xf32>
    %jit3A_2203 = arith.constant -1.000000e+30 : f32
    %broadcast_in_dim3A_2204 = vector.broadcast %jit3A_2203 : f32 to vector<16xf32>
    %select_n3A_2205 = arith.select %lt3A_2121, %add3A_2055, %broadcast_in_dim3A_2204 : vector<16xi1>, vector<16xf32>
    %jit3A_2206 = arith.constant -1.000000e+30 : f32
    %broadcast_in_dim3A_2207 = vector.broadcast %jit3A_2206 : f32 to vector<16xf32>
    %select_n3A_2208 = arith.select %lt3A_2147, %add3A_2061, %broadcast_in_dim3A_2207 : vector<16xi1>, vector<16xf32>
    %jit3A_2209 = arith.constant -1.000000e+30 : f32
    %broadcast_in_dim3A_2210 = vector.broadcast %jit3A_2209 : f32 to vector<16xf32>
    %select_n3A_2211 = arith.select %lt3A_2147, %add3A_2067, %broadcast_in_dim3A_2210 : vector<16xi1>, vector<16xf32>
    %jit3A_2212 = arith.constant -1.000000e+30 : f32
    %broadcast_in_dim3A_2213 = vector.broadcast %jit3A_2212 : f32 to vector<16xf32>
    %select_n3A_2214 = arith.select %lt3A_2173, %add3A_2073, %broadcast_in_dim3A_2213 : vector<16xi1>, vector<16xf32>
    %jit3A_2215 = arith.constant -1.000000e+30 : f32
    %broadcast_in_dim3A_2216 = vector.broadcast %jit3A_2215 : f32 to vector<16xf32>
    %select_n3A_2217 = arith.select %lt3A_2173, %add3A_2079, %broadcast_in_dim3A_2216 : vector<16xi1>, vector<16xf32>
    %jit3A_2218 = arith.constant -1.000000e+30 : f32
    %broadcast_in_dim3A_2219 = vector.broadcast %jit3A_2218 : f32 to vector<16xf32>
    %select_n3A_2220 = arith.select %lt3A_2199, %add3A_2085, %broadcast_in_dim3A_2219 : vector<16xi1>, vector<16xf32>
    %jit3A_2221 = arith.constant -1.000000e+30 : f32
    %broadcast_in_dim3A_2222 = vector.broadcast %jit3A_2221 : f32 to vector<16xf32>
    %select_n3A_2223 = arith.select %lt3A_2199, %add3A_2091, %broadcast_in_dim3A_2222 : vector<16xi1>, vector<16xf32>
    %broadcast_in_dim3A_2224 = arith.constant 0.000000e+00 : f32
    %broadcast_in_dim3A_2225 = vector.broadcast %broadcast_in_dim3A_2224 : f32 to vector<16xf32>
    %gt3A_2226 = arith.cmpf ogt, %select_n3A_2205, %select_n3A_2202 : vector<16xf32>
    %jit3A_2227 = arith.constant 1.000000e+00 : f32
    %jit3A_2228 = arith.constant 0.000000e+00 : f32
    %broadcast_in_dim3A_2229 = vector.broadcast %jit3A_2227 : f32 to vector<16xf32>
    %broadcast_in_dim3A_2230 = vector.broadcast %jit3A_2228 : f32 to vector<16xf32>
    %select_n3A_2231 = arith.select %gt3A_2226, %broadcast_in_dim3A_2229, %broadcast_in_dim3A_2230 : vector<16xi1>, vector<16xf32>
    %add3A_2232 = arith.addf %broadcast_in_dim3A_2225, %select_n3A_2231 : vector<16xf32>
    %gt3A_2233 = arith.cmpf ogt, %select_n3A_2208, %select_n3A_2202 : vector<16xf32>
    %jit3A_2234 = arith.constant 1.000000e+00 : f32
    %jit3A_2235 = arith.constant 0.000000e+00 : f32
    %broadcast_in_dim3A_2236 = vector.broadcast %jit3A_2234 : f32 to vector<16xf32>
    %broadcast_in_dim3A_2237 = vector.broadcast %jit3A_2235 : f32 to vector<16xf32>
    %select_n3A_2238 = arith.select %gt3A_2233, %broadcast_in_dim3A_2236, %broadcast_in_dim3A_2237 : vector<16xi1>, vector<16xf32>
    %add3A_2239 = arith.addf %add3A_2232, %select_n3A_2238 : vector<16xf32>
    %gt3A_2240 = arith.cmpf ogt, %select_n3A_2211, %select_n3A_2202 : vector<16xf32>
    %jit3A_2241 = arith.constant 1.000000e+00 : f32
    %jit3A_2242 = arith.constant 0.000000e+00 : f32
    %broadcast_in_dim3A_2243 = vector.broadcast %jit3A_2241 : f32 to vector<16xf32>
    %broadcast_in_dim3A_2244 = vector.broadcast %jit3A_2242 : f32 to vector<16xf32>
    %select_n3A_2245 = arith.select %gt3A_2240, %broadcast_in_dim3A_2243, %broadcast_in_dim3A_2244 : vector<16xi1>, vector<16xf32>
    %add3A_2246 = arith.addf %add3A_2239, %select_n3A_2245 : vector<16xf32>
    %gt3A_2247 = arith.cmpf ogt, %select_n3A_2214, %select_n3A_2202 : vector<16xf32>
    %jit3A_2248 = arith.constant 1.000000e+00 : f32
    %jit3A_2249 = arith.constant 0.000000e+00 : f32
    %broadcast_in_dim3A_2250 = vector.broadcast %jit3A_2248 : f32 to vector<16xf32>
    %broadcast_in_dim3A_2251 = vector.broadcast %jit3A_2249 : f32 to vector<16xf32>
    %select_n3A_2252 = arith.select %gt3A_2247, %broadcast_in_dim3A_2250, %broadcast_in_dim3A_2251 : vector<16xi1>, vector<16xf32>
    %add3A_2253 = arith.addf %add3A_2246, %select_n3A_2252 : vector<16xf32>
    %gt3A_2254 = arith.cmpf ogt, %select_n3A_2217, %select_n3A_2202 : vector<16xf32>
    %jit3A_2255 = arith.constant 1.000000e+00 : f32
    %jit3A_2256 = arith.constant 0.000000e+00 : f32
    %broadcast_in_dim3A_2257 = vector.broadcast %jit3A_2255 : f32 to vector<16xf32>
    %broadcast_in_dim3A_2258 = vector.broadcast %jit3A_2256 : f32 to vector<16xf32>
    %select_n3A_2259 = arith.select %gt3A_2254, %broadcast_in_dim3A_2257, %broadcast_in_dim3A_2258 : vector<16xi1>, vector<16xf32>
    %add3A_2260 = arith.addf %add3A_2253, %select_n3A_2259 : vector<16xf32>
    %gt3A_2261 = arith.cmpf ogt, %select_n3A_2220, %select_n3A_2202 : vector<16xf32>
    %jit3A_2262 = arith.constant 1.000000e+00 : f32
    %jit3A_2263 = arith.constant 0.000000e+00 : f32
    %broadcast_in_dim3A_2264 = vector.broadcast %jit3A_2262 : f32 to vector<16xf32>
    %broadcast_in_dim3A_2265 = vector.broadcast %jit3A_2263 : f32 to vector<16xf32>
    %select_n3A_2266 = arith.select %gt3A_2261, %broadcast_in_dim3A_2264, %broadcast_in_dim3A_2265 : vector<16xi1>, vector<16xf32>
    %add3A_2267 = arith.addf %add3A_2260, %select_n3A_2266 : vector<16xf32>
    %gt3A_2268 = arith.cmpf ogt, %select_n3A_2223, %select_n3A_2202 : vector<16xf32>
    %jit3A_2269 = arith.constant 1.000000e+00 : f32
    %jit3A_2270 = arith.constant 0.000000e+00 : f32
    %broadcast_in_dim3A_2271 = vector.broadcast %jit3A_2269 : f32 to vector<16xf32>
    %broadcast_in_dim3A_2272 = vector.broadcast %jit3A_2270 : f32 to vector<16xf32>
    %select_n3A_2273 = arith.select %gt3A_2268, %broadcast_in_dim3A_2271, %broadcast_in_dim3A_2272 : vector<16xi1>, vector<16xf32>
    %add3A_2274 = arith.addf %add3A_2267, %select_n3A_2273 : vector<16xf32>
    %lt3A_2275 = arith.constant 2.000000e+00 : f32
    %lt3A_2276 = vector.broadcast %lt3A_2275 : f32 to vector<16xf32>
    %lt3A_2277 = arith.cmpf olt, %add3A_2274, %lt3A_2276 : vector<16xf32>
    %jit3A_2278 = arith.constant 0.000000e+00 : f32
    %broadcast_in_dim3A_2279 = vector.broadcast %jit3A_2278 : f32 to vector<16xf32>
    %select_n3A_2280 = arith.select %lt3A_2277, %div3A_1938, %broadcast_in_dim3A_2279 : vector<16xi1>, vector<16xf32>
    %broadcast_in_dim3A_2281 = arith.constant 0.000000e+00 : f32
    %broadcast_in_dim3A_2282 = vector.broadcast %broadcast_in_dim3A_2281 : f32 to vector<16xf32>
    %ge3A_2283 = arith.cmpf oge, %select_n3A_2202, %select_n3A_2205 : vector<16xf32>
    %jit3A_2284 = arith.constant 1.000000e+00 : f32
    %jit3A_2285 = arith.constant 0.000000e+00 : f32
    %broadcast_in_dim3A_2286 = vector.broadcast %jit3A_2284 : f32 to vector<16xf32>
    %broadcast_in_dim3A_2287 = vector.broadcast %jit3A_2285 : f32 to vector<16xf32>
    %select_n3A_2288 = arith.select %ge3A_2283, %broadcast_in_dim3A_2286, %broadcast_in_dim3A_2287 : vector<16xi1>, vector<16xf32>
    %add3A_2289 = arith.addf %broadcast_in_dim3A_2282, %select_n3A_2288 : vector<16xf32>
    %gt3A_2290 = arith.cmpf ogt, %select_n3A_2208, %select_n3A_2205 : vector<16xf32>
    %jit3A_2291 = arith.constant 1.000000e+00 : f32
    %jit3A_2292 = arith.constant 0.000000e+00 : f32
    %broadcast_in_dim3A_2293 = vector.broadcast %jit3A_2291 : f32 to vector<16xf32>
    %broadcast_in_dim3A_2294 = vector.broadcast %jit3A_2292 : f32 to vector<16xf32>
    %select_n3A_2295 = arith.select %gt3A_2290, %broadcast_in_dim3A_2293, %broadcast_in_dim3A_2294 : vector<16xi1>, vector<16xf32>
    %add3A_2296 = arith.addf %add3A_2289, %select_n3A_2295 : vector<16xf32>
    %gt3A_2297 = arith.cmpf ogt, %select_n3A_2211, %select_n3A_2205 : vector<16xf32>
    %jit3A_2298 = arith.constant 1.000000e+00 : f32
    %jit3A_2299 = arith.constant 0.000000e+00 : f32
    %broadcast_in_dim3A_2300 = vector.broadcast %jit3A_2298 : f32 to vector<16xf32>
    %broadcast_in_dim3A_2301 = vector.broadcast %jit3A_2299 : f32 to vector<16xf32>
    %select_n3A_2302 = arith.select %gt3A_2297, %broadcast_in_dim3A_2300, %broadcast_in_dim3A_2301 : vector<16xi1>, vector<16xf32>
    %add3A_2303 = arith.addf %add3A_2296, %select_n3A_2302 : vector<16xf32>
    %gt3A_2304 = arith.cmpf ogt, %select_n3A_2214, %select_n3A_2205 : vector<16xf32>
    %jit3A_2305 = arith.constant 1.000000e+00 : f32
    %jit3A_2306 = arith.constant 0.000000e+00 : f32
    %broadcast_in_dim3A_2307 = vector.broadcast %jit3A_2305 : f32 to vector<16xf32>
    %broadcast_in_dim3A_2308 = vector.broadcast %jit3A_2306 : f32 to vector<16xf32>
    %select_n3A_2309 = arith.select %gt3A_2304, %broadcast_in_dim3A_2307, %broadcast_in_dim3A_2308 : vector<16xi1>, vector<16xf32>
    %add3A_2310 = arith.addf %add3A_2303, %select_n3A_2309 : vector<16xf32>
    %gt3A_2311 = arith.cmpf ogt, %select_n3A_2217, %select_n3A_2205 : vector<16xf32>
    %jit3A_2312 = arith.constant 1.000000e+00 : f32
    %jit3A_2313 = arith.constant 0.000000e+00 : f32
    %broadcast_in_dim3A_2314 = vector.broadcast %jit3A_2312 : f32 to vector<16xf32>
    %broadcast_in_dim3A_2315 = vector.broadcast %jit3A_2313 : f32 to vector<16xf32>
    %select_n3A_2316 = arith.select %gt3A_2311, %broadcast_in_dim3A_2314, %broadcast_in_dim3A_2315 : vector<16xi1>, vector<16xf32>
    %add3A_2317 = arith.addf %add3A_2310, %select_n3A_2316 : vector<16xf32>
    %gt3A_2318 = arith.cmpf ogt, %select_n3A_2220, %select_n3A_2205 : vector<16xf32>
    %jit3A_2319 = arith.constant 1.000000e+00 : f32
    %jit3A_2320 = arith.constant 0.000000e+00 : f32
    %broadcast_in_dim3A_2321 = vector.broadcast %jit3A_2319 : f32 to vector<16xf32>
    %broadcast_in_dim3A_2322 = vector.broadcast %jit3A_2320 : f32 to vector<16xf32>
    %select_n3A_2323 = arith.select %gt3A_2318, %broadcast_in_dim3A_2321, %broadcast_in_dim3A_2322 : vector<16xi1>, vector<16xf32>
    %add3A_2324 = arith.addf %add3A_2317, %select_n3A_2323 : vector<16xf32>
    %gt3A_2325 = arith.cmpf ogt, %select_n3A_2223, %select_n3A_2205 : vector<16xf32>
    %jit3A_2326 = arith.constant 1.000000e+00 : f32
    %jit3A_2327 = arith.constant 0.000000e+00 : f32
    %broadcast_in_dim3A_2328 = vector.broadcast %jit3A_2326 : f32 to vector<16xf32>
    %broadcast_in_dim3A_2329 = vector.broadcast %jit3A_2327 : f32 to vector<16xf32>
    %select_n3A_2330 = arith.select %gt3A_2325, %broadcast_in_dim3A_2328, %broadcast_in_dim3A_2329 : vector<16xi1>, vector<16xf32>
    %add3A_2331 = arith.addf %add3A_2324, %select_n3A_2330 : vector<16xf32>
    %lt3A_2332 = arith.constant 2.000000e+00 : f32
    %lt3A_2333 = vector.broadcast %lt3A_2332 : f32 to vector<16xf32>
    %lt3A_2334 = arith.cmpf olt, %add3A_2331, %lt3A_2333 : vector<16xf32>
    %jit3A_2335 = arith.constant 0.000000e+00 : f32
    %broadcast_in_dim3A_2336 = vector.broadcast %jit3A_2335 : f32 to vector<16xf32>
    %select_n3A_2337 = arith.select %lt3A_2334, %div3A_1953, %broadcast_in_dim3A_2336 : vector<16xi1>, vector<16xf32>
    %broadcast_in_dim3A_2338 = arith.constant 0.000000e+00 : f32
    %broadcast_in_dim3A_2339 = vector.broadcast %broadcast_in_dim3A_2338 : f32 to vector<16xf32>
    %ge3A_2340 = arith.cmpf oge, %select_n3A_2202, %select_n3A_2208 : vector<16xf32>
    %jit3A_2341 = arith.constant 1.000000e+00 : f32
    %jit3A_2342 = arith.constant 0.000000e+00 : f32
    %broadcast_in_dim3A_2343 = vector.broadcast %jit3A_2341 : f32 to vector<16xf32>
    %broadcast_in_dim3A_2344 = vector.broadcast %jit3A_2342 : f32 to vector<16xf32>
    %select_n3A_2345 = arith.select %ge3A_2340, %broadcast_in_dim3A_2343, %broadcast_in_dim3A_2344 : vector<16xi1>, vector<16xf32>
    %add3A_2346 = arith.addf %broadcast_in_dim3A_2339, %select_n3A_2345 : vector<16xf32>
    %ge3A_2347 = arith.cmpf oge, %select_n3A_2205, %select_n3A_2208 : vector<16xf32>
    %jit3A_2348 = arith.constant 1.000000e+00 : f32
    %jit3A_2349 = arith.constant 0.000000e+00 : f32
    %broadcast_in_dim3A_2350 = vector.broadcast %jit3A_2348 : f32 to vector<16xf32>
    %broadcast_in_dim3A_2351 = vector.broadcast %jit3A_2349 : f32 to vector<16xf32>
    %select_n3A_2352 = arith.select %ge3A_2347, %broadcast_in_dim3A_2350, %broadcast_in_dim3A_2351 : vector<16xi1>, vector<16xf32>
    %add3A_2353 = arith.addf %add3A_2346, %select_n3A_2352 : vector<16xf32>
    %gt3A_2354 = arith.cmpf ogt, %select_n3A_2211, %select_n3A_2208 : vector<16xf32>
    %jit3A_2355 = arith.constant 1.000000e+00 : f32
    %jit3A_2356 = arith.constant 0.000000e+00 : f32
    %broadcast_in_dim3A_2357 = vector.broadcast %jit3A_2355 : f32 to vector<16xf32>
    %broadcast_in_dim3A_2358 = vector.broadcast %jit3A_2356 : f32 to vector<16xf32>
    %select_n3A_2359 = arith.select %gt3A_2354, %broadcast_in_dim3A_2357, %broadcast_in_dim3A_2358 : vector<16xi1>, vector<16xf32>
    %add3A_2360 = arith.addf %add3A_2353, %select_n3A_2359 : vector<16xf32>
    %gt3A_2361 = arith.cmpf ogt, %select_n3A_2214, %select_n3A_2208 : vector<16xf32>
    %jit3A_2362 = arith.constant 1.000000e+00 : f32
    %jit3A_2363 = arith.constant 0.000000e+00 : f32
    %broadcast_in_dim3A_2364 = vector.broadcast %jit3A_2362 : f32 to vector<16xf32>
    %broadcast_in_dim3A_2365 = vector.broadcast %jit3A_2363 : f32 to vector<16xf32>
    %select_n3A_2366 = arith.select %gt3A_2361, %broadcast_in_dim3A_2364, %broadcast_in_dim3A_2365 : vector<16xi1>, vector<16xf32>
    %add3A_2367 = arith.addf %add3A_2360, %select_n3A_2366 : vector<16xf32>
    %gt3A_2368 = arith.cmpf ogt, %select_n3A_2217, %select_n3A_2208 : vector<16xf32>
    %jit3A_2369 = arith.constant 1.000000e+00 : f32
    %jit3A_2370 = arith.constant 0.000000e+00 : f32
    %broadcast_in_dim3A_2371 = vector.broadcast %jit3A_2369 : f32 to vector<16xf32>
    %broadcast_in_dim3A_2372 = vector.broadcast %jit3A_2370 : f32 to vector<16xf32>
    %select_n3A_2373 = arith.select %gt3A_2368, %broadcast_in_dim3A_2371, %broadcast_in_dim3A_2372 : vector<16xi1>, vector<16xf32>
    %add3A_2374 = arith.addf %add3A_2367, %select_n3A_2373 : vector<16xf32>
    %gt3A_2375 = arith.cmpf ogt, %select_n3A_2220, %select_n3A_2208 : vector<16xf32>
    %jit3A_2376 = arith.constant 1.000000e+00 : f32
    %jit3A_2377 = arith.constant 0.000000e+00 : f32
    %broadcast_in_dim3A_2378 = vector.broadcast %jit3A_2376 : f32 to vector<16xf32>
    %broadcast_in_dim3A_2379 = vector.broadcast %jit3A_2377 : f32 to vector<16xf32>
    %select_n3A_2380 = arith.select %gt3A_2375, %broadcast_in_dim3A_2378, %broadcast_in_dim3A_2379 : vector<16xi1>, vector<16xf32>
    %add3A_2381 = arith.addf %add3A_2374, %select_n3A_2380 : vector<16xf32>
    %gt3A_2382 = arith.cmpf ogt, %select_n3A_2223, %select_n3A_2208 : vector<16xf32>
    %jit3A_2383 = arith.constant 1.000000e+00 : f32
    %jit3A_2384 = arith.constant 0.000000e+00 : f32
    %broadcast_in_dim3A_2385 = vector.broadcast %jit3A_2383 : f32 to vector<16xf32>
    %broadcast_in_dim3A_2386 = vector.broadcast %jit3A_2384 : f32 to vector<16xf32>
    %select_n3A_2387 = arith.select %gt3A_2382, %broadcast_in_dim3A_2385, %broadcast_in_dim3A_2386 : vector<16xi1>, vector<16xf32>
    %add3A_2388 = arith.addf %add3A_2381, %select_n3A_2387 : vector<16xf32>
    %lt3A_2389 = arith.constant 2.000000e+00 : f32
    %lt3A_2390 = vector.broadcast %lt3A_2389 : f32 to vector<16xf32>
    %lt3A_2391 = arith.cmpf olt, %add3A_2388, %lt3A_2390 : vector<16xf32>
    %jit3A_2392 = arith.constant 0.000000e+00 : f32
    %broadcast_in_dim3A_2393 = vector.broadcast %jit3A_2392 : f32 to vector<16xf32>
    %select_n3A_2394 = arith.select %lt3A_2391, %div3A_1968, %broadcast_in_dim3A_2393 : vector<16xi1>, vector<16xf32>
    %broadcast_in_dim3A_2395 = arith.constant 0.000000e+00 : f32
    %broadcast_in_dim3A_2396 = vector.broadcast %broadcast_in_dim3A_2395 : f32 to vector<16xf32>
    %ge3A_2397 = arith.cmpf oge, %select_n3A_2202, %select_n3A_2211 : vector<16xf32>
    %jit3A_2398 = arith.constant 1.000000e+00 : f32
    %jit3A_2399 = arith.constant 0.000000e+00 : f32
    %broadcast_in_dim3A_2400 = vector.broadcast %jit3A_2398 : f32 to vector<16xf32>
    %broadcast_in_dim3A_2401 = vector.broadcast %jit3A_2399 : f32 to vector<16xf32>
    %select_n3A_2402 = arith.select %ge3A_2397, %broadcast_in_dim3A_2400, %broadcast_in_dim3A_2401 : vector<16xi1>, vector<16xf32>
    %add3A_2403 = arith.addf %broadcast_in_dim3A_2396, %select_n3A_2402 : vector<16xf32>
    %ge3A_2404 = arith.cmpf oge, %select_n3A_2205, %select_n3A_2211 : vector<16xf32>
    %jit3A_2405 = arith.constant 1.000000e+00 : f32
    %jit3A_2406 = arith.constant 0.000000e+00 : f32
    %broadcast_in_dim3A_2407 = vector.broadcast %jit3A_2405 : f32 to vector<16xf32>
    %broadcast_in_dim3A_2408 = vector.broadcast %jit3A_2406 : f32 to vector<16xf32>
    %select_n3A_2409 = arith.select %ge3A_2404, %broadcast_in_dim3A_2407, %broadcast_in_dim3A_2408 : vector<16xi1>, vector<16xf32>
    %add3A_2410 = arith.addf %add3A_2403, %select_n3A_2409 : vector<16xf32>
    %ge3A_2411 = arith.cmpf oge, %select_n3A_2208, %select_n3A_2211 : vector<16xf32>
    %jit3A_2412 = arith.constant 1.000000e+00 : f32
    %jit3A_2413 = arith.constant 0.000000e+00 : f32
    %broadcast_in_dim3A_2414 = vector.broadcast %jit3A_2412 : f32 to vector<16xf32>
    %broadcast_in_dim3A_2415 = vector.broadcast %jit3A_2413 : f32 to vector<16xf32>
    %select_n3A_2416 = arith.select %ge3A_2411, %broadcast_in_dim3A_2414, %broadcast_in_dim3A_2415 : vector<16xi1>, vector<16xf32>
    %add3A_2417 = arith.addf %add3A_2410, %select_n3A_2416 : vector<16xf32>
    %gt3A_2418 = arith.cmpf ogt, %select_n3A_2214, %select_n3A_2211 : vector<16xf32>
    %jit3A_2419 = arith.constant 1.000000e+00 : f32
    %jit3A_2420 = arith.constant 0.000000e+00 : f32
    %broadcast_in_dim3A_2421 = vector.broadcast %jit3A_2419 : f32 to vector<16xf32>
    %broadcast_in_dim3A_2422 = vector.broadcast %jit3A_2420 : f32 to vector<16xf32>
    %select_n3A_2423 = arith.select %gt3A_2418, %broadcast_in_dim3A_2421, %broadcast_in_dim3A_2422 : vector<16xi1>, vector<16xf32>
    %add3A_2424 = arith.addf %add3A_2417, %select_n3A_2423 : vector<16xf32>
    %gt3A_2425 = arith.cmpf ogt, %select_n3A_2217, %select_n3A_2211 : vector<16xf32>
    %jit3A_2426 = arith.constant 1.000000e+00 : f32
    %jit3A_2427 = arith.constant 0.000000e+00 : f32
    %broadcast_in_dim3A_2428 = vector.broadcast %jit3A_2426 : f32 to vector<16xf32>
    %broadcast_in_dim3A_2429 = vector.broadcast %jit3A_2427 : f32 to vector<16xf32>
    %select_n3A_2430 = arith.select %gt3A_2425, %broadcast_in_dim3A_2428, %broadcast_in_dim3A_2429 : vector<16xi1>, vector<16xf32>
    %add3A_2431 = arith.addf %add3A_2424, %select_n3A_2430 : vector<16xf32>
    %gt3A_2432 = arith.cmpf ogt, %select_n3A_2220, %select_n3A_2211 : vector<16xf32>
    %jit3A_2433 = arith.constant 1.000000e+00 : f32
    %jit3A_2434 = arith.constant 0.000000e+00 : f32
    %broadcast_in_dim3A_2435 = vector.broadcast %jit3A_2433 : f32 to vector<16xf32>
    %broadcast_in_dim3A_2436 = vector.broadcast %jit3A_2434 : f32 to vector<16xf32>
    %select_n3A_2437 = arith.select %gt3A_2432, %broadcast_in_dim3A_2435, %broadcast_in_dim3A_2436 : vector<16xi1>, vector<16xf32>
    %add3A_2438 = arith.addf %add3A_2431, %select_n3A_2437 : vector<16xf32>
    %gt3A_2439 = arith.cmpf ogt, %select_n3A_2223, %select_n3A_2211 : vector<16xf32>
    %jit3A_2440 = arith.constant 1.000000e+00 : f32
    %jit3A_2441 = arith.constant 0.000000e+00 : f32
    %broadcast_in_dim3A_2442 = vector.broadcast %jit3A_2440 : f32 to vector<16xf32>
    %broadcast_in_dim3A_2443 = vector.broadcast %jit3A_2441 : f32 to vector<16xf32>
    %select_n3A_2444 = arith.select %gt3A_2439, %broadcast_in_dim3A_2442, %broadcast_in_dim3A_2443 : vector<16xi1>, vector<16xf32>
    %add3A_2445 = arith.addf %add3A_2438, %select_n3A_2444 : vector<16xf32>
    %lt3A_2446 = arith.constant 2.000000e+00 : f32
    %lt3A_2447 = vector.broadcast %lt3A_2446 : f32 to vector<16xf32>
    %lt3A_2448 = arith.cmpf olt, %add3A_2445, %lt3A_2447 : vector<16xf32>
    %jit3A_2449 = arith.constant 0.000000e+00 : f32
    %broadcast_in_dim3A_2450 = vector.broadcast %jit3A_2449 : f32 to vector<16xf32>
    %select_n3A_2451 = arith.select %lt3A_2448, %div3A_1983, %broadcast_in_dim3A_2450 : vector<16xi1>, vector<16xf32>
    %broadcast_in_dim3A_2452 = arith.constant 0.000000e+00 : f32
    %broadcast_in_dim3A_2453 = vector.broadcast %broadcast_in_dim3A_2452 : f32 to vector<16xf32>
    %ge3A_2454 = arith.cmpf oge, %select_n3A_2202, %select_n3A_2214 : vector<16xf32>
    %jit3A_2455 = arith.constant 1.000000e+00 : f32
    %jit3A_2456 = arith.constant 0.000000e+00 : f32
    %broadcast_in_dim3A_2457 = vector.broadcast %jit3A_2455 : f32 to vector<16xf32>
    %broadcast_in_dim3A_2458 = vector.broadcast %jit3A_2456 : f32 to vector<16xf32>
    %select_n3A_2459 = arith.select %ge3A_2454, %broadcast_in_dim3A_2457, %broadcast_in_dim3A_2458 : vector<16xi1>, vector<16xf32>
    %add3A_2460 = arith.addf %broadcast_in_dim3A_2453, %select_n3A_2459 : vector<16xf32>
    %ge3A_2461 = arith.cmpf oge, %select_n3A_2205, %select_n3A_2214 : vector<16xf32>
    %jit3A_2462 = arith.constant 1.000000e+00 : f32
    %jit3A_2463 = arith.constant 0.000000e+00 : f32
    %broadcast_in_dim3A_2464 = vector.broadcast %jit3A_2462 : f32 to vector<16xf32>
    %broadcast_in_dim3A_2465 = vector.broadcast %jit3A_2463 : f32 to vector<16xf32>
    %select_n3A_2466 = arith.select %ge3A_2461, %broadcast_in_dim3A_2464, %broadcast_in_dim3A_2465 : vector<16xi1>, vector<16xf32>
    %add3A_2467 = arith.addf %add3A_2460, %select_n3A_2466 : vector<16xf32>
    %ge3A_2468 = arith.cmpf oge, %select_n3A_2208, %select_n3A_2214 : vector<16xf32>
    %jit3A_2469 = arith.constant 1.000000e+00 : f32
    %jit3A_2470 = arith.constant 0.000000e+00 : f32
    %broadcast_in_dim3A_2471 = vector.broadcast %jit3A_2469 : f32 to vector<16xf32>
    %broadcast_in_dim3A_2472 = vector.broadcast %jit3A_2470 : f32 to vector<16xf32>
    %select_n3A_2473 = arith.select %ge3A_2468, %broadcast_in_dim3A_2471, %broadcast_in_dim3A_2472 : vector<16xi1>, vector<16xf32>
    %add3A_2474 = arith.addf %add3A_2467, %select_n3A_2473 : vector<16xf32>
    %ge3A_2475 = arith.cmpf oge, %select_n3A_2211, %select_n3A_2214 : vector<16xf32>
    %jit3A_2476 = arith.constant 1.000000e+00 : f32
    %jit3A_2477 = arith.constant 0.000000e+00 : f32
    %broadcast_in_dim3A_2478 = vector.broadcast %jit3A_2476 : f32 to vector<16xf32>
    %broadcast_in_dim3A_2479 = vector.broadcast %jit3A_2477 : f32 to vector<16xf32>
    %select_n3A_2480 = arith.select %ge3A_2475, %broadcast_in_dim3A_2478, %broadcast_in_dim3A_2479 : vector<16xi1>, vector<16xf32>
    %add3A_2481 = arith.addf %add3A_2474, %select_n3A_2480 : vector<16xf32>
    %gt3A_2482 = arith.cmpf ogt, %select_n3A_2217, %select_n3A_2214 : vector<16xf32>
    %jit3A_2483 = arith.constant 1.000000e+00 : f32
    %jit3A_2484 = arith.constant 0.000000e+00 : f32
    %broadcast_in_dim3A_2485 = vector.broadcast %jit3A_2483 : f32 to vector<16xf32>
    %broadcast_in_dim3A_2486 = vector.broadcast %jit3A_2484 : f32 to vector<16xf32>
    %select_n3A_2487 = arith.select %gt3A_2482, %broadcast_in_dim3A_2485, %broadcast_in_dim3A_2486 : vector<16xi1>, vector<16xf32>
    %add3A_2488 = arith.addf %add3A_2481, %select_n3A_2487 : vector<16xf32>
    %gt3A_2489 = arith.cmpf ogt, %select_n3A_2220, %select_n3A_2214 : vector<16xf32>
    %jit3A_2490 = arith.constant 1.000000e+00 : f32
    %jit3A_2491 = arith.constant 0.000000e+00 : f32
    %broadcast_in_dim3A_2492 = vector.broadcast %jit3A_2490 : f32 to vector<16xf32>
    %broadcast_in_dim3A_2493 = vector.broadcast %jit3A_2491 : f32 to vector<16xf32>
    %select_n3A_2494 = arith.select %gt3A_2489, %broadcast_in_dim3A_2492, %broadcast_in_dim3A_2493 : vector<16xi1>, vector<16xf32>
    %add3A_2495 = arith.addf %add3A_2488, %select_n3A_2494 : vector<16xf32>
    %gt3A_2496 = arith.cmpf ogt, %select_n3A_2223, %select_n3A_2214 : vector<16xf32>
    %jit3A_2497 = arith.constant 1.000000e+00 : f32
    %jit3A_2498 = arith.constant 0.000000e+00 : f32
    %broadcast_in_dim3A_2499 = vector.broadcast %jit3A_2497 : f32 to vector<16xf32>
    %broadcast_in_dim3A_2500 = vector.broadcast %jit3A_2498 : f32 to vector<16xf32>
    %select_n3A_2501 = arith.select %gt3A_2496, %broadcast_in_dim3A_2499, %broadcast_in_dim3A_2500 : vector<16xi1>, vector<16xf32>
    %add3A_2502 = arith.addf %add3A_2495, %select_n3A_2501 : vector<16xf32>
    %lt3A_2503 = arith.constant 2.000000e+00 : f32
    %lt3A_2504 = vector.broadcast %lt3A_2503 : f32 to vector<16xf32>
    %lt3A_2505 = arith.cmpf olt, %add3A_2502, %lt3A_2504 : vector<16xf32>
    %jit3A_2506 = arith.constant 0.000000e+00 : f32
    %broadcast_in_dim3A_2507 = vector.broadcast %jit3A_2506 : f32 to vector<16xf32>
    %select_n3A_2508 = arith.select %lt3A_2505, %div3A_1998, %broadcast_in_dim3A_2507 : vector<16xi1>, vector<16xf32>
    %broadcast_in_dim3A_2509 = arith.constant 0.000000e+00 : f32
    %broadcast_in_dim3A_2510 = vector.broadcast %broadcast_in_dim3A_2509 : f32 to vector<16xf32>
    %ge3A_2511 = arith.cmpf oge, %select_n3A_2202, %select_n3A_2217 : vector<16xf32>
    %jit3A_2512 = arith.constant 1.000000e+00 : f32
    %jit3A_2513 = arith.constant 0.000000e+00 : f32
    %broadcast_in_dim3A_2514 = vector.broadcast %jit3A_2512 : f32 to vector<16xf32>
    %broadcast_in_dim3A_2515 = vector.broadcast %jit3A_2513 : f32 to vector<16xf32>
    %select_n3A_2516 = arith.select %ge3A_2511, %broadcast_in_dim3A_2514, %broadcast_in_dim3A_2515 : vector<16xi1>, vector<16xf32>
    %add3A_2517 = arith.addf %broadcast_in_dim3A_2510, %select_n3A_2516 : vector<16xf32>
    %ge3A_2518 = arith.cmpf oge, %select_n3A_2205, %select_n3A_2217 : vector<16xf32>
    %jit3A_2519 = arith.constant 1.000000e+00 : f32
    %jit3A_2520 = arith.constant 0.000000e+00 : f32
    %broadcast_in_dim3A_2521 = vector.broadcast %jit3A_2519 : f32 to vector<16xf32>
    %broadcast_in_dim3A_2522 = vector.broadcast %jit3A_2520 : f32 to vector<16xf32>
    %select_n3A_2523 = arith.select %ge3A_2518, %broadcast_in_dim3A_2521, %broadcast_in_dim3A_2522 : vector<16xi1>, vector<16xf32>
    %add3A_2524 = arith.addf %add3A_2517, %select_n3A_2523 : vector<16xf32>
    %ge3A_2525 = arith.cmpf oge, %select_n3A_2208, %select_n3A_2217 : vector<16xf32>
    %jit3A_2526 = arith.constant 1.000000e+00 : f32
    %jit3A_2527 = arith.constant 0.000000e+00 : f32
    %broadcast_in_dim3A_2528 = vector.broadcast %jit3A_2526 : f32 to vector<16xf32>
    %broadcast_in_dim3A_2529 = vector.broadcast %jit3A_2527 : f32 to vector<16xf32>
    %select_n3A_2530 = arith.select %ge3A_2525, %broadcast_in_dim3A_2528, %broadcast_in_dim3A_2529 : vector<16xi1>, vector<16xf32>
    %add3A_2531 = arith.addf %add3A_2524, %select_n3A_2530 : vector<16xf32>
    %ge3A_2532 = arith.cmpf oge, %select_n3A_2211, %select_n3A_2217 : vector<16xf32>
    %jit3A_2533 = arith.constant 1.000000e+00 : f32
    %jit3A_2534 = arith.constant 0.000000e+00 : f32
    %broadcast_in_dim3A_2535 = vector.broadcast %jit3A_2533 : f32 to vector<16xf32>
    %broadcast_in_dim3A_2536 = vector.broadcast %jit3A_2534 : f32 to vector<16xf32>
    %select_n3A_2537 = arith.select %ge3A_2532, %broadcast_in_dim3A_2535, %broadcast_in_dim3A_2536 : vector<16xi1>, vector<16xf32>
    %add3A_2538 = arith.addf %add3A_2531, %select_n3A_2537 : vector<16xf32>
    %ge3A_2539 = arith.cmpf oge, %select_n3A_2214, %select_n3A_2217 : vector<16xf32>
    %jit3A_2540 = arith.constant 1.000000e+00 : f32
    %jit3A_2541 = arith.constant 0.000000e+00 : f32
    %broadcast_in_dim3A_2542 = vector.broadcast %jit3A_2540 : f32 to vector<16xf32>
    %broadcast_in_dim3A_2543 = vector.broadcast %jit3A_2541 : f32 to vector<16xf32>
    %select_n3A_2544 = arith.select %ge3A_2539, %broadcast_in_dim3A_2542, %broadcast_in_dim3A_2543 : vector<16xi1>, vector<16xf32>
    %add3A_2545 = arith.addf %add3A_2538, %select_n3A_2544 : vector<16xf32>
    %gt3A_2546 = arith.cmpf ogt, %select_n3A_2220, %select_n3A_2217 : vector<16xf32>
    %jit3A_2547 = arith.constant 1.000000e+00 : f32
    %jit3A_2548 = arith.constant 0.000000e+00 : f32
    %broadcast_in_dim3A_2549 = vector.broadcast %jit3A_2547 : f32 to vector<16xf32>
    %broadcast_in_dim3A_2550 = vector.broadcast %jit3A_2548 : f32 to vector<16xf32>
    %select_n3A_2551 = arith.select %gt3A_2546, %broadcast_in_dim3A_2549, %broadcast_in_dim3A_2550 : vector<16xi1>, vector<16xf32>
    %add3A_2552 = arith.addf %add3A_2545, %select_n3A_2551 : vector<16xf32>
    %gt3A_2553 = arith.cmpf ogt, %select_n3A_2223, %select_n3A_2217 : vector<16xf32>
    %jit3A_2554 = arith.constant 1.000000e+00 : f32
    %jit3A_2555 = arith.constant 0.000000e+00 : f32
    %broadcast_in_dim3A_2556 = vector.broadcast %jit3A_2554 : f32 to vector<16xf32>
    %broadcast_in_dim3A_2557 = vector.broadcast %jit3A_2555 : f32 to vector<16xf32>
    %select_n3A_2558 = arith.select %gt3A_2553, %broadcast_in_dim3A_2556, %broadcast_in_dim3A_2557 : vector<16xi1>, vector<16xf32>
    %add3A_2559 = arith.addf %add3A_2552, %select_n3A_2558 : vector<16xf32>
    %lt3A_2560 = arith.constant 2.000000e+00 : f32
    %lt3A_2561 = vector.broadcast %lt3A_2560 : f32 to vector<16xf32>
    %lt3A_2562 = arith.cmpf olt, %add3A_2559, %lt3A_2561 : vector<16xf32>
    %jit3A_2563 = arith.constant 0.000000e+00 : f32
    %broadcast_in_dim3A_2564 = vector.broadcast %jit3A_2563 : f32 to vector<16xf32>
    %select_n3A_2565 = arith.select %lt3A_2562, %div3A_2013, %broadcast_in_dim3A_2564 : vector<16xi1>, vector<16xf32>
    %broadcast_in_dim3A_2566 = arith.constant 0.000000e+00 : f32
    %broadcast_in_dim3A_2567 = vector.broadcast %broadcast_in_dim3A_2566 : f32 to vector<16xf32>
    %ge3A_2568 = arith.cmpf oge, %select_n3A_2202, %select_n3A_2220 : vector<16xf32>
    %jit3A_2569 = arith.constant 1.000000e+00 : f32
    %jit3A_2570 = arith.constant 0.000000e+00 : f32
    %broadcast_in_dim3A_2571 = vector.broadcast %jit3A_2569 : f32 to vector<16xf32>
    %broadcast_in_dim3A_2572 = vector.broadcast %jit3A_2570 : f32 to vector<16xf32>
    %select_n3A_2573 = arith.select %ge3A_2568, %broadcast_in_dim3A_2571, %broadcast_in_dim3A_2572 : vector<16xi1>, vector<16xf32>
    %add3A_2574 = arith.addf %broadcast_in_dim3A_2567, %select_n3A_2573 : vector<16xf32>
    %ge3A_2575 = arith.cmpf oge, %select_n3A_2205, %select_n3A_2220 : vector<16xf32>
    %jit3A_2576 = arith.constant 1.000000e+00 : f32
    %jit3A_2577 = arith.constant 0.000000e+00 : f32
    %broadcast_in_dim3A_2578 = vector.broadcast %jit3A_2576 : f32 to vector<16xf32>
    %broadcast_in_dim3A_2579 = vector.broadcast %jit3A_2577 : f32 to vector<16xf32>
    %select_n3A_2580 = arith.select %ge3A_2575, %broadcast_in_dim3A_2578, %broadcast_in_dim3A_2579 : vector<16xi1>, vector<16xf32>
    %add3A_2581 = arith.addf %add3A_2574, %select_n3A_2580 : vector<16xf32>
    %ge3A_2582 = arith.cmpf oge, %select_n3A_2208, %select_n3A_2220 : vector<16xf32>
    %jit3A_2583 = arith.constant 1.000000e+00 : f32
    %jit3A_2584 = arith.constant 0.000000e+00 : f32
    %broadcast_in_dim3A_2585 = vector.broadcast %jit3A_2583 : f32 to vector<16xf32>
    %broadcast_in_dim3A_2586 = vector.broadcast %jit3A_2584 : f32 to vector<16xf32>
    %select_n3A_2587 = arith.select %ge3A_2582, %broadcast_in_dim3A_2585, %broadcast_in_dim3A_2586 : vector<16xi1>, vector<16xf32>
    %add3A_2588 = arith.addf %add3A_2581, %select_n3A_2587 : vector<16xf32>
    %ge3A_2589 = arith.cmpf oge, %select_n3A_2211, %select_n3A_2220 : vector<16xf32>
    %jit3A_2590 = arith.constant 1.000000e+00 : f32
    %jit3A_2591 = arith.constant 0.000000e+00 : f32
    %broadcast_in_dim3A_2592 = vector.broadcast %jit3A_2590 : f32 to vector<16xf32>
    %broadcast_in_dim3A_2593 = vector.broadcast %jit3A_2591 : f32 to vector<16xf32>
    %select_n3A_2594 = arith.select %ge3A_2589, %broadcast_in_dim3A_2592, %broadcast_in_dim3A_2593 : vector<16xi1>, vector<16xf32>
    %add3A_2595 = arith.addf %add3A_2588, %select_n3A_2594 : vector<16xf32>
    %ge3A_2596 = arith.cmpf oge, %select_n3A_2214, %select_n3A_2220 : vector<16xf32>
    %jit3A_2597 = arith.constant 1.000000e+00 : f32
    %jit3A_2598 = arith.constant 0.000000e+00 : f32
    %broadcast_in_dim3A_2599 = vector.broadcast %jit3A_2597 : f32 to vector<16xf32>
    %broadcast_in_dim3A_2600 = vector.broadcast %jit3A_2598 : f32 to vector<16xf32>
    %select_n3A_2601 = arith.select %ge3A_2596, %broadcast_in_dim3A_2599, %broadcast_in_dim3A_2600 : vector<16xi1>, vector<16xf32>
    %add3A_2602 = arith.addf %add3A_2595, %select_n3A_2601 : vector<16xf32>
    %ge3A_2603 = arith.cmpf oge, %select_n3A_2217, %select_n3A_2220 : vector<16xf32>
    %jit3A_2604 = arith.constant 1.000000e+00 : f32
    %jit3A_2605 = arith.constant 0.000000e+00 : f32
    %broadcast_in_dim3A_2606 = vector.broadcast %jit3A_2604 : f32 to vector<16xf32>
    %broadcast_in_dim3A_2607 = vector.broadcast %jit3A_2605 : f32 to vector<16xf32>
    %select_n3A_2608 = arith.select %ge3A_2603, %broadcast_in_dim3A_2606, %broadcast_in_dim3A_2607 : vector<16xi1>, vector<16xf32>
    %add3A_2609 = arith.addf %add3A_2602, %select_n3A_2608 : vector<16xf32>
    %gt3A_2610 = arith.cmpf ogt, %select_n3A_2223, %select_n3A_2220 : vector<16xf32>
    %jit3A_2611 = arith.constant 1.000000e+00 : f32
    %jit3A_2612 = arith.constant 0.000000e+00 : f32
    %broadcast_in_dim3A_2613 = vector.broadcast %jit3A_2611 : f32 to vector<16xf32>
    %broadcast_in_dim3A_2614 = vector.broadcast %jit3A_2612 : f32 to vector<16xf32>
    %select_n3A_2615 = arith.select %gt3A_2610, %broadcast_in_dim3A_2613, %broadcast_in_dim3A_2614 : vector<16xi1>, vector<16xf32>
    %add3A_2616 = arith.addf %add3A_2609, %select_n3A_2615 : vector<16xf32>
    %lt3A_2617 = arith.constant 2.000000e+00 : f32
    %lt3A_2618 = vector.broadcast %lt3A_2617 : f32 to vector<16xf32>
    %lt3A_2619 = arith.cmpf olt, %add3A_2616, %lt3A_2618 : vector<16xf32>
    %jit3A_2620 = arith.constant 0.000000e+00 : f32
    %broadcast_in_dim3A_2621 = vector.broadcast %jit3A_2620 : f32 to vector<16xf32>
    %select_n3A_2622 = arith.select %lt3A_2619, %div3A_2028, %broadcast_in_dim3A_2621 : vector<16xi1>, vector<16xf32>
    %broadcast_in_dim3A_2623 = arith.constant 0.000000e+00 : f32
    %broadcast_in_dim3A_2624 = vector.broadcast %broadcast_in_dim3A_2623 : f32 to vector<16xf32>
    %ge3A_2625 = arith.cmpf oge, %select_n3A_2202, %select_n3A_2223 : vector<16xf32>
    %jit3A_2626 = arith.constant 1.000000e+00 : f32
    %jit3A_2627 = arith.constant 0.000000e+00 : f32
    %broadcast_in_dim3A_2628 = vector.broadcast %jit3A_2626 : f32 to vector<16xf32>
    %broadcast_in_dim3A_2629 = vector.broadcast %jit3A_2627 : f32 to vector<16xf32>
    %select_n3A_2630 = arith.select %ge3A_2625, %broadcast_in_dim3A_2628, %broadcast_in_dim3A_2629 : vector<16xi1>, vector<16xf32>
    %add3A_2631 = arith.addf %broadcast_in_dim3A_2624, %select_n3A_2630 : vector<16xf32>
    %ge3A_2632 = arith.cmpf oge, %select_n3A_2205, %select_n3A_2223 : vector<16xf32>
    %jit3A_2633 = arith.constant 1.000000e+00 : f32
    %jit3A_2634 = arith.constant 0.000000e+00 : f32
    %broadcast_in_dim3A_2635 = vector.broadcast %jit3A_2633 : f32 to vector<16xf32>
    %broadcast_in_dim3A_2636 = vector.broadcast %jit3A_2634 : f32 to vector<16xf32>
    %select_n3A_2637 = arith.select %ge3A_2632, %broadcast_in_dim3A_2635, %broadcast_in_dim3A_2636 : vector<16xi1>, vector<16xf32>
    %add3A_2638 = arith.addf %add3A_2631, %select_n3A_2637 : vector<16xf32>
    %ge3A_2639 = arith.cmpf oge, %select_n3A_2208, %select_n3A_2223 : vector<16xf32>
    %jit3A_2640 = arith.constant 1.000000e+00 : f32
    %jit3A_2641 = arith.constant 0.000000e+00 : f32
    %broadcast_in_dim3A_2642 = vector.broadcast %jit3A_2640 : f32 to vector<16xf32>
    %broadcast_in_dim3A_2643 = vector.broadcast %jit3A_2641 : f32 to vector<16xf32>
    %select_n3A_2644 = arith.select %ge3A_2639, %broadcast_in_dim3A_2642, %broadcast_in_dim3A_2643 : vector<16xi1>, vector<16xf32>
    %add3A_2645 = arith.addf %add3A_2638, %select_n3A_2644 : vector<16xf32>
    %ge3A_2646 = arith.cmpf oge, %select_n3A_2211, %select_n3A_2223 : vector<16xf32>
    %jit3A_2647 = arith.constant 1.000000e+00 : f32
    %jit3A_2648 = arith.constant 0.000000e+00 : f32
    %broadcast_in_dim3A_2649 = vector.broadcast %jit3A_2647 : f32 to vector<16xf32>
    %broadcast_in_dim3A_2650 = vector.broadcast %jit3A_2648 : f32 to vector<16xf32>
    %select_n3A_2651 = arith.select %ge3A_2646, %broadcast_in_dim3A_2649, %broadcast_in_dim3A_2650 : vector<16xi1>, vector<16xf32>
    %add3A_2652 = arith.addf %add3A_2645, %select_n3A_2651 : vector<16xf32>
    %ge3A_2653 = arith.cmpf oge, %select_n3A_2214, %select_n3A_2223 : vector<16xf32>
    %jit3A_2654 = arith.constant 1.000000e+00 : f32
    %jit3A_2655 = arith.constant 0.000000e+00 : f32
    %broadcast_in_dim3A_2656 = vector.broadcast %jit3A_2654 : f32 to vector<16xf32>
    %broadcast_in_dim3A_2657 = vector.broadcast %jit3A_2655 : f32 to vector<16xf32>
    %select_n3A_2658 = arith.select %ge3A_2653, %broadcast_in_dim3A_2656, %broadcast_in_dim3A_2657 : vector<16xi1>, vector<16xf32>
    %add3A_2659 = arith.addf %add3A_2652, %select_n3A_2658 : vector<16xf32>
    %ge3A_2660 = arith.cmpf oge, %select_n3A_2217, %select_n3A_2223 : vector<16xf32>
    %jit3A_2661 = arith.constant 1.000000e+00 : f32
    %jit3A_2662 = arith.constant 0.000000e+00 : f32
    %broadcast_in_dim3A_2663 = vector.broadcast %jit3A_2661 : f32 to vector<16xf32>
    %broadcast_in_dim3A_2664 = vector.broadcast %jit3A_2662 : f32 to vector<16xf32>
    %select_n3A_2665 = arith.select %ge3A_2660, %broadcast_in_dim3A_2663, %broadcast_in_dim3A_2664 : vector<16xi1>, vector<16xf32>
    %add3A_2666 = arith.addf %add3A_2659, %select_n3A_2665 : vector<16xf32>
    %ge3A_2667 = arith.cmpf oge, %select_n3A_2220, %select_n3A_2223 : vector<16xf32>
    %jit3A_2668 = arith.constant 1.000000e+00 : f32
    %jit3A_2669 = arith.constant 0.000000e+00 : f32
    %broadcast_in_dim3A_2670 = vector.broadcast %jit3A_2668 : f32 to vector<16xf32>
    %broadcast_in_dim3A_2671 = vector.broadcast %jit3A_2669 : f32 to vector<16xf32>
    %select_n3A_2672 = arith.select %ge3A_2667, %broadcast_in_dim3A_2670, %broadcast_in_dim3A_2671 : vector<16xi1>, vector<16xf32>
    %add3A_2673 = arith.addf %add3A_2666, %select_n3A_2672 : vector<16xf32>
    %lt3A_2674 = arith.constant 2.000000e+00 : f32
    %lt3A_2675 = vector.broadcast %lt3A_2674 : f32 to vector<16xf32>
    %lt3A_2676 = arith.cmpf olt, %add3A_2673, %lt3A_2675 : vector<16xf32>
    %jit3A_2677 = arith.constant 0.000000e+00 : f32
    %broadcast_in_dim3A_2678 = vector.broadcast %jit3A_2677 : f32 to vector<16xf32>
    %select_n3A_2679 = arith.select %lt3A_2676, %div3A_2043, %broadcast_in_dim3A_2678 : vector<16xi1>, vector<16xf32>
    %add3A_2680 = arith.addf %select_n3A_2280, %select_n3A_2337 : vector<16xf32>
    %add3A_2681 = arith.addf %add3A_2680, %select_n3A_2394 : vector<16xf32>
    %add3A_2682 = arith.addf %add3A_2681, %select_n3A_2451 : vector<16xf32>
    %add3A_2683 = arith.addf %add3A_2682, %select_n3A_2508 : vector<16xf32>
    %add3A_2684 = arith.addf %add3A_2683, %select_n3A_2565 : vector<16xf32>
    %add3A_2685 = arith.addf %add3A_2684, %select_n3A_2622 : vector<16xf32>
    %add3A_2686 = arith.addf %add3A_2685, %select_n3A_2679 : vector<16xf32>
    %add3A_2687 = arith.constant 9.99999968E-21 : f32
    %add3A_2688 = vector.broadcast %add3A_2687 : f32 to vector<16xf32>
    %add3A_2689 = arith.addf %add3A_2686, %add3A_2688 : vector<16xf32>
    %swap3A_2690 = arith.constant 0 : i32
    %swap3A_2691 = arith.index_cast %swap3A_2690 : i32 to index
    %swap3A_2692 = arith.constant 32 : index
    %swap3A_2693 = tpu.vector_load %arg6[%swap3A_2691, %swap3A_2692] {strides = array<i32>} : memref<12x64xf32, #tpu.memory_space<vmem>>, vector<1x16xf32>,
    %swap3A_2694 = vector.shape_cast %swap3A_2693 : vector<1x16xf32> to vector<16xf32>
    %swap3A_2695 = vector.shape_cast %broadcast_in_dim3A_193 : vector<16xf32> to vector<1x16xf32>
    tpu.vector_store %arg6[%swap3A_2691, %swap3A_2692], %swap3A_2695 {strides = array<i32>} : memref<12x64xf32, #tpu.memory_space<vmem>>, vector<1x16xf32>,
    %swap3A_2696 = arith.constant 1 : i32
    %swap3A_2697 = arith.index_cast %swap3A_2696 : i32 to index
    %swap3A_2698 = arith.constant 32 : index
    %swap3A_2699 = tpu.vector_load %arg6[%swap3A_2697, %swap3A_2698] {strides = array<i32>} : memref<12x64xf32, #tpu.memory_space<vmem>>, vector<1x16xf32>,
    %swap3A_2700 = vector.shape_cast %swap3A_2699 : vector<1x16xf32> to vector<16xf32>
    %swap3A_2701 = vector.shape_cast %broadcast_in_dim3A_193 : vector<16xf32> to vector<1x16xf32>
    tpu.vector_store %arg6[%swap3A_2697, %swap3A_2698], %swap3A_2701 {strides = array<i32>} : memref<12x64xf32, #tpu.memory_space<vmem>>, vector<1x16xf32>,
    %swap3A_2702 = arith.constant 2 : i32
    %swap3A_2703 = arith.index_cast %swap3A_2702 : i32 to index
    %swap3A_2704 = arith.constant 32 : index
    %swap3A_2705 = tpu.vector_load %arg6[%swap3A_2703, %swap3A_2704] {strides = array<i32>} : memref<12x64xf32, #tpu.memory_space<vmem>>, vector<1x16xf32>,
    %swap3A_2706 = vector.shape_cast %swap3A_2705 : vector<1x16xf32> to vector<16xf32>
    %swap3A_2707 = vector.shape_cast %broadcast_in_dim3A_193 : vector<16xf32> to vector<1x16xf32>
    tpu.vector_store %arg6[%swap3A_2703, %swap3A_2704], %swap3A_2707 {strides = array<i32>} : memref<12x64xf32, #tpu.memory_space<vmem>>, vector<1x16xf32>,
    %swap3A_2708 = arith.constant 3 : i32
    %swap3A_2709 = arith.index_cast %swap3A_2708 : i32 to index
    %swap3A_2710 = arith.constant 32 : index
    %swap3A_2711 = tpu.vector_load %arg6[%swap3A_2709, %swap3A_2710] {strides = array<i32>} : memref<12x64xf32, #tpu.memory_space<vmem>>, vector<1x16xf32>,
    %swap3A_2712 = vector.shape_cast %swap3A_2711 : vector<1x16xf32> to vector<16xf32>
    %swap3A_2713 = vector.shape_cast %broadcast_in_dim3A_193 : vector<16xf32> to vector<1x16xf32>
    tpu.vector_store %arg6[%swap3A_2709, %swap3A_2710], %swap3A_2713 {strides = array<i32>} : memref<12x64xf32, #tpu.memory_space<vmem>>, vector<1x16xf32>,
    %div3A_2714 = arith.divf %select_n3A_2280, %add3A_2689 : vector<16xf32>
    %mul3A_2715 = arith.constant 2.500000e+00 : f32
    %mul3A_2716 = vector.broadcast %mul3A_2715 : f32 to vector<16xf32>
    %mul3A_2717 = arith.mulf %mul3A_2716, %div3A_2714 : vector<16xf32>
    %swap3A_2718 = arith.constant 4 : i32
    %swap3A_2719 = arith.index_cast %swap3A_2718 : i32 to index
    %swap3A_2720 = arith.constant 32 : index
    %swap3A_2721 = tpu.vector_load %arg6[%swap3A_2719, %swap3A_2720] {strides = array<i32>} : memref<12x64xf32, #tpu.memory_space<vmem>>, vector<1x16xf32>,
    %swap3A_2722 = vector.shape_cast %swap3A_2721 : vector<1x16xf32> to vector<16xf32>
    %swap3A_2723 = vector.shape_cast %mul3A_2717 : vector<16xf32> to vector<1x16xf32>
    tpu.vector_store %arg6[%swap3A_2719, %swap3A_2720], %swap3A_2723 {strides = array<i32>} : memref<12x64xf32, #tpu.memory_space<vmem>>, vector<1x16xf32>,
    %div3A_2724 = arith.divf %select_n3A_2337, %add3A_2689 : vector<16xf32>
    %mul3A_2725 = arith.constant 2.500000e+00 : f32
    %mul3A_2726 = vector.broadcast %mul3A_2725 : f32 to vector<16xf32>
    %mul3A_2727 = arith.mulf %mul3A_2726, %div3A_2724 : vector<16xf32>
    %swap3A_2728 = arith.constant 5 : i32
    %swap3A_2729 = arith.index_cast %swap3A_2728 : i32 to index
    %swap3A_2730 = arith.constant 32 : index
    %swap3A_2731 = tpu.vector_load %arg6[%swap3A_2729, %swap3A_2730] {strides = array<i32>} : memref<12x64xf32, #tpu.memory_space<vmem>>, vector<1x16xf32>,
    %swap3A_2732 = vector.shape_cast %swap3A_2731 : vector<1x16xf32> to vector<16xf32>
    %swap3A_2733 = vector.shape_cast %mul3A_2727 : vector<16xf32> to vector<1x16xf32>
    tpu.vector_store %arg6[%swap3A_2729, %swap3A_2730], %swap3A_2733 {strides = array<i32>} : memref<12x64xf32, #tpu.memory_space<vmem>>, vector<1x16xf32>,
    %div3A_2734 = arith.divf %select_n3A_2394, %add3A_2689 : vector<16xf32>
    %mul3A_2735 = arith.constant 2.500000e+00 : f32
    %mul3A_2736 = vector.broadcast %mul3A_2735 : f32 to vector<16xf32>
    %mul3A_2737 = arith.mulf %mul3A_2736, %div3A_2734 : vector<16xf32>
    %swap3A_2738 = arith.constant 6 : i32
    %swap3A_2739 = arith.index_cast %swap3A_2738 : i32 to index
    %swap3A_2740 = arith.constant 32 : index
    %swap3A_2741 = tpu.vector_load %arg6[%swap3A_2739, %swap3A_2740] {strides = array<i32>} : memref<12x64xf32, #tpu.memory_space<vmem>>, vector<1x16xf32>,
    %swap3A_2742 = vector.shape_cast %swap3A_2741 : vector<1x16xf32> to vector<16xf32>
    %swap3A_2743 = vector.shape_cast %mul3A_2737 : vector<16xf32> to vector<1x16xf32>
    tpu.vector_store %arg6[%swap3A_2739, %swap3A_2740], %swap3A_2743 {strides = array<i32>} : memref<12x64xf32, #tpu.memory_space<vmem>>, vector<1x16xf32>,
    %div3A_2744 = arith.divf %select_n3A_2451, %add3A_2689 : vector<16xf32>
    %mul3A_2745 = arith.constant 2.500000e+00 : f32
    %mul3A_2746 = vector.broadcast %mul3A_2745 : f32 to vector<16xf32>
    %mul3A_2747 = arith.mulf %mul3A_2746, %div3A_2744 : vector<16xf32>
    %swap3A_2748 = arith.constant 7 : i32
    %swap3A_2749 = arith.index_cast %swap3A_2748 : i32 to index
    %swap3A_2750 = arith.constant 32 : index
    %swap3A_2751 = tpu.vector_load %arg6[%swap3A_2749, %swap3A_2750] {strides = array<i32>} : memref<12x64xf32, #tpu.memory_space<vmem>>, vector<1x16xf32>,
    %swap3A_2752 = vector.shape_cast %swap3A_2751 : vector<1x16xf32> to vector<16xf32>
    %swap3A_2753 = vector.shape_cast %mul3A_2747 : vector<16xf32> to vector<1x16xf32>
    tpu.vector_store %arg6[%swap3A_2749, %swap3A_2750], %swap3A_2753 {strides = array<i32>} : memref<12x64xf32, #tpu.memory_space<vmem>>, vector<1x16xf32>,
    %div3A_2754 = arith.divf %select_n3A_2508, %add3A_2689 : vector<16xf32>
    %mul3A_2755 = arith.constant 2.500000e+00 : f32
    %mul3A_2756 = vector.broadcast %mul3A_2755 : f32 to vector<16xf32>
    %mul3A_2757 = arith.mulf %mul3A_2756, %div3A_2754 : vector<16xf32>
    %swap3A_2758 = arith.constant 8 : i32
    %swap3A_2759 = arith.index_cast %swap3A_2758 : i32 to index
    %swap3A_2760 = arith.constant 32 : index
    %swap3A_2761 = tpu.vector_load %arg6[%swap3A_2759, %swap3A_2760] {strides = array<i32>} : memref<12x64xf32, #tpu.memory_space<vmem>>, vector<1x16xf32>,
    %swap3A_2762 = vector.shape_cast %swap3A_2761 : vector<1x16xf32> to vector<16xf32>
    %swap3A_2763 = vector.shape_cast %mul3A_2757 : vector<16xf32> to vector<1x16xf32>
    tpu.vector_store %arg6[%swap3A_2759, %swap3A_2760], %swap3A_2763 {strides = array<i32>} : memref<12x64xf32, #tpu.memory_space<vmem>>, vector<1x16xf32>,
    %div3A_2764 = arith.divf %select_n3A_2565, %add3A_2689 : vector<16xf32>
    %mul3A_2765 = arith.constant 2.500000e+00 : f32
    %mul3A_2766 = vector.broadcast %mul3A_2765 : f32 to vector<16xf32>
    %mul3A_2767 = arith.mulf %mul3A_2766, %div3A_2764 : vector<16xf32>
    %swap3A_2768 = arith.constant 9 : i32
    %swap3A_2769 = arith.index_cast %swap3A_2768 : i32 to index
    %swap3A_2770 = arith.constant 32 : index
    %swap3A_2771 = tpu.vector_load %arg6[%swap3A_2769, %swap3A_2770] {strides = array<i32>} : memref<12x64xf32, #tpu.memory_space<vmem>>, vector<1x16xf32>,
    %swap3A_2772 = vector.shape_cast %swap3A_2771 : vector<1x16xf32> to vector<16xf32>
    %swap3A_2773 = vector.shape_cast %mul3A_2767 : vector<16xf32> to vector<1x16xf32>
    tpu.vector_store %arg6[%swap3A_2769, %swap3A_2770], %swap3A_2773 {strides = array<i32>} : memref<12x64xf32, #tpu.memory_space<vmem>>, vector<1x16xf32>,
    %div3A_2774 = arith.divf %select_n3A_2622, %add3A_2689 : vector<16xf32>
    %mul3A_2775 = arith.constant 2.500000e+00 : f32
    %mul3A_2776 = vector.broadcast %mul3A_2775 : f32 to vector<16xf32>
    %mul3A_2777 = arith.mulf %mul3A_2776, %div3A_2774 : vector<16xf32>
    %swap3A_2778 = arith.constant 10 : i32
    %swap3A_2779 = arith.index_cast %swap3A_2778 : i32 to index
    %swap3A_2780 = arith.constant 32 : index
    %swap3A_2781 = tpu.vector_load %arg6[%swap3A_2779, %swap3A_2780] {strides = array<i32>} : memref<12x64xf32, #tpu.memory_space<vmem>>, vector<1x16xf32>,
    %swap3A_2782 = vector.shape_cast %swap3A_2781 : vector<1x16xf32> to vector<16xf32>
    %swap3A_2783 = vector.shape_cast %mul3A_2777 : vector<16xf32> to vector<1x16xf32>
    tpu.vector_store %arg6[%swap3A_2779, %swap3A_2780], %swap3A_2783 {strides = array<i32>} : memref<12x64xf32, #tpu.memory_space<vmem>>, vector<1x16xf32>,
    %div3A_2784 = arith.divf %select_n3A_2679, %add3A_2689 : vector<16xf32>
    %mul3A_2785 = arith.constant 2.500000e+00 : f32
    %mul3A_2786 = vector.broadcast %mul3A_2785 : f32 to vector<16xf32>
    %mul3A_2787 = arith.mulf %mul3A_2786, %div3A_2784 : vector<16xf32>
    %swap3A_2788 = arith.constant 11 : i32
    %swap3A_2789 = arith.index_cast %swap3A_2788 : i32 to index
    %swap3A_2790 = arith.constant 32 : index
    %swap3A_2791 = tpu.vector_load %arg6[%swap3A_2789, %swap3A_2790] {strides = array<i32>} : memref<12x64xf32, #tpu.memory_space<vmem>>, vector<1x16xf32>,
    %swap3A_2792 = vector.shape_cast %swap3A_2791 : vector<1x16xf32> to vector<16xf32>
    %swap3A_2793 = vector.shape_cast %mul3A_2787 : vector<16xf32> to vector<1x16xf32>
    tpu.vector_store %arg6[%swap3A_2789, %swap3A_2790], %swap3A_2793 {strides = array<i32>} : memref<12x64xf32, #tpu.memory_space<vmem>>, vector<1x16xf32>,
    %get3A_2794 = arith.constant 0 : i32
    %get3A_2795 = arith.index_cast %get3A_2794 : i32 to index
    %get3A_2796 = arith.constant 48 : index
    %get3A_2797 = tpu.vector_load %arg5[%get3A_2795, %get3A_2796] {strides = array<i32>} : memref<8x64xf32, #tpu.memory_space<vmem>>, vector<1x16xf32>,
    %get3A_2798 = vector.shape_cast %get3A_2797 : vector<1x16xf32> to vector<16xf32>
    %neg3A_2799 = arith.constant 0.000000e+00 : f32
    %neg3A_2800 = vector.broadcast %neg3A_2799 : f32 to vector<16xf32>
    %neg3A_2801 = arith.subf %neg3A_2800, %get3A_2798 : vector<16xf32>
    %exp3A_2802 = math.exp %neg3A_2801 : vector<16xf32>
    %add3A_2803 = arith.constant 1.000000e+00 : f32
    %add3A_2804 = vector.broadcast %add3A_2803 : f32 to vector<16xf32>
    %add3A_2805 = arith.addf %add3A_2804, %exp3A_2802 : vector<16xf32>
    %div3A_2806 = arith.constant 1.000000e+00 : f32
    %div3A_2807 = vector.broadcast %div3A_2806 : f32 to vector<16xf32>
    %div3A_2808 = arith.divf %div3A_2807, %add3A_2805 : vector<16xf32>
    %get3A_2809 = arith.constant 1 : i32
    %get3A_2810 = arith.index_cast %get3A_2809 : i32 to index
    %get3A_2811 = arith.constant 48 : index
    %get3A_2812 = tpu.vector_load %arg5[%get3A_2810, %get3A_2811] {strides = array<i32>} : memref<8x64xf32, #tpu.memory_space<vmem>>, vector<1x16xf32>,
    %get3A_2813 = vector.shape_cast %get3A_2812 : vector<1x16xf32> to vector<16xf32>
    %neg3A_2814 = arith.constant 0.000000e+00 : f32
    %neg3A_2815 = vector.broadcast %neg3A_2814 : f32 to vector<16xf32>
    %neg3A_2816 = arith.subf %neg3A_2815, %get3A_2813 : vector<16xf32>
    %exp3A_2817 = math.exp %neg3A_2816 : vector<16xf32>
    %add3A_2818 = arith.constant 1.000000e+00 : f32
    %add3A_2819 = vector.broadcast %add3A_2818 : f32 to vector<16xf32>
    %add3A_2820 = arith.addf %add3A_2819, %exp3A_2817 : vector<16xf32>
    %div3A_2821 = arith.constant 1.000000e+00 : f32
    %div3A_2822 = vector.broadcast %div3A_2821 : f32 to vector<16xf32>
    %div3A_2823 = arith.divf %div3A_2822, %add3A_2820 : vector<16xf32>
    %get3A_2824 = arith.constant 2 : i32
    %get3A_2825 = arith.index_cast %get3A_2824 : i32 to index
    %get3A_2826 = arith.constant 48 : index
    %get3A_2827 = tpu.vector_load %arg5[%get3A_2825, %get3A_2826] {strides = array<i32>} : memref<8x64xf32, #tpu.memory_space<vmem>>, vector<1x16xf32>,
    %get3A_2828 = vector.shape_cast %get3A_2827 : vector<1x16xf32> to vector<16xf32>
    %neg3A_2829 = arith.constant 0.000000e+00 : f32
    %neg3A_2830 = vector.broadcast %neg3A_2829 : f32 to vector<16xf32>
    %neg3A_2831 = arith.subf %neg3A_2830, %get3A_2828 : vector<16xf32>
    %exp3A_2832 = math.exp %neg3A_2831 : vector<16xf32>
    %add3A_2833 = arith.constant 1.000000e+00 : f32
    %add3A_2834 = vector.broadcast %add3A_2833 : f32 to vector<16xf32>
    %add3A_2835 = arith.addf %add3A_2834, %exp3A_2832 : vector<16xf32>
    %div3A_2836 = arith.constant 1.000000e+00 : f32
    %div3A_2837 = vector.broadcast %div3A_2836 : f32 to vector<16xf32>
    %div3A_2838 = arith.divf %div3A_2837, %add3A_2835 : vector<16xf32>
    %get3A_2839 = arith.constant 3 : i32
    %get3A_2840 = arith.index_cast %get3A_2839 : i32 to index
    %get3A_2841 = arith.constant 48 : index
    %get3A_2842 = tpu.vector_load %arg5[%get3A_2840, %get3A_2841] {strides = array<i32>} : memref<8x64xf32, #tpu.memory_space<vmem>>, vector<1x16xf32>,
    %get3A_2843 = vector.shape_cast %get3A_2842 : vector<1x16xf32> to vector<16xf32>
    %neg3A_2844 = arith.constant 0.000000e+00 : f32
    %neg3A_2845 = vector.broadcast %neg3A_2844 : f32 to vector<16xf32>
    %neg3A_2846 = arith.subf %neg3A_2845, %get3A_2843 : vector<16xf32>
    %exp3A_2847 = math.exp %neg3A_2846 : vector<16xf32>
    %add3A_2848 = arith.constant 1.000000e+00 : f32
    %add3A_2849 = vector.broadcast %add3A_2848 : f32 to vector<16xf32>
    %add3A_2850 = arith.addf %add3A_2849, %exp3A_2847 : vector<16xf32>
    %div3A_2851 = arith.constant 1.000000e+00 : f32
    %div3A_2852 = vector.broadcast %div3A_2851 : f32 to vector<16xf32>
    %div3A_2853 = arith.divf %div3A_2852, %add3A_2850 : vector<16xf32>
    %get3A_2854 = arith.constant 4 : i32
    %get3A_2855 = arith.index_cast %get3A_2854 : i32 to index
    %get3A_2856 = arith.constant 48 : index
    %get3A_2857 = tpu.vector_load %arg5[%get3A_2855, %get3A_2856] {strides = array<i32>} : memref<8x64xf32, #tpu.memory_space<vmem>>, vector<1x16xf32>,
    %get3A_2858 = vector.shape_cast %get3A_2857 : vector<1x16xf32> to vector<16xf32>
    %neg3A_2859 = arith.constant 0.000000e+00 : f32
    %neg3A_2860 = vector.broadcast %neg3A_2859 : f32 to vector<16xf32>
    %neg3A_2861 = arith.subf %neg3A_2860, %get3A_2858 : vector<16xf32>
    %exp3A_2862 = math.exp %neg3A_2861 : vector<16xf32>
    %add3A_2863 = arith.constant 1.000000e+00 : f32
    %add3A_2864 = vector.broadcast %add3A_2863 : f32 to vector<16xf32>
    %add3A_2865 = arith.addf %add3A_2864, %exp3A_2862 : vector<16xf32>
    %div3A_2866 = arith.constant 1.000000e+00 : f32
    %div3A_2867 = vector.broadcast %div3A_2866 : f32 to vector<16xf32>
    %div3A_2868 = arith.divf %div3A_2867, %add3A_2865 : vector<16xf32>
    %get3A_2869 = arith.constant 5 : i32
    %get3A_2870 = arith.index_cast %get3A_2869 : i32 to index
    %get3A_2871 = arith.constant 48 : index
    %get3A_2872 = tpu.vector_load %arg5[%get3A_2870, %get3A_2871] {strides = array<i32>} : memref<8x64xf32, #tpu.memory_space<vmem>>, vector<1x16xf32>,
    %get3A_2873 = vector.shape_cast %get3A_2872 : vector<1x16xf32> to vector<16xf32>
    %neg3A_2874 = arith.constant 0.000000e+00 : f32
    %neg3A_2875 = vector.broadcast %neg3A_2874 : f32 to vector<16xf32>
    %neg3A_2876 = arith.subf %neg3A_2875, %get3A_2873 : vector<16xf32>
    %exp3A_2877 = math.exp %neg3A_2876 : vector<16xf32>
    %add3A_2878 = arith.constant 1.000000e+00 : f32
    %add3A_2879 = vector.broadcast %add3A_2878 : f32 to vector<16xf32>
    %add3A_2880 = arith.addf %add3A_2879, %exp3A_2877 : vector<16xf32>
    %div3A_2881 = arith.constant 1.000000e+00 : f32
    %div3A_2882 = vector.broadcast %div3A_2881 : f32 to vector<16xf32>
    %div3A_2883 = arith.divf %div3A_2882, %add3A_2880 : vector<16xf32>
    %get3A_2884 = arith.constant 6 : i32
    %get3A_2885 = arith.index_cast %get3A_2884 : i32 to index
    %get3A_2886 = arith.constant 48 : index
    %get3A_2887 = tpu.vector_load %arg5[%get3A_2885, %get3A_2886] {strides = array<i32>} : memref<8x64xf32, #tpu.memory_space<vmem>>, vector<1x16xf32>,
    %get3A_2888 = vector.shape_cast %get3A_2887 : vector<1x16xf32> to vector<16xf32>
    %neg3A_2889 = arith.constant 0.000000e+00 : f32
    %neg3A_2890 = vector.broadcast %neg3A_2889 : f32 to vector<16xf32>
    %neg3A_2891 = arith.subf %neg3A_2890, %get3A_2888 : vector<16xf32>
    %exp3A_2892 = math.exp %neg3A_2891 : vector<16xf32>
    %add3A_2893 = arith.constant 1.000000e+00 : f32
    %add3A_2894 = vector.broadcast %add3A_2893 : f32 to vector<16xf32>
    %add3A_2895 = arith.addf %add3A_2894, %exp3A_2892 : vector<16xf32>
    %div3A_2896 = arith.constant 1.000000e+00 : f32
    %div3A_2897 = vector.broadcast %div3A_2896 : f32 to vector<16xf32>
    %div3A_2898 = arith.divf %div3A_2897, %add3A_2895 : vector<16xf32>
    %get3A_2899 = arith.constant 7 : i32
    %get3A_2900 = arith.index_cast %get3A_2899 : i32 to index
    %get3A_2901 = arith.constant 48 : index
    %get3A_2902 = tpu.vector_load %arg5[%get3A_2900, %get3A_2901] {strides = array<i32>} : memref<8x64xf32, #tpu.memory_space<vmem>>, vector<1x16xf32>,
    %get3A_2903 = vector.shape_cast %get3A_2902 : vector<1x16xf32> to vector<16xf32>
    %neg3A_2904 = arith.constant 0.000000e+00 : f32
    %neg3A_2905 = vector.broadcast %neg3A_2904 : f32 to vector<16xf32>
    %neg3A_2906 = arith.subf %neg3A_2905, %get3A_2903 : vector<16xf32>
    %exp3A_2907 = math.exp %neg3A_2906 : vector<16xf32>
    %add3A_2908 = arith.constant 1.000000e+00 : f32
    %add3A_2909 = vector.broadcast %add3A_2908 : f32 to vector<16xf32>
    %add3A_2910 = arith.addf %add3A_2909, %exp3A_2907 : vector<16xf32>
    %div3A_2911 = arith.constant 1.000000e+00 : f32
    %div3A_2912 = vector.broadcast %div3A_2911 : f32 to vector<16xf32>
    %div3A_2913 = arith.divf %div3A_2912, %add3A_2910 : vector<16xf32>
    %get3A_2914 = arith.constant 0 : i32
    %get3A_2915 = arith.index_cast %get3A_2914 : i32 to index
    %get3A_2916 = arith.constant 0 : index
    %get3A_2917 = tpu.vector_load %arg7[%get3A_2915, %get3A_2916] {strides = array<i32>} : memref<8x16xf32, #tpu.memory_space<vmem>>, vector<1x16xf32>,
    %get3A_2918 = vector.shape_cast %get3A_2917 : vector<1x16xf32> to vector<16xf32>
    %add3A_2919 = arith.addf %div3A_2808, %get3A_2918 : vector<16xf32>
    %get3A_2920 = arith.constant 1 : i32
    %get3A_2921 = arith.index_cast %get3A_2920 : i32 to index
    %get3A_2922 = arith.constant 0 : index
    %get3A_2923 = tpu.vector_load %arg7[%get3A_2921, %get3A_2922] {strides = array<i32>} : memref<8x16xf32, #tpu.memory_space<vmem>>, vector<1x16xf32>,
    %get3A_2924 = vector.shape_cast %get3A_2923 : vector<1x16xf32> to vector<16xf32>
    %add3A_2925 = arith.addf %div3A_2823, %get3A_2924 : vector<16xf32>
    %get3A_2926 = arith.constant 2 : i32
    %get3A_2927 = arith.index_cast %get3A_2926 : i32 to index
    %get3A_2928 = arith.constant 0 : index
    %get3A_2929 = tpu.vector_load %arg7[%get3A_2927, %get3A_2928] {strides = array<i32>} : memref<8x16xf32, #tpu.memory_space<vmem>>, vector<1x16xf32>,
    %get3A_2930 = vector.shape_cast %get3A_2929 : vector<1x16xf32> to vector<16xf32>
    %add3A_2931 = arith.addf %div3A_2838, %get3A_2930 : vector<16xf32>
    %get3A_2932 = arith.constant 3 : i32
    %get3A_2933 = arith.index_cast %get3A_2932 : i32 to index
    %get3A_2934 = arith.constant 0 : index
    %get3A_2935 = tpu.vector_load %arg7[%get3A_2933, %get3A_2934] {strides = array<i32>} : memref<8x16xf32, #tpu.memory_space<vmem>>, vector<1x16xf32>,
    %get3A_2936 = vector.shape_cast %get3A_2935 : vector<1x16xf32> to vector<16xf32>
    %add3A_2937 = arith.addf %div3A_2853, %get3A_2936 : vector<16xf32>
    %get3A_2938 = arith.constant 4 : i32
    %get3A_2939 = arith.index_cast %get3A_2938 : i32 to index
    %get3A_2940 = arith.constant 0 : index
    %get3A_2941 = tpu.vector_load %arg7[%get3A_2939, %get3A_2940] {strides = array<i32>} : memref<8x16xf32, #tpu.memory_space<vmem>>, vector<1x16xf32>,
    %get3A_2942 = vector.shape_cast %get3A_2941 : vector<1x16xf32> to vector<16xf32>
    %add3A_2943 = arith.addf %div3A_2868, %get3A_2942 : vector<16xf32>
    %get3A_2944 = arith.constant 5 : i32
    %get3A_2945 = arith.index_cast %get3A_2944 : i32 to index
    %get3A_2946 = arith.constant 0 : index
    %get3A_2947 = tpu.vector_load %arg7[%get3A_2945, %get3A_2946] {strides = array<i32>} : memref<8x16xf32, #tpu.memory_space<vmem>>, vector<1x16xf32>,
    %get3A_2948 = vector.shape_cast %get3A_2947 : vector<1x16xf32> to vector<16xf32>
    %add3A_2949 = arith.addf %div3A_2883, %get3A_2948 : vector<16xf32>
    %get3A_2950 = arith.constant 6 : i32
    %get3A_2951 = arith.index_cast %get3A_2950 : i32 to index
    %get3A_2952 = arith.constant 0 : index
    %get3A_2953 = tpu.vector_load %arg7[%get3A_2951, %get3A_2952] {strides = array<i32>} : memref<8x16xf32, #tpu.memory_space<vmem>>, vector<1x16xf32>,
    %get3A_2954 = vector.shape_cast %get3A_2953 : vector<1x16xf32> to vector<16xf32>
    %add3A_2955 = arith.addf %div3A_2898, %get3A_2954 : vector<16xf32>
    %get3A_2956 = arith.constant 7 : i32
    %get3A_2957 = arith.index_cast %get3A_2956 : i32 to index
    %get3A_2958 = arith.constant 0 : index
    %get3A_2959 = tpu.vector_load %arg7[%get3A_2957, %get3A_2958] {strides = array<i32>} : memref<8x16xf32, #tpu.memory_space<vmem>>, vector<1x16xf32>,
    %get3A_2960 = vector.shape_cast %get3A_2959 : vector<1x16xf32> to vector<16xf32>
    %add3A_2961 = arith.addf %div3A_2913, %get3A_2960 : vector<16xf32>
    %add3A_2962 = arith.addf %add3A_2919, %add3A_2925 : vector<16xf32>
    %add3A_2963 = arith.addf %add3A_2931, %add3A_2937 : vector<16xf32>
    %add3A_2964 = arith.addf %add3A_2943, %add3A_2949 : vector<16xf32>
    %add3A_2965 = arith.addf %add3A_2955, %add3A_2961 : vector<16xf32>
    %broadcast_in_dim3A_2966 = arith.constant 0.000000e+00 : f32
    %broadcast_in_dim3A_2967 = vector.broadcast %broadcast_in_dim3A_2966 : f32 to vector<16xf32>
    %gt3A_2968 = arith.cmpf ogt, %add3A_2963, %add3A_2962 : vector<16xf32>
    %jit3A_2969 = arith.constant 1.000000e+00 : f32
    %jit3A_2970 = arith.constant 0.000000e+00 : f32
    %broadcast_in_dim3A_2971 = vector.broadcast %jit3A_2969 : f32 to vector<16xf32>
    %broadcast_in_dim3A_2972 = vector.broadcast %jit3A_2970 : f32 to vector<16xf32>
    %select_n3A_2973 = arith.select %gt3A_2968, %broadcast_in_dim3A_2971, %broadcast_in_dim3A_2972 : vector<16xi1>, vector<16xf32>
    %add3A_2974 = arith.addf %broadcast_in_dim3A_2967, %select_n3A_2973 : vector<16xf32>
    %gt3A_2975 = arith.cmpf ogt, %add3A_2964, %add3A_2962 : vector<16xf32>
    %jit3A_2976 = arith.constant 1.000000e+00 : f32
    %jit3A_2977 = arith.constant 0.000000e+00 : f32
    %broadcast_in_dim3A_2978 = vector.broadcast %jit3A_2976 : f32 to vector<16xf32>
    %broadcast_in_dim3A_2979 = vector.broadcast %jit3A_2977 : f32 to vector<16xf32>
    %select_n3A_2980 = arith.select %gt3A_2975, %broadcast_in_dim3A_2978, %broadcast_in_dim3A_2979 : vector<16xi1>, vector<16xf32>
    %add3A_2981 = arith.addf %add3A_2974, %select_n3A_2980 : vector<16xf32>
    %gt3A_2982 = arith.cmpf ogt, %add3A_2965, %add3A_2962 : vector<16xf32>
    %jit3A_2983 = arith.constant 1.000000e+00 : f32
    %jit3A_2984 = arith.constant 0.000000e+00 : f32
    %broadcast_in_dim3A_2985 = vector.broadcast %jit3A_2983 : f32 to vector<16xf32>
    %broadcast_in_dim3A_2986 = vector.broadcast %jit3A_2984 : f32 to vector<16xf32>
    %select_n3A_2987 = arith.select %gt3A_2982, %broadcast_in_dim3A_2985, %broadcast_in_dim3A_2986 : vector<16xi1>, vector<16xf32>
    %add3A_2988 = arith.addf %add3A_2981, %select_n3A_2987 : vector<16xf32>
    %lt3A_2989 = arith.constant 2.000000e+00 : f32
    %lt3A_2990 = vector.broadcast %lt3A_2989 : f32 to vector<16xf32>
    %lt3A_2991 = arith.cmpf olt, %add3A_2988, %lt3A_2990 : vector<16xf32>
    %broadcast_in_dim3A_2992 = arith.constant 0.000000e+00 : f32
    %broadcast_in_dim3A_2993 = vector.broadcast %broadcast_in_dim3A_2992 : f32 to vector<16xf32>
    %ge3A_2994 = arith.cmpf oge, %add3A_2962, %add3A_2963 : vector<16xf32>
    %jit3A_2995 = arith.constant 1.000000e+00 : f32
    %jit3A_2996 = arith.constant 0.000000e+00 : f32
    %broadcast_in_dim3A_2997 = vector.broadcast %jit3A_2995 : f32 to vector<16xf32>
    %broadcast_in_dim3A_2998 = vector.broadcast %jit3A_2996 : f32 to vector<16xf32>
    %select_n3A_2999 = arith.select %ge3A_2994, %broadcast_in_dim3A_2997, %broadcast_in_dim3A_2998 : vector<16xi1>, vector<16xf32>
    %add3A_3000 = arith.addf %broadcast_in_dim3A_2993, %select_n3A_2999 : vector<16xf32>
    %gt3A_3001 = arith.cmpf ogt, %add3A_2964, %add3A_2963 : vector<16xf32>
    %jit3A_3002 = arith.constant 1.000000e+00 : f32
    %jit3A_3003 = arith.constant 0.000000e+00 : f32
    %broadcast_in_dim3A_3004 = vector.broadcast %jit3A_3002 : f32 to vector<16xf32>
    %broadcast_in_dim3A_3005 = vector.broadcast %jit3A_3003 : f32 to vector<16xf32>
    %select_n3A_3006 = arith.select %gt3A_3001, %broadcast_in_dim3A_3004, %broadcast_in_dim3A_3005 : vector<16xi1>, vector<16xf32>
    %add3A_3007 = arith.addf %add3A_3000, %select_n3A_3006 : vector<16xf32>
    %gt3A_3008 = arith.cmpf ogt, %add3A_2965, %add3A_2963 : vector<16xf32>
    %jit3A_3009 = arith.constant 1.000000e+00 : f32
    %jit3A_3010 = arith.constant 0.000000e+00 : f32
    %broadcast_in_dim3A_3011 = vector.broadcast %jit3A_3009 : f32 to vector<16xf32>
    %broadcast_in_dim3A_3012 = vector.broadcast %jit3A_3010 : f32 to vector<16xf32>
    %select_n3A_3013 = arith.select %gt3A_3008, %broadcast_in_dim3A_3011, %broadcast_in_dim3A_3012 : vector<16xi1>, vector<16xf32>
    %add3A_3014 = arith.addf %add3A_3007, %select_n3A_3013 : vector<16xf32>
    %lt3A_3015 = arith.constant 2.000000e+00 : f32
    %lt3A_3016 = vector.broadcast %lt3A_3015 : f32 to vector<16xf32>
    %lt3A_3017 = arith.cmpf olt, %add3A_3014, %lt3A_3016 : vector<16xf32>
    %broadcast_in_dim3A_3018 = arith.constant 0.000000e+00 : f32
    %broadcast_in_dim3A_3019 = vector.broadcast %broadcast_in_dim3A_3018 : f32 to vector<16xf32>
    %ge3A_3020 = arith.cmpf oge, %add3A_2962, %add3A_2964 : vector<16xf32>
    %jit3A_3021 = arith.constant 1.000000e+00 : f32
    %jit3A_3022 = arith.constant 0.000000e+00 : f32
    %broadcast_in_dim3A_3023 = vector.broadcast %jit3A_3021 : f32 to vector<16xf32>
    %broadcast_in_dim3A_3024 = vector.broadcast %jit3A_3022 : f32 to vector<16xf32>
    %select_n3A_3025 = arith.select %ge3A_3020, %broadcast_in_dim3A_3023, %broadcast_in_dim3A_3024 : vector<16xi1>, vector<16xf32>
    %add3A_3026 = arith.addf %broadcast_in_dim3A_3019, %select_n3A_3025 : vector<16xf32>
    %ge3A_3027 = arith.cmpf oge, %add3A_2963, %add3A_2964 : vector<16xf32>
    %jit3A_3028 = arith.constant 1.000000e+00 : f32
    %jit3A_3029 = arith.constant 0.000000e+00 : f32
    %broadcast_in_dim3A_3030 = vector.broadcast %jit3A_3028 : f32 to vector<16xf32>
    %broadcast_in_dim3A_3031 = vector.broadcast %jit3A_3029 : f32 to vector<16xf32>
    %select_n3A_3032 = arith.select %ge3A_3027, %broadcast_in_dim3A_3030, %broadcast_in_dim3A_3031 : vector<16xi1>, vector<16xf32>
    %add3A_3033 = arith.addf %add3A_3026, %select_n3A_3032 : vector<16xf32>
    %gt3A_3034 = arith.cmpf ogt, %add3A_2965, %add3A_2964 : vector<16xf32>
    %jit3A_3035 = arith.constant 1.000000e+00 : f32
    %jit3A_3036 = arith.constant 0.000000e+00 : f32
    %broadcast_in_dim3A_3037 = vector.broadcast %jit3A_3035 : f32 to vector<16xf32>
    %broadcast_in_dim3A_3038 = vector.broadcast %jit3A_3036 : f32 to vector<16xf32>
    %select_n3A_3039 = arith.select %gt3A_3034, %broadcast_in_dim3A_3037, %broadcast_in_dim3A_3038 : vector<16xi1>, vector<16xf32>
    %add3A_3040 = arith.addf %add3A_3033, %select_n3A_3039 : vector<16xf32>
    %lt3A_3041 = arith.constant 2.000000e+00 : f32
    %lt3A_3042 = vector.broadcast %lt3A_3041 : f32 to vector<16xf32>
    %lt3A_3043 = arith.cmpf olt, %add3A_3040, %lt3A_3042 : vector<16xf32>
    %broadcast_in_dim3A_3044 = arith.constant 0.000000e+00 : f32
    %broadcast_in_dim3A_3045 = vector.broadcast %broadcast_in_dim3A_3044 : f32 to vector<16xf32>
    %ge3A_3046 = arith.cmpf oge, %add3A_2962, %add3A_2965 : vector<16xf32>
    %jit3A_3047 = arith.constant 1.000000e+00 : f32
    %jit3A_3048 = arith.constant 0.000000e+00 : f32
    %broadcast_in_dim3A_3049 = vector.broadcast %jit3A_3047 : f32 to vector<16xf32>
    %broadcast_in_dim3A_3050 = vector.broadcast %jit3A_3048 : f32 to vector<16xf32>
    %select_n3A_3051 = arith.select %ge3A_3046, %broadcast_in_dim3A_3049, %broadcast_in_dim3A_3050 : vector<16xi1>, vector<16xf32>
    %add3A_3052 = arith.addf %broadcast_in_dim3A_3045, %select_n3A_3051 : vector<16xf32>
    %ge3A_3053 = arith.cmpf oge, %add3A_2963, %add3A_2965 : vector<16xf32>
    %jit3A_3054 = arith.constant 1.000000e+00 : f32
    %jit3A_3055 = arith.constant 0.000000e+00 : f32
    %broadcast_in_dim3A_3056 = vector.broadcast %jit3A_3054 : f32 to vector<16xf32>
    %broadcast_in_dim3A_3057 = vector.broadcast %jit3A_3055 : f32 to vector<16xf32>
    %select_n3A_3058 = arith.select %ge3A_3053, %broadcast_in_dim3A_3056, %broadcast_in_dim3A_3057 : vector<16xi1>, vector<16xf32>
    %add3A_3059 = arith.addf %add3A_3052, %select_n3A_3058 : vector<16xf32>
    %ge3A_3060 = arith.cmpf oge, %add3A_2964, %add3A_2965 : vector<16xf32>
    %jit3A_3061 = arith.constant 1.000000e+00 : f32
    %jit3A_3062 = arith.constant 0.000000e+00 : f32
    %broadcast_in_dim3A_3063 = vector.broadcast %jit3A_3061 : f32 to vector<16xf32>
    %broadcast_in_dim3A_3064 = vector.broadcast %jit3A_3062 : f32 to vector<16xf32>
    %select_n3A_3065 = arith.select %ge3A_3060, %broadcast_in_dim3A_3063, %broadcast_in_dim3A_3064 : vector<16xi1>, vector<16xf32>
    %add3A_3066 = arith.addf %add3A_3059, %select_n3A_3065 : vector<16xf32>
    %lt3A_3067 = arith.constant 2.000000e+00 : f32
    %lt3A_3068 = vector.broadcast %lt3A_3067 : f32 to vector<16xf32>
    %lt3A_3069 = arith.cmpf olt, %add3A_3066, %lt3A_3068 : vector<16xf32>
    %jit3A_3070 = arith.constant -1.000000e+30 : f32
    %broadcast_in_dim3A_3071 = vector.broadcast %jit3A_3070 : f32 to vector<16xf32>
    %select_n3A_3072 = arith.select %lt3A_2991, %add3A_2919, %broadcast_in_dim3A_3071 : vector<16xi1>, vector<16xf32>
    %jit3A_3073 = arith.constant -1.000000e+30 : f32
    %broadcast_in_dim3A_3074 = vector.broadcast %jit3A_3073 : f32 to vector<16xf32>
    %select_n3A_3075 = arith.select %lt3A_2991, %add3A_2925, %broadcast_in_dim3A_3074 : vector<16xi1>, vector<16xf32>
    %jit3A_3076 = arith.constant -1.000000e+30 : f32
    %broadcast_in_dim3A_3077 = vector.broadcast %jit3A_3076 : f32 to vector<16xf32>
    %select_n3A_3078 = arith.select %lt3A_3017, %add3A_2931, %broadcast_in_dim3A_3077 : vector<16xi1>, vector<16xf32>
    %jit3A_3079 = arith.constant -1.000000e+30 : f32
    %broadcast_in_dim3A_3080 = vector.broadcast %jit3A_3079 : f32 to vector<16xf32>
    %select_n3A_3081 = arith.select %lt3A_3017, %add3A_2937, %broadcast_in_dim3A_3080 : vector<16xi1>, vector<16xf32>
    %jit3A_3082 = arith.constant -1.000000e+30 : f32
    %broadcast_in_dim3A_3083 = vector.broadcast %jit3A_3082 : f32 to vector<16xf32>
    %select_n3A_3084 = arith.select %lt3A_3043, %add3A_2943, %broadcast_in_dim3A_3083 : vector<16xi1>, vector<16xf32>
    %jit3A_3085 = arith.constant -1.000000e+30 : f32
    %broadcast_in_dim3A_3086 = vector.broadcast %jit3A_3085 : f32 to vector<16xf32>
    %select_n3A_3087 = arith.select %lt3A_3043, %add3A_2949, %broadcast_in_dim3A_3086 : vector<16xi1>, vector<16xf32>
    %jit3A_3088 = arith.constant -1.000000e+30 : f32
    %broadcast_in_dim3A_3089 = vector.broadcast %jit3A_3088 : f32 to vector<16xf32>
    %select_n3A_3090 = arith.select %lt3A_3069, %add3A_2955, %broadcast_in_dim3A_3089 : vector<16xi1>, vector<16xf32>
    %jit3A_3091 = arith.constant -1.000000e+30 : f32
    %broadcast_in_dim3A_3092 = vector.broadcast %jit3A_3091 : f32 to vector<16xf32>
    %select_n3A_3093 = arith.select %lt3A_3069, %add3A_2961, %broadcast_in_dim3A_3092 : vector<16xi1>, vector<16xf32>
    %broadcast_in_dim3A_3094 = arith.constant 0.000000e+00 : f32
    %broadcast_in_dim3A_3095 = vector.broadcast %broadcast_in_dim3A_3094 : f32 to vector<16xf32>
    %gt3A_3096 = arith.cmpf ogt, %select_n3A_3075, %select_n3A_3072 : vector<16xf32>
    %jit3A_3097 = arith.constant 1.000000e+00 : f32
    %jit3A_3098 = arith.constant 0.000000e+00 : f32
    %broadcast_in_dim3A_3099 = vector.broadcast %jit3A_3097 : f32 to vector<16xf32>
    %broadcast_in_dim3A_3100 = vector.broadcast %jit3A_3098 : f32 to vector<16xf32>
    %select_n3A_3101 = arith.select %gt3A_3096, %broadcast_in_dim3A_3099, %broadcast_in_dim3A_3100 : vector<16xi1>, vector<16xf32>
    %add3A_3102 = arith.addf %broadcast_in_dim3A_3095, %select_n3A_3101 : vector<16xf32>
    %gt3A_3103 = arith.cmpf ogt, %select_n3A_3078, %select_n3A_3072 : vector<16xf32>
    %jit3A_3104 = arith.constant 1.000000e+00 : f32
    %jit3A_3105 = arith.constant 0.000000e+00 : f32
    %broadcast_in_dim3A_3106 = vector.broadcast %jit3A_3104 : f32 to vector<16xf32>
    %broadcast_in_dim3A_3107 = vector.broadcast %jit3A_3105 : f32 to vector<16xf32>
    %select_n3A_3108 = arith.select %gt3A_3103, %broadcast_in_dim3A_3106, %broadcast_in_dim3A_3107 : vector<16xi1>, vector<16xf32>
    %add3A_3109 = arith.addf %add3A_3102, %select_n3A_3108 : vector<16xf32>
    %gt3A_3110 = arith.cmpf ogt, %select_n3A_3081, %select_n3A_3072 : vector<16xf32>
    %jit3A_3111 = arith.constant 1.000000e+00 : f32
    %jit3A_3112 = arith.constant 0.000000e+00 : f32
    %broadcast_in_dim3A_3113 = vector.broadcast %jit3A_3111 : f32 to vector<16xf32>
    %broadcast_in_dim3A_3114 = vector.broadcast %jit3A_3112 : f32 to vector<16xf32>
    %select_n3A_3115 = arith.select %gt3A_3110, %broadcast_in_dim3A_3113, %broadcast_in_dim3A_3114 : vector<16xi1>, vector<16xf32>
    %add3A_3116 = arith.addf %add3A_3109, %select_n3A_3115 : vector<16xf32>
    %gt3A_3117 = arith.cmpf ogt, %select_n3A_3084, %select_n3A_3072 : vector<16xf32>
    %jit3A_3118 = arith.constant 1.000000e+00 : f32
    %jit3A_3119 = arith.constant 0.000000e+00 : f32
    %broadcast_in_dim3A_3120 = vector.broadcast %jit3A_3118 : f32 to vector<16xf32>
    %broadcast_in_dim3A_3121 = vector.broadcast %jit3A_3119 : f32 to vector<16xf32>
    %select_n3A_3122 = arith.select %gt3A_3117, %broadcast_in_dim3A_3120, %broadcast_in_dim3A_3121 : vector<16xi1>, vector<16xf32>
    %add3A_3123 = arith.addf %add3A_3116, %select_n3A_3122 : vector<16xf32>
    %gt3A_3124 = arith.cmpf ogt, %select_n3A_3087, %select_n3A_3072 : vector<16xf32>
    %jit3A_3125 = arith.constant 1.000000e+00 : f32
    %jit3A_3126 = arith.constant 0.000000e+00 : f32
    %broadcast_in_dim3A_3127 = vector.broadcast %jit3A_3125 : f32 to vector<16xf32>
    %broadcast_in_dim3A_3128 = vector.broadcast %jit3A_3126 : f32 to vector<16xf32>
    %select_n3A_3129 = arith.select %gt3A_3124, %broadcast_in_dim3A_3127, %broadcast_in_dim3A_3128 : vector<16xi1>, vector<16xf32>
    %add3A_3130 = arith.addf %add3A_3123, %select_n3A_3129 : vector<16xf32>
    %gt3A_3131 = arith.cmpf ogt, %select_n3A_3090, %select_n3A_3072 : vector<16xf32>
    %jit3A_3132 = arith.constant 1.000000e+00 : f32
    %jit3A_3133 = arith.constant 0.000000e+00 : f32
    %broadcast_in_dim3A_3134 = vector.broadcast %jit3A_3132 : f32 to vector<16xf32>
    %broadcast_in_dim3A_3135 = vector.broadcast %jit3A_3133 : f32 to vector<16xf32>
    %select_n3A_3136 = arith.select %gt3A_3131, %broadcast_in_dim3A_3134, %broadcast_in_dim3A_3135 : vector<16xi1>, vector<16xf32>
    %add3A_3137 = arith.addf %add3A_3130, %select_n3A_3136 : vector<16xf32>
    %gt3A_3138 = arith.cmpf ogt, %select_n3A_3093, %select_n3A_3072 : vector<16xf32>
    %jit3A_3139 = arith.constant 1.000000e+00 : f32
    %jit3A_3140 = arith.constant 0.000000e+00 : f32
    %broadcast_in_dim3A_3141 = vector.broadcast %jit3A_3139 : f32 to vector<16xf32>
    %broadcast_in_dim3A_3142 = vector.broadcast %jit3A_3140 : f32 to vector<16xf32>
    %select_n3A_3143 = arith.select %gt3A_3138, %broadcast_in_dim3A_3141, %broadcast_in_dim3A_3142 : vector<16xi1>, vector<16xf32>
    %add3A_3144 = arith.addf %add3A_3137, %select_n3A_3143 : vector<16xf32>
    %lt3A_3145 = arith.constant 2.000000e+00 : f32
    %lt3A_3146 = vector.broadcast %lt3A_3145 : f32 to vector<16xf32>
    %lt3A_3147 = arith.cmpf olt, %add3A_3144, %lt3A_3146 : vector<16xf32>
    %jit3A_3148 = arith.constant 0.000000e+00 : f32
    %broadcast_in_dim3A_3149 = vector.broadcast %jit3A_3148 : f32 to vector<16xf32>
    %select_n3A_3150 = arith.select %lt3A_3147, %div3A_2808, %broadcast_in_dim3A_3149 : vector<16xi1>, vector<16xf32>
    %broadcast_in_dim3A_3151 = arith.constant 0.000000e+00 : f32
    %broadcast_in_dim3A_3152 = vector.broadcast %broadcast_in_dim3A_3151 : f32 to vector<16xf32>
    %ge3A_3153 = arith.cmpf oge, %select_n3A_3072, %select_n3A_3075 : vector<16xf32>
    %jit3A_3154 = arith.constant 1.000000e+00 : f32
    %jit3A_3155 = arith.constant 0.000000e+00 : f32
    %broadcast_in_dim3A_3156 = vector.broadcast %jit3A_3154 : f32 to vector<16xf32>
    %broadcast_in_dim3A_3157 = vector.broadcast %jit3A_3155 : f32 to vector<16xf32>
    %select_n3A_3158 = arith.select %ge3A_3153, %broadcast_in_dim3A_3156, %broadcast_in_dim3A_3157 : vector<16xi1>, vector<16xf32>
    %add3A_3159 = arith.addf %broadcast_in_dim3A_3152, %select_n3A_3158 : vector<16xf32>
    %gt3A_3160 = arith.cmpf ogt, %select_n3A_3078, %select_n3A_3075 : vector<16xf32>
    %jit3A_3161 = arith.constant 1.000000e+00 : f32
    %jit3A_3162 = arith.constant 0.000000e+00 : f32
    %broadcast_in_dim3A_3163 = vector.broadcast %jit3A_3161 : f32 to vector<16xf32>
    %broadcast_in_dim3A_3164 = vector.broadcast %jit3A_3162 : f32 to vector<16xf32>
    %select_n3A_3165 = arith.select %gt3A_3160, %broadcast_in_dim3A_3163, %broadcast_in_dim3A_3164 : vector<16xi1>, vector<16xf32>
    %add3A_3166 = arith.addf %add3A_3159, %select_n3A_3165 : vector<16xf32>
    %gt3A_3167 = arith.cmpf ogt, %select_n3A_3081, %select_n3A_3075 : vector<16xf32>
    %jit3A_3168 = arith.constant 1.000000e+00 : f32
    %jit3A_3169 = arith.constant 0.000000e+00 : f32
    %broadcast_in_dim3A_3170 = vector.broadcast %jit3A_3168 : f32 to vector<16xf32>
    %broadcast_in_dim3A_3171 = vector.broadcast %jit3A_3169 : f32 to vector<16xf32>
    %select_n3A_3172 = arith.select %gt3A_3167, %broadcast_in_dim3A_3170, %broadcast_in_dim3A_3171 : vector<16xi1>, vector<16xf32>
    %add3A_3173 = arith.addf %add3A_3166, %select_n3A_3172 : vector<16xf32>
    %gt3A_3174 = arith.cmpf ogt, %select_n3A_3084, %select_n3A_3075 : vector<16xf32>
    %jit3A_3175 = arith.constant 1.000000e+00 : f32
    %jit3A_3176 = arith.constant 0.000000e+00 : f32
    %broadcast_in_dim3A_3177 = vector.broadcast %jit3A_3175 : f32 to vector<16xf32>
    %broadcast_in_dim3A_3178 = vector.broadcast %jit3A_3176 : f32 to vector<16xf32>
    %select_n3A_3179 = arith.select %gt3A_3174, %broadcast_in_dim3A_3177, %broadcast_in_dim3A_3178 : vector<16xi1>, vector<16xf32>
    %add3A_3180 = arith.addf %add3A_3173, %select_n3A_3179 : vector<16xf32>
    %gt3A_3181 = arith.cmpf ogt, %select_n3A_3087, %select_n3A_3075 : vector<16xf32>
    %jit3A_3182 = arith.constant 1.000000e+00 : f32
    %jit3A_3183 = arith.constant 0.000000e+00 : f32
    %broadcast_in_dim3A_3184 = vector.broadcast %jit3A_3182 : f32 to vector<16xf32>
    %broadcast_in_dim3A_3185 = vector.broadcast %jit3A_3183 : f32 to vector<16xf32>
    %select_n3A_3186 = arith.select %gt3A_3181, %broadcast_in_dim3A_3184, %broadcast_in_dim3A_3185 : vector<16xi1>, vector<16xf32>
    %add3A_3187 = arith.addf %add3A_3180, %select_n3A_3186 : vector<16xf32>
    %gt3A_3188 = arith.cmpf ogt, %select_n3A_3090, %select_n3A_3075 : vector<16xf32>
    %jit3A_3189 = arith.constant 1.000000e+00 : f32
    %jit3A_3190 = arith.constant 0.000000e+00 : f32
    %broadcast_in_dim3A_3191 = vector.broadcast %jit3A_3189 : f32 to vector<16xf32>
    %broadcast_in_dim3A_3192 = vector.broadcast %jit3A_3190 : f32 to vector<16xf32>
    %select_n3A_3193 = arith.select %gt3A_3188, %broadcast_in_dim3A_3191, %broadcast_in_dim3A_3192 : vector<16xi1>, vector<16xf32>
    %add3A_3194 = arith.addf %add3A_3187, %select_n3A_3193 : vector<16xf32>
    %gt3A_3195 = arith.cmpf ogt, %select_n3A_3093, %select_n3A_3075 : vector<16xf32>
    %jit3A_3196 = arith.constant 1.000000e+00 : f32
    %jit3A_3197 = arith.constant 0.000000e+00 : f32
    %broadcast_in_dim3A_3198 = vector.broadcast %jit3A_3196 : f32 to vector<16xf32>
    %broadcast_in_dim3A_3199 = vector.broadcast %jit3A_3197 : f32 to vector<16xf32>
    %select_n3A_3200 = arith.select %gt3A_3195, %broadcast_in_dim3A_3198, %broadcast_in_dim3A_3199 : vector<16xi1>, vector<16xf32>
    %add3A_3201 = arith.addf %add3A_3194, %select_n3A_3200 : vector<16xf32>
    %lt3A_3202 = arith.constant 2.000000e+00 : f32
    %lt3A_3203 = vector.broadcast %lt3A_3202 : f32 to vector<16xf32>
    %lt3A_3204 = arith.cmpf olt, %add3A_3201, %lt3A_3203 : vector<16xf32>
    %jit3A_3205 = arith.constant 0.000000e+00 : f32
    %broadcast_in_dim3A_3206 = vector.broadcast %jit3A_3205 : f32 to vector<16xf32>
    %select_n3A_3207 = arith.select %lt3A_3204, %div3A_2823, %broadcast_in_dim3A_3206 : vector<16xi1>, vector<16xf32>
    %broadcast_in_dim3A_3208 = arith.constant 0.000000e+00 : f32
    %broadcast_in_dim3A_3209 = vector.broadcast %broadcast_in_dim3A_3208 : f32 to vector<16xf32>
    %ge3A_3210 = arith.cmpf oge, %select_n3A_3072, %select_n3A_3078 : vector<16xf32>
    %jit3A_3211 = arith.constant 1.000000e+00 : f32
    %jit3A_3212 = arith.constant 0.000000e+00 : f32
    %broadcast_in_dim3A_3213 = vector.broadcast %jit3A_3211 : f32 to vector<16xf32>
    %broadcast_in_dim3A_3214 = vector.broadcast %jit3A_3212 : f32 to vector<16xf32>
    %select_n3A_3215 = arith.select %ge3A_3210, %broadcast_in_dim3A_3213, %broadcast_in_dim3A_3214 : vector<16xi1>, vector<16xf32>
    %add3A_3216 = arith.addf %broadcast_in_dim3A_3209, %select_n3A_3215 : vector<16xf32>
    %ge3A_3217 = arith.cmpf oge, %select_n3A_3075, %select_n3A_3078 : vector<16xf32>
    %jit3A_3218 = arith.constant 1.000000e+00 : f32
    %jit3A_3219 = arith.constant 0.000000e+00 : f32
    %broadcast_in_dim3A_3220 = vector.broadcast %jit3A_3218 : f32 to vector<16xf32>
    %broadcast_in_dim3A_3221 = vector.broadcast %jit3A_3219 : f32 to vector<16xf32>
    %select_n3A_3222 = arith.select %ge3A_3217, %broadcast_in_dim3A_3220, %broadcast_in_dim3A_3221 : vector<16xi1>, vector<16xf32>
    %add3A_3223 = arith.addf %add3A_3216, %select_n3A_3222 : vector<16xf32>
    %gt3A_3224 = arith.cmpf ogt, %select_n3A_3081, %select_n3A_3078 : vector<16xf32>
    %jit3A_3225 = arith.constant 1.000000e+00 : f32
    %jit3A_3226 = arith.constant 0.000000e+00 : f32
    %broadcast_in_dim3A_3227 = vector.broadcast %jit3A_3225 : f32 to vector<16xf32>
    %broadcast_in_dim3A_3228 = vector.broadcast %jit3A_3226 : f32 to vector<16xf32>
    %select_n3A_3229 = arith.select %gt3A_3224, %broadcast_in_dim3A_3227, %broadcast_in_dim3A_3228 : vector<16xi1>, vector<16xf32>
    %add3A_3230 = arith.addf %add3A_3223, %select_n3A_3229 : vector<16xf32>
    %gt3A_3231 = arith.cmpf ogt, %select_n3A_3084, %select_n3A_3078 : vector<16xf32>
    %jit3A_3232 = arith.constant 1.000000e+00 : f32
    %jit3A_3233 = arith.constant 0.000000e+00 : f32
    %broadcast_in_dim3A_3234 = vector.broadcast %jit3A_3232 : f32 to vector<16xf32>
    %broadcast_in_dim3A_3235 = vector.broadcast %jit3A_3233 : f32 to vector<16xf32>
    %select_n3A_3236 = arith.select %gt3A_3231, %broadcast_in_dim3A_3234, %broadcast_in_dim3A_3235 : vector<16xi1>, vector<16xf32>
    %add3A_3237 = arith.addf %add3A_3230, %select_n3A_3236 : vector<16xf32>
    %gt3A_3238 = arith.cmpf ogt, %select_n3A_3087, %select_n3A_3078 : vector<16xf32>
    %jit3A_3239 = arith.constant 1.000000e+00 : f32
    %jit3A_3240 = arith.constant 0.000000e+00 : f32
    %broadcast_in_dim3A_3241 = vector.broadcast %jit3A_3239 : f32 to vector<16xf32>
    %broadcast_in_dim3A_3242 = vector.broadcast %jit3A_3240 : f32 to vector<16xf32>
    %select_n3A_3243 = arith.select %gt3A_3238, %broadcast_in_dim3A_3241, %broadcast_in_dim3A_3242 : vector<16xi1>, vector<16xf32>
    %add3A_3244 = arith.addf %add3A_3237, %select_n3A_3243 : vector<16xf32>
    %gt3A_3245 = arith.cmpf ogt, %select_n3A_3090, %select_n3A_3078 : vector<16xf32>
    %jit3A_3246 = arith.constant 1.000000e+00 : f32
    %jit3A_3247 = arith.constant 0.000000e+00 : f32
    %broadcast_in_dim3A_3248 = vector.broadcast %jit3A_3246 : f32 to vector<16xf32>
    %broadcast_in_dim3A_3249 = vector.broadcast %jit3A_3247 : f32 to vector<16xf32>
    %select_n3A_3250 = arith.select %gt3A_3245, %broadcast_in_dim3A_3248, %broadcast_in_dim3A_3249 : vector<16xi1>, vector<16xf32>
    %add3A_3251 = arith.addf %add3A_3244, %select_n3A_3250 : vector<16xf32>
    %gt3A_3252 = arith.cmpf ogt, %select_n3A_3093, %select_n3A_3078 : vector<16xf32>
    %jit3A_3253 = arith.constant 1.000000e+00 : f32
    %jit3A_3254 = arith.constant 0.000000e+00 : f32
    %broadcast_in_dim3A_3255 = vector.broadcast %jit3A_3253 : f32 to vector<16xf32>
    %broadcast_in_dim3A_3256 = vector.broadcast %jit3A_3254 : f32 to vector<16xf32>
    %select_n3A_3257 = arith.select %gt3A_3252, %broadcast_in_dim3A_3255, %broadcast_in_dim3A_3256 : vector<16xi1>, vector<16xf32>
    %add3A_3258 = arith.addf %add3A_3251, %select_n3A_3257 : vector<16xf32>
    %lt3A_3259 = arith.constant 2.000000e+00 : f32
    %lt3A_3260 = vector.broadcast %lt3A_3259 : f32 to vector<16xf32>
    %lt3A_3261 = arith.cmpf olt, %add3A_3258, %lt3A_3260 : vector<16xf32>
    %jit3A_3262 = arith.constant 0.000000e+00 : f32
    %broadcast_in_dim3A_3263 = vector.broadcast %jit3A_3262 : f32 to vector<16xf32>
    %select_n3A_3264 = arith.select %lt3A_3261, %div3A_2838, %broadcast_in_dim3A_3263 : vector<16xi1>, vector<16xf32>
    %broadcast_in_dim3A_3265 = arith.constant 0.000000e+00 : f32
    %broadcast_in_dim3A_3266 = vector.broadcast %broadcast_in_dim3A_3265 : f32 to vector<16xf32>
    %ge3A_3267 = arith.cmpf oge, %select_n3A_3072, %select_n3A_3081 : vector<16xf32>
    %jit3A_3268 = arith.constant 1.000000e+00 : f32
    %jit3A_3269 = arith.constant 0.000000e+00 : f32
    %broadcast_in_dim3A_3270 = vector.broadcast %jit3A_3268 : f32 to vector<16xf32>
    %broadcast_in_dim3A_3271 = vector.broadcast %jit3A_3269 : f32 to vector<16xf32>
    %select_n3A_3272 = arith.select %ge3A_3267, %broadcast_in_dim3A_3270, %broadcast_in_dim3A_3271 : vector<16xi1>, vector<16xf32>
    %add3A_3273 = arith.addf %broadcast_in_dim3A_3266, %select_n3A_3272 : vector<16xf32>
    %ge3A_3274 = arith.cmpf oge, %select_n3A_3075, %select_n3A_3081 : vector<16xf32>
    %jit3A_3275 = arith.constant 1.000000e+00 : f32
    %jit3A_3276 = arith.constant 0.000000e+00 : f32
    %broadcast_in_dim3A_3277 = vector.broadcast %jit3A_3275 : f32 to vector<16xf32>
    %broadcast_in_dim3A_3278 = vector.broadcast %jit3A_3276 : f32 to vector<16xf32>
    %select_n3A_3279 = arith.select %ge3A_3274, %broadcast_in_dim3A_3277, %broadcast_in_dim3A_3278 : vector<16xi1>, vector<16xf32>
    %add3A_3280 = arith.addf %add3A_3273, %select_n3A_3279 : vector<16xf32>
    %ge3A_3281 = arith.cmpf oge, %select_n3A_3078, %select_n3A_3081 : vector<16xf32>
    %jit3A_3282 = arith.constant 1.000000e+00 : f32
    %jit3A_3283 = arith.constant 0.000000e+00 : f32
    %broadcast_in_dim3A_3284 = vector.broadcast %jit3A_3282 : f32 to vector<16xf32>
    %broadcast_in_dim3A_3285 = vector.broadcast %jit3A_3283 : f32 to vector<16xf32>
    %select_n3A_3286 = arith.select %ge3A_3281, %broadcast_in_dim3A_3284, %broadcast_in_dim3A_3285 : vector<16xi1>, vector<16xf32>
    %add3A_3287 = arith.addf %add3A_3280, %select_n3A_3286 : vector<16xf32>
    %gt3A_3288 = arith.cmpf ogt, %select_n3A_3084, %select_n3A_3081 : vector<16xf32>
    %jit3A_3289 = arith.constant 1.000000e+00 : f32
    %jit3A_3290 = arith.constant 0.000000e+00 : f32
    %broadcast_in_dim3A_3291 = vector.broadcast %jit3A_3289 : f32 to vector<16xf32>
    %broadcast_in_dim3A_3292 = vector.broadcast %jit3A_3290 : f32 to vector<16xf32>
    %select_n3A_3293 = arith.select %gt3A_3288, %broadcast_in_dim3A_3291, %broadcast_in_dim3A_3292 : vector<16xi1>, vector<16xf32>
    %add3A_3294 = arith.addf %add3A_3287, %select_n3A_3293 : vector<16xf32>
    %gt3A_3295 = arith.cmpf ogt, %select_n3A_3087, %select_n3A_3081 : vector<16xf32>
    %jit3A_3296 = arith.constant 1.000000e+00 : f32
    %jit3A_3297 = arith.constant 0.000000e+00 : f32
    %broadcast_in_dim3A_3298 = vector.broadcast %jit3A_3296 : f32 to vector<16xf32>
    %broadcast_in_dim3A_3299 = vector.broadcast %jit3A_3297 : f32 to vector<16xf32>
    %select_n3A_3300 = arith.select %gt3A_3295, %broadcast_in_dim3A_3298, %broadcast_in_dim3A_3299 : vector<16xi1>, vector<16xf32>
    %add3A_3301 = arith.addf %add3A_3294, %select_n3A_3300 : vector<16xf32>
    %gt3A_3302 = arith.cmpf ogt, %select_n3A_3090, %select_n3A_3081 : vector<16xf32>
    %jit3A_3303 = arith.constant 1.000000e+00 : f32
    %jit3A_3304 = arith.constant 0.000000e+00 : f32
    %broadcast_in_dim3A_3305 = vector.broadcast %jit3A_3303 : f32 to vector<16xf32>
    %broadcast_in_dim3A_3306 = vector.broadcast %jit3A_3304 : f32 to vector<16xf32>
    %select_n3A_3307 = arith.select %gt3A_3302, %broadcast_in_dim3A_3305, %broadcast_in_dim3A_3306 : vector<16xi1>, vector<16xf32>
    %add3A_3308 = arith.addf %add3A_3301, %select_n3A_3307 : vector<16xf32>
    %gt3A_3309 = arith.cmpf ogt, %select_n3A_3093, %select_n3A_3081 : vector<16xf32>
    %jit3A_3310 = arith.constant 1.000000e+00 : f32
    %jit3A_3311 = arith.constant 0.000000e+00 : f32
    %broadcast_in_dim3A_3312 = vector.broadcast %jit3A_3310 : f32 to vector<16xf32>
    %broadcast_in_dim3A_3313 = vector.broadcast %jit3A_3311 : f32 to vector<16xf32>
    %select_n3A_3314 = arith.select %gt3A_3309, %broadcast_in_dim3A_3312, %broadcast_in_dim3A_3313 : vector<16xi1>, vector<16xf32>
    %add3A_3315 = arith.addf %add3A_3308, %select_n3A_3314 : vector<16xf32>
    %lt3A_3316 = arith.constant 2.000000e+00 : f32
    %lt3A_3317 = vector.broadcast %lt3A_3316 : f32 to vector<16xf32>
    %lt3A_3318 = arith.cmpf olt, %add3A_3315, %lt3A_3317 : vector<16xf32>
    %jit3A_3319 = arith.constant 0.000000e+00 : f32
    %broadcast_in_dim3A_3320 = vector.broadcast %jit3A_3319 : f32 to vector<16xf32>
    %select_n3A_3321 = arith.select %lt3A_3318, %div3A_2853, %broadcast_in_dim3A_3320 : vector<16xi1>, vector<16xf32>
    %broadcast_in_dim3A_3322 = arith.constant 0.000000e+00 : f32
    %broadcast_in_dim3A_3323 = vector.broadcast %broadcast_in_dim3A_3322 : f32 to vector<16xf32>
    %ge3A_3324 = arith.cmpf oge, %select_n3A_3072, %select_n3A_3084 : vector<16xf32>
    %jit3A_3325 = arith.constant 1.000000e+00 : f32
    %jit3A_3326 = arith.constant 0.000000e+00 : f32
    %broadcast_in_dim3A_3327 = vector.broadcast %jit3A_3325 : f32 to vector<16xf32>
    %broadcast_in_dim3A_3328 = vector.broadcast %jit3A_3326 : f32 to vector<16xf32>
    %select_n3A_3329 = arith.select %ge3A_3324, %broadcast_in_dim3A_3327, %broadcast_in_dim3A_3328 : vector<16xi1>, vector<16xf32>
    %add3A_3330 = arith.addf %broadcast_in_dim3A_3323, %select_n3A_3329 : vector<16xf32>
    %ge3A_3331 = arith.cmpf oge, %select_n3A_3075, %select_n3A_3084 : vector<16xf32>
    %jit3A_3332 = arith.constant 1.000000e+00 : f32
    %jit3A_3333 = arith.constant 0.000000e+00 : f32
    %broadcast_in_dim3A_3334 = vector.broadcast %jit3A_3332 : f32 to vector<16xf32>
    %broadcast_in_dim3A_3335 = vector.broadcast %jit3A_3333 : f32 to vector<16xf32>
    %select_n3A_3336 = arith.select %ge3A_3331, %broadcast_in_dim3A_3334, %broadcast_in_dim3A_3335 : vector<16xi1>, vector<16xf32>
    %add3A_3337 = arith.addf %add3A_3330, %select_n3A_3336 : vector<16xf32>
    %ge3A_3338 = arith.cmpf oge, %select_n3A_3078, %select_n3A_3084 : vector<16xf32>
    %jit3A_3339 = arith.constant 1.000000e+00 : f32
    %jit3A_3340 = arith.constant 0.000000e+00 : f32
    %broadcast_in_dim3A_3341 = vector.broadcast %jit3A_3339 : f32 to vector<16xf32>
    %broadcast_in_dim3A_3342 = vector.broadcast %jit3A_3340 : f32 to vector<16xf32>
    %select_n3A_3343 = arith.select %ge3A_3338, %broadcast_in_dim3A_3341, %broadcast_in_dim3A_3342 : vector<16xi1>, vector<16xf32>
    %add3A_3344 = arith.addf %add3A_3337, %select_n3A_3343 : vector<16xf32>
    %ge3A_3345 = arith.cmpf oge, %select_n3A_3081, %select_n3A_3084 : vector<16xf32>
    %jit3A_3346 = arith.constant 1.000000e+00 : f32
    %jit3A_3347 = arith.constant 0.000000e+00 : f32
    %broadcast_in_dim3A_3348 = vector.broadcast %jit3A_3346 : f32 to vector<16xf32>
    %broadcast_in_dim3A_3349 = vector.broadcast %jit3A_3347 : f32 to vector<16xf32>
    %select_n3A_3350 = arith.select %ge3A_3345, %broadcast_in_dim3A_3348, %broadcast_in_dim3A_3349 : vector<16xi1>, vector<16xf32>
    %add3A_3351 = arith.addf %add3A_3344, %select_n3A_3350 : vector<16xf32>
    %gt3A_3352 = arith.cmpf ogt, %select_n3A_3087, %select_n3A_3084 : vector<16xf32>
    %jit3A_3353 = arith.constant 1.000000e+00 : f32
    %jit3A_3354 = arith.constant 0.000000e+00 : f32
    %broadcast_in_dim3A_3355 = vector.broadcast %jit3A_3353 : f32 to vector<16xf32>
    %broadcast_in_dim3A_3356 = vector.broadcast %jit3A_3354 : f32 to vector<16xf32>
    %select_n3A_3357 = arith.select %gt3A_3352, %broadcast_in_dim3A_3355, %broadcast_in_dim3A_3356 : vector<16xi1>, vector<16xf32>
    %add3A_3358 = arith.addf %add3A_3351, %select_n3A_3357 : vector<16xf32>
    %gt3A_3359 = arith.cmpf ogt, %select_n3A_3090, %select_n3A_3084 : vector<16xf32>
    %jit3A_3360 = arith.constant 1.000000e+00 : f32
    %jit3A_3361 = arith.constant 0.000000e+00 : f32
    %broadcast_in_dim3A_3362 = vector.broadcast %jit3A_3360 : f32 to vector<16xf32>
    %broadcast_in_dim3A_3363 = vector.broadcast %jit3A_3361 : f32 to vector<16xf32>
    %select_n3A_3364 = arith.select %gt3A_3359, %broadcast_in_dim3A_3362, %broadcast_in_dim3A_3363 : vector<16xi1>, vector<16xf32>
    %add3A_3365 = arith.addf %add3A_3358, %select_n3A_3364 : vector<16xf32>
    %gt3A_3366 = arith.cmpf ogt, %select_n3A_3093, %select_n3A_3084 : vector<16xf32>
    %jit3A_3367 = arith.constant 1.000000e+00 : f32
    %jit3A_3368 = arith.constant 0.000000e+00 : f32
    %broadcast_in_dim3A_3369 = vector.broadcast %jit3A_3367 : f32 to vector<16xf32>
    %broadcast_in_dim3A_3370 = vector.broadcast %jit3A_3368 : f32 to vector<16xf32>
    %select_n3A_3371 = arith.select %gt3A_3366, %broadcast_in_dim3A_3369, %broadcast_in_dim3A_3370 : vector<16xi1>, vector<16xf32>
    %add3A_3372 = arith.addf %add3A_3365, %select_n3A_3371 : vector<16xf32>
    %lt3A_3373 = arith.constant 2.000000e+00 : f32
    %lt3A_3374 = vector.broadcast %lt3A_3373 : f32 to vector<16xf32>
    %lt3A_3375 = arith.cmpf olt, %add3A_3372, %lt3A_3374 : vector<16xf32>
    %jit3A_3376 = arith.constant 0.000000e+00 : f32
    %broadcast_in_dim3A_3377 = vector.broadcast %jit3A_3376 : f32 to vector<16xf32>
    %select_n3A_3378 = arith.select %lt3A_3375, %div3A_2868, %broadcast_in_dim3A_3377 : vector<16xi1>, vector<16xf32>
    %broadcast_in_dim3A_3379 = arith.constant 0.000000e+00 : f32
    %broadcast_in_dim3A_3380 = vector.broadcast %broadcast_in_dim3A_3379 : f32 to vector<16xf32>
    %ge3A_3381 = arith.cmpf oge, %select_n3A_3072, %select_n3A_3087 : vector<16xf32>
    %jit3A_3382 = arith.constant 1.000000e+00 : f32
    %jit3A_3383 = arith.constant 0.000000e+00 : f32
    %broadcast_in_dim3A_3384 = vector.broadcast %jit3A_3382 : f32 to vector<16xf32>
    %broadcast_in_dim3A_3385 = vector.broadcast %jit3A_3383 : f32 to vector<16xf32>
    %select_n3A_3386 = arith.select %ge3A_3381, %broadcast_in_dim3A_3384, %broadcast_in_dim3A_3385 : vector<16xi1>, vector<16xf32>
    %add3A_3387 = arith.addf %broadcast_in_dim3A_3380, %select_n3A_3386 : vector<16xf32>
    %ge3A_3388 = arith.cmpf oge, %select_n3A_3075, %select_n3A_3087 : vector<16xf32>
    %jit3A_3389 = arith.constant 1.000000e+00 : f32
    %jit3A_3390 = arith.constant 0.000000e+00 : f32
    %broadcast_in_dim3A_3391 = vector.broadcast %jit3A_3389 : f32 to vector<16xf32>
    %broadcast_in_dim3A_3392 = vector.broadcast %jit3A_3390 : f32 to vector<16xf32>
    %select_n3A_3393 = arith.select %ge3A_3388, %broadcast_in_dim3A_3391, %broadcast_in_dim3A_3392 : vector<16xi1>, vector<16xf32>
    %add3A_3394 = arith.addf %add3A_3387, %select_n3A_3393 : vector<16xf32>
    %ge3A_3395 = arith.cmpf oge, %select_n3A_3078, %select_n3A_3087 : vector<16xf32>
    %jit3A_3396 = arith.constant 1.000000e+00 : f32
    %jit3A_3397 = arith.constant 0.000000e+00 : f32
    %broadcast_in_dim3A_3398 = vector.broadcast %jit3A_3396 : f32 to vector<16xf32>
    %broadcast_in_dim3A_3399 = vector.broadcast %jit3A_3397 : f32 to vector<16xf32>
    %select_n3A_3400 = arith.select %ge3A_3395, %broadcast_in_dim3A_3398, %broadcast_in_dim3A_3399 : vector<16xi1>, vector<16xf32>
    %add3A_3401 = arith.addf %add3A_3394, %select_n3A_3400 : vector<16xf32>
    %ge3A_3402 = arith.cmpf oge, %select_n3A_3081, %select_n3A_3087 : vector<16xf32>
    %jit3A_3403 = arith.constant 1.000000e+00 : f32
    %jit3A_3404 = arith.constant 0.000000e+00 : f32
    %broadcast_in_dim3A_3405 = vector.broadcast %jit3A_3403 : f32 to vector<16xf32>
    %broadcast_in_dim3A_3406 = vector.broadcast %jit3A_3404 : f32 to vector<16xf32>
    %select_n3A_3407 = arith.select %ge3A_3402, %broadcast_in_dim3A_3405, %broadcast_in_dim3A_3406 : vector<16xi1>, vector<16xf32>
    %add3A_3408 = arith.addf %add3A_3401, %select_n3A_3407 : vector<16xf32>
    %ge3A_3409 = arith.cmpf oge, %select_n3A_3084, %select_n3A_3087 : vector<16xf32>
    %jit3A_3410 = arith.constant 1.000000e+00 : f32
    %jit3A_3411 = arith.constant 0.000000e+00 : f32
    %broadcast_in_dim3A_3412 = vector.broadcast %jit3A_3410 : f32 to vector<16xf32>
    %broadcast_in_dim3A_3413 = vector.broadcast %jit3A_3411 : f32 to vector<16xf32>
    %select_n3A_3414 = arith.select %ge3A_3409, %broadcast_in_dim3A_3412, %broadcast_in_dim3A_3413 : vector<16xi1>, vector<16xf32>
    %add3A_3415 = arith.addf %add3A_3408, %select_n3A_3414 : vector<16xf32>
    %gt3A_3416 = arith.cmpf ogt, %select_n3A_3090, %select_n3A_3087 : vector<16xf32>
    %jit3A_3417 = arith.constant 1.000000e+00 : f32
    %jit3A_3418 = arith.constant 0.000000e+00 : f32
    %broadcast_in_dim3A_3419 = vector.broadcast %jit3A_3417 : f32 to vector<16xf32>
    %broadcast_in_dim3A_3420 = vector.broadcast %jit3A_3418 : f32 to vector<16xf32>
    %select_n3A_3421 = arith.select %gt3A_3416, %broadcast_in_dim3A_3419, %broadcast_in_dim3A_3420 : vector<16xi1>, vector<16xf32>
    %add3A_3422 = arith.addf %add3A_3415, %select_n3A_3421 : vector<16xf32>
    %gt3A_3423 = arith.cmpf ogt, %select_n3A_3093, %select_n3A_3087 : vector<16xf32>
    %jit3A_3424 = arith.constant 1.000000e+00 : f32
    %jit3A_3425 = arith.constant 0.000000e+00 : f32
    %broadcast_in_dim3A_3426 = vector.broadcast %jit3A_3424 : f32 to vector<16xf32>
    %broadcast_in_dim3A_3427 = vector.broadcast %jit3A_3425 : f32 to vector<16xf32>
    %select_n3A_3428 = arith.select %gt3A_3423, %broadcast_in_dim3A_3426, %broadcast_in_dim3A_3427 : vector<16xi1>, vector<16xf32>
    %add3A_3429 = arith.addf %add3A_3422, %select_n3A_3428 : vector<16xf32>
    %lt3A_3430 = arith.constant 2.000000e+00 : f32
    %lt3A_3431 = vector.broadcast %lt3A_3430 : f32 to vector<16xf32>
    %lt3A_3432 = arith.cmpf olt, %add3A_3429, %lt3A_3431 : vector<16xf32>
    %jit3A_3433 = arith.constant 0.000000e+00 : f32
    %broadcast_in_dim3A_3434 = vector.broadcast %jit3A_3433 : f32 to vector<16xf32>
    %select_n3A_3435 = arith.select %lt3A_3432, %div3A_2883, %broadcast_in_dim3A_3434 : vector<16xi1>, vector<16xf32>
    %broadcast_in_dim3A_3436 = arith.constant 0.000000e+00 : f32
    %broadcast_in_dim3A_3437 = vector.broadcast %broadcast_in_dim3A_3436 : f32 to vector<16xf32>
    %ge3A_3438 = arith.cmpf oge, %select_n3A_3072, %select_n3A_3090 : vector<16xf32>
    %jit3A_3439 = arith.constant 1.000000e+00 : f32
    %jit3A_3440 = arith.constant 0.000000e+00 : f32
    %broadcast_in_dim3A_3441 = vector.broadcast %jit3A_3439 : f32 to vector<16xf32>
    %broadcast_in_dim3A_3442 = vector.broadcast %jit3A_3440 : f32 to vector<16xf32>
    %select_n3A_3443 = arith.select %ge3A_3438, %broadcast_in_dim3A_3441, %broadcast_in_dim3A_3442 : vector<16xi1>, vector<16xf32>
    %add3A_3444 = arith.addf %broadcast_in_dim3A_3437, %select_n3A_3443 : vector<16xf32>
    %ge3A_3445 = arith.cmpf oge, %select_n3A_3075, %select_n3A_3090 : vector<16xf32>
    %jit3A_3446 = arith.constant 1.000000e+00 : f32
    %jit3A_3447 = arith.constant 0.000000e+00 : f32
    %broadcast_in_dim3A_3448 = vector.broadcast %jit3A_3446 : f32 to vector<16xf32>
    %broadcast_in_dim3A_3449 = vector.broadcast %jit3A_3447 : f32 to vector<16xf32>
    %select_n3A_3450 = arith.select %ge3A_3445, %broadcast_in_dim3A_3448, %broadcast_in_dim3A_3449 : vector<16xi1>, vector<16xf32>
    %add3A_3451 = arith.addf %add3A_3444, %select_n3A_3450 : vector<16xf32>
    %ge3A_3452 = arith.cmpf oge, %select_n3A_3078, %select_n3A_3090 : vector<16xf32>
    %jit3A_3453 = arith.constant 1.000000e+00 : f32
    %jit3A_3454 = arith.constant 0.000000e+00 : f32
    %broadcast_in_dim3A_3455 = vector.broadcast %jit3A_3453 : f32 to vector<16xf32>
    %broadcast_in_dim3A_3456 = vector.broadcast %jit3A_3454 : f32 to vector<16xf32>
    %select_n3A_3457 = arith.select %ge3A_3452, %broadcast_in_dim3A_3455, %broadcast_in_dim3A_3456 : vector<16xi1>, vector<16xf32>
    %add3A_3458 = arith.addf %add3A_3451, %select_n3A_3457 : vector<16xf32>
    %ge3A_3459 = arith.cmpf oge, %select_n3A_3081, %select_n3A_3090 : vector<16xf32>
    %jit3A_3460 = arith.constant 1.000000e+00 : f32
    %jit3A_3461 = arith.constant 0.000000e+00 : f32
    %broadcast_in_dim3A_3462 = vector.broadcast %jit3A_3460 : f32 to vector<16xf32>
    %broadcast_in_dim3A_3463 = vector.broadcast %jit3A_3461 : f32 to vector<16xf32>
    %select_n3A_3464 = arith.select %ge3A_3459, %broadcast_in_dim3A_3462, %broadcast_in_dim3A_3463 : vector<16xi1>, vector<16xf32>
    %add3A_3465 = arith.addf %add3A_3458, %select_n3A_3464 : vector<16xf32>
    %ge3A_3466 = arith.cmpf oge, %select_n3A_3084, %select_n3A_3090 : vector<16xf32>
    %jit3A_3467 = arith.constant 1.000000e+00 : f32
    %jit3A_3468 = arith.constant 0.000000e+00 : f32
    %broadcast_in_dim3A_3469 = vector.broadcast %jit3A_3467 : f32 to vector<16xf32>
    %broadcast_in_dim3A_3470 = vector.broadcast %jit3A_3468 : f32 to vector<16xf32>
    %select_n3A_3471 = arith.select %ge3A_3466, %broadcast_in_dim3A_3469, %broadcast_in_dim3A_3470 : vector<16xi1>, vector<16xf32>
    %add3A_3472 = arith.addf %add3A_3465, %select_n3A_3471 : vector<16xf32>
    %ge3A_3473 = arith.cmpf oge, %select_n3A_3087, %select_n3A_3090 : vector<16xf32>
    %jit3A_3474 = arith.constant 1.000000e+00 : f32
    %jit3A_3475 = arith.constant 0.000000e+00 : f32
    %broadcast_in_dim3A_3476 = vector.broadcast %jit3A_3474 : f32 to vector<16xf32>
    %broadcast_in_dim3A_3477 = vector.broadcast %jit3A_3475 : f32 to vector<16xf32>
    %select_n3A_3478 = arith.select %ge3A_3473, %broadcast_in_dim3A_3476, %broadcast_in_dim3A_3477 : vector<16xi1>, vector<16xf32>
    %add3A_3479 = arith.addf %add3A_3472, %select_n3A_3478 : vector<16xf32>
    %gt3A_3480 = arith.cmpf ogt, %select_n3A_3093, %select_n3A_3090 : vector<16xf32>
    %jit3A_3481 = arith.constant 1.000000e+00 : f32
    %jit3A_3482 = arith.constant 0.000000e+00 : f32
    %broadcast_in_dim3A_3483 = vector.broadcast %jit3A_3481 : f32 to vector<16xf32>
    %broadcast_in_dim3A_3484 = vector.broadcast %jit3A_3482 : f32 to vector<16xf32>
    %select_n3A_3485 = arith.select %gt3A_3480, %broadcast_in_dim3A_3483, %broadcast_in_dim3A_3484 : vector<16xi1>, vector<16xf32>
    %add3A_3486 = arith.addf %add3A_3479, %select_n3A_3485 : vector<16xf32>
    %lt3A_3487 = arith.constant 2.000000e+00 : f32
    %lt3A_3488 = vector.broadcast %lt3A_3487 : f32 to vector<16xf32>
    %lt3A_3489 = arith.cmpf olt, %add3A_3486, %lt3A_3488 : vector<16xf32>
    %jit3A_3490 = arith.constant 0.000000e+00 : f32
    %broadcast_in_dim3A_3491 = vector.broadcast %jit3A_3490 : f32 to vector<16xf32>
    %select_n3A_3492 = arith.select %lt3A_3489, %div3A_2898, %broadcast_in_dim3A_3491 : vector<16xi1>, vector<16xf32>
    %broadcast_in_dim3A_3493 = arith.constant 0.000000e+00 : f32
    %broadcast_in_dim3A_3494 = vector.broadcast %broadcast_in_dim3A_3493 : f32 to vector<16xf32>
    %ge3A_3495 = arith.cmpf oge, %select_n3A_3072, %select_n3A_3093 : vector<16xf32>
    %jit3A_3496 = arith.constant 1.000000e+00 : f32
    %jit3A_3497 = arith.constant 0.000000e+00 : f32
    %broadcast_in_dim3A_3498 = vector.broadcast %jit3A_3496 : f32 to vector<16xf32>
    %broadcast_in_dim3A_3499 = vector.broadcast %jit3A_3497 : f32 to vector<16xf32>
    %select_n3A_3500 = arith.select %ge3A_3495, %broadcast_in_dim3A_3498, %broadcast_in_dim3A_3499 : vector<16xi1>, vector<16xf32>
    %add3A_3501 = arith.addf %broadcast_in_dim3A_3494, %select_n3A_3500 : vector<16xf32>
    %ge3A_3502 = arith.cmpf oge, %select_n3A_3075, %select_n3A_3093 : vector<16xf32>
    %jit3A_3503 = arith.constant 1.000000e+00 : f32
    %jit3A_3504 = arith.constant 0.000000e+00 : f32
    %broadcast_in_dim3A_3505 = vector.broadcast %jit3A_3503 : f32 to vector<16xf32>
    %broadcast_in_dim3A_3506 = vector.broadcast %jit3A_3504 : f32 to vector<16xf32>
    %select_n3A_3507 = arith.select %ge3A_3502, %broadcast_in_dim3A_3505, %broadcast_in_dim3A_3506 : vector<16xi1>, vector<16xf32>
    %add3A_3508 = arith.addf %add3A_3501, %select_n3A_3507 : vector<16xf32>
    %ge3A_3509 = arith.cmpf oge, %select_n3A_3078, %select_n3A_3093 : vector<16xf32>
    %jit3A_3510 = arith.constant 1.000000e+00 : f32
    %jit3A_3511 = arith.constant 0.000000e+00 : f32
    %broadcast_in_dim3A_3512 = vector.broadcast %jit3A_3510 : f32 to vector<16xf32>
    %broadcast_in_dim3A_3513 = vector.broadcast %jit3A_3511 : f32 to vector<16xf32>
    %select_n3A_3514 = arith.select %ge3A_3509, %broadcast_in_dim3A_3512, %broadcast_in_dim3A_3513 : vector<16xi1>, vector<16xf32>
    %add3A_3515 = arith.addf %add3A_3508, %select_n3A_3514 : vector<16xf32>
    %ge3A_3516 = arith.cmpf oge, %select_n3A_3081, %select_n3A_3093 : vector<16xf32>
    %jit3A_3517 = arith.constant 1.000000e+00 : f32
    %jit3A_3518 = arith.constant 0.000000e+00 : f32
    %broadcast_in_dim3A_3519 = vector.broadcast %jit3A_3517 : f32 to vector<16xf32>
    %broadcast_in_dim3A_3520 = vector.broadcast %jit3A_3518 : f32 to vector<16xf32>
    %select_n3A_3521 = arith.select %ge3A_3516, %broadcast_in_dim3A_3519, %broadcast_in_dim3A_3520 : vector<16xi1>, vector<16xf32>
    %add3A_3522 = arith.addf %add3A_3515, %select_n3A_3521 : vector<16xf32>
    %ge3A_3523 = arith.cmpf oge, %select_n3A_3084, %select_n3A_3093 : vector<16xf32>
    %jit3A_3524 = arith.constant 1.000000e+00 : f32
    %jit3A_3525 = arith.constant 0.000000e+00 : f32
    %broadcast_in_dim3A_3526 = vector.broadcast %jit3A_3524 : f32 to vector<16xf32>
    %broadcast_in_dim3A_3527 = vector.broadcast %jit3A_3525 : f32 to vector<16xf32>
    %select_n3A_3528 = arith.select %ge3A_3523, %broadcast_in_dim3A_3526, %broadcast_in_dim3A_3527 : vector<16xi1>, vector<16xf32>
    %add3A_3529 = arith.addf %add3A_3522, %select_n3A_3528 : vector<16xf32>
    %ge3A_3530 = arith.cmpf oge, %select_n3A_3087, %select_n3A_3093 : vector<16xf32>
    %jit3A_3531 = arith.constant 1.000000e+00 : f32
    %jit3A_3532 = arith.constant 0.000000e+00 : f32
    %broadcast_in_dim3A_3533 = vector.broadcast %jit3A_3531 : f32 to vector<16xf32>
    %broadcast_in_dim3A_3534 = vector.broadcast %jit3A_3532 : f32 to vector<16xf32>
    %select_n3A_3535 = arith.select %ge3A_3530, %broadcast_in_dim3A_3533, %broadcast_in_dim3A_3534 : vector<16xi1>, vector<16xf32>
    %add3A_3536 = arith.addf %add3A_3529, %select_n3A_3535 : vector<16xf32>
    %ge3A_3537 = arith.cmpf oge, %select_n3A_3090, %select_n3A_3093 : vector<16xf32>
    %jit3A_3538 = arith.constant 1.000000e+00 : f32
    %jit3A_3539 = arith.constant 0.000000e+00 : f32
    %broadcast_in_dim3A_3540 = vector.broadcast %jit3A_3538 : f32 to vector<16xf32>
    %broadcast_in_dim3A_3541 = vector.broadcast %jit3A_3539 : f32 to vector<16xf32>
    %select_n3A_3542 = arith.select %ge3A_3537, %broadcast_in_dim3A_3540, %broadcast_in_dim3A_3541 : vector<16xi1>, vector<16xf32>
    %add3A_3543 = arith.addf %add3A_3536, %select_n3A_3542 : vector<16xf32>
    %lt3A_3544 = arith.constant 2.000000e+00 : f32
    %lt3A_3545 = vector.broadcast %lt3A_3544 : f32 to vector<16xf32>
    %lt3A_3546 = arith.cmpf olt, %add3A_3543, %lt3A_3545 : vector<16xf32>
    %jit3A_3547 = arith.constant 0.000000e+00 : f32
    %broadcast_in_dim3A_3548 = vector.broadcast %jit3A_3547 : f32 to vector<16xf32>
    %select_n3A_3549 = arith.select %lt3A_3546, %div3A_2913, %broadcast_in_dim3A_3548 : vector<16xi1>, vector<16xf32>
    %add3A_3550 = arith.addf %select_n3A_3150, %select_n3A_3207 : vector<16xf32>
    %add3A_3551 = arith.addf %add3A_3550, %select_n3A_3264 : vector<16xf32>
    %add3A_3552 = arith.addf %add3A_3551, %select_n3A_3321 : vector<16xf32>
    %add3A_3553 = arith.addf %add3A_3552, %select_n3A_3378 : vector<16xf32>
    %add3A_3554 = arith.addf %add3A_3553, %select_n3A_3435 : vector<16xf32>
    %add3A_3555 = arith.addf %add3A_3554, %select_n3A_3492 : vector<16xf32>
    %add3A_3556 = arith.addf %add3A_3555, %select_n3A_3549 : vector<16xf32>
    %add3A_3557 = arith.constant 9.99999968E-21 : f32
    %add3A_3558 = vector.broadcast %add3A_3557 : f32 to vector<16xf32>
    %add3A_3559 = arith.addf %add3A_3556, %add3A_3558 : vector<16xf32>
    %swap3A_3560 = arith.constant 0 : i32
    %swap3A_3561 = arith.index_cast %swap3A_3560 : i32 to index
    %swap3A_3562 = arith.constant 48 : index
    %swap3A_3563 = tpu.vector_load %arg6[%swap3A_3561, %swap3A_3562] {strides = array<i32>} : memref<12x64xf32, #tpu.memory_space<vmem>>, vector<1x16xf32>,
    %swap3A_3564 = vector.shape_cast %swap3A_3563 : vector<1x16xf32> to vector<16xf32>
    %swap3A_3565 = vector.shape_cast %broadcast_in_dim3A_193 : vector<16xf32> to vector<1x16xf32>
    tpu.vector_store %arg6[%swap3A_3561, %swap3A_3562], %swap3A_3565 {strides = array<i32>} : memref<12x64xf32, #tpu.memory_space<vmem>>, vector<1x16xf32>,
    %swap3A_3566 = arith.constant 1 : i32
    %swap3A_3567 = arith.index_cast %swap3A_3566 : i32 to index
    %swap3A_3568 = arith.constant 48 : index
    %swap3A_3569 = tpu.vector_load %arg6[%swap3A_3567, %swap3A_3568] {strides = array<i32>} : memref<12x64xf32, #tpu.memory_space<vmem>>, vector<1x16xf32>,
    %swap3A_3570 = vector.shape_cast %swap3A_3569 : vector<1x16xf32> to vector<16xf32>
    %swap3A_3571 = vector.shape_cast %broadcast_in_dim3A_193 : vector<16xf32> to vector<1x16xf32>
    tpu.vector_store %arg6[%swap3A_3567, %swap3A_3568], %swap3A_3571 {strides = array<i32>} : memref<12x64xf32, #tpu.memory_space<vmem>>, vector<1x16xf32>,
    %swap3A_3572 = arith.constant 2 : i32
    %swap3A_3573 = arith.index_cast %swap3A_3572 : i32 to index
    %swap3A_3574 = arith.constant 48 : index
    %swap3A_3575 = tpu.vector_load %arg6[%swap3A_3573, %swap3A_3574] {strides = array<i32>} : memref<12x64xf32, #tpu.memory_space<vmem>>, vector<1x16xf32>,
    %swap3A_3576 = vector.shape_cast %swap3A_3575 : vector<1x16xf32> to vector<16xf32>
    %swap3A_3577 = vector.shape_cast %broadcast_in_dim3A_193 : vector<16xf32> to vector<1x16xf32>
    tpu.vector_store %arg6[%swap3A_3573, %swap3A_3574], %swap3A_3577 {strides = array<i32>} : memref<12x64xf32, #tpu.memory_space<vmem>>, vector<1x16xf32>,
    %swap3A_3578 = arith.constant 3 : i32
    %swap3A_3579 = arith.index_cast %swap3A_3578 : i32 to index
    %swap3A_3580 = arith.constant 48 : index
    %swap3A_3581 = tpu.vector_load %arg6[%swap3A_3579, %swap3A_3580] {strides = array<i32>} : memref<12x64xf32, #tpu.memory_space<vmem>>, vector<1x16xf32>,
    %swap3A_3582 = vector.shape_cast %swap3A_3581 : vector<1x16xf32> to vector<16xf32>
    %swap3A_3583 = vector.shape_cast %broadcast_in_dim3A_193 : vector<16xf32> to vector<1x16xf32>
    tpu.vector_store %arg6[%swap3A_3579, %swap3A_3580], %swap3A_3583 {strides = array<i32>} : memref<12x64xf32, #tpu.memory_space<vmem>>, vector<1x16xf32>,
    %div3A_3584 = arith.divf %select_n3A_3150, %add3A_3559 : vector<16xf32>
    %mul3A_3585 = arith.constant 2.500000e+00 : f32
    %mul3A_3586 = vector.broadcast %mul3A_3585 : f32 to vector<16xf32>
    %mul3A_3587 = arith.mulf %mul3A_3586, %div3A_3584 : vector<16xf32>
    %swap3A_3588 = arith.constant 4 : i32
    %swap3A_3589 = arith.index_cast %swap3A_3588 : i32 to index
    %swap3A_3590 = arith.constant 48 : index
    %swap3A_3591 = tpu.vector_load %arg6[%swap3A_3589, %swap3A_3590] {strides = array<i32>} : memref<12x64xf32, #tpu.memory_space<vmem>>, vector<1x16xf32>,
    %swap3A_3592 = vector.shape_cast %swap3A_3591 : vector<1x16xf32> to vector<16xf32>
    %swap3A_3593 = vector.shape_cast %mul3A_3587 : vector<16xf32> to vector<1x16xf32>
    tpu.vector_store %arg6[%swap3A_3589, %swap3A_3590], %swap3A_3593 {strides = array<i32>} : memref<12x64xf32, #tpu.memory_space<vmem>>, vector<1x16xf32>,
    %div3A_3594 = arith.divf %select_n3A_3207, %add3A_3559 : vector<16xf32>
    %mul3A_3595 = arith.constant 2.500000e+00 : f32
    %mul3A_3596 = vector.broadcast %mul3A_3595 : f32 to vector<16xf32>
    %mul3A_3597 = arith.mulf %mul3A_3596, %div3A_3594 : vector<16xf32>
    %swap3A_3598 = arith.constant 5 : i32
    %swap3A_3599 = arith.index_cast %swap3A_3598 : i32 to index
    %swap3A_3600 = arith.constant 48 : index
    %swap3A_3601 = tpu.vector_load %arg6[%swap3A_3599, %swap3A_3600] {strides = array<i32>} : memref<12x64xf32, #tpu.memory_space<vmem>>, vector<1x16xf32>,
    %swap3A_3602 = vector.shape_cast %swap3A_3601 : vector<1x16xf32> to vector<16xf32>
    %swap3A_3603 = vector.shape_cast %mul3A_3597 : vector<16xf32> to vector<1x16xf32>
    tpu.vector_store %arg6[%swap3A_3599, %swap3A_3600], %swap3A_3603 {strides = array<i32>} : memref<12x64xf32, #tpu.memory_space<vmem>>, vector<1x16xf32>,
    %div3A_3604 = arith.divf %select_n3A_3264, %add3A_3559 : vector<16xf32>
    %mul3A_3605 = arith.constant 2.500000e+00 : f32
    %mul3A_3606 = vector.broadcast %mul3A_3605 : f32 to vector<16xf32>
    %mul3A_3607 = arith.mulf %mul3A_3606, %div3A_3604 : vector<16xf32>
    %swap3A_3608 = arith.constant 6 : i32
    %swap3A_3609 = arith.index_cast %swap3A_3608 : i32 to index
    %swap3A_3610 = arith.constant 48 : index
    %swap3A_3611 = tpu.vector_load %arg6[%swap3A_3609, %swap3A_3610] {strides = array<i32>} : memref<12x64xf32, #tpu.memory_space<vmem>>, vector<1x16xf32>,
    %swap3A_3612 = vector.shape_cast %swap3A_3611 : vector<1x16xf32> to vector<16xf32>
    %swap3A_3613 = vector.shape_cast %mul3A_3607 : vector<16xf32> to vector<1x16xf32>
    tpu.vector_store %arg6[%swap3A_3609, %swap3A_3610], %swap3A_3613 {strides = array<i32>} : memref<12x64xf32, #tpu.memory_space<vmem>>, vector<1x16xf32>,
    %div3A_3614 = arith.divf %select_n3A_3321, %add3A_3559 : vector<16xf32>
    %mul3A_3615 = arith.constant 2.500000e+00 : f32
    %mul3A_3616 = vector.broadcast %mul3A_3615 : f32 to vector<16xf32>
    %mul3A_3617 = arith.mulf %mul3A_3616, %div3A_3614 : vector<16xf32>
    %swap3A_3618 = arith.constant 7 : i32
    %swap3A_3619 = arith.index_cast %swap3A_3618 : i32 to index
    %swap3A_3620 = arith.constant 48 : index
    %swap3A_3621 = tpu.vector_load %arg6[%swap3A_3619, %swap3A_3620] {strides = array<i32>} : memref<12x64xf32, #tpu.memory_space<vmem>>, vector<1x16xf32>,
    %swap3A_3622 = vector.shape_cast %swap3A_3621 : vector<1x16xf32> to vector<16xf32>
    %swap3A_3623 = vector.shape_cast %mul3A_3617 : vector<16xf32> to vector<1x16xf32>
    tpu.vector_store %arg6[%swap3A_3619, %swap3A_3620], %swap3A_3623 {strides = array<i32>} : memref<12x64xf32, #tpu.memory_space<vmem>>, vector<1x16xf32>,
    %div3A_3624 = arith.divf %select_n3A_3378, %add3A_3559 : vector<16xf32>
    %mul3A_3625 = arith.constant 2.500000e+00 : f32
    %mul3A_3626 = vector.broadcast %mul3A_3625 : f32 to vector<16xf32>
    %mul3A_3627 = arith.mulf %mul3A_3626, %div3A_3624 : vector<16xf32>
    %swap3A_3628 = arith.constant 8 : i32
    %swap3A_3629 = arith.index_cast %swap3A_3628 : i32 to index
    %swap3A_3630 = arith.constant 48 : index
    %swap3A_3631 = tpu.vector_load %arg6[%swap3A_3629, %swap3A_3630] {strides = array<i32>} : memref<12x64xf32, #tpu.memory_space<vmem>>, vector<1x16xf32>,
    %swap3A_3632 = vector.shape_cast %swap3A_3631 : vector<1x16xf32> to vector<16xf32>
    %swap3A_3633 = vector.shape_cast %mul3A_3627 : vector<16xf32> to vector<1x16xf32>
    tpu.vector_store %arg6[%swap3A_3629, %swap3A_3630], %swap3A_3633 {strides = array<i32>} : memref<12x64xf32, #tpu.memory_space<vmem>>, vector<1x16xf32>,
    %div3A_3634 = arith.divf %select_n3A_3435, %add3A_3559 : vector<16xf32>
    %mul3A_3635 = arith.constant 2.500000e+00 : f32
    %mul3A_3636 = vector.broadcast %mul3A_3635 : f32 to vector<16xf32>
    %mul3A_3637 = arith.mulf %mul3A_3636, %div3A_3634 : vector<16xf32>
    %swap3A_3638 = arith.constant 9 : i32
    %swap3A_3639 = arith.index_cast %swap3A_3638 : i32 to index
    %swap3A_3640 = arith.constant 48 : index
    %swap3A_3641 = tpu.vector_load %arg6[%swap3A_3639, %swap3A_3640] {strides = array<i32>} : memref<12x64xf32, #tpu.memory_space<vmem>>, vector<1x16xf32>,
    %swap3A_3642 = vector.shape_cast %swap3A_3641 : vector<1x16xf32> to vector<16xf32>
    %swap3A_3643 = vector.shape_cast %mul3A_3637 : vector<16xf32> to vector<1x16xf32>
    tpu.vector_store %arg6[%swap3A_3639, %swap3A_3640], %swap3A_3643 {strides = array<i32>} : memref<12x64xf32, #tpu.memory_space<vmem>>, vector<1x16xf32>,
    %div3A_3644 = arith.divf %select_n3A_3492, %add3A_3559 : vector<16xf32>
    %mul3A_3645 = arith.constant 2.500000e+00 : f32
    %mul3A_3646 = vector.broadcast %mul3A_3645 : f32 to vector<16xf32>
    %mul3A_3647 = arith.mulf %mul3A_3646, %div3A_3644 : vector<16xf32>
    %swap3A_3648 = arith.constant 10 : i32
    %swap3A_3649 = arith.index_cast %swap3A_3648 : i32 to index
    %swap3A_3650 = arith.constant 48 : index
    %swap3A_3651 = tpu.vector_load %arg6[%swap3A_3649, %swap3A_3650] {strides = array<i32>} : memref<12x64xf32, #tpu.memory_space<vmem>>, vector<1x16xf32>,
    %swap3A_3652 = vector.shape_cast %swap3A_3651 : vector<1x16xf32> to vector<16xf32>
    %swap3A_3653 = vector.shape_cast %mul3A_3647 : vector<16xf32> to vector<1x16xf32>
    tpu.vector_store %arg6[%swap3A_3649, %swap3A_3650], %swap3A_3653 {strides = array<i32>} : memref<12x64xf32, #tpu.memory_space<vmem>>, vector<1x16xf32>,
    %div3A_3654 = arith.divf %select_n3A_3549, %add3A_3559 : vector<16xf32>
    %mul3A_3655 = arith.constant 2.500000e+00 : f32
    %mul3A_3656 = vector.broadcast %mul3A_3655 : f32 to vector<16xf32>
    %mul3A_3657 = arith.mulf %mul3A_3656, %div3A_3654 : vector<16xf32>
    %swap3A_3658 = arith.constant 11 : i32
    %swap3A_3659 = arith.index_cast %swap3A_3658 : i32 to index
    %swap3A_3660 = arith.constant 48 : index
    %swap3A_3661 = tpu.vector_load %arg6[%swap3A_3659, %swap3A_3660] {strides = array<i32>} : memref<12x64xf32, #tpu.memory_space<vmem>>, vector<1x16xf32>,
    %swap3A_3662 = vector.shape_cast %swap3A_3661 : vector<1x16xf32> to vector<16xf32>
    %swap3A_3663 = vector.shape_cast %mul3A_3657 : vector<16xf32> to vector<1x16xf32>
    tpu.vector_store %arg6[%swap3A_3659, %swap3A_3660], %swap3A_3663 {strides = array<i32>} : memref<12x64xf32, #tpu.memory_space<vmem>>, vector<1x16xf32>,
    %dma_start3A_3664 = arith.constant 0 : i32
    %dma_start3A_3665 = arith.constant 0 : i32
    %dma_start3A_3666 = arith.constant 0 : i32
    %dma_start3A_3667 = tpu.memref_slice %arg6[%dma_start3A_3664, %dma_start3A_3666] : memref<12x64xf32, #tpu.memory_space<vmem>> -> memref<1x64xf32, #tpu.memory_space<vmem>>
    %dma_start3A_3668 = tpu.memref_squeeze %dma_start3A_3667 : memref<1x64xf32, #tpu.memory_space<vmem>> -> memref<64xf32, #tpu.memory_space<vmem>>
    %dma_start3A_3669 = tpu.memref_slice %arg4[%dma_start3A_3665, %mul3A_2] : memref<12x2048xf32, #tpu.memory_space<hbm>> -> memref<1x64xf32, #tpu.memory_space<hbm>>
    %dma_start3A_3670 = tpu.memref_squeeze %dma_start3A_3669 : memref<1x64xf32, #tpu.memory_space<hbm>> -> memref<64xf32, #tpu.memory_space<hbm>>
    %dma_start3A_3671 = tpu.memref_slice %arg4[%dma_start3A_3665, %mul3A_2] : memref<12x2048xf32, #tpu.memory_space<hbm>> -> memref<1x64xf32, #tpu.memory_space<hbm>>
    %dma_start3A_3672 = tpu.memref_squeeze %dma_start3A_3671 : memref<1x64xf32, #tpu.memory_space<hbm>> -> memref<64xf32, #tpu.memory_space<hbm>>
    %dma_start3A_3673 = arith.constant 0 : i32
    %dma_start3A_3674 = tpu.memref_slice %arg6[%dma_start3A_3664, %dma_start3A_3673] : memref<12x64xf32, #tpu.memory_space<vmem>> -> memref<1x64xf32, #tpu.memory_space<vmem>>
    %dma_start3A_3675 = tpu.memref_squeeze %dma_start3A_3674 : memref<1x64xf32, #tpu.memory_space<vmem>> -> memref<64xf32, #tpu.memory_space<vmem>>
    tpu.enqueue_dma source(%dma_start3A_3675 : memref<64xf32, #tpu.memory_space<vmem>>) target(%dma_start3A_3672 : memref<64xf32, #tpu.memory_space<hbm>>) target_semaphore(%arg8 : memref<!tpu.dma_semaphore, #tpu.memory_space<semaphore_mem>>)
    %dma_start3A_3676 = arith.constant 1 : i32
    %dma_start3A_3677 = arith.constant 1 : i32
    %dma_start3A_3678 = arith.constant 0 : i32
    %dma_start3A_3679 = tpu.memref_slice %arg6[%dma_start3A_3676, %dma_start3A_3678] : memref<12x64xf32, #tpu.memory_space<vmem>> -> memref<1x64xf32, #tpu.memory_space<vmem>>
    %dma_start3A_3680 = tpu.memref_squeeze %dma_start3A_3679 : memref<1x64xf32, #tpu.memory_space<vmem>> -> memref<64xf32, #tpu.memory_space<vmem>>
    %dma_start3A_3681 = tpu.memref_slice %arg4[%dma_start3A_3677, %mul3A_2] : memref<12x2048xf32, #tpu.memory_space<hbm>> -> memref<1x64xf32, #tpu.memory_space<hbm>>
    %dma_start3A_3682 = tpu.memref_squeeze %dma_start3A_3681 : memref<1x64xf32, #tpu.memory_space<hbm>> -> memref<64xf32, #tpu.memory_space<hbm>>
    %dma_start3A_3683 = tpu.memref_slice %arg4[%dma_start3A_3677, %mul3A_2] : memref<12x2048xf32, #tpu.memory_space<hbm>> -> memref<1x64xf32, #tpu.memory_space<hbm>>
    %dma_start3A_3684 = tpu.memref_squeeze %dma_start3A_3683 : memref<1x64xf32, #tpu.memory_space<hbm>> -> memref<64xf32, #tpu.memory_space<hbm>>
    %dma_start3A_3685 = arith.constant 0 : i32
    %dma_start3A_3686 = tpu.memref_slice %arg6[%dma_start3A_3676, %dma_start3A_3685] : memref<12x64xf32, #tpu.memory_space<vmem>> -> memref<1x64xf32, #tpu.memory_space<vmem>>
    %dma_start3A_3687 = tpu.memref_squeeze %dma_start3A_3686 : memref<1x64xf32, #tpu.memory_space<vmem>> -> memref<64xf32, #tpu.memory_space<vmem>>
    tpu.enqueue_dma source(%dma_start3A_3687 : memref<64xf32, #tpu.memory_space<vmem>>) target(%dma_start3A_3684 : memref<64xf32, #tpu.memory_space<hbm>>) target_semaphore(%arg8 : memref<!tpu.dma_semaphore, #tpu.memory_space<semaphore_mem>>)
    %dma_start3A_3688 = arith.constant 2 : i32
    %dma_start3A_3689 = arith.constant 2 : i32
    %dma_start3A_3690 = arith.constant 0 : i32
    %dma_start3A_3691 = tpu.memref_slice %arg6[%dma_start3A_3688, %dma_start3A_3690] : memref<12x64xf32, #tpu.memory_space<vmem>> -> memref<1x64xf32, #tpu.memory_space<vmem>>
    %dma_start3A_3692 = tpu.memref_squeeze %dma_start3A_3691 : memref<1x64xf32, #tpu.memory_space<vmem>> -> memref<64xf32, #tpu.memory_space<vmem>>
    %dma_start3A_3693 = tpu.memref_slice %arg4[%dma_start3A_3689, %mul3A_2] : memref<12x2048xf32, #tpu.memory_space<hbm>> -> memref<1x64xf32, #tpu.memory_space<hbm>>
    %dma_start3A_3694 = tpu.memref_squeeze %dma_start3A_3693 : memref<1x64xf32, #tpu.memory_space<hbm>> -> memref<64xf32, #tpu.memory_space<hbm>>
    %dma_start3A_3695 = tpu.memref_slice %arg4[%dma_start3A_3689, %mul3A_2] : memref<12x2048xf32, #tpu.memory_space<hbm>> -> memref<1x64xf32, #tpu.memory_space<hbm>>
    %dma_start3A_3696 = tpu.memref_squeeze %dma_start3A_3695 : memref<1x64xf32, #tpu.memory_space<hbm>> -> memref<64xf32, #tpu.memory_space<hbm>>
    %dma_start3A_3697 = arith.constant 0 : i32
    %dma_start3A_3698 = tpu.memref_slice %arg6[%dma_start3A_3688, %dma_start3A_3697] : memref<12x64xf32, #tpu.memory_space<vmem>> -> memref<1x64xf32, #tpu.memory_space<vmem>>
    %dma_start3A_3699 = tpu.memref_squeeze %dma_start3A_3698 : memref<1x64xf32, #tpu.memory_space<vmem>> -> memref<64xf32, #tpu.memory_space<vmem>>
    tpu.enqueue_dma source(%dma_start3A_3699 : memref<64xf32, #tpu.memory_space<vmem>>) target(%dma_start3A_3696 : memref<64xf32, #tpu.memory_space<hbm>>) target_semaphore(%arg8 : memref<!tpu.dma_semaphore, #tpu.memory_space<semaphore_mem>>)
    %dma_start3A_3700 = arith.constant 3 : i32
    %dma_start3A_3701 = arith.constant 3 : i32
    %dma_start3A_3702 = arith.constant 0 : i32
    %dma_start3A_3703 = tpu.memref_slice %arg6[%dma_start3A_3700, %dma_start3A_3702] : memref<12x64xf32, #tpu.memory_space<vmem>> -> memref<1x64xf32, #tpu.memory_space<vmem>>
    %dma_start3A_3704 = tpu.memref_squeeze %dma_start3A_3703 : memref<1x64xf32, #tpu.memory_space<vmem>> -> memref<64xf32, #tpu.memory_space<vmem>>
    %dma_start3A_3705 = tpu.memref_slice %arg4[%dma_start3A_3701, %mul3A_2] : memref<12x2048xf32, #tpu.memory_space<hbm>> -> memref<1x64xf32, #tpu.memory_space<hbm>>
    %dma_start3A_3706 = tpu.memref_squeeze %dma_start3A_3705 : memref<1x64xf32, #tpu.memory_space<hbm>> -> memref<64xf32, #tpu.memory_space<hbm>>
    %dma_start3A_3707 = tpu.memref_slice %arg4[%dma_start3A_3701, %mul3A_2] : memref<12x2048xf32, #tpu.memory_space<hbm>> -> memref<1x64xf32, #tpu.memory_space<hbm>>
    %dma_start3A_3708 = tpu.memref_squeeze %dma_start3A_3707 : memref<1x64xf32, #tpu.memory_space<hbm>> -> memref<64xf32, #tpu.memory_space<hbm>>
    %dma_start3A_3709 = arith.constant 0 : i32
    %dma_start3A_3710 = tpu.memref_slice %arg6[%dma_start3A_3700, %dma_start3A_3709] : memref<12x64xf32, #tpu.memory_space<vmem>> -> memref<1x64xf32, #tpu.memory_space<vmem>>
    %dma_start3A_3711 = tpu.memref_squeeze %dma_start3A_3710 : memref<1x64xf32, #tpu.memory_space<vmem>> -> memref<64xf32, #tpu.memory_space<vmem>>
    tpu.enqueue_dma source(%dma_start3A_3711 : memref<64xf32, #tpu.memory_space<vmem>>) target(%dma_start3A_3708 : memref<64xf32, #tpu.memory_space<hbm>>) target_semaphore(%arg8 : memref<!tpu.dma_semaphore, #tpu.memory_space<semaphore_mem>>)
    %dma_start3A_3712 = arith.constant 4 : i32
    %dma_start3A_3713 = arith.constant 4 : i32
    %dma_start3A_3714 = arith.constant 0 : i32
    %dma_start3A_3715 = tpu.memref_slice %arg6[%dma_start3A_3712, %dma_start3A_3714] : memref<12x64xf32, #tpu.memory_space<vmem>> -> memref<1x64xf32, #tpu.memory_space<vmem>>
    %dma_start3A_3716 = tpu.memref_squeeze %dma_start3A_3715 : memref<1x64xf32, #tpu.memory_space<vmem>> -> memref<64xf32, #tpu.memory_space<vmem>>
    %dma_start3A_3717 = tpu.memref_slice %arg4[%dma_start3A_3713, %mul3A_2] : memref<12x2048xf32, #tpu.memory_space<hbm>> -> memref<1x64xf32, #tpu.memory_space<hbm>>
    %dma_start3A_3718 = tpu.memref_squeeze %dma_start3A_3717 : memref<1x64xf32, #tpu.memory_space<hbm>> -> memref<64xf32, #tpu.memory_space<hbm>>
    %dma_start3A_3719 = tpu.memref_slice %arg4[%dma_start3A_3713, %mul3A_2] : memref<12x2048xf32, #tpu.memory_space<hbm>> -> memref<1x64xf32, #tpu.memory_space<hbm>>
    %dma_start3A_3720 = tpu.memref_squeeze %dma_start3A_3719 : memref<1x64xf32, #tpu.memory_space<hbm>> -> memref<64xf32, #tpu.memory_space<hbm>>
    %dma_start3A_3721 = arith.constant 0 : i32
    %dma_start3A_3722 = tpu.memref_slice %arg6[%dma_start3A_3712, %dma_start3A_3721] : memref<12x64xf32, #tpu.memory_space<vmem>> -> memref<1x64xf32, #tpu.memory_space<vmem>>
    %dma_start3A_3723 = tpu.memref_squeeze %dma_start3A_3722 : memref<1x64xf32, #tpu.memory_space<vmem>> -> memref<64xf32, #tpu.memory_space<vmem>>
    tpu.enqueue_dma source(%dma_start3A_3723 : memref<64xf32, #tpu.memory_space<vmem>>) target(%dma_start3A_3720 : memref<64xf32, #tpu.memory_space<hbm>>) target_semaphore(%arg8 : memref<!tpu.dma_semaphore, #tpu.memory_space<semaphore_mem>>)
    %dma_start3A_3724 = arith.constant 5 : i32
    %dma_start3A_3725 = arith.constant 5 : i32
    %dma_start3A_3726 = arith.constant 0 : i32
    %dma_start3A_3727 = tpu.memref_slice %arg6[%dma_start3A_3724, %dma_start3A_3726] : memref<12x64xf32, #tpu.memory_space<vmem>> -> memref<1x64xf32, #tpu.memory_space<vmem>>
    %dma_start3A_3728 = tpu.memref_squeeze %dma_start3A_3727 : memref<1x64xf32, #tpu.memory_space<vmem>> -> memref<64xf32, #tpu.memory_space<vmem>>
    %dma_start3A_3729 = tpu.memref_slice %arg4[%dma_start3A_3725, %mul3A_2] : memref<12x2048xf32, #tpu.memory_space<hbm>> -> memref<1x64xf32, #tpu.memory_space<hbm>>
    %dma_start3A_3730 = tpu.memref_squeeze %dma_start3A_3729 : memref<1x64xf32, #tpu.memory_space<hbm>> -> memref<64xf32, #tpu.memory_space<hbm>>
    %dma_start3A_3731 = tpu.memref_slice %arg4[%dma_start3A_3725, %mul3A_2] : memref<12x2048xf32, #tpu.memory_space<hbm>> -> memref<1x64xf32, #tpu.memory_space<hbm>>
    %dma_start3A_3732 = tpu.memref_squeeze %dma_start3A_3731 : memref<1x64xf32, #tpu.memory_space<hbm>> -> memref<64xf32, #tpu.memory_space<hbm>>
    %dma_start3A_3733 = arith.constant 0 : i32
    %dma_start3A_3734 = tpu.memref_slice %arg6[%dma_start3A_3724, %dma_start3A_3733] : memref<12x64xf32, #tpu.memory_space<vmem>> -> memref<1x64xf32, #tpu.memory_space<vmem>>
    %dma_start3A_3735 = tpu.memref_squeeze %dma_start3A_3734 : memref<1x64xf32, #tpu.memory_space<vmem>> -> memref<64xf32, #tpu.memory_space<vmem>>
    tpu.enqueue_dma source(%dma_start3A_3735 : memref<64xf32, #tpu.memory_space<vmem>>) target(%dma_start3A_3732 : memref<64xf32, #tpu.memory_space<hbm>>) target_semaphore(%arg8 : memref<!tpu.dma_semaphore, #tpu.memory_space<semaphore_mem>>)
    %dma_start3A_3736 = arith.constant 6 : i32
    %dma_start3A_3737 = arith.constant 6 : i32
    %dma_start3A_3738 = arith.constant 0 : i32
    %dma_start3A_3739 = tpu.memref_slice %arg6[%dma_start3A_3736, %dma_start3A_3738] : memref<12x64xf32, #tpu.memory_space<vmem>> -> memref<1x64xf32, #tpu.memory_space<vmem>>
    %dma_start3A_3740 = tpu.memref_squeeze %dma_start3A_3739 : memref<1x64xf32, #tpu.memory_space<vmem>> -> memref<64xf32, #tpu.memory_space<vmem>>
    %dma_start3A_3741 = tpu.memref_slice %arg4[%dma_start3A_3737, %mul3A_2] : memref<12x2048xf32, #tpu.memory_space<hbm>> -> memref<1x64xf32, #tpu.memory_space<hbm>>
    %dma_start3A_3742 = tpu.memref_squeeze %dma_start3A_3741 : memref<1x64xf32, #tpu.memory_space<hbm>> -> memref<64xf32, #tpu.memory_space<hbm>>
    %dma_start3A_3743 = tpu.memref_slice %arg4[%dma_start3A_3737, %mul3A_2] : memref<12x2048xf32, #tpu.memory_space<hbm>> -> memref<1x64xf32, #tpu.memory_space<hbm>>
    %dma_start3A_3744 = tpu.memref_squeeze %dma_start3A_3743 : memref<1x64xf32, #tpu.memory_space<hbm>> -> memref<64xf32, #tpu.memory_space<hbm>>
    %dma_start3A_3745 = arith.constant 0 : i32
    %dma_start3A_3746 = tpu.memref_slice %arg6[%dma_start3A_3736, %dma_start3A_3745] : memref<12x64xf32, #tpu.memory_space<vmem>> -> memref<1x64xf32, #tpu.memory_space<vmem>>
    %dma_start3A_3747 = tpu.memref_squeeze %dma_start3A_3746 : memref<1x64xf32, #tpu.memory_space<vmem>> -> memref<64xf32, #tpu.memory_space<vmem>>
    tpu.enqueue_dma source(%dma_start3A_3747 : memref<64xf32, #tpu.memory_space<vmem>>) target(%dma_start3A_3744 : memref<64xf32, #tpu.memory_space<hbm>>) target_semaphore(%arg8 : memref<!tpu.dma_semaphore, #tpu.memory_space<semaphore_mem>>)
    %dma_start3A_3748 = arith.constant 7 : i32
    %dma_start3A_3749 = arith.constant 7 : i32
    %dma_start3A_3750 = arith.constant 0 : i32
    %dma_start3A_3751 = tpu.memref_slice %arg6[%dma_start3A_3748, %dma_start3A_3750] : memref<12x64xf32, #tpu.memory_space<vmem>> -> memref<1x64xf32, #tpu.memory_space<vmem>>
    %dma_start3A_3752 = tpu.memref_squeeze %dma_start3A_3751 : memref<1x64xf32, #tpu.memory_space<vmem>> -> memref<64xf32, #tpu.memory_space<vmem>>
    %dma_start3A_3753 = tpu.memref_slice %arg4[%dma_start3A_3749, %mul3A_2] : memref<12x2048xf32, #tpu.memory_space<hbm>> -> memref<1x64xf32, #tpu.memory_space<hbm>>
    %dma_start3A_3754 = tpu.memref_squeeze %dma_start3A_3753 : memref<1x64xf32, #tpu.memory_space<hbm>> -> memref<64xf32, #tpu.memory_space<hbm>>
    %dma_start3A_3755 = tpu.memref_slice %arg4[%dma_start3A_3749, %mul3A_2] : memref<12x2048xf32, #tpu.memory_space<hbm>> -> memref<1x64xf32, #tpu.memory_space<hbm>>
    %dma_start3A_3756 = tpu.memref_squeeze %dma_start3A_3755 : memref<1x64xf32, #tpu.memory_space<hbm>> -> memref<64xf32, #tpu.memory_space<hbm>>
    %dma_start3A_3757 = arith.constant 0 : i32
    %dma_start3A_3758 = tpu.memref_slice %arg6[%dma_start3A_3748, %dma_start3A_3757] : memref<12x64xf32, #tpu.memory_space<vmem>> -> memref<1x64xf32, #tpu.memory_space<vmem>>
    %dma_start3A_3759 = tpu.memref_squeeze %dma_start3A_3758 : memref<1x64xf32, #tpu.memory_space<vmem>> -> memref<64xf32, #tpu.memory_space<vmem>>
    tpu.enqueue_dma source(%dma_start3A_3759 : memref<64xf32, #tpu.memory_space<vmem>>) target(%dma_start3A_3756 : memref<64xf32, #tpu.memory_space<hbm>>) target_semaphore(%arg8 : memref<!tpu.dma_semaphore, #tpu.memory_space<semaphore_mem>>)
    %dma_start3A_3760 = arith.constant 8 : i32
    %dma_start3A_3761 = arith.constant 8 : i32
    %dma_start3A_3762 = arith.constant 0 : i32
    %dma_start3A_3763 = tpu.memref_slice %arg6[%dma_start3A_3760, %dma_start3A_3762] : memref<12x64xf32, #tpu.memory_space<vmem>> -> memref<1x64xf32, #tpu.memory_space<vmem>>
    %dma_start3A_3764 = tpu.memref_squeeze %dma_start3A_3763 : memref<1x64xf32, #tpu.memory_space<vmem>> -> memref<64xf32, #tpu.memory_space<vmem>>
    %dma_start3A_3765 = tpu.memref_slice %arg4[%dma_start3A_3761, %mul3A_2] : memref<12x2048xf32, #tpu.memory_space<hbm>> -> memref<1x64xf32, #tpu.memory_space<hbm>>
    %dma_start3A_3766 = tpu.memref_squeeze %dma_start3A_3765 : memref<1x64xf32, #tpu.memory_space<hbm>> -> memref<64xf32, #tpu.memory_space<hbm>>
    %dma_start3A_3767 = tpu.memref_slice %arg4[%dma_start3A_3761, %mul3A_2] : memref<12x2048xf32, #tpu.memory_space<hbm>> -> memref<1x64xf32, #tpu.memory_space<hbm>>
    %dma_start3A_3768 = tpu.memref_squeeze %dma_start3A_3767 : memref<1x64xf32, #tpu.memory_space<hbm>> -> memref<64xf32, #tpu.memory_space<hbm>>
    %dma_start3A_3769 = arith.constant 0 : i32
    %dma_start3A_3770 = tpu.memref_slice %arg6[%dma_start3A_3760, %dma_start3A_3769] : memref<12x64xf32, #tpu.memory_space<vmem>> -> memref<1x64xf32, #tpu.memory_space<vmem>>
    %dma_start3A_3771 = tpu.memref_squeeze %dma_start3A_3770 : memref<1x64xf32, #tpu.memory_space<vmem>> -> memref<64xf32, #tpu.memory_space<vmem>>
    tpu.enqueue_dma source(%dma_start3A_3771 : memref<64xf32, #tpu.memory_space<vmem>>) target(%dma_start3A_3768 : memref<64xf32, #tpu.memory_space<hbm>>) target_semaphore(%arg8 : memref<!tpu.dma_semaphore, #tpu.memory_space<semaphore_mem>>)
    %dma_start3A_3772 = arith.constant 9 : i32
    %dma_start3A_3773 = arith.constant 9 : i32
    %dma_start3A_3774 = arith.constant 0 : i32
    %dma_start3A_3775 = tpu.memref_slice %arg6[%dma_start3A_3772, %dma_start3A_3774] : memref<12x64xf32, #tpu.memory_space<vmem>> -> memref<1x64xf32, #tpu.memory_space<vmem>>
    %dma_start3A_3776 = tpu.memref_squeeze %dma_start3A_3775 : memref<1x64xf32, #tpu.memory_space<vmem>> -> memref<64xf32, #tpu.memory_space<vmem>>
    %dma_start3A_3777 = tpu.memref_slice %arg4[%dma_start3A_3773, %mul3A_2] : memref<12x2048xf32, #tpu.memory_space<hbm>> -> memref<1x64xf32, #tpu.memory_space<hbm>>
    %dma_start3A_3778 = tpu.memref_squeeze %dma_start3A_3777 : memref<1x64xf32, #tpu.memory_space<hbm>> -> memref<64xf32, #tpu.memory_space<hbm>>
    %dma_start3A_3779 = tpu.memref_slice %arg4[%dma_start3A_3773, %mul3A_2] : memref<12x2048xf32, #tpu.memory_space<hbm>> -> memref<1x64xf32, #tpu.memory_space<hbm>>
    %dma_start3A_3780 = tpu.memref_squeeze %dma_start3A_3779 : memref<1x64xf32, #tpu.memory_space<hbm>> -> memref<64xf32, #tpu.memory_space<hbm>>
    %dma_start3A_3781 = arith.constant 0 : i32
    %dma_start3A_3782 = tpu.memref_slice %arg6[%dma_start3A_3772, %dma_start3A_3781] : memref<12x64xf32, #tpu.memory_space<vmem>> -> memref<1x64xf32, #tpu.memory_space<vmem>>
    %dma_start3A_3783 = tpu.memref_squeeze %dma_start3A_3782 : memref<1x64xf32, #tpu.memory_space<vmem>> -> memref<64xf32, #tpu.memory_space<vmem>>
    tpu.enqueue_dma source(%dma_start3A_3783 : memref<64xf32, #tpu.memory_space<vmem>>) target(%dma_start3A_3780 : memref<64xf32, #tpu.memory_space<hbm>>) target_semaphore(%arg8 : memref<!tpu.dma_semaphore, #tpu.memory_space<semaphore_mem>>)
    %dma_start3A_3784 = arith.constant 10 : i32
    %dma_start3A_3785 = arith.constant 10 : i32
    %dma_start3A_3786 = arith.constant 0 : i32
    %dma_start3A_3787 = tpu.memref_slice %arg6[%dma_start3A_3784, %dma_start3A_3786] : memref<12x64xf32, #tpu.memory_space<vmem>> -> memref<1x64xf32, #tpu.memory_space<vmem>>
    %dma_start3A_3788 = tpu.memref_squeeze %dma_start3A_3787 : memref<1x64xf32, #tpu.memory_space<vmem>> -> memref<64xf32, #tpu.memory_space<vmem>>
    %dma_start3A_3789 = tpu.memref_slice %arg4[%dma_start3A_3785, %mul3A_2] : memref<12x2048xf32, #tpu.memory_space<hbm>> -> memref<1x64xf32, #tpu.memory_space<hbm>>
    %dma_start3A_3790 = tpu.memref_squeeze %dma_start3A_3789 : memref<1x64xf32, #tpu.memory_space<hbm>> -> memref<64xf32, #tpu.memory_space<hbm>>
    %dma_start3A_3791 = tpu.memref_slice %arg4[%dma_start3A_3785, %mul3A_2] : memref<12x2048xf32, #tpu.memory_space<hbm>> -> memref<1x64xf32, #tpu.memory_space<hbm>>
    %dma_start3A_3792 = tpu.memref_squeeze %dma_start3A_3791 : memref<1x64xf32, #tpu.memory_space<hbm>> -> memref<64xf32, #tpu.memory_space<hbm>>
    %dma_start3A_3793 = arith.constant 0 : i32
    %dma_start3A_3794 = tpu.memref_slice %arg6[%dma_start3A_3784, %dma_start3A_3793] : memref<12x64xf32, #tpu.memory_space<vmem>> -> memref<1x64xf32, #tpu.memory_space<vmem>>
    %dma_start3A_3795 = tpu.memref_squeeze %dma_start3A_3794 : memref<1x64xf32, #tpu.memory_space<vmem>> -> memref<64xf32, #tpu.memory_space<vmem>>
    tpu.enqueue_dma source(%dma_start3A_3795 : memref<64xf32, #tpu.memory_space<vmem>>) target(%dma_start3A_3792 : memref<64xf32, #tpu.memory_space<hbm>>) target_semaphore(%arg8 : memref<!tpu.dma_semaphore, #tpu.memory_space<semaphore_mem>>)
    %dma_start3A_3796 = arith.constant 11 : i32
    %dma_start3A_3797 = arith.constant 11 : i32
    %dma_start3A_3798 = arith.constant 0 : i32
    %dma_start3A_3799 = tpu.memref_slice %arg6[%dma_start3A_3796, %dma_start3A_3798] : memref<12x64xf32, #tpu.memory_space<vmem>> -> memref<1x64xf32, #tpu.memory_space<vmem>>
    %dma_start3A_3800 = tpu.memref_squeeze %dma_start3A_3799 : memref<1x64xf32, #tpu.memory_space<vmem>> -> memref<64xf32, #tpu.memory_space<vmem>>
    %dma_start3A_3801 = tpu.memref_slice %arg4[%dma_start3A_3797, %mul3A_2] : memref<12x2048xf32, #tpu.memory_space<hbm>> -> memref<1x64xf32, #tpu.memory_space<hbm>>
    %dma_start3A_3802 = tpu.memref_squeeze %dma_start3A_3801 : memref<1x64xf32, #tpu.memory_space<hbm>> -> memref<64xf32, #tpu.memory_space<hbm>>
    %dma_start3A_3803 = tpu.memref_slice %arg4[%dma_start3A_3797, %mul3A_2] : memref<12x2048xf32, #tpu.memory_space<hbm>> -> memref<1x64xf32, #tpu.memory_space<hbm>>
    %dma_start3A_3804 = tpu.memref_squeeze %dma_start3A_3803 : memref<1x64xf32, #tpu.memory_space<hbm>> -> memref<64xf32, #tpu.memory_space<hbm>>
    %dma_start3A_3805 = arith.constant 0 : i32
    %dma_start3A_3806 = tpu.memref_slice %arg6[%dma_start3A_3796, %dma_start3A_3805] : memref<12x64xf32, #tpu.memory_space<vmem>> -> memref<1x64xf32, #tpu.memory_space<vmem>>
    %dma_start3A_3807 = tpu.memref_squeeze %dma_start3A_3806 : memref<1x64xf32, #tpu.memory_space<vmem>> -> memref<64xf32, #tpu.memory_space<vmem>>
    tpu.enqueue_dma source(%dma_start3A_3807 : memref<64xf32, #tpu.memory_space<vmem>>) target(%dma_start3A_3804 : memref<64xf32, #tpu.memory_space<hbm>>) target_semaphore(%arg8 : memref<!tpu.dma_semaphore, #tpu.memory_space<semaphore_mem>>)
    %dma_wait3A_3808 = arith.constant 0 : i32
    %dma_wait3A_3809 = arith.constant 0 : i32
    %dma_wait3A_3810 = arith.constant 0 : i32
    %dma_wait3A_3811 = tpu.memref_slice %arg6[%dma_wait3A_3808, %dma_wait3A_3810] : memref<12x64xf32, #tpu.memory_space<vmem>> -> memref<1x64xf32, #tpu.memory_space<vmem>>
    %dma_wait3A_3812 = tpu.memref_squeeze %dma_wait3A_3811 : memref<1x64xf32, #tpu.memory_space<vmem>> -> memref<64xf32, #tpu.memory_space<vmem>>
    %dma_wait3A_3813 = tpu.memref_slice %arg4[%dma_wait3A_3809, %mul3A_2] : memref<12x2048xf32, #tpu.memory_space<hbm>> -> memref<1x64xf32, #tpu.memory_space<hbm>>
    %dma_wait3A_3814 = tpu.memref_squeeze %dma_wait3A_3813 : memref<1x64xf32, #tpu.memory_space<hbm>> -> memref<64xf32, #tpu.memory_space<hbm>>
    %dma_wait3A_3815 = tpu.memref_slice %arg4[%dma_wait3A_3809, %mul3A_2] : memref<12x2048xf32, #tpu.memory_space<hbm>> -> memref<1x64xf32, #tpu.memory_space<hbm>>
    %dma_wait3A_3816 = tpu.memref_squeeze %dma_wait3A_3815 : memref<1x64xf32, #tpu.memory_space<hbm>> -> memref<64xf32, #tpu.memory_space<hbm>>
    %dma_wait3A_3817 = arith.constant 0 : i32
    %dma_wait3A_3818 = tpu.memref_slice %arg6[%dma_wait3A_3808, %dma_wait3A_3817] : memref<12x64xf32, #tpu.memory_space<vmem>> -> memref<1x64xf32, #tpu.memory_space<vmem>>
    %dma_wait3A_3819 = tpu.memref_squeeze %dma_wait3A_3818 : memref<1x64xf32, #tpu.memory_space<vmem>> -> memref<64xf32, #tpu.memory_space<vmem>>
    tpu.wait_dma2 semaphore(%arg8 : memref<!tpu.dma_semaphore, #tpu.memory_space<semaphore_mem>>) src(%dma_wait3A_3819 : memref<64xf32, #tpu.memory_space<vmem>>) dst(%dma_wait3A_3816 : memref<64xf32, #tpu.memory_space<hbm>>)
    %dma_wait3A_3820 = arith.constant 1 : i32
    %dma_wait3A_3821 = arith.constant 1 : i32
    %dma_wait3A_3822 = arith.constant 0 : i32
    %dma_wait3A_3823 = tpu.memref_slice %arg6[%dma_wait3A_3820, %dma_wait3A_3822] : memref<12x64xf32, #tpu.memory_space<vmem>> -> memref<1x64xf32, #tpu.memory_space<vmem>>
    %dma_wait3A_3824 = tpu.memref_squeeze %dma_wait3A_3823 : memref<1x64xf32, #tpu.memory_space<vmem>> -> memref<64xf32, #tpu.memory_space<vmem>>
    %dma_wait3A_3825 = tpu.memref_slice %arg4[%dma_wait3A_3821, %mul3A_2] : memref<12x2048xf32, #tpu.memory_space<hbm>> -> memref<1x64xf32, #tpu.memory_space<hbm>>
    %dma_wait3A_3826 = tpu.memref_squeeze %dma_wait3A_3825 : memref<1x64xf32, #tpu.memory_space<hbm>> -> memref<64xf32, #tpu.memory_space<hbm>>
    %dma_wait3A_3827 = tpu.memref_slice %arg4[%dma_wait3A_3821, %mul3A_2] : memref<12x2048xf32, #tpu.memory_space<hbm>> -> memref<1x64xf32, #tpu.memory_space<hbm>>
    %dma_wait3A_3828 = tpu.memref_squeeze %dma_wait3A_3827 : memref<1x64xf32, #tpu.memory_space<hbm>> -> memref<64xf32, #tpu.memory_space<hbm>>
    %dma_wait3A_3829 = arith.constant 0 : i32
    %dma_wait3A_3830 = tpu.memref_slice %arg6[%dma_wait3A_3820, %dma_wait3A_3829] : memref<12x64xf32, #tpu.memory_space<vmem>> -> memref<1x64xf32, #tpu.memory_space<vmem>>
    %dma_wait3A_3831 = tpu.memref_squeeze %dma_wait3A_3830 : memref<1x64xf32, #tpu.memory_space<vmem>> -> memref<64xf32, #tpu.memory_space<vmem>>
    tpu.wait_dma2 semaphore(%arg8 : memref<!tpu.dma_semaphore, #tpu.memory_space<semaphore_mem>>) src(%dma_wait3A_3831 : memref<64xf32, #tpu.memory_space<vmem>>) dst(%dma_wait3A_3828 : memref<64xf32, #tpu.memory_space<hbm>>)
    %dma_wait3A_3832 = arith.constant 2 : i32
    %dma_wait3A_3833 = arith.constant 2 : i32
    %dma_wait3A_3834 = arith.constant 0 : i32
    %dma_wait3A_3835 = tpu.memref_slice %arg6[%dma_wait3A_3832, %dma_wait3A_3834] : memref<12x64xf32, #tpu.memory_space<vmem>> -> memref<1x64xf32, #tpu.memory_space<vmem>>
    %dma_wait3A_3836 = tpu.memref_squeeze %dma_wait3A_3835 : memref<1x64xf32, #tpu.memory_space<vmem>> -> memref<64xf32, #tpu.memory_space<vmem>>
    %dma_wait3A_3837 = tpu.memref_slice %arg4[%dma_wait3A_3833, %mul3A_2] : memref<12x2048xf32, #tpu.memory_space<hbm>> -> memref<1x64xf32, #tpu.memory_space<hbm>>
    %dma_wait3A_3838 = tpu.memref_squeeze %dma_wait3A_3837 : memref<1x64xf32, #tpu.memory_space<hbm>> -> memref<64xf32, #tpu.memory_space<hbm>>
    %dma_wait3A_3839 = tpu.memref_slice %arg4[%dma_wait3A_3833, %mul3A_2] : memref<12x2048xf32, #tpu.memory_space<hbm>> -> memref<1x64xf32, #tpu.memory_space<hbm>>
    %dma_wait3A_3840 = tpu.memref_squeeze %dma_wait3A_3839 : memref<1x64xf32, #tpu.memory_space<hbm>> -> memref<64xf32, #tpu.memory_space<hbm>>
    %dma_wait3A_3841 = arith.constant 0 : i32
    %dma_wait3A_3842 = tpu.memref_slice %arg6[%dma_wait3A_3832, %dma_wait3A_3841] : memref<12x64xf32, #tpu.memory_space<vmem>> -> memref<1x64xf32, #tpu.memory_space<vmem>>
    %dma_wait3A_3843 = tpu.memref_squeeze %dma_wait3A_3842 : memref<1x64xf32, #tpu.memory_space<vmem>> -> memref<64xf32, #tpu.memory_space<vmem>>
    tpu.wait_dma2 semaphore(%arg8 : memref<!tpu.dma_semaphore, #tpu.memory_space<semaphore_mem>>) src(%dma_wait3A_3843 : memref<64xf32, #tpu.memory_space<vmem>>) dst(%dma_wait3A_3840 : memref<64xf32, #tpu.memory_space<hbm>>)
    %dma_wait3A_3844 = arith.constant 3 : i32
    %dma_wait3A_3845 = arith.constant 3 : i32
    %dma_wait3A_3846 = arith.constant 0 : i32
    %dma_wait3A_3847 = tpu.memref_slice %arg6[%dma_wait3A_3844, %dma_wait3A_3846] : memref<12x64xf32, #tpu.memory_space<vmem>> -> memref<1x64xf32, #tpu.memory_space<vmem>>
    %dma_wait3A_3848 = tpu.memref_squeeze %dma_wait3A_3847 : memref<1x64xf32, #tpu.memory_space<vmem>> -> memref<64xf32, #tpu.memory_space<vmem>>
    %dma_wait3A_3849 = tpu.memref_slice %arg4[%dma_wait3A_3845, %mul3A_2] : memref<12x2048xf32, #tpu.memory_space<hbm>> -> memref<1x64xf32, #tpu.memory_space<hbm>>
    %dma_wait3A_3850 = tpu.memref_squeeze %dma_wait3A_3849 : memref<1x64xf32, #tpu.memory_space<hbm>> -> memref<64xf32, #tpu.memory_space<hbm>>
    %dma_wait3A_3851 = tpu.memref_slice %arg4[%dma_wait3A_3845, %mul3A_2] : memref<12x2048xf32, #tpu.memory_space<hbm>> -> memref<1x64xf32, #tpu.memory_space<hbm>>
    %dma_wait3A_3852 = tpu.memref_squeeze %dma_wait3A_3851 : memref<1x64xf32, #tpu.memory_space<hbm>> -> memref<64xf32, #tpu.memory_space<hbm>>
    %dma_wait3A_3853 = arith.constant 0 : i32
    %dma_wait3A_3854 = tpu.memref_slice %arg6[%dma_wait3A_3844, %dma_wait3A_3853] : memref<12x64xf32, #tpu.memory_space<vmem>> -> memref<1x64xf32, #tpu.memory_space<vmem>>
    %dma_wait3A_3855 = tpu.memref_squeeze %dma_wait3A_3854 : memref<1x64xf32, #tpu.memory_space<vmem>> -> memref<64xf32, #tpu.memory_space<vmem>>
    tpu.wait_dma2 semaphore(%arg8 : memref<!tpu.dma_semaphore, #tpu.memory_space<semaphore_mem>>) src(%dma_wait3A_3855 : memref<64xf32, #tpu.memory_space<vmem>>) dst(%dma_wait3A_3852 : memref<64xf32, #tpu.memory_space<hbm>>)
    %dma_wait3A_3856 = arith.constant 4 : i32
    %dma_wait3A_3857 = arith.constant 4 : i32
    %dma_wait3A_3858 = arith.constant 0 : i32
    %dma_wait3A_3859 = tpu.memref_slice %arg6[%dma_wait3A_3856, %dma_wait3A_3858] : memref<12x64xf32, #tpu.memory_space<vmem>> -> memref<1x64xf32, #tpu.memory_space<vmem>>
    %dma_wait3A_3860 = tpu.memref_squeeze %dma_wait3A_3859 : memref<1x64xf32, #tpu.memory_space<vmem>> -> memref<64xf32, #tpu.memory_space<vmem>>
    %dma_wait3A_3861 = tpu.memref_slice %arg4[%dma_wait3A_3857, %mul3A_2] : memref<12x2048xf32, #tpu.memory_space<hbm>> -> memref<1x64xf32, #tpu.memory_space<hbm>>
    %dma_wait3A_3862 = tpu.memref_squeeze %dma_wait3A_3861 : memref<1x64xf32, #tpu.memory_space<hbm>> -> memref<64xf32, #tpu.memory_space<hbm>>
    %dma_wait3A_3863 = tpu.memref_slice %arg4[%dma_wait3A_3857, %mul3A_2] : memref<12x2048xf32, #tpu.memory_space<hbm>> -> memref<1x64xf32, #tpu.memory_space<hbm>>
    %dma_wait3A_3864 = tpu.memref_squeeze %dma_wait3A_3863 : memref<1x64xf32, #tpu.memory_space<hbm>> -> memref<64xf32, #tpu.memory_space<hbm>>
    %dma_wait3A_3865 = arith.constant 0 : i32
    %dma_wait3A_3866 = tpu.memref_slice %arg6[%dma_wait3A_3856, %dma_wait3A_3865] : memref<12x64xf32, #tpu.memory_space<vmem>> -> memref<1x64xf32, #tpu.memory_space<vmem>>
    %dma_wait3A_3867 = tpu.memref_squeeze %dma_wait3A_3866 : memref<1x64xf32, #tpu.memory_space<vmem>> -> memref<64xf32, #tpu.memory_space<vmem>>
    tpu.wait_dma2 semaphore(%arg8 : memref<!tpu.dma_semaphore, #tpu.memory_space<semaphore_mem>>) src(%dma_wait3A_3867 : memref<64xf32, #tpu.memory_space<vmem>>) dst(%dma_wait3A_3864 : memref<64xf32, #tpu.memory_space<hbm>>)
    %dma_wait3A_3868 = arith.constant 5 : i32
    %dma_wait3A_3869 = arith.constant 5 : i32
    %dma_wait3A_3870 = arith.constant 0 : i32
    %dma_wait3A_3871 = tpu.memref_slice %arg6[%dma_wait3A_3868, %dma_wait3A_3870] : memref<12x64xf32, #tpu.memory_space<vmem>> -> memref<1x64xf32, #tpu.memory_space<vmem>>
    %dma_wait3A_3872 = tpu.memref_squeeze %dma_wait3A_3871 : memref<1x64xf32, #tpu.memory_space<vmem>> -> memref<64xf32, #tpu.memory_space<vmem>>
    %dma_wait3A_3873 = tpu.memref_slice %arg4[%dma_wait3A_3869, %mul3A_2] : memref<12x2048xf32, #tpu.memory_space<hbm>> -> memref<1x64xf32, #tpu.memory_space<hbm>>
    %dma_wait3A_3874 = tpu.memref_squeeze %dma_wait3A_3873 : memref<1x64xf32, #tpu.memory_space<hbm>> -> memref<64xf32, #tpu.memory_space<hbm>>
    %dma_wait3A_3875 = tpu.memref_slice %arg4[%dma_wait3A_3869, %mul3A_2] : memref<12x2048xf32, #tpu.memory_space<hbm>> -> memref<1x64xf32, #tpu.memory_space<hbm>>
    %dma_wait3A_3876 = tpu.memref_squeeze %dma_wait3A_3875 : memref<1x64xf32, #tpu.memory_space<hbm>> -> memref<64xf32, #tpu.memory_space<hbm>>
    %dma_wait3A_3877 = arith.constant 0 : i32
    %dma_wait3A_3878 = tpu.memref_slice %arg6[%dma_wait3A_3868, %dma_wait3A_3877] : memref<12x64xf32, #tpu.memory_space<vmem>> -> memref<1x64xf32, #tpu.memory_space<vmem>>
    %dma_wait3A_3879 = tpu.memref_squeeze %dma_wait3A_3878 : memref<1x64xf32, #tpu.memory_space<vmem>> -> memref<64xf32, #tpu.memory_space<vmem>>
    tpu.wait_dma2 semaphore(%arg8 : memref<!tpu.dma_semaphore, #tpu.memory_space<semaphore_mem>>) src(%dma_wait3A_3879 : memref<64xf32, #tpu.memory_space<vmem>>) dst(%dma_wait3A_3876 : memref<64xf32, #tpu.memory_space<hbm>>)
    %dma_wait3A_3880 = arith.constant 6 : i32
    %dma_wait3A_3881 = arith.constant 6 : i32
    %dma_wait3A_3882 = arith.constant 0 : i32
    %dma_wait3A_3883 = tpu.memref_slice %arg6[%dma_wait3A_3880, %dma_wait3A_3882] : memref<12x64xf32, #tpu.memory_space<vmem>> -> memref<1x64xf32, #tpu.memory_space<vmem>>
    %dma_wait3A_3884 = tpu.memref_squeeze %dma_wait3A_3883 : memref<1x64xf32, #tpu.memory_space<vmem>> -> memref<64xf32, #tpu.memory_space<vmem>>
    %dma_wait3A_3885 = tpu.memref_slice %arg4[%dma_wait3A_3881, %mul3A_2] : memref<12x2048xf32, #tpu.memory_space<hbm>> -> memref<1x64xf32, #tpu.memory_space<hbm>>
    %dma_wait3A_3886 = tpu.memref_squeeze %dma_wait3A_3885 : memref<1x64xf32, #tpu.memory_space<hbm>> -> memref<64xf32, #tpu.memory_space<hbm>>
    %dma_wait3A_3887 = tpu.memref_slice %arg4[%dma_wait3A_3881, %mul3A_2] : memref<12x2048xf32, #tpu.memory_space<hbm>> -> memref<1x64xf32, #tpu.memory_space<hbm>>
    %dma_wait3A_3888 = tpu.memref_squeeze %dma_wait3A_3887 : memref<1x64xf32, #tpu.memory_space<hbm>> -> memref<64xf32, #tpu.memory_space<hbm>>
    %dma_wait3A_3889 = arith.constant 0 : i32
    %dma_wait3A_3890 = tpu.memref_slice %arg6[%dma_wait3A_3880, %dma_wait3A_3889] : memref<12x64xf32, #tpu.memory_space<vmem>> -> memref<1x64xf32, #tpu.memory_space<vmem>>
    %dma_wait3A_3891 = tpu.memref_squeeze %dma_wait3A_3890 : memref<1x64xf32, #tpu.memory_space<vmem>> -> memref<64xf32, #tpu.memory_space<vmem>>
    tpu.wait_dma2 semaphore(%arg8 : memref<!tpu.dma_semaphore, #tpu.memory_space<semaphore_mem>>) src(%dma_wait3A_3891 : memref<64xf32, #tpu.memory_space<vmem>>) dst(%dma_wait3A_3888 : memref<64xf32, #tpu.memory_space<hbm>>)
    %dma_wait3A_3892 = arith.constant 7 : i32
    %dma_wait3A_3893 = arith.constant 7 : i32
    %dma_wait3A_3894 = arith.constant 0 : i32
    %dma_wait3A_3895 = tpu.memref_slice %arg6[%dma_wait3A_3892, %dma_wait3A_3894] : memref<12x64xf32, #tpu.memory_space<vmem>> -> memref<1x64xf32, #tpu.memory_space<vmem>>
    %dma_wait3A_3896 = tpu.memref_squeeze %dma_wait3A_3895 : memref<1x64xf32, #tpu.memory_space<vmem>> -> memref<64xf32, #tpu.memory_space<vmem>>
    %dma_wait3A_3897 = tpu.memref_slice %arg4[%dma_wait3A_3893, %mul3A_2] : memref<12x2048xf32, #tpu.memory_space<hbm>> -> memref<1x64xf32, #tpu.memory_space<hbm>>
    %dma_wait3A_3898 = tpu.memref_squeeze %dma_wait3A_3897 : memref<1x64xf32, #tpu.memory_space<hbm>> -> memref<64xf32, #tpu.memory_space<hbm>>
    %dma_wait3A_3899 = tpu.memref_slice %arg4[%dma_wait3A_3893, %mul3A_2] : memref<12x2048xf32, #tpu.memory_space<hbm>> -> memref<1x64xf32, #tpu.memory_space<hbm>>
    %dma_wait3A_3900 = tpu.memref_squeeze %dma_wait3A_3899 : memref<1x64xf32, #tpu.memory_space<hbm>> -> memref<64xf32, #tpu.memory_space<hbm>>
    %dma_wait3A_3901 = arith.constant 0 : i32
    %dma_wait3A_3902 = tpu.memref_slice %arg6[%dma_wait3A_3892, %dma_wait3A_3901] : memref<12x64xf32, #tpu.memory_space<vmem>> -> memref<1x64xf32, #tpu.memory_space<vmem>>
    %dma_wait3A_3903 = tpu.memref_squeeze %dma_wait3A_3902 : memref<1x64xf32, #tpu.memory_space<vmem>> -> memref<64xf32, #tpu.memory_space<vmem>>
    tpu.wait_dma2 semaphore(%arg8 : memref<!tpu.dma_semaphore, #tpu.memory_space<semaphore_mem>>) src(%dma_wait3A_3903 : memref<64xf32, #tpu.memory_space<vmem>>) dst(%dma_wait3A_3900 : memref<64xf32, #tpu.memory_space<hbm>>)
    %dma_wait3A_3904 = arith.constant 8 : i32
    %dma_wait3A_3905 = arith.constant 8 : i32
    %dma_wait3A_3906 = arith.constant 0 : i32
    %dma_wait3A_3907 = tpu.memref_slice %arg6[%dma_wait3A_3904, %dma_wait3A_3906] : memref<12x64xf32, #tpu.memory_space<vmem>> -> memref<1x64xf32, #tpu.memory_space<vmem>>
    %dma_wait3A_3908 = tpu.memref_squeeze %dma_wait3A_3907 : memref<1x64xf32, #tpu.memory_space<vmem>> -> memref<64xf32, #tpu.memory_space<vmem>>
    %dma_wait3A_3909 = tpu.memref_slice %arg4[%dma_wait3A_3905, %mul3A_2] : memref<12x2048xf32, #tpu.memory_space<hbm>> -> memref<1x64xf32, #tpu.memory_space<hbm>>
    %dma_wait3A_3910 = tpu.memref_squeeze %dma_wait3A_3909 : memref<1x64xf32, #tpu.memory_space<hbm>> -> memref<64xf32, #tpu.memory_space<hbm>>
    %dma_wait3A_3911 = tpu.memref_slice %arg4[%dma_wait3A_3905, %mul3A_2] : memref<12x2048xf32, #tpu.memory_space<hbm>> -> memref<1x64xf32, #tpu.memory_space<hbm>>
    %dma_wait3A_3912 = tpu.memref_squeeze %dma_wait3A_3911 : memref<1x64xf32, #tpu.memory_space<hbm>> -> memref<64xf32, #tpu.memory_space<hbm>>
    %dma_wait3A_3913 = arith.constant 0 : i32
    %dma_wait3A_3914 = tpu.memref_slice %arg6[%dma_wait3A_3904, %dma_wait3A_3913] : memref<12x64xf32, #tpu.memory_space<vmem>> -> memref<1x64xf32, #tpu.memory_space<vmem>>
    %dma_wait3A_3915 = tpu.memref_squeeze %dma_wait3A_3914 : memref<1x64xf32, #tpu.memory_space<vmem>> -> memref<64xf32, #tpu.memory_space<vmem>>
    tpu.wait_dma2 semaphore(%arg8 : memref<!tpu.dma_semaphore, #tpu.memory_space<semaphore_mem>>) src(%dma_wait3A_3915 : memref<64xf32, #tpu.memory_space<vmem>>) dst(%dma_wait3A_3912 : memref<64xf32, #tpu.memory_space<hbm>>)
    %dma_wait3A_3916 = arith.constant 9 : i32
    %dma_wait3A_3917 = arith.constant 9 : i32
    %dma_wait3A_3918 = arith.constant 0 : i32
    %dma_wait3A_3919 = tpu.memref_slice %arg6[%dma_wait3A_3916, %dma_wait3A_3918] : memref<12x64xf32, #tpu.memory_space<vmem>> -> memref<1x64xf32, #tpu.memory_space<vmem>>
    %dma_wait3A_3920 = tpu.memref_squeeze %dma_wait3A_3919 : memref<1x64xf32, #tpu.memory_space<vmem>> -> memref<64xf32, #tpu.memory_space<vmem>>
    %dma_wait3A_3921 = tpu.memref_slice %arg4[%dma_wait3A_3917, %mul3A_2] : memref<12x2048xf32, #tpu.memory_space<hbm>> -> memref<1x64xf32, #tpu.memory_space<hbm>>
    %dma_wait3A_3922 = tpu.memref_squeeze %dma_wait3A_3921 : memref<1x64xf32, #tpu.memory_space<hbm>> -> memref<64xf32, #tpu.memory_space<hbm>>
    %dma_wait3A_3923 = tpu.memref_slice %arg4[%dma_wait3A_3917, %mul3A_2] : memref<12x2048xf32, #tpu.memory_space<hbm>> -> memref<1x64xf32, #tpu.memory_space<hbm>>
    %dma_wait3A_3924 = tpu.memref_squeeze %dma_wait3A_3923 : memref<1x64xf32, #tpu.memory_space<hbm>> -> memref<64xf32, #tpu.memory_space<hbm>>
    %dma_wait3A_3925 = arith.constant 0 : i32
    %dma_wait3A_3926 = tpu.memref_slice %arg6[%dma_wait3A_3916, %dma_wait3A_3925] : memref<12x64xf32, #tpu.memory_space<vmem>> -> memref<1x64xf32, #tpu.memory_space<vmem>>
    %dma_wait3A_3927 = tpu.memref_squeeze %dma_wait3A_3926 : memref<1x64xf32, #tpu.memory_space<vmem>> -> memref<64xf32, #tpu.memory_space<vmem>>
    tpu.wait_dma2 semaphore(%arg8 : memref<!tpu.dma_semaphore, #tpu.memory_space<semaphore_mem>>) src(%dma_wait3A_3927 : memref<64xf32, #tpu.memory_space<vmem>>) dst(%dma_wait3A_3924 : memref<64xf32, #tpu.memory_space<hbm>>)
    %dma_wait3A_3928 = arith.constant 10 : i32
    %dma_wait3A_3929 = arith.constant 10 : i32
    %dma_wait3A_3930 = arith.constant 0 : i32
    %dma_wait3A_3931 = tpu.memref_slice %arg6[%dma_wait3A_3928, %dma_wait3A_3930] : memref<12x64xf32, #tpu.memory_space<vmem>> -> memref<1x64xf32, #tpu.memory_space<vmem>>
    %dma_wait3A_3932 = tpu.memref_squeeze %dma_wait3A_3931 : memref<1x64xf32, #tpu.memory_space<vmem>> -> memref<64xf32, #tpu.memory_space<vmem>>
    %dma_wait3A_3933 = tpu.memref_slice %arg4[%dma_wait3A_3929, %mul3A_2] : memref<12x2048xf32, #tpu.memory_space<hbm>> -> memref<1x64xf32, #tpu.memory_space<hbm>>
    %dma_wait3A_3934 = tpu.memref_squeeze %dma_wait3A_3933 : memref<1x64xf32, #tpu.memory_space<hbm>> -> memref<64xf32, #tpu.memory_space<hbm>>
    %dma_wait3A_3935 = tpu.memref_slice %arg4[%dma_wait3A_3929, %mul3A_2] : memref<12x2048xf32, #tpu.memory_space<hbm>> -> memref<1x64xf32, #tpu.memory_space<hbm>>
    %dma_wait3A_3936 = tpu.memref_squeeze %dma_wait3A_3935 : memref<1x64xf32, #tpu.memory_space<hbm>> -> memref<64xf32, #tpu.memory_space<hbm>>
    %dma_wait3A_3937 = arith.constant 0 : i32
    %dma_wait3A_3938 = tpu.memref_slice %arg6[%dma_wait3A_3928, %dma_wait3A_3937] : memref<12x64xf32, #tpu.memory_space<vmem>> -> memref<1x64xf32, #tpu.memory_space<vmem>>
    %dma_wait3A_3939 = tpu.memref_squeeze %dma_wait3A_3938 : memref<1x64xf32, #tpu.memory_space<vmem>> -> memref<64xf32, #tpu.memory_space<vmem>>
    tpu.wait_dma2 semaphore(%arg8 : memref<!tpu.dma_semaphore, #tpu.memory_space<semaphore_mem>>) src(%dma_wait3A_3939 : memref<64xf32, #tpu.memory_space<vmem>>) dst(%dma_wait3A_3936 : memref<64xf32, #tpu.memory_space<hbm>>)
    %dma_wait3A_3940 = arith.constant 11 : i32
    %dma_wait3A_3941 = arith.constant 11 : i32
    %dma_wait3A_3942 = arith.constant 0 : i32
    %dma_wait3A_3943 = tpu.memref_slice %arg6[%dma_wait3A_3940, %dma_wait3A_3942] : memref<12x64xf32, #tpu.memory_space<vmem>> -> memref<1x64xf32, #tpu.memory_space<vmem>>
    %dma_wait3A_3944 = tpu.memref_squeeze %dma_wait3A_3943 : memref<1x64xf32, #tpu.memory_space<vmem>> -> memref<64xf32, #tpu.memory_space<vmem>>
    %dma_wait3A_3945 = tpu.memref_slice %arg4[%dma_wait3A_3941, %mul3A_2] : memref<12x2048xf32, #tpu.memory_space<hbm>> -> memref<1x64xf32, #tpu.memory_space<hbm>>
    %dma_wait3A_3946 = tpu.memref_squeeze %dma_wait3A_3945 : memref<1x64xf32, #tpu.memory_space<hbm>> -> memref<64xf32, #tpu.memory_space<hbm>>
    %dma_wait3A_3947 = tpu.memref_slice %arg4[%dma_wait3A_3941, %mul3A_2] : memref<12x2048xf32, #tpu.memory_space<hbm>> -> memref<1x64xf32, #tpu.memory_space<hbm>>
    %dma_wait3A_3948 = tpu.memref_squeeze %dma_wait3A_3947 : memref<1x64xf32, #tpu.memory_space<hbm>> -> memref<64xf32, #tpu.memory_space<hbm>>
    %dma_wait3A_3949 = arith.constant 0 : i32
    %dma_wait3A_3950 = tpu.memref_slice %arg6[%dma_wait3A_3940, %dma_wait3A_3949] : memref<12x64xf32, #tpu.memory_space<vmem>> -> memref<1x64xf32, #tpu.memory_space<vmem>>
    %dma_wait3A_3951 = tpu.memref_squeeze %dma_wait3A_3950 : memref<1x64xf32, #tpu.memory_space<vmem>> -> memref<64xf32, #tpu.memory_space<vmem>>
    tpu.wait_dma2 semaphore(%arg8 : memref<!tpu.dma_semaphore, #tpu.memory_space<semaphore_mem>>) src(%dma_wait3A_3951 : memref<64xf32, #tpu.memory_space<vmem>>) dst(%dma_wait3A_3948 : memref<64xf32, #tpu.memory_space<hbm>>)
    return
  }
}

module attributes {stable_mosaic.version = 14 : i64} {
  func.func @_logits_kernel(%arg0: memref<2048x1024xf32, #tpu.memory_space<vmem>>, %arg1: memref<8x1024xf32, #tpu.memory_space<vmem>>, %arg2: memref<8x2048xf32, #tpu.memory_space<vmem>>, %arg3: memref<2048x1024xbf16, #tpu.memory_space<vmem>>) attributes {dimension_semantics = [], scalar_prefetch = 0 : i64, scratch_operands = 0 : i64, tpu.core_type = #tpu.core_type<tc>} {
    %get3A = arith.constant 0 : index
    %get3A_0 = arith.constant 0 : index
    %get3A_1 = vector.load %arg0[%get3A, %get3A_0] : memref<2048x1024xf32, #tpu.memory_space<vmem>>, vector<2048x1024xf32>
    %convert_element_type3A = arith.truncf %get3A_1 : vector<2048x1024xf32> to vector<2048x1024xbf16>
    %swap3A = arith.constant 0 : index
    %swap3A_2 = arith.constant 0 : index
    %swap3A_3 = vector.load %arg3[%swap3A, %swap3A_2] : memref<2048x1024xbf16, #tpu.memory_space<vmem>>, vector<2048x1024xbf16>
    tpu.vector_store %arg3[%swap3A, %swap3A_2], %convert_element_type3A {strides = array<i32>} : memref<2048x1024xbf16, #tpu.memory_space<vmem>>, vector<2048x1024xbf16>,
    %get3A_4 = arith.constant 0 : index
    %get3A_5 = arith.constant 0 : index
    %get3A_6 = vector.load %arg1[%get3A_4, %get3A_5] : memref<8x1024xf32, #tpu.memory_space<vmem>>, vector<8x1024xf32>
    %dot_general3A = arith.constant dense<0.000000e+00> : vector<8x2048xf32>
    %dot_general3A_7 = tpu.matmul %get3A_6, %convert_element_type3A, %dot_general3A {dimension_numbers = #tpu.dot_dimension_numbers<[1], [1], [0], [0], [0, 0, 1, 0], [], []>, transpose_lhs_hint = false} : vector<8x1024xf32>, vector<2048x1024xbf16>, vector<8x2048xf32> -> vector<8x2048xf32>
    %swap3A_8 = arith.constant 0 : index
    %swap3A_9 = arith.constant 0 : index
    %swap3A_10 = vector.load %arg2[%swap3A_8, %swap3A_9] : memref<8x2048xf32, #tpu.memory_space<vmem>>, vector<8x2048xf32>
    tpu.vector_store %arg2[%swap3A_8, %swap3A_9], %dot_general3A_7 {strides = array<i32>} : memref<8x2048xf32, #tpu.memory_space<vmem>>, vector<8x2048xf32>,
    return
  }
}

module attributes {stable_mosaic.version = 14 : i64} {
  func.func @_moe_kernel(%arg0: i32, %arg1: memref<2048x1024xbf16, #tpu.memory_space<vmem>>, %arg2: memref<1x2048x1xf32, #tpu.memory_space<vmem>>, %arg3: memref<1x512x1024xf32, #tpu.memory_space<vmem>>, %arg4: memref<1x1024x512xf32, #tpu.memory_space<vmem>>, %arg5: memref<512x1024xf32, #tpu.memory_space<vmem>>, %arg6: memref<1024x512xf32, #tpu.memory_space<vmem>>, %arg7: memref<2048x1024xf32, #tpu.memory_space<vmem>>) attributes {dimension_semantics = [#tpu.dimension_semantics<arbitrary>], iteration_bounds = array<i64: 12>, scalar_prefetch = 0 : i64, scratch_operands = 0 : i64, tpu.core_type = #tpu.core_type<tc>, window_params = [{pipeline_mode = #tpu.pipeline_mode<synchronous>, transform_indices = @transform_0, window_bounds = array<i64: 2048, 1024>}, {transform_indices = @transform_1, window_bounds = array<i64: 1, 2048, 1>}, {transform_indices = @transform_2, window_bounds = array<i64: 1, 512, 1024>}, {transform_indices = @transform_3, window_bounds = array<i64: 1, 1024, 512>}, {transform_indices = @transform_4, window_bounds = array<i64: 512, 1024>}, {transform_indices = @transform_5, window_bounds = array<i64: 1024, 512>}, {pipeline_mode = #tpu.pipeline_mode<synchronous>, transform_indices = @transform_6, window_bounds = array<i64: 2048, 1024>}]} {
    %eq3A = arith.constant 0 : i32
    %eq3A_0 = arith.cmpi eq, %arg0, %eq3A : i32
    %convert_element_type3A = arith.extui %eq3A_0 : i1 to i32
    %cond3A = arith.constant 0 : i32
    %cond3A_1 = arith.cmpi ne, %convert_element_type3A, %cond3A : i32
    scf.if %cond3A_1 {
      %get3A = arith.constant 0 : index
      %get3A_11 = arith.constant 0 : index
      %get3A_12 = vector.load %arg5[%get3A, %get3A_11] : memref<512x1024xf32, #tpu.memory_space<vmem>>, vector<512x1024xf32>
      %get3A_13 = arith.constant 0 : index
      %get3A_14 = arith.constant 0 : index
      %get3A_15 = vector.load %arg6[%get3A_13, %get3A_14] : memref<1024x512xf32, #tpu.memory_space<vmem>>, vector<1024x512xf32>
      %convert_element_type3A_16 = arith.truncf %get3A_12 : vector<512x1024xf32> to vector<512x1024xbf16>
      %convert_element_type3A_17 = arith.truncf %get3A_15 : vector<1024x512xf32> to vector<1024x512xbf16>
      %get3A_18 = arith.constant 0 : index
      %get3A_19 = arith.constant 0 : index
      %get3A_20 = vector.load %arg1[%get3A_18, %get3A_19] : memref<2048x1024xbf16, #tpu.memory_space<vmem>>, vector<512x1024xbf16>
      %dot_general3A = arith.constant dense<0.000000e+00> : vector<512x512xf32>
      %dot_general3A_21 = tpu.matmul %get3A_20, %convert_element_type3A_16, %dot_general3A {dimension_numbers = #tpu.dot_dimension_numbers<[1], [1], [0], [0], [0, 0, 1, 0], [], []>, transpose_lhs_hint = false} : vector<512x1024xbf16>, vector<512x1024xbf16>, vector<512x512xf32> -> vector<512x512xf32>
      %max3A = arith.constant 0.000000e+00 : f32
      %max3A_22 = vector.broadcast %max3A : f32 to vector<512x512xf32>
      %max3A_23 = arith.maximumf %dot_general3A_21, %max3A_22 : vector<512x512xf32>
      %square3A = arith.mulf %max3A_23, %max3A_23 : vector<512x512xf32>
      %convert_element_type3A_24 = arith.truncf %square3A : vector<512x512xf32> to vector<512x512xbf16>
      %dot_general3A_25 = arith.constant dense<0.000000e+00> : vector<512x1024xf32>
      %dot_general3A_26 = tpu.matmul %convert_element_type3A_24, %convert_element_type3A_17, %dot_general3A_25 {dimension_numbers = #tpu.dot_dimension_numbers<[1], [1], [0], [0], [0, 0, 1, 0], [], []>, transpose_lhs_hint = false} : vector<512x512xbf16>, vector<1024x512xbf16>, vector<512x1024xf32> -> vector<512x1024xf32>
      %swap3A = arith.constant 0 : index
      %swap3A_27 = arith.constant 0 : index
      %swap3A_28 = vector.load %arg7[%swap3A, %swap3A_27] : memref<2048x1024xf32, #tpu.memory_space<vmem>>, vector<512x1024xf32>
      tpu.vector_store %arg7[%swap3A, %swap3A_27], %dot_general3A_26 {strides = array<i32>} : memref<2048x1024xf32, #tpu.memory_space<vmem>>, vector<512x1024xf32>,
      %get3A_29 = arith.constant 512 : index
      %get3A_30 = arith.constant 0 : index
      %get3A_31 = vector.load %arg1[%get3A_29, %get3A_30] : memref<2048x1024xbf16, #tpu.memory_space<vmem>>, vector<512x1024xbf16>
      %dot_general3A_32 = arith.constant dense<0.000000e+00> : vector<512x512xf32>
      %dot_general3A_33 = tpu.matmul %get3A_31, %convert_element_type3A_16, %dot_general3A_32 {dimension_numbers = #tpu.dot_dimension_numbers<[1], [1], [0], [0], [0, 0, 1, 0], [], []>, transpose_lhs_hint = false} : vector<512x1024xbf16>, vector<512x1024xbf16>, vector<512x512xf32> -> vector<512x512xf32>
      %max3A_34 = arith.constant 0.000000e+00 : f32
      %max3A_35 = vector.broadcast %max3A_34 : f32 to vector<512x512xf32>
      %max3A_36 = arith.maximumf %dot_general3A_33, %max3A_35 : vector<512x512xf32>
      %square3A_37 = arith.mulf %max3A_36, %max3A_36 : vector<512x512xf32>
      %convert_element_type3A_38 = arith.truncf %square3A_37 : vector<512x512xf32> to vector<512x512xbf16>
      %dot_general3A_39 = arith.constant dense<0.000000e+00> : vector<512x1024xf32>
      %dot_general3A_40 = tpu.matmul %convert_element_type3A_38, %convert_element_type3A_17, %dot_general3A_39 {dimension_numbers = #tpu.dot_dimension_numbers<[1], [1], [0], [0], [0, 0, 1, 0], [], []>, transpose_lhs_hint = false} : vector<512x512xbf16>, vector<1024x512xbf16>, vector<512x1024xf32> -> vector<512x1024xf32>
      %swap3A_41 = arith.constant 512 : index
      %swap3A_42 = arith.constant 0 : index
      %swap3A_43 = vector.load %arg7[%swap3A_41, %swap3A_42] : memref<2048x1024xf32, #tpu.memory_space<vmem>>, vector<512x1024xf32>
      tpu.vector_store %arg7[%swap3A_41, %swap3A_42], %dot_general3A_40 {strides = array<i32>} : memref<2048x1024xf32, #tpu.memory_space<vmem>>, vector<512x1024xf32>,
      %get3A_44 = arith.constant 1024 : index
      %get3A_45 = arith.constant 0 : index
      %get3A_46 = vector.load %arg1[%get3A_44, %get3A_45] : memref<2048x1024xbf16, #tpu.memory_space<vmem>>, vector<512x1024xbf16>
      %dot_general3A_47 = arith.constant dense<0.000000e+00> : vector<512x512xf32>
      %dot_general3A_48 = tpu.matmul %get3A_46, %convert_element_type3A_16, %dot_general3A_47 {dimension_numbers = #tpu.dot_dimension_numbers<[1], [1], [0], [0], [0, 0, 1, 0], [], []>, transpose_lhs_hint = false} : vector<512x1024xbf16>, vector<512x1024xbf16>, vector<512x512xf32> -> vector<512x512xf32>
      %max3A_49 = arith.constant 0.000000e+00 : f32
      %max3A_50 = vector.broadcast %max3A_49 : f32 to vector<512x512xf32>
      %max3A_51 = arith.maximumf %dot_general3A_48, %max3A_50 : vector<512x512xf32>
      %square3A_52 = arith.mulf %max3A_51, %max3A_51 : vector<512x512xf32>
      %convert_element_type3A_53 = arith.truncf %square3A_52 : vector<512x512xf32> to vector<512x512xbf16>
      %dot_general3A_54 = arith.constant dense<0.000000e+00> : vector<512x1024xf32>
      %dot_general3A_55 = tpu.matmul %convert_element_type3A_53, %convert_element_type3A_17, %dot_general3A_54 {dimension_numbers = #tpu.dot_dimension_numbers<[1], [1], [0], [0], [0, 0, 1, 0], [], []>, transpose_lhs_hint = false} : vector<512x512xbf16>, vector<1024x512xbf16>, vector<512x1024xf32> -> vector<512x1024xf32>
      %swap3A_56 = arith.constant 1024 : index
      %swap3A_57 = arith.constant 0 : index
      %swap3A_58 = vector.load %arg7[%swap3A_56, %swap3A_57] : memref<2048x1024xf32, #tpu.memory_space<vmem>>, vector<512x1024xf32>
      tpu.vector_store %arg7[%swap3A_56, %swap3A_57], %dot_general3A_55 {strides = array<i32>} : memref<2048x1024xf32, #tpu.memory_space<vmem>>, vector<512x1024xf32>,
      %get3A_59 = arith.constant 1536 : index
      %get3A_60 = arith.constant 0 : index
      %get3A_61 = vector.load %arg1[%get3A_59, %get3A_60] : memref<2048x1024xbf16, #tpu.memory_space<vmem>>, vector<512x1024xbf16>
      %dot_general3A_62 = arith.constant dense<0.000000e+00> : vector<512x512xf32>
      %dot_general3A_63 = tpu.matmul %get3A_61, %convert_element_type3A_16, %dot_general3A_62 {dimension_numbers = #tpu.dot_dimension_numbers<[1], [1], [0], [0], [0, 0, 1, 0], [], []>, transpose_lhs_hint = false} : vector<512x1024xbf16>, vector<512x1024xbf16>, vector<512x512xf32> -> vector<512x512xf32>
      %max3A_64 = arith.constant 0.000000e+00 : f32
      %max3A_65 = vector.broadcast %max3A_64 : f32 to vector<512x512xf32>
      %max3A_66 = arith.maximumf %dot_general3A_63, %max3A_65 : vector<512x512xf32>
      %square3A_67 = arith.mulf %max3A_66, %max3A_66 : vector<512x512xf32>
      %convert_element_type3A_68 = arith.truncf %square3A_67 : vector<512x512xf32> to vector<512x512xbf16>
      %dot_general3A_69 = arith.constant dense<0.000000e+00> : vector<512x1024xf32>
      %dot_general3A_70 = tpu.matmul %convert_element_type3A_68, %convert_element_type3A_17, %dot_general3A_69 {dimension_numbers = #tpu.dot_dimension_numbers<[1], [1], [0], [0], [0, 0, 1, 0], [], []>, transpose_lhs_hint = false} : vector<512x512xbf16>, vector<1024x512xbf16>, vector<512x1024xf32> -> vector<512x1024xf32>
      %swap3A_71 = arith.constant 1536 : index
      %swap3A_72 = arith.constant 0 : index
      %swap3A_73 = vector.load %arg7[%swap3A_71, %swap3A_72] : memref<2048x1024xf32, #tpu.memory_space<vmem>>, vector<512x1024xf32>
      tpu.vector_store %arg7[%swap3A_71, %swap3A_72], %dot_general3A_70 {strides = array<i32>} : memref<2048x1024xf32, #tpu.memory_space<vmem>>, vector<512x1024xf32>,
    } else {
    }
    %gt3A = arith.constant 0 : i32
    %gt3A_2 = arith.cmpi sgt, %arg0, %gt3A : i32
    %lt3A = arith.constant 4 : i32
    %lt3A_3 = arith.cmpi slt, %arg0, %lt3A : i32
    %and3A = arith.andi %gt3A_2, %lt3A_3 : i1
    %convert_element_type3A_4 = arith.extui %and3A : i1 to i32
    %cond3A_5 = arith.constant 0 : i32
    %cond3A_6 = arith.cmpi ne, %convert_element_type3A_4, %cond3A_5 : i32
    scf.if %cond3A_6 {
      %get3A = arith.constant 0 : index
      %get3A_11 = arith.constant 0 : index
      %get3A_12 = vector.load %arg5[%get3A, %get3A_11] : memref<512x1024xf32, #tpu.memory_space<vmem>>, vector<512x1024xf32>
      %get3A_13 = arith.constant 0 : index
      %get3A_14 = arith.constant 0 : index
      %get3A_15 = vector.load %arg6[%get3A_13, %get3A_14] : memref<1024x512xf32, #tpu.memory_space<vmem>>, vector<1024x512xf32>
      %convert_element_type3A_16 = arith.truncf %get3A_12 : vector<512x1024xf32> to vector<512x1024xbf16>
      %convert_element_type3A_17 = arith.truncf %get3A_15 : vector<1024x512xf32> to vector<1024x512xbf16>
      %get3A_18 = arith.constant 0 : index
      %get3A_19 = arith.constant 0 : index
      %get3A_20 = vector.load %arg1[%get3A_18, %get3A_19] : memref<2048x1024xbf16, #tpu.memory_space<vmem>>, vector<512x1024xbf16>
      %dot_general3A = arith.constant dense<0.000000e+00> : vector<512x512xf32>
      %dot_general3A_21 = tpu.matmul %get3A_20, %convert_element_type3A_16, %dot_general3A {dimension_numbers = #tpu.dot_dimension_numbers<[1], [1], [0], [0], [0, 0, 1, 0], [], []>, transpose_lhs_hint = false} : vector<512x1024xbf16>, vector<512x1024xbf16>, vector<512x512xf32> -> vector<512x512xf32>
      %max3A = arith.constant 0.000000e+00 : f32
      %max3A_22 = vector.broadcast %max3A : f32 to vector<512x512xf32>
      %max3A_23 = arith.maximumf %dot_general3A_21, %max3A_22 : vector<512x512xf32>
      %square3A = arith.mulf %max3A_23, %max3A_23 : vector<512x512xf32>
      %convert_element_type3A_24 = arith.truncf %square3A : vector<512x512xf32> to vector<512x512xbf16>
      %dot_general3A_25 = arith.constant dense<0.000000e+00> : vector<512x1024xf32>
      %dot_general3A_26 = tpu.matmul %convert_element_type3A_24, %convert_element_type3A_17, %dot_general3A_25 {dimension_numbers = #tpu.dot_dimension_numbers<[1], [1], [0], [0], [0, 0, 1, 0], [], []>, transpose_lhs_hint = false} : vector<512x512xbf16>, vector<1024x512xbf16>, vector<512x1024xf32> -> vector<512x1024xf32>
      %get3A_27 = arith.constant 0 : index
      %get3A_28 = arith.constant 0 : index
      %get3A_29 = vector.load %arg7[%get3A_27, %get3A_28] : memref<2048x1024xf32, #tpu.memory_space<vmem>>, vector<512x1024xf32>
      %add3A = arith.addf %get3A_29, %dot_general3A_26 : vector<512x1024xf32>
      %swap3A = arith.constant 0 : index
      %swap3A_30 = arith.constant 0 : index
      %swap3A_31 = vector.load %arg7[%swap3A, %swap3A_30] : memref<2048x1024xf32, #tpu.memory_space<vmem>>, vector<512x1024xf32>
      tpu.vector_store %arg7[%swap3A, %swap3A_30], %add3A {strides = array<i32>} : memref<2048x1024xf32, #tpu.memory_space<vmem>>, vector<512x1024xf32>,
      %get3A_32 = arith.constant 512 : index
      %get3A_33 = arith.constant 0 : index
      %get3A_34 = vector.load %arg1[%get3A_32, %get3A_33] : memref<2048x1024xbf16, #tpu.memory_space<vmem>>, vector<512x1024xbf16>
      %dot_general3A_35 = arith.constant dense<0.000000e+00> : vector<512x512xf32>
      %dot_general3A_36 = tpu.matmul %get3A_34, %convert_element_type3A_16, %dot_general3A_35 {dimension_numbers = #tpu.dot_dimension_numbers<[1], [1], [0], [0], [0, 0, 1, 0], [], []>, transpose_lhs_hint = false} : vector<512x1024xbf16>, vector<512x1024xbf16>, vector<512x512xf32> -> vector<512x512xf32>
      %max3A_37 = arith.constant 0.000000e+00 : f32
      %max3A_38 = vector.broadcast %max3A_37 : f32 to vector<512x512xf32>
      %max3A_39 = arith.maximumf %dot_general3A_36, %max3A_38 : vector<512x512xf32>
      %square3A_40 = arith.mulf %max3A_39, %max3A_39 : vector<512x512xf32>
      %convert_element_type3A_41 = arith.truncf %square3A_40 : vector<512x512xf32> to vector<512x512xbf16>
      %dot_general3A_42 = arith.constant dense<0.000000e+00> : vector<512x1024xf32>
      %dot_general3A_43 = tpu.matmul %convert_element_type3A_41, %convert_element_type3A_17, %dot_general3A_42 {dimension_numbers = #tpu.dot_dimension_numbers<[1], [1], [0], [0], [0, 0, 1, 0], [], []>, transpose_lhs_hint = false} : vector<512x512xbf16>, vector<1024x512xbf16>, vector<512x1024xf32> -> vector<512x1024xf32>
      %get3A_44 = arith.constant 512 : index
      %get3A_45 = arith.constant 0 : index
      %get3A_46 = vector.load %arg7[%get3A_44, %get3A_45] : memref<2048x1024xf32, #tpu.memory_space<vmem>>, vector<512x1024xf32>
      %add3A_47 = arith.addf %get3A_46, %dot_general3A_43 : vector<512x1024xf32>
      %swap3A_48 = arith.constant 512 : index
      %swap3A_49 = arith.constant 0 : index
      %swap3A_50 = vector.load %arg7[%swap3A_48, %swap3A_49] : memref<2048x1024xf32, #tpu.memory_space<vmem>>, vector<512x1024xf32>
      tpu.vector_store %arg7[%swap3A_48, %swap3A_49], %add3A_47 {strides = array<i32>} : memref<2048x1024xf32, #tpu.memory_space<vmem>>, vector<512x1024xf32>,
      %get3A_51 = arith.constant 1024 : index
      %get3A_52 = arith.constant 0 : index
      %get3A_53 = vector.load %arg1[%get3A_51, %get3A_52] : memref<2048x1024xbf16, #tpu.memory_space<vmem>>, vector<512x1024xbf16>
      %dot_general3A_54 = arith.constant dense<0.000000e+00> : vector<512x512xf32>
      %dot_general3A_55 = tpu.matmul %get3A_53, %convert_element_type3A_16, %dot_general3A_54 {dimension_numbers = #tpu.dot_dimension_numbers<[1], [1], [0], [0], [0, 0, 1, 0], [], []>, transpose_lhs_hint = false} : vector<512x1024xbf16>, vector<512x1024xbf16>, vector<512x512xf32> -> vector<512x512xf32>
      %max3A_56 = arith.constant 0.000000e+00 : f32
      %max3A_57 = vector.broadcast %max3A_56 : f32 to vector<512x512xf32>
      %max3A_58 = arith.maximumf %dot_general3A_55, %max3A_57 : vector<512x512xf32>
      %square3A_59 = arith.mulf %max3A_58, %max3A_58 : vector<512x512xf32>
      %convert_element_type3A_60 = arith.truncf %square3A_59 : vector<512x512xf32> to vector<512x512xbf16>
      %dot_general3A_61 = arith.constant dense<0.000000e+00> : vector<512x1024xf32>
      %dot_general3A_62 = tpu.matmul %convert_element_type3A_60, %convert_element_type3A_17, %dot_general3A_61 {dimension_numbers = #tpu.dot_dimension_numbers<[1], [1], [0], [0], [0, 0, 1, 0], [], []>, transpose_lhs_hint = false} : vector<512x512xbf16>, vector<1024x512xbf16>, vector<512x1024xf32> -> vector<512x1024xf32>
      %get3A_63 = arith.constant 1024 : index
      %get3A_64 = arith.constant 0 : index
      %get3A_65 = vector.load %arg7[%get3A_63, %get3A_64] : memref<2048x1024xf32, #tpu.memory_space<vmem>>, vector<512x1024xf32>
      %add3A_66 = arith.addf %get3A_65, %dot_general3A_62 : vector<512x1024xf32>
      %swap3A_67 = arith.constant 1024 : index
      %swap3A_68 = arith.constant 0 : index
      %swap3A_69 = vector.load %arg7[%swap3A_67, %swap3A_68] : memref<2048x1024xf32, #tpu.memory_space<vmem>>, vector<512x1024xf32>
      tpu.vector_store %arg7[%swap3A_67, %swap3A_68], %add3A_66 {strides = array<i32>} : memref<2048x1024xf32, #tpu.memory_space<vmem>>, vector<512x1024xf32>,
      %get3A_70 = arith.constant 1536 : index
      %get3A_71 = arith.constant 0 : index
      %get3A_72 = vector.load %arg1[%get3A_70, %get3A_71] : memref<2048x1024xbf16, #tpu.memory_space<vmem>>, vector<512x1024xbf16>
      %dot_general3A_73 = arith.constant dense<0.000000e+00> : vector<512x512xf32>
      %dot_general3A_74 = tpu.matmul %get3A_72, %convert_element_type3A_16, %dot_general3A_73 {dimension_numbers = #tpu.dot_dimension_numbers<[1], [1], [0], [0], [0, 0, 1, 0], [], []>, transpose_lhs_hint = false} : vector<512x1024xbf16>, vector<512x1024xbf16>, vector<512x512xf32> -> vector<512x512xf32>
      %max3A_75 = arith.constant 0.000000e+00 : f32
      %max3A_76 = vector.broadcast %max3A_75 : f32 to vector<512x512xf32>
      %max3A_77 = arith.maximumf %dot_general3A_74, %max3A_76 : vector<512x512xf32>
      %square3A_78 = arith.mulf %max3A_77, %max3A_77 : vector<512x512xf32>
      %convert_element_type3A_79 = arith.truncf %square3A_78 : vector<512x512xf32> to vector<512x512xbf16>
      %dot_general3A_80 = arith.constant dense<0.000000e+00> : vector<512x1024xf32>
      %dot_general3A_81 = tpu.matmul %convert_element_type3A_79, %convert_element_type3A_17, %dot_general3A_80 {dimension_numbers = #tpu.dot_dimension_numbers<[1], [1], [0], [0], [0, 0, 1, 0], [], []>, transpose_lhs_hint = false} : vector<512x512xbf16>, vector<1024x512xbf16>, vector<512x1024xf32> -> vector<512x1024xf32>
      %get3A_82 = arith.constant 1536 : index
      %get3A_83 = arith.constant 0 : index
      %get3A_84 = vector.load %arg7[%get3A_82, %get3A_83] : memref<2048x1024xf32, #tpu.memory_space<vmem>>, vector<512x1024xf32>
      %add3A_85 = arith.addf %get3A_84, %dot_general3A_81 : vector<512x1024xf32>
      %swap3A_86 = arith.constant 1536 : index
      %swap3A_87 = arith.constant 0 : index
      %swap3A_88 = vector.load %arg7[%swap3A_86, %swap3A_87] : memref<2048x1024xf32, #tpu.memory_space<vmem>>, vector<512x1024xf32>
      tpu.vector_store %arg7[%swap3A_86, %swap3A_87], %add3A_85 {strides = array<i32>} : memref<2048x1024xf32, #tpu.memory_space<vmem>>, vector<512x1024xf32>,
    } else {
    }
    %ge3A = arith.constant 4 : i32
    %ge3A_7 = arith.cmpi sge, %arg0, %ge3A : i32
    %convert_element_type3A_8 = arith.extui %ge3A_7 : i1 to i32
    %cond3A_9 = arith.constant 0 : i32
    %cond3A_10 = arith.cmpi ne, %convert_element_type3A_8, %cond3A_9 : i32
    scf.if %cond3A_10 {
      %get3A = arith.constant 0 : index
      %get3A_11 = arith.constant 0 : index
      %get3A_12 = arith.constant 0 : index
      %get3A_13 = vector.load %arg3[%get3A, %get3A_11, %get3A_12] : memref<1x512x1024xf32, #tpu.memory_space<vmem>>, vector<1x512x1024xf32>
      %get3A_14 = vector.shape_cast %get3A_13 : vector<1x512x1024xf32> to vector<512x1024xf32>
      %get3A_15 = arith.constant 0 : index
      %get3A_16 = arith.constant 0 : index
      %get3A_17 = arith.constant 0 : index
      %get3A_18 = vector.load %arg4[%get3A_15, %get3A_16, %get3A_17] : memref<1x1024x512xf32, #tpu.memory_space<vmem>>, vector<1x1024x512xf32>
      %get3A_19 = vector.shape_cast %get3A_18 : vector<1x1024x512xf32> to vector<1024x512xf32>
      %convert_element_type3A_20 = arith.truncf %get3A_14 : vector<512x1024xf32> to vector<512x1024xbf16>
      %convert_element_type3A_21 = arith.truncf %get3A_19 : vector<1024x512xf32> to vector<1024x512xbf16>
      %get3A_22 = arith.constant 0 : index
      %get3A_23 = arith.constant 0 : index
      %get3A_24 = vector.load %arg1[%get3A_22, %get3A_23] : memref<2048x1024xbf16, #tpu.memory_space<vmem>>, vector<512x1024xbf16>
      %dot_general3A = arith.constant dense<0.000000e+00> : vector<512x512xf32>
      %dot_general3A_25 = tpu.matmul %get3A_24, %convert_element_type3A_20, %dot_general3A {dimension_numbers = #tpu.dot_dimension_numbers<[1], [1], [0], [0], [0, 0, 1, 0], [], []>, transpose_lhs_hint = false} : vector<512x1024xbf16>, vector<512x1024xbf16>, vector<512x512xf32> -> vector<512x512xf32>
      %max3A = arith.constant 0.000000e+00 : f32
      %max3A_26 = vector.broadcast %max3A : f32 to vector<512x512xf32>
      %max3A_27 = arith.maximumf %dot_general3A_25, %max3A_26 : vector<512x512xf32>
      %square3A = arith.mulf %max3A_27, %max3A_27 : vector<512x512xf32>
      %convert_element_type3A_28 = arith.truncf %square3A : vector<512x512xf32> to vector<512x512xbf16>
      %dot_general3A_29 = arith.constant dense<0.000000e+00> : vector<512x1024xf32>
      %dot_general3A_30 = tpu.matmul %convert_element_type3A_28, %convert_element_type3A_21, %dot_general3A_29 {dimension_numbers = #tpu.dot_dimension_numbers<[1], [1], [0], [0], [0, 0, 1, 0], [], []>, transpose_lhs_hint = false} : vector<512x512xbf16>, vector<1024x512xbf16>, vector<512x1024xf32> -> vector<512x1024xf32>
      %get3A_31 = arith.constant 0 : index
      %get3A_32 = arith.constant 0 : index
      %get3A_33 = arith.constant 0 : index
      %get3A_34 = vector.load %arg2[%get3A_31, %get3A_32, %get3A_33] : memref<1x2048x1xf32, #tpu.memory_space<vmem>>, vector<1x512x1xf32>
      %get3A_35 = vector.shape_cast %get3A_34 : vector<1x512x1xf32> to vector<512x1xf32>
      %mul3A = vector.broadcast %get3A_35 : vector<512x1xf32> to vector<512x1024xf32>
      %mul3A_36 = arith.mulf %mul3A, %dot_general3A_30 : vector<512x1024xf32>
      %get3A_37 = arith.constant 0 : index
      %get3A_38 = arith.constant 0 : index
      %get3A_39 = vector.load %arg7[%get3A_37, %get3A_38] : memref<2048x1024xf32, #tpu.memory_space<vmem>>, vector<512x1024xf32>
      %add3A = arith.addf %get3A_39, %mul3A_36 : vector<512x1024xf32>
      %swap3A = arith.constant 0 : index
      %swap3A_40 = arith.constant 0 : index
      %swap3A_41 = vector.load %arg7[%swap3A, %swap3A_40] : memref<2048x1024xf32, #tpu.memory_space<vmem>>, vector<512x1024xf32>
      tpu.vector_store %arg7[%swap3A, %swap3A_40], %add3A {strides = array<i32>} : memref<2048x1024xf32, #tpu.memory_space<vmem>>, vector<512x1024xf32>,
      %get3A_42 = arith.constant 512 : index
      %get3A_43 = arith.constant 0 : index
      %get3A_44 = vector.load %arg1[%get3A_42, %get3A_43] : memref<2048x1024xbf16, #tpu.memory_space<vmem>>, vector<512x1024xbf16>
      %dot_general3A_45 = arith.constant dense<0.000000e+00> : vector<512x512xf32>
      %dot_general3A_46 = tpu.matmul %get3A_44, %convert_element_type3A_20, %dot_general3A_45 {dimension_numbers = #tpu.dot_dimension_numbers<[1], [1], [0], [0], [0, 0, 1, 0], [], []>, transpose_lhs_hint = false} : vector<512x1024xbf16>, vector<512x1024xbf16>, vector<512x512xf32> -> vector<512x512xf32>
      %max3A_47 = arith.constant 0.000000e+00 : f32
      %max3A_48 = vector.broadcast %max3A_47 : f32 to vector<512x512xf32>
      %max3A_49 = arith.maximumf %dot_general3A_46, %max3A_48 : vector<512x512xf32>
      %square3A_50 = arith.mulf %max3A_49, %max3A_49 : vector<512x512xf32>
      %convert_element_type3A_51 = arith.truncf %square3A_50 : vector<512x512xf32> to vector<512x512xbf16>
      %dot_general3A_52 = arith.constant dense<0.000000e+00> : vector<512x1024xf32>
      %dot_general3A_53 = tpu.matmul %convert_element_type3A_51, %convert_element_type3A_21, %dot_general3A_52 {dimension_numbers = #tpu.dot_dimension_numbers<[1], [1], [0], [0], [0, 0, 1, 0], [], []>, transpose_lhs_hint = false} : vector<512x512xbf16>, vector<1024x512xbf16>, vector<512x1024xf32> -> vector<512x1024xf32>
      %get3A_54 = arith.constant 0 : index
      %get3A_55 = arith.constant 512 : index
      %get3A_56 = arith.constant 0 : index
      %get3A_57 = vector.load %arg2[%get3A_54, %get3A_55, %get3A_56] : memref<1x2048x1xf32, #tpu.memory_space<vmem>>, vector<1x512x1xf32>
      %get3A_58 = vector.shape_cast %get3A_57 : vector<1x512x1xf32> to vector<512x1xf32>
      %mul3A_59 = vector.broadcast %get3A_58 : vector<512x1xf32> to vector<512x1024xf32>
      %mul3A_60 = arith.mulf %mul3A_59, %dot_general3A_53 : vector<512x1024xf32>
      %get3A_61 = arith.constant 512 : index
      %get3A_62 = arith.constant 0 : index
      %get3A_63 = vector.load %arg7[%get3A_61, %get3A_62] : memref<2048x1024xf32, #tpu.memory_space<vmem>>, vector<512x1024xf32>
      %add3A_64 = arith.addf %get3A_63, %mul3A_60 : vector<512x1024xf32>
      %swap3A_65 = arith.constant 512 : index
      %swap3A_66 = arith.constant 0 : index
      %swap3A_67 = vector.load %arg7[%swap3A_65, %swap3A_66] : memref<2048x1024xf32, #tpu.memory_space<vmem>>, vector<512x1024xf32>
      tpu.vector_store %arg7[%swap3A_65, %swap3A_66], %add3A_64 {strides = array<i32>} : memref<2048x1024xf32, #tpu.memory_space<vmem>>, vector<512x1024xf32>,
      %get3A_68 = arith.constant 1024 : index
      %get3A_69 = arith.constant 0 : index
      %get3A_70 = vector.load %arg1[%get3A_68, %get3A_69] : memref<2048x1024xbf16, #tpu.memory_space<vmem>>, vector<512x1024xbf16>
      %dot_general3A_71 = arith.constant dense<0.000000e+00> : vector<512x512xf32>
      %dot_general3A_72 = tpu.matmul %get3A_70, %convert_element_type3A_20, %dot_general3A_71 {dimension_numbers = #tpu.dot_dimension_numbers<[1], [1], [0], [0], [0, 0, 1, 0], [], []>, transpose_lhs_hint = false} : vector<512x1024xbf16>, vector<512x1024xbf16>, vector<512x512xf32> -> vector<512x512xf32>
      %max3A_73 = arith.constant 0.000000e+00 : f32
      %max3A_74 = vector.broadcast %max3A_73 : f32 to vector<512x512xf32>
      %max3A_75 = arith.maximumf %dot_general3A_72, %max3A_74 : vector<512x512xf32>
      %square3A_76 = arith.mulf %max3A_75, %max3A_75 : vector<512x512xf32>
      %convert_element_type3A_77 = arith.truncf %square3A_76 : vector<512x512xf32> to vector<512x512xbf16>
      %dot_general3A_78 = arith.constant dense<0.000000e+00> : vector<512x1024xf32>
      %dot_general3A_79 = tpu.matmul %convert_element_type3A_77, %convert_element_type3A_21, %dot_general3A_78 {dimension_numbers = #tpu.dot_dimension_numbers<[1], [1], [0], [0], [0, 0, 1, 0], [], []>, transpose_lhs_hint = false} : vector<512x512xbf16>, vector<1024x512xbf16>, vector<512x1024xf32> -> vector<512x1024xf32>
      %get3A_80 = arith.constant 0 : index
      %get3A_81 = arith.constant 1024 : index
      %get3A_82 = arith.constant 0 : index
      %get3A_83 = vector.load %arg2[%get3A_80, %get3A_81, %get3A_82] : memref<1x2048x1xf32, #tpu.memory_space<vmem>>, vector<1x512x1xf32>
      %get3A_84 = vector.shape_cast %get3A_83 : vector<1x512x1xf32> to vector<512x1xf32>
      %mul3A_85 = vector.broadcast %get3A_84 : vector<512x1xf32> to vector<512x1024xf32>
      %mul3A_86 = arith.mulf %mul3A_85, %dot_general3A_79 : vector<512x1024xf32>
      %get3A_87 = arith.constant 1024 : index
      %get3A_88 = arith.constant 0 : index
      %get3A_89 = vector.load %arg7[%get3A_87, %get3A_88] : memref<2048x1024xf32, #tpu.memory_space<vmem>>, vector<512x1024xf32>
      %add3A_90 = arith.addf %get3A_89, %mul3A_86 : vector<512x1024xf32>
      %swap3A_91 = arith.constant 1024 : index
      %swap3A_92 = arith.constant 0 : index
      %swap3A_93 = vector.load %arg7[%swap3A_91, %swap3A_92] : memref<2048x1024xf32, #tpu.memory_space<vmem>>, vector<512x1024xf32>
      tpu.vector_store %arg7[%swap3A_91, %swap3A_92], %add3A_90 {strides = array<i32>} : memref<2048x1024xf32, #tpu.memory_space<vmem>>, vector<512x1024xf32>,
      %get3A_94 = arith.constant 1536 : index
      %get3A_95 = arith.constant 0 : index
      %get3A_96 = vector.load %arg1[%get3A_94, %get3A_95] : memref<2048x1024xbf16, #tpu.memory_space<vmem>>, vector<512x1024xbf16>
      %dot_general3A_97 = arith.constant dense<0.000000e+00> : vector<512x512xf32>
      %dot_general3A_98 = tpu.matmul %get3A_96, %convert_element_type3A_20, %dot_general3A_97 {dimension_numbers = #tpu.dot_dimension_numbers<[1], [1], [0], [0], [0, 0, 1, 0], [], []>, transpose_lhs_hint = false} : vector<512x1024xbf16>, vector<512x1024xbf16>, vector<512x512xf32> -> vector<512x512xf32>
      %max3A_99 = arith.constant 0.000000e+00 : f32
      %max3A_100 = vector.broadcast %max3A_99 : f32 to vector<512x512xf32>
      %max3A_101 = arith.maximumf %dot_general3A_98, %max3A_100 : vector<512x512xf32>
      %square3A_102 = arith.mulf %max3A_101, %max3A_101 : vector<512x512xf32>
      %convert_element_type3A_103 = arith.truncf %square3A_102 : vector<512x512xf32> to vector<512x512xbf16>
      %dot_general3A_104 = arith.constant dense<0.000000e+00> : vector<512x1024xf32>
      %dot_general3A_105 = tpu.matmul %convert_element_type3A_103, %convert_element_type3A_21, %dot_general3A_104 {dimension_numbers = #tpu.dot_dimension_numbers<[1], [1], [0], [0], [0, 0, 1, 0], [], []>, transpose_lhs_hint = false} : vector<512x512xbf16>, vector<1024x512xbf16>, vector<512x1024xf32> -> vector<512x1024xf32>
      %get3A_106 = arith.constant 0 : index
      %get3A_107 = arith.constant 1536 : index
      %get3A_108 = arith.constant 0 : index
      %get3A_109 = vector.load %arg2[%get3A_106, %get3A_107, %get3A_108] : memref<1x2048x1xf32, #tpu.memory_space<vmem>>, vector<1x512x1xf32>
      %get3A_110 = vector.shape_cast %get3A_109 : vector<1x512x1xf32> to vector<512x1xf32>
      %mul3A_111 = vector.broadcast %get3A_110 : vector<512x1xf32> to vector<512x1024xf32>
      %mul3A_112 = arith.mulf %mul3A_111, %dot_general3A_105 : vector<512x1024xf32>
      %get3A_113 = arith.constant 1536 : index
      %get3A_114 = arith.constant 0 : index
      %get3A_115 = vector.load %arg7[%get3A_113, %get3A_114] : memref<2048x1024xf32, #tpu.memory_space<vmem>>, vector<512x1024xf32>
      %add3A_116 = arith.addf %get3A_115, %mul3A_112 : vector<512x1024xf32>
      %swap3A_117 = arith.constant 1536 : index
      %swap3A_118 = arith.constant 0 : index
      %swap3A_119 = vector.load %arg7[%swap3A_117, %swap3A_118] : memref<2048x1024xf32, #tpu.memory_space<vmem>>, vector<512x1024xf32>
      tpu.vector_store %arg7[%swap3A_117, %swap3A_118], %add3A_116 {strides = array<i32>} : memref<2048x1024xf32, #tpu.memory_space<vmem>>, vector<512x1024xf32>,
    } else {
    }
    return
  }
  func.func @transform_0(%arg0: i32) -> (i32, i32) {
    %c0_i32 = arith.constant 0 : i32
    %c0_i32_0 = arith.constant 0 : i32
    %c0_i32_1 = arith.constant 0 : i32
    return %c0_i32, %c0_i32_0 : i32, i32
  }
  func.func @transform_1(%arg0: i32) -> (i32, i32, i32) {
    %c0_i32 = arith.constant 0 : i32
    %c0_i32_0 = arith.constant 0 : i32
    %c0_i32_1 = arith.constant 0 : i32
    return %arg0, %c0_i32, %c0_i32_0 : i32, i32, i32
  }
  func.func @transform_2(%arg0: i32) -> (i32, i32, i32) {
    %sub3A = arith.constant 4 : i32
    %sub3A_0 = arith.subi %arg0, %sub3A : i32
    %max3A = arith.constant 0 : i32
    %max3A_1 = arith.maxsi %sub3A_0, %max3A : i32
    %c0_i32 = arith.constant 0 : i32
    %c0_i32_2 = arith.constant 0 : i32
    %c0_i32_3 = arith.constant 0 : i32
    return %max3A_1, %c0_i32, %c0_i32_2 : i32, i32, i32
  }
  func.func @transform_3(%arg0: i32) -> (i32, i32, i32) {
    %sub3A = arith.constant 4 : i32
    %sub3A_0 = arith.subi %arg0, %sub3A : i32
    %max3A = arith.constant 0 : i32
    %max3A_1 = arith.maxsi %sub3A_0, %max3A : i32
    %c0_i32 = arith.constant 0 : i32
    %c0_i32_2 = arith.constant 0 : i32
    %c0_i32_3 = arith.constant 0 : i32
    return %max3A_1, %c0_i32, %c0_i32_2 : i32, i32, i32
  }
  func.func @transform_4(%arg0: i32) -> (i32, i32) {
    %min3A = arith.constant 3 : i32
    %min3A_0 = arith.minsi %arg0, %min3A : i32
    %c0_i32 = arith.constant 0 : i32
    %c0_i32_1 = arith.constant 0 : i32
    return %min3A_0, %c0_i32 : i32, i32
  }
  func.func @transform_5(%arg0: i32) -> (i32, i32) {
    %min3A = arith.constant 3 : i32
    %min3A_0 = arith.minsi %arg0, %min3A : i32
    %c0_i32 = arith.constant 0 : i32
    %c0_i32_1 = arith.constant 0 : i32
    return %c0_i32, %min3A_0 : i32, i32
  }
  func.func @transform_6(%arg0: i32) -> (i32, i32) {
    %c0_i32 = arith.constant 0 : i32
    %c0_i32_0 = arith.constant 0 : i32
    %c0_i32_1 = arith.constant 0 : i32
    return %c0_i32, %c0_i32_0 : i32, i32
  }
}

</mosaic_0001>

<sc_bundles>
// kernel: kernel.5.cloned.1.call-start
scs
__scs_entry_jumppad:
0x0: {  	(pc) =	sbr.rel $0x88, $3  }
0x1: {  	(tag) =	ssettag $0x0;
	lr =	simm.s32 $0x1  }
0x2: {  	[smem:$0x3F9A] =	sst lr;
	_ =	strace $0xD0000000  }
0x3: {  	_ = 	snop  }
0x4: {  	_ = 	snop  }
0x5: {  	_ = 	snop  }
0x6: {  	_ = 	snop  }
0x7: {  	_ = 	snop  }
__scs_overlays_trampoline_lowered:
0x8: {  	[smem:$0x3FA9] =	sst s0  }
0x9: {  	[smem:$0x3FAA] =	sst s1  }
0xa: {  	[smem:$0x3FAB] =	sst s2  }
0xb: {  	[smem:$0x3FAC] =	sst s3  }
0xc: {  	[smem:$0x3FAD] =	sst s4  }
0xd: {  	[smem:$0x3FAE] =	sst s5  }
0xe: {  	[smem:$0x3FAF] =	sst s6  }
0xf: {  	[smem:$0x3FB0] =	sst s7  }
0x10: {  	[smem:$0x3FB1] =	sst s8  }
0x11: {  	[smem:$0x3FB2] =	sst s9;
	s0 =	simm.s32 @!p0 $0x0  }
0x12: {  	s1 =	sld [smem:$0x3F98];
	s0 =	simm.s32 @p0 $0x1  }
0x13: {  	[smem:$0x3FB3] =	sst s0;
	s0 =	simm.s32 @!p1 $0x0  }
0x14: {  	s2 =	sld [smem:$0x3F97];
	s0 =	simm.s32 @p1 $0x1  }
0x15: {  	[smem:$0x3FB4] =	sst s0;
	s0 =	simm.s32 @!p2 $0x0  }
0x16: {  	s3 =	sld [smem:$0x3FDB];
	s0 =	simm.s32 @p2 $0x1  }
0x17: {  	s4 =	simm.s32 $0x1BF5;
	[smem:$0x3FB6] =	sst s0  }
0x18: {  	s0 =	sld [smem:$0x3F99];
	_ =	swait.ge [sflag:s4], $0x0  }
0x19: {  	s7 =	sld [smem:$0x3F9A]  }
0x1a: {  	s8 =	sadd.s32 $0xFFFFE003, lr  }
0x1b: {  	s9 =	sadd.s32 $0xFFFFFEF7, lr;
	s5 =	simm.s32 $0xFFFFFFFF;
	p2 =	slt.u32 s8, $0xFFFFF086  }
0x1c: {  	p1 =	slt.u32 s9, $0xF7A;
	s5 =	simm.s32 @!p2 $0x0  }
0x1d: {  	s5 =	simm.s32 @p1 $0x1;
	p0 =	seq.s32 s7, s2  }
0x1e: {  	s7 =	smul.u32 @!p0 $0xF7A, s2;
	p2 =	seq.s32 @!p0 s5, $0x0  }
0x1f: {  	s9 =	smul.u32 $0xF7A, s1;
	s8 =	simm.s32 @!p0 $0x1BF5;
	p2 =	por !p2, p0  }
0x20: {  	[sflag:s8] =	ssyncset.s32 @!p0 $0xFFFFF086;
	s6 =	sadd.s32 @!p0 s3, s7;
	s7 =	simm.s32 @!p0 $0x108  }
0x21: {  	s3 =	sadd.s32 s3, s9;
	s6 =	sadd.s32 @!p0 $0x88, s6;
	s7 =	simm.s32 @p2 $0x1082  }
0x22: {  	[simem:s7], [sflag:s8] =	dma.local @!p0 [hbm:s6], $0xF7A  }
0x23: {  	s9 =	sor.u32 $0xD0000000, s2;
	s6 =	simm.s32 $0x108;
	_ =	swait.ge @!p0 [sflag:s8], $0x0  }
0x24: {  	s3 =	sadd.s32 $0x88, s3;
	s6 =	simm.s32 @!p1 $0x1082;
	[sflag:s4] =	ssyncset.s32 $0xFFFFF086  }
0x25: {  	[simem:s6], [sflag:s4] =	dma.local [hbm:s3], $0xF7A  }
0x26: {  	[smem:$0x3F9A] =	sst s1;
	(tag) =	ssettag s2;
	_ =	strace s9  }
0x27: {  	s1 =	sld [smem:$0x3FAA]  }
0x28: {  	s2 =	sld [smem:$0x3FAB]  }
0x29: {  	s4 =	sld [smem:$0x3FAD]  }
0x2a: {  	p0 =	seq.s32 s5, $0x0;
	s5 =	sld [smem:$0x3FAE]  }
0x2b: {  	s6 =	sld [smem:$0x3FAF]  }
0x2c: {  	s7 =	sld [smem:$0x3FB0]  }
0x2d: {  	s3 =	simm.s32 $0x108;
	s8 =	sld [smem:$0x3FB1]  }
0x2e: {  	s3 =	simm.s32 @!p0 $0x1082;
	s9 =	sld [smem:$0x3FB2]  }
0x2f: {  	lr =	sadd.s32 s0, s3;
	s0 =	sld [smem:$0x3FA9]  }
0x30: {  	s3 =	sld [smem:$0x3FAC]  }
0x31: {  	[smem:$0x3FB5] =	sst s10  }
0x32: {  	s10 =	sld [smem:$0x3FB3];
	_ =	sdelay $0x3  }
0x33: {  	p0 =	seq.s32 s10, $0x1;
	s10 =	sld [smem:$0x3FB5];
	_ =	sdelay $0x3  }
0x34: {  	[smem:$0x3FB5] =	sst s10  }
0x35: {  	s10 =	sld [smem:$0x3FB4];
	_ =	sdelay $0x3  }
0x36: {  	p1 =	seq.s32 s10, $0x1;
	s10 =	sld [smem:$0x3FB5];
	_ =	sdelay $0x3  }
0x37: {  	[smem:$0x3FB5] =	sst s10  }
0x38: {  	s10 =	sld [smem:$0x3FB6]  }
0x39: {  	_ = 	snop;
	(pc) =	sbr.ind lr, $3  }
0x3a: {  	_ = 	snop  }
0x3b: {  	_ = 	snop  }
0x3c: {  	p2 =	seq.s32 s10, $0x1;
	s10 =	sld [smem:$0x3FB5]  }
0x3d: {  	_ =	shalt  }
0x3e: {  	_ =	shalt  }
0x3f: {  	_ =	shalt  }
0x40: {  	_ =	shalt  }
0x41: {  	_ =	shalt  }
0x42: {  	_ =	shalt  }
0x43: {  	_ =	shalt  }
0x44: {  	_ =	shalt  }
0x45: {  	_ =	shalt  }
0x46: {  	_ =	shalt  }
0x47: {  	_ =	shalt  }
0x48: {  	_ =	shalt  }
0x49: {  	_ =	shalt  }
0x4a: {  	_ =	shalt  }
0x4b: {  	_ =	shalt  }
0x4c: {  	_ =	shalt  }
0x4d: {  	_ =	shalt  }
0x4e: {  	_ =	shalt  }
0x4f: {  	_ =	shalt  }
0x50: {  	_ =	shalt  }
0x51: {  	_ =	shalt  }
0x52: {  	_ =	shalt  }
0x53: {  	_ =	shalt  }
0x54: {  	_ =	shalt  }
0x55: {  	_ =	shalt  }
0x56: {  	_ =	shalt  }
0x57: {  	_ =	shalt  }
0x58: {  	_ =	shalt  }
0x59: {  	_ =	shalt  }
0x5a: {  	_ =	shalt  }
0x5b: {  	_ =	shalt  }
0x5c: {  	_ =	shalt  }
0x5d: {  	_ =	shalt  }
0x5e: {  	_ =	shalt  }
0x5f: {  	_ =	shalt  }
0x60: {  	_ =	shalt  }
0x61: {  	_ =	shalt  }
0x62: {  	_ =	shalt  }
0x63: {  	_ =	shalt  }
0x64: {  	_ =	shalt  }
0x65: {  	_ =	shalt  }
0x66: {  	_ =	shalt  }
0x67: {  	_ =	shalt  }
0x68: {  	_ =	shalt  }
0x69: {  	_ =	shalt  }
0x6a: {  	_ =	shalt  }
0x6b: {  	_ =	shalt  }
0x6c: {  	_ =	shalt  }
0x6d: {  	_ =	shalt  }
0x6e: {  	_ =	shalt  }
0x6f: {  	_ =	shalt  }
0x70: {  	_ =	shalt  }
0x71: {  	_ =	shalt  }
0x72: {  	_ =	shalt  }
0x73: {  	_ =	shalt  }
0x74: {  	_ =	shalt  }
0x75: {  	_ =	shalt  }
0x76: {  	_ =	shalt  }
0x77: {  	_ =	shalt  }
0x78: {  	_ =	shalt  }
0x79: {  	_ =	shalt  }
0x7a: {  	_ =	shalt  }
0x7b: {  	_ =	shalt  }
0x7c: {  	_ =	shalt  }
0x7d: {  	_ =	shalt  }
0x7e: {  	_ =	shalt  }
0x7f: {  	_ =	shalt  }
0x80: {  	_ =	shalt  }
0x81: {  	_ =	shalt  }
0x82: {  	_ =	shalt  }
0x83: {  	_ =	shalt  }
0x84: {  	_ =	shalt  }
0x85: {  	_ =	shalt  }
0x86: {  	_ =	shalt  }
0x87: {  	_ =	shalt  }
.Lfunc_end0:
.L_simem_size_0:
called_computation_lowered:
.L_overlay_start_0:
0x88: {  	s2 =	sld [smem:$0x3FD9]  }
0x89: {  	s3 =	sld [smem:$0x3FFE];
	_ =	sdelay $0x1  }
0x8a: {  	s1 =	srdreg.scid  }
0x8b: {  	s0 =	sand.u32 $0x1, s1  }
0x8c: {  	s17 =	sshll.u32 s0, $0xA;
	s2 =	sadd.s32 s3, s2  }
0x8d: {  	s2 =	sadd.s32 s2, s17  }
0x8e: {  	[smem:$0x3FC1] =	sst s2  }
0x8f: {  	_ = 	snop  }
0x90: {  	s2 =	sld [smem:$0x3FD0];
	(tm) =	ssettm $0x1  }
0x91: {  	s18 =	sld [smem:$0x3FFB];
	_ =	sdelay $0x3  }
0x92: {  	_ =	strace s18  }
0x93: {  	s3 =	sld [smem:$0x3FFC];
	_ =	sdelay $0x3  }
0x94: {  	_ =	strace s3  }
0x95: {  	s3 =	sld [smem:$0x3FFD];
	_ =	sdelay $0x3  }
0x96: {  	_ =	strace s3  }
0x97: {  	_ =	strace $0x8FFFFFFF  }
0x98: {  	s19 =	sld [smem:$0x3FDB];
	_ =	sdelay $0x1  }
0x99: {  	s4 =	simm.s32 $_scs_section_size  }
0x9a: {  	s5 =	simm.s32 $_size__tile_overlayer_lowered;
	s6 =	simm.s32 $_tile_overlayer_lowered  }
0x9b: {  	s22 =	simm.s32 $0x1BFF;
	s21 =	sshll.u32 s6, $0x1;
	s3 =	sadd.s32 s4, s19  }
0x9c: {  	s7 =	simm.s32 $0x0;
	s20 =	sshll.u32 s5, $0x1;
	s5 =	sadd.s32 s21, s3  }
0x9d: {  	[timem:s7], [sflag:s22] =	dma.local [hbm:s5], s20  }
0x9e: {  	_ =	swait.ge [sflag:s22], s20  }
0x9f: {  	s4 =	ssub.s32 $0x0, s20;
	[sflag:s22] =	ssyncset.done $0x0  }
0xa0: {  	[sflag:s22] =	ssyncadd.s32 s4;
	_ =	sdelay $0x1  }
0xa1: {  	s23 =	simm.s32 $0x1B8B  }
0xa2: {  	_ =	swait.ge [sflag:s23], $0x1  }
0xa3: {  	[sflag:s23] =	ssyncset.done $0x0  }
0xa4: {  	s25 =	simm.s32 $0x1B8E;
	s24 =	sld [smem:$0x3FFE];
	[sflag:s23] =	ssyncadd.s32 $0xFFFFFFFF  }
0xa5: {  	s26 =	simm.s32 $execute0_lowered;
	[smem:$0x3FD2] =	sst s25  }
0xa6: {  	s5 =	sshll.u32 s26, $0x1;
	_ =	strace $0x80000046;
	[dreg:$0x1] =	wrdreg $0xFFFFFFFF  }
0xa7: {  	s28 =	simm.s32 $_size_execute0_lowered;
	s3 =	sadd.s32 s3, s5;
	[dreg:$0x0] =	wrdreg $0x0  }
0xa8: {  	s5 =	sshll.u32 s28, $0x1;
	[dreg:$0x2] =	wrdreg s3  }
0xa9: {  	[dreg:$0x3] =	wrdreg s5  }
0xaa: {  	[dreg:$0x4] =	wrdreg $0xC0  }
0xab: {  	_ =	task [dreg:s7], $0x5FFFF  }
0xac: {  	[dreg:$0x1] =	wrdreg $0xFFFFFFFF  }
0xad: {  	[dreg:$0x0] =	wrdreg $0x60  }
0xae: {  	[dreg:$0x2] =	wrdreg s24  }
0xaf: {  	[dreg:$0x3] =	wrdreg s2  }
0xb0: {  	[dreg:$0x4] =	wrdreg $0x9  }
0xb1: {  	_ =	task.clear_ibuf [dreg:s7], $0x5FFFF;
	_ =	strace $0x90000046  }
0xb2: {  	s29 =	simm.s32 $0x9;
	_ =	strace $0x80000048  }
0xb3: {  	_ =	swait.ge [sflag:s29], $0x1  }
0xb4: {  	[sflag:s29] =	ssyncadd.s32 $0xFFFFFFFF  }
0xb5: {  	_ =	strace $0x90000048  }
0xb6: {  	_ =	sfence  }
0xb7: {  	s30 =	sld [smem:$0x0];
	_ =	sdelay $0x2  }
0xb8: {  	s31 =	sshll.u32 s1, $0xD;
	s1 =	sshrl.u32 s1, $0x2  }
0xb9: {  	s3 =	sand.u32 $0x4000, s31;
	s1 =	sadd.s32 s1, s30  }
0xba: {  	s0 =	sor.u32 s3, s0;
	s1 =	sshll.u32 s1, $0x11  }
0xbb: {  	s0 =	sor.u32 s1, s0  }
0xbc: {  	s0 =	sadd.s32 $0x8F2B, s0  }
0xbd: {  	[sflag:s0] =	ssyncadd.remote.s32 $0x1  }
0xbe: {  	_ =	sfence.sel $0xFFFF  }
0xbf: {  	[dreg:$0x0] =	wrdreg $0xFFFFFFFF;
	(pc) =	sbr.abs _section_cstart, $3  }
0xc0: {  	[dreg:$0x1] =	wrdreg $0xFFFFFFFF  }
0xc1: {  	_ =	task.clear_ibuf [dreg:s7], $0x2FFFF;
	_ =	strace $0x9FFFFFFF  }
0xc2: {  	(tm) =	ssettm $0x7FFFFFFF  }
0xc3: {  	_ =	shalt  }
tec
execute0_lowered:
.L_overlay_start_1:
0x0: {  	(tag) =	ssettag $0x1  }
0x1: {  	s0 =	rddreg [dreg:$0x0]  }
0x2: {  	s5 =	rddreg [dreg:$0x1]  }
0x3: {  	s2 =	simm.s32 $0x0;
	s3 =	srdreg.scid;
	s1 =	stileid.u32  }
0x4: {  	s28 =	simm.s32 $0x780;
	s29 =	simm.s32 $0x800;
	s30 =	simm.s32 $0x880  }
0x5: {  	s31 =	simm.s32 $0x900;
	[smem:$0x7FF] =	sst s2;
	s3 =	sand.u32 $0x1, s3  }
0x6: {  	s6 =	sshll.u32 s1, $0x7;
	s7 =	sadd.s32 $0x21000, s0;
	s0 =	sadd.s32 $0x21800, s0  }
0x7: {  	_ =	strace $0x80000047;
	s4 =	sshll.u32 s3, $0x3;
	[dreg:$0x3] =	wrdreg s0  }
0x8: {  	s3 =	ssub.s32 $0x2, s3;
	s0 =	simm.s32 $0x980;
	s4 =	sor.u32 s4, s6  }
0x9: {  	s23 =	sshrl.u32 s3, $0x1;
	s12 =	sadd.s32 s7, s4;
	s6 =	sor.u32 $0x10, s4  }
0xa: {  	s8 =	sor.u32 $0x20, s4;
	s9 =	sor.u32 $0x30, s4;
	s10 =	sor.u32 $0x40, s4  }
0xb: {  	s11 =	sor.u32 $0x50, s4;
	[dreg:$0x4] =	wrdreg s12;
	s13 =	sadd.s32 s7, s6  }
0xc: {  	s25 =	ssub.s32 s3, s23;
	s14 =	sadd.s32 s7, s8;
	[dreg:$0x5] =	wrdreg s13  }
0xd: {  	s3 =	sadd.s32 s5, s4;
	s15 =	sadd.s32 s7, s9;
	[dreg:$0x6] =	wrdreg s14  }
0xe: {  	s23 =	simm.s32 $0x580;
	s16 =	sadd.s32 s7, s10;
	[dreg:$0x7] =	wrdreg s15  }
0xf: {  	s17 =	sadd.s32 s7, s11;
	s12 =	sor.u32 $0x60, s4;
	[dreg:$0x8] =	wrdreg s16  }
0x10: {  	s20 =	sadd.s32 s5, s6;
	s21 =	sadd.s32 s5, s8;
	[dreg:$0x9] =	wrdreg s17  }
0x11: {  	s22 =	sadd.s32 s5, s9;
	s24 =	sadd.s32 s5, s10;
	[dreg:$0xc] =	wrdreg s20  }
0x12: {  	s26 =	sadd.s32 s5, s11;
	s6 =	sadd.s32 $0x800, s3;
	[dreg:$0xd] =	wrdreg s21  }
0x13: {  	s8 =	sadd.s32 $0x820, s3;
	s9 =	sadd.s32 $0x830, s3;
	[dreg:$0xe] =	wrdreg s22  }
0x14: {  	s10 =	smax.u32 s25, $0x1;
	s25 =	simm.s32 $0x680;
	[dreg:$0xf] =	wrdreg s24  }
0x15: {  	s18 =	sadd.s32 s7, s12;
	s13 =	sor.u32 $0x70, s4;
	[dreg:$0x10] =	wrdreg s26  }
0x16: {  	s4 =	sadd.s32 s5, s12;
	s14 =	simm.s32 $0x200;
	s15 =	simm.s32 $0x280  }
0x17: {  	s16 =	simm.s32 $0x300;
	s17 =	simm.s32 $0x380;
	s20 =	simm.s32 $0x400  }
0x18: {  	s21 =	simm.s32 $0x480;
	s22 =	simm.s32 $0x500;
	s24 =	simm.s32 $0x600  }
0x19: {  	s26 =	simm.s32 $0x700;
	[dreg:$0xa] =	wrdreg s18;
	s19 =	sadd.s32 s7, s13  }
0x1a: {  	s5 =	sadd.s32 s5, s13;
	s7 =	sadd.s32 $0x810, s3;
	s13 =	simm.s32 $0x180  }
0x1b: {  	v0 =	vimm.f32 $0.0e+00;
	v1 =	vimm.f32 $1.000000000e+00;
	s18 =	simm.s32 $0xC00;
	[dreg:$0xb] =	wrdreg s19;
	s19 =	simm.s32 $0x1  }
.LBB2_1:
0x1c: {  	s1 =	rddreg [dreg:$0x4]  }
0x1d: {  	[tilespmem:s2], [sflag:$0x1] =	stream.linear.gather [hbm4b:s1+s2], $0x40, $0x38;
	[tilespmem:$0x1000] =	vst v63  }
0x1e: {  	s11 =	rddreg [dreg:$0x5];
	s12 =	simm.s32 $0x80  }
0x1f: {  	[tilespmem:s12], [sflag:$0x1] =	stream.linear.gather [hbm4b:s11+s2], $0x40, $0x38;
	[tilespmem:$0x1000] =	vst v63  }
0x20: {  	s1 =	rddreg [dreg:$0x6];
	s12 =	simm.s32 $0x100  }
0x21: {  	[tilespmem:s12], [sflag:$0x1] =	stream.linear.gather [hbm4b:s1+s2], $0x40, $0x38;
	[tilespmem:$0x1000] =	vst v63  }
0x22: {  	s11 =	rddreg [dreg:$0x7]  }
0x23: {  	[tilespmem:s13], [sflag:$0x1] =	stream.linear.gather [hbm4b:s11+s2], $0x40, $0x38;
	[tilespmem:$0x1000] =	vst v63  }
0x24: {  	s12 =	rddreg [dreg:$0x8]  }
0x25: {  	[tilespmem:s14], [sflag:$0x1] =	stream.linear.gather [hbm4b:s12+s2], $0x40, $0x38;
	[tilespmem:$0x1000] =	vst v63  }
0x26: {  	s11 =	rddreg [dreg:$0x9]  }
0x27: {  	[tilespmem:s15], [sflag:$0x1] =	stream.linear.gather [hbm4b:s11+s2], $0x40, $0x38;
	[tilespmem:$0x1000] =	vst v63  }
0x28: {  	s12 =	rddreg [dreg:$0xa]  }
0x29: {  	[tilespmem:s16], [sflag:$0x1] =	stream.linear.gather [hbm4b:s12+s2], $0x40, $0x38;
	[tilespmem:$0x1000] =	vst v63  }
0x2a: {  	s11 =	rddreg [dreg:$0xb]  }
0x2b: {  	[tilespmem:s17], [sflag:$0x1] =	stream.linear.gather [hbm4b:s11+s2], $0x40, $0x38;
	[tilespmem:$0x1000] =	vst v63  }
0x2c: {  	s12 =	rddreg [dreg:$0x3]  }
0x2d: {  	[tilespmem:s18], [sflag:$0x1] =	stream.linear.gather [hbm4b:s12+s2], $0x400, $0x38;
	[tilespmem:$0x1000] =	vst v63  }
0x2e: {  	_ =	swait.ge [sflag:s19], $0x40  }
0x2f: {  	[sflag:s19] =	ssyncset.done $0x0  }
0x30: {  	[sflag:s19] =	ssyncadd.s32 $0xFFFFFFC0  }
0x31: {  	_ =	swait.ge [sflag:s19], $0x40  }
0x32: {  	[sflag:s19] =	ssyncset.done $0x0  }
0x33: {  	[sflag:s19] =	ssyncadd.s32 $0xFFFFFFC0  }
0x34: {  	_ =	swait.ge [sflag:s19], $0x40  }
0x35: {  	[sflag:s19] =	ssyncset.done $0x0  }
0x36: {  	[sflag:s19] =	ssyncadd.s32 $0xFFFFFFC0  }
0x37: {  	_ =	swait.ge [sflag:s19], $0x40  }
0x38: {  	[sflag:s19] =	ssyncset.done $0x0  }
0x39: {  	[sflag:s19] =	ssyncadd.s32 $0xFFFFFFC0  }
0x3a: {  	_ =	swait.ge [sflag:s19], $0x40  }
0x3b: {  	[sflag:s19] =	ssyncset.done $0x0  }
0x3c: {  	[sflag:s19] =	ssyncadd.s32 $0xFFFFFFC0  }
0x3d: {  	_ =	swait.ge [sflag:s19], $0x40  }
0x3e: {  	[sflag:s19] =	ssyncset.done $0x0  }
0x3f: {  	[sflag:s19] =	ssyncadd.s32 $0xFFFFFFC0  }
0x40: {  	_ =	swait.ge [sflag:s19], $0x40  }
0x41: {  	[sflag:s19] =	ssyncset.done $0x0  }
0x42: {  	[sflag:s19] =	ssyncadd.s32 $0xFFFFFFC0  }
0x43: {  	_ =	swait.ge [sflag:s19], $0x40  }
0x44: {  	[sflag:s19] =	ssyncset.done $0x0  }
0x45: {  	[sflag:s19] =	ssyncadd.s32 $0xFFFFFFC0  }
0x46: {  	_ =	swait.ge [sflag:s19], $0x400  }
0x47: {  	[sflag:s19] =	ssyncset.done $0x0  }
0x48: {  	[sflag:s19] =	ssyncadd.s32 $0xFFFFFC00  }
0x49: {  	v2 =	vld [tilespmem:$0x0];
	_ =	sdelay $0x4  }
0x4a: {  	v2 =	vsub.f32 $0.0e+00, v2;
	_ =	sdelay $0x1  }
0x4b: {  	v2 =	vmul.f32 $1.442695020e+00, v2;
	_ =	sdelay $0x1  }
0x4c: {  	(erf) = vpow2.f32 v2;
	_ =	sdelay $0x3  }
0x4d: {  	v2 =	vld [tilespmem:$0x80];
	_ =	sdelay $0x4  }
0x4e: {  	v2 =	vsub.f32 $0.0e+00, v2;
	v3 =	vpop (erf)  }
0x4f: {  	v3 =	vadd.f32 $1.000000000e+00, v3  }
0x50: {  	v2 =	vmul.f32 $1.442695020e+00, v2  }
0x51: {  	(erf) = vrcp.f32 v3  }
0x52: {  	(erf) = vpow2.f32 v2;
	_ =	sdelay $0x3  }
0x53: {  	v2 =	vld [tilespmem:$0x100];
	_ =	sdelay $0x3  }
0x54: {  	v5 =	vpop (erf)  }
0x55: {  	v2 =	vsub.f32 $0.0e+00, v2;
	v3 =	vpop (erf)  }
0x56: {  	v3 =	vadd.f32 $1.000000000e+00, v3  }
0x57: {  	v2 =	vmul.f32 $1.442695020e+00, v2  }
0x58: {  	(erf) = vrcp.f32 v3  }
0x59: {  	(erf) = vpow2.f32 v2;
	_ =	sdelay $0x3  }
0x5a: {  	v2 =	vld [tilespmem:$0x180];
	_ =	sdelay $0x3  }
0x5b: {  	v9 =	vpop (erf)  }
0x5c: {  	v2 =	vsub.f32 $0.0e+00, v2;
	v3 =	vpop (erf)  }
0x5d: {  	v3 =	vadd.f32 $1.000000000e+00, v3  }
0x5e: {  	v2 =	vmul.f32 $1.442695020e+00, v2  }
0x5f: {  	(erf) = vrcp.f32 v3  }
0x60: {  	(erf) = vpow2.f32 v2;
	_ =	sdelay $0x3  }
0x61: {  	v3 =	vld [tilespmem:$0x200];
	_ =	sdelay $0x3  }
0x62: {  	v2 =	vpop (erf)  }
0x63: {  	v3 =	vsub.f32 $0.0e+00, v3;
	v4 =	vpop (erf)  }
0x64: {  	v4 =	vadd.f32 $1.000000000e+00, v4  }
0x65: {  	v3 =	vmul.f32 $1.442695020e+00, v3  }
0x66: {  	(erf) = vrcp.f32 v4  }
0x67: {  	(erf) = vpow2.f32 v3;
	_ =	sdelay $0x3  }
0x68: {  	v3 =	vld [tilespmem:$0x280];
	_ =	sdelay $0x3  }
0x69: {  	v8 =	vpop (erf)  }
0x6a: {  	v3 =	vsub.f32 $0.0e+00, v3;
	v35 =	vpop (erf)  }
0x6b: {  	v4 =	vadd.f32 $1.000000000e+00, v35  }
0x6c: {  	v3 =	vmul.f32 $1.442695020e+00, v3  }
0x6d: {  	(erf) = vrcp.f32 v4  }
0x6e: {  	(erf) = vpow2.f32 v3;
	_ =	sdelay $0x3  }
0x6f: {  	v36 =	vld [tilespmem:$0x300];
	_ =	sdelay $0x3  }
0x70: {  	v3 =	vpop (erf)  }
0x71: {  	v4 =	vsub.f32 $0.0e+00, v36;
	v6 =	vpop (erf)  }
0x72: {  	v6 =	vadd.f32 $1.000000000e+00, v6  }
0x73: {  	v4 =	vmul.f32 $1.442695020e+00, v4  }
0x74: {  	(erf) = vrcp.f32 v6  }
0x75: {  	(erf) = vpow2.f32 v4;
	_ =	sdelay $0x3  }
0x76: {  	v37 =	vld [tilespmem:$0x380];
	_ =	sdelay $0x3  }
0x77: {  	v4 =	vpop (erf)  }
0x78: {  	v6 =	vsub.f32 $0.0e+00, v37;
	v7 =	vpop (erf)  }
0x79: {  	v7 =	vadd.f32 $1.000000000e+00, v7  }
0x7a: {  	v6 =	vmul.f32 $1.442695020e+00, v6  }
0x7b: {  	(erf) = vrcp.f32 v7  }
0x7c: {  	(erf) = vpow2.f32 v6;
	_ =	sdelay $0x6  }
0x7d: {  	v10 =	vld [tilespmem:$0xC00]  }
0x7e: {  	v11 =	vld [tilespmem:$0xC80];
	v6 =	vpop (erf)  }
0x7f: {  	v12 =	vld [tilespmem:$0xD00];
	v38 =	vpop (erf)  }
0x80: {  	v39 =	vld [tilespmem:$0xD80];
	v7 =	vadd.f32 $1.000000000e+00, v38;
	_ =	sdelay $0x1  }
0x81: {  	v13 =	vld [tilespmem:$0xE00];
	(erf) = vrcp.f32 v7  }
0x82: {  	v14 =	vld [tilespmem:$0xE80]  }
0x83: {  	v10 =	vadd.f32 v10, v5;
	v11 =	vadd.f32 v11, v9  }
0x84: {  	v12 =	vadd.f32 v12, v2;
	v19 =	vadd.f32 v39, v8  }
0x85: {  	v15 =	vld [tilespmem:$0xF00]  }
0x86: {  	v16 =	vld [tilespmem:$0xF80];
	v40 =	vadd.f32 v11, v10;
	v17 =	vadd.f32 v19, v12  }
0x87: {  	v13 =	vadd.f32 v13, v3;
	v20 =	vadd.f32 v14, v4;
	_ =	sdelay $0x1  }
0x88: {  	vm0 =	vgt.f32 v17, v40;
	vm15 =	vge.f32 v40, v17;
	v18 =	vadd.f32 v20, v13  }
0x89: {  	v41 =	vsel vm0, $0x3F800000, v0;
	v42 =	vsel vm15, $0x3F800000, v0;
	v7 =	vpop (erf)  }
0x8a: {  	vm1 =	vgt.f32 v18, v40;
	v21 =	vadd.f32 v15, v6;
	v22 =	vadd.f32 v16, v7  }
0x8b: {  	vm4 =	vgt.f32 v18, v17;
	vm6 =	vge.f32 v40, v18;
	vm7 =	vge.f32 v17, v18  }
0x8c: {  	v23 =	vsel vm1, $0x3F800000, v0;
	v24 =	vsel vm4, $0x3F800000, v0;
	v15 =	vadd.f32 v22, v21  }
0x8d: {  	v44 =	vsel vm6, $0x3F800000, v0;
	v45 =	vsel vm7, $0x3F800000, v0;
	v16 =	vadd.f32 v23, v41  }
0x8e: {  	v23 =	vadd.f32 v24, v42;
	vm2 =	vgt.f32 v15, v40;
	vm5 =	vgt.f32 v15, v17  }
0x8f: {  	vm10 =	vgt.f32 v15, v18;
	vm11 =	vge.f32 v40, v15;
	vm3 =	vge.f32 v17, v15  }
0x90: {  	v25 =	vsel vm2, $0x3F800000, v0;
	v43 =	vsel vm5, $0x3F800000, v0;
	v14 =	vsel vm11, $0x3F800000, v0  }
0x91: {  	v17 =	vsel vm3, $0x3F800000, v0;
	v16 =	vadd.f32 v25, v16;
	v23 =	vadd.f32 v43, v23  }
0x92: {  	vm12 =	vge.f32 v18, v15;
	v46 =	vsel vm10, $0x3F800000, v0;
	v14 =	vadd.f32 v17, v14  }
0x93: {  	v47 =	vsel vm12, $0x3F800000, v0;
	vm8 =	vlt.f32 v16, $2.000000000e+00;
	vm9 =	vlt.f32 v23, $2.000000000e+00  }
0x94: {  	v16 =	vadd.f32 v45, v44;
	v48 =	vadd.f32 v14, v47;
	v17 =	vnsel vm8, $0xF149F2CA, v10  }
0x95: {  	v18 =	vnsel vm8, $0xF149F2CA, v11;
	v15 =	vnsel vm9, $0xF149F2CA, v12;
	v14 =	vnsel vm9, $0xF149F2CA, v19  }
0x96: {  	v16 =	vadd.f32 v46, v16;
	vm13 =	vgt.f32 v18, v17;
	vm14 =	vgt.f32 v15, v17  }
0x97: {  	vm4 =	vgt.f32 v14, v17;
	vm5 =	vlt.f32 v48, $2.000000000e+00;
	vm7 =	vge.f32 v17, v18  }
0x98: {  	vm8 =	vgt.f32 v15, v18;
	vm10 =	vgt.f32 v14, v18;
	v49 =	vsel vm13, $0x3F800000, v0  }
0x99: {  	v50 =	vsel vm14, $0x3F800000, v0;
	v51 =	vsel vm4, $0x3F800000, v0;
	v12 =	vnsel vm5, $0xF149F2CA, v22  }
0x9a: {  	v53 =	vsel vm7, $0x3F800000, v0;
	v54 =	vsel vm8, $0x3F800000, v0;
	v56 =	vsel vm10, $0x3F800000, v0  }
0x9b: {  	vm4 =	vge.f32 v18, v15;
	vm15 =	vlt.f32 v16, $2.000000000e+00;
	v11 =	vadd.f32 v50, v49  }
0x9c: {  	v19 =	vadd.f32 v54, v53;
	vm13 =	vgt.f32 v12, v17;
	v62 =	vsel vm4, $0x3F800000, v0  }
0x9d: {  	vm7 =	vgt.f32 v12, v18;
	vm4 =	vgt.f32 v12, v15;
	v16 =	vnsel vm15, $0xF149F2CA, v13  }
0x9e: {  	v13 =	vnsel vm15, $0xF149F2CA, v20;
	v59 =	vsel vm13, $0x3F800000, v0;
	vm15 =	vge.f32 v17, v15  }
0x9f: {  	v25 =	vsel vm7, $0x3F800000, v0;
	vm13 =	vge.f32 v18, v14;
	v33 =	vsel vm4, $0x3F800000, v0  }
0xa0: {  	v10 =	vadd.f32 v11, v51;
	vm6 =	vgt.f32 v16, v17;
	v11 =	vnsel vm5, $0xF149F2CA, v21  }
0xa1: {  	vm9 =	vgt.f32 v13, v17;
	v19 =	vadd.f32 v19, v56;
	vm12 =	vgt.f32 v16, v18  }
0xa2: {  	vm14 =	vgt.f32 v13, v18;
	v61 =	vsel vm15, $0x3F800000, v0;
	vm8 =	vgt.f32 v16, v15  }
0xa3: {  	vm10 =	vgt.f32 v13, v15;
	v30 =	vsel vm13, $0x3F800000, v0;
	vm15 =	vge.f32 v15, v14  }
0xa4: {  	vm7 =	vge.f32 v18, v16;
	vm13 =	vgt.f32 v13, v16;
	v52 =	vsel vm6, $0x3F800000, v0  }
0xa5: {  	v55 =	vsel vm9, $0x3F800000, v0;
	vm11 =	vgt.f32 v11, v17;
	v58 =	vsel vm12, $0x3F800000, v0  }
0xa6: {  	v60 =	vsel vm14, $0x3F800000, v0;
	vm5 =	vgt.f32 v11, v18;
	v20 =	vadd.f32 v62, v61  }
0xa7: {  	vm6 =	vgt.f32 v14, v15;
	v26 =	vsel vm8, $0x3F800000, v0;
	v28 =	vsel vm10, $0x3F800000, v0  }
0xa8: {  	vm12 =	vge.f32 v17, v14;
	vm14 =	vgt.f32 v11, v15;
	v32 =	vsel vm15, $0x3F800000, v0  }
0xa9: {  	vm8 =	vgt.f32 v13, v14;
	v36 =	vsel vm7, $0x3F800000, v0;
	vm10 =	vgt.f32 v11, v14  }
0xaa: {  	v42 =	vsel vm13, $0x3F800000, v0;
	vm15 =	vge.f32 v17, v13;
	vm7 =	vgt.f32 v11, v16  }
0xab: {  	vm4 =	vgt.f32 v12, v11;
	v10 =	vadd.f32 v10, v52;
	v57 =	vsel vm11, $0x3F800000, v0  }
0xac: {  	v19 =	vadd.f32 v19, v58;
	v63 =	vsel vm5, $0x3F800000, v0;
	v24 =	vsel vm6, $0x3F800000, v0  }
0xad: {  	v29 =	vsel vm12, $0x3F800000, v0;
	v31 =	vsel vm14, $0x3F800000, v0;
	vm5 =	vgt.f32 v16, v14  }
0xae: {  	vm6 =	vge.f32 v17, v16;
	v37 =	vsel vm8, $0x3F800000, v0;
	v39 =	vsel vm10, $0x3F800000, v0  }
0xaf: {  	vm12 =	vgt.f32 v12, v14;
	v43 =	vsel vm15, $0x3F800000, v0;
	v45 =	vsel vm7, $0x3F800000, v0  }
0xb0: {  	vm8 =	vge.f32 v15, v13;
	vm10 =	vge.f32 v14, v13;
	vm15 =	vge.f32 v18, v11  }
0xb1: {  	vm7 =	vge.f32 v15, v11;
	v20 =	vadd.f32 v20, v24;
	v34 =	vsel vm5, $0x3F800000, v0  }
0xb2: {  	v35 =	vsel vm6, $0x3F800000, v0;
	v41 =	vsel vm12, $0x3F800000, v0;
	vm6 =	vge.f32 v18, v13  }
0xb3: {  	v47 =	vsel vm8, $0x3F800000, v0;
	vm12 =	vge.f32 v16, v13;
	v52 =	vsel vm15, $0x3F800000, v0  }
0xb4: {  	vm8 =	vgt.f32 v12, v13;
	v10 =	vadd.f32 v10, v55;
	v19 =	vadd.f32 v19, v60  }
0xb5: {  	v54 =	vsel vm7, $0x3F800000, v0;
	vm15 =	vge.f32 v14, v12;
	vm5 =	vge.f32 v16, v12  }
0xb6: {  	v44 =	vsel vm6, $0x3F800000, v0;
	v10 =	vadd.f32 v10, v57;
	v19 =	vadd.f32 v19, v63  }
0xb7: {  	v50 =	vsel vm12, $0x3F800000, v0;
	vm6 =	vgt.f32 v11, v13;
	v55 =	vsel vm8, $0x3F800000, v0  }
0xb8: {  	vm12 =	vge.f32 v16, v11;
	v10 =	vadd.f32 v10, v59;
	v19 =	vadd.f32 v19, v25  }
0xb9: {  	v62 =	vsel vm15, $0x3F800000, v0;
	v27 =	vadd.f32 v20, v26;
	v20 =	vadd.f32 v36, v35  }
0xba: {  	vm9 =	vlt.f32 v10, $2.000000000e+00;
	vm11 =	vlt.f32 v19, $2.000000000e+00;
	v19 =	vadd.f32 v30, v29  }
0xbb: {  	v10 =	vadd.f32 v27, v28;
	v5 =	vnsel vm9, $0x0, v5;
	vm9 =	vge.f32 v15, v16  }
0xbc: {  	v9 =	vnsel vm11, $0x0, v9;
	v19 =	vadd.f32 v19, v32;
	v38 =	vsel vm9, $0x3F800000, v0  }
0xbd: {  	vm11 =	vge.f32 v14, v16;
	v10 =	vadd.f32 v10, v31;
	v20 =	vadd.f32 v20, v38  }
0xbe: {  	vm8 =	vge.f32 v11, v12;
	v40 =	vsel vm11, $0x3F800000, v0;
	v19 =	vadd.f32 v19, v34  }
0xbf: {  	v53 =	vsel vm6, $0x3F800000, v0;
	v10 =	vadd.f32 v10, v33;
	v20 =	vadd.f32 v20, v40  }
0xc0: {  	vm9 =	vgt.f32 v12, v16;
	v60 =	vadd.f32 v9, v5;
	v19 =	vadd.f32 v19, v37  }
0xc1: {  	v48 =	vsel vm9, $0x3F800000, v0;
	vm14 =	vlt.f32 v10, $2.000000000e+00;
	v10 =	vadd.f32 v20, v42  }
0xc2: {  	vm9 =	vge.f32 v14, v11;
	v20 =	vadd.f32 v44, v43;
	v19 =	vadd.f32 v19, v39  }
0xc3: {  	v46 =	vadd.f32 v10, v45;
	v10 =	vnsel vm14, $0x0, v2;
	v2 =	vsel vm10, $0x3F800000, v0  }
0xc4: {  	vm14 =	vge.f32 v17, v11;
	vm10 =	vge.f32 v17, v12;
	v19 =	vadd.f32 v19, v41  }
0xc5: {  	v20 =	vadd.f32 v20, v47;
	v51 =	vsel vm14, $0x3F800000, v0;
	v17 =	vsel vm10, $0x3F800000, v0  }
0xc6: {  	v21 =	vadd.f32 v46, v48;
	vm11 =	vlt.f32 v19, $2.000000000e+00;
	v19 =	vadd.f32 v52, v51  }
0xc7: {  	v49 =	vadd.f32 v20, v2;
	v2 =	vnsel vm11, $0x0, v8;
	vm11 =	vge.f32 v18, v12  }
0xc8: {  	vm13 =	vlt.f32 v21, $2.000000000e+00;
	v19 =	vadd.f32 v19, v54;
	v18 =	vsel vm11, $0x3F800000, v0  }
0xc9: {  	v3 =	vnsel vm13, $0x0, v3;
	vm13 =	vge.f32 v15, v12;
	v17 =	vadd.f32 v18, v17  }
0xca: {  	v56 =	vsel vm9, $0x3F800000, v0;
	v8 =	vadd.f32 v49, v50;
	v59 =	vsel vm13, $0x3F800000, v0  }
0xcb: {  	v57 =	vsel vm12, $0x3F800000, v0;
	v19 =	vadd.f32 v19, v56;
	v17 =	vadd.f32 v17, v59  }
0xcc: {  	vm14 =	vge.f32 v13, v11;
	v14 =	vadd.f32 v60, v10;
	v8 =	vadd.f32 v8, v53  }
0xcd: {  	v61 =	vsel vm14, $0x3F800000, v0;
	v58 =	vadd.f32 v19, v57;
	v17 =	vadd.f32 v17, v62  }
0xce: {  	v21 =	vsel vm5, $0x3F800000, v0;
	v22 =	vadd.f32 v14, v2;
	v8 =	vadd.f32 v8, v55  }
0xcf: {  	vm6 =	vge.f32 v13, v12;
	v15 =	vadd.f32 v58, v61;
	v17 =	vadd.f32 v17, v21  }
0xd0: {  	v63 =	vsel vm4, $0x3F800000, v0;
	v24 =	vsel vm6, $0x3F800000, v0;
	v25 =	vadd.f32 v22, v3  }
0xd1: {  	vm7 =	vlt.f32 v8, $2.000000000e+00;
	v23 =	vadd.f32 v15, v63;
	v14 =	vadd.f32 v17, v24  }
0xd2: {  	v12 =	vsel vm8, $0x3F800000, v0;
	v4 =	vnsel vm7, $0x0, v4  }
0xd3: {  	v27 =	vld [tilespmem:$0x10];
	v11 =	vadd.f32 v25, v4;
	vm9 =	vlt.f32 v23, $2.000000000e+00;
	v26 =	vadd.f32 v14, v12  }
0xd4: {  	v6 =	vnsel vm9, $0x0, v6  }
0xd5: {  	v28 =	vadd.f32 v11, v6;
	vm10 =	vlt.f32 v26, $2.000000000e+00  }
0xd6: {  	v7 =	vnsel vm10, $0x0, v7  }
0xd7: {  	v8 =	vadd.f32 v28, v7  }
0xd8: {  	v29 =	vsub.f32 $0.0e+00, v27  }
0xd9: {  	v8 =	vadd.f32 $9.999999680e-21, v8  }
0xda: {  	v11 =	vmul.f32 $1.442695020e+00, v29  }
0xdb: {  	(erf) = vrcp.f32 v8  }
0xdc: {  	(erf) = vpow2.f32 v11;
	_ =	sdelay $0x3  }
0xdd: {  	v30 =	vld [tilespmem:$0x90];
	_ =	sdelay $0x3  }
0xde: {  	v8 =	vpop (erf)  }
0xdf: {  	v11 =	vsub.f32 $0.0e+00, v30;
	v31 =	vpop (erf)  }
0xe0: {  	v12 =	vadd.f32 $1.000000000e+00, v31  }
0xe1: {  	v11 =	vmul.f32 $1.442695020e+00, v11  }
0xe2: {  	(erf) = vrcp.f32 v12  }
0xe3: {  	(erf) = vpow2.f32 v11;
	_ =	sdelay $0x3  }
0xe4: {  	v32 =	vld [tilespmem:$0x110];
	_ =	sdelay $0x3  }
0xe5: {  	v11 =	vpop (erf)  }
0xe6: {  	v12 =	vsub.f32 $0.0e+00, v32;
	v33 =	vpop (erf)  }
0xe7: {  	v13 =	vadd.f32 $1.000000000e+00, v33  }
0xe8: {  	v12 =	vmul.f32 $1.442695020e+00, v12  }
0xe9: {  	(erf) = vrcp.f32 v13  }
0xea: {  	(erf) = vpow2.f32 v12;
	_ =	sdelay $0x3  }
0xeb: {  	v34 =	vld [tilespmem:$0x190];
	_ =	sdelay $0x3  }
0xec: {  	v12 =	vpop (erf)  }
0xed: {  	v13 =	vsub.f32 $0.0e+00, v34;
	v35 =	vpop (erf)  }
0xee: {  	v14 =	vadd.f32 $1.000000000e+00, v35  }
0xef: {  	v13 =	vmul.f32 $1.442695020e+00, v13  }
0xf0: {  	(erf) = vrcp.f32 v14  }
0xf1: {  	(erf) = vpow2.f32 v13;
	_ =	sdelay $0x3  }
0xf2: {  	v36 =	vld [tilespmem:$0x210];
	_ =	sdelay $0x3  }
0xf3: {  	v13 =	vpop (erf)  }
0xf4: {  	v14 =	vsub.f32 $0.0e+00, v36;
	v37 =	vpop (erf)  }
0xf5: {  	v15 =	vadd.f32 $1.000000000e+00, v37  }
0xf6: {  	v14 =	vmul.f32 $1.442695020e+00, v14  }
0xf7: {  	(erf) = vrcp.f32 v15  }
0xf8: {  	(erf) = vpow2.f32 v14;
	_ =	sdelay $0x3  }
0xf9: {  	v38 =	vld [tilespmem:$0x290];
	_ =	sdelay $0x3  }
0xfa: {  	v14 =	vpop (erf)  }
0xfb: {  	v15 =	vsub.f32 $0.0e+00, v38;
	v39 =	vpop (erf)  }
0xfc: {  	v16 =	vadd.f32 $1.000000000e+00, v39  }
0xfd: {  	v15 =	vmul.f32 $1.442695020e+00, v15  }
0xfe: {  	(erf) = vrcp.f32 v16  }
0xff: {  	(erf) = vpow2.f32 v15;
	_ =	sdelay $0x3  }
0x100: {  	v40 =	vld [tilespmem:$0x310];
	_ =	sdelay $0x3  }
0x101: {  	v15 =	vpop (erf)  }
0x102: {  	v16 =	vsub.f32 $0.0e+00, v40;
	v41 =	vpop (erf)  }
0x103: {  	v17 =	vadd.f32 $1.000000000e+00, v41  }
0x104: {  	v16 =	vmul.f32 $1.442695020e+00, v16  }
0x105: {  	(erf) = vrcp.f32 v17  }
0x106: {  	(erf) = vpow2.f32 v16;
	_ =	sdelay $0x3  }
0x107: {  	v42 =	vld [tilespmem:$0x390];
	_ =	sdelay $0x3  }
0x108: {  	v16 =	vpop (erf)  }
0x109: {  	v17 =	vsub.f32 $0.0e+00, v42;
	v43 =	vpop (erf)  }
0x10a: {  	v18 =	vadd.f32 $1.000000000e+00, v43  }
0x10b: {  	v17 =	vmul.f32 $1.442695020e+00, v17  }
0x10c: {  	(erf) = vrcp.f32 v18  }
0x10d: {  	(erf) = vpow2.f32 v17;
	_ =	sdelay $0x6  }
0x10e: {  	v45 =	vld [tilespmem:$0xC00]  }
0x10f: {  	v47 =	vld [tilespmem:$0xD00];
	v17 =	vpop (erf)  }
0x110: {  	v46 =	vld [tilespmem:$0xC80];
	v44 =	vpop (erf)  }
0x111: {  	v48 =	vld [tilespmem:$0xD80];
	v18 =	vadd.f32 $1.000000000e+00, v44;
	_ =	sdelay $0x1  }
0x112: {  	v49 =	vld [tilespmem:$0xE00];
	(erf) = vrcp.f32 v18  }
0x113: {  	v50 =	vld [tilespmem:$0xE80]  }
0x114: {  	v19 =	vadd.f32 v45, v11;
	v20 =	vadd.f32 v46, v12  }
0x115: {  	v21 =	vadd.f32 v47, v13;
	v27 =	vadd.f32 v48, v14  }
0x116: {  	v51 =	vld [tilespmem:$0xF00]  }
0x117: {  	v52 =	vld [tilespmem:$0xF80];
	v53 =	vadd.f32 v20, v19;
	v54 =	vadd.f32 v27, v21  }
0x118: {  	v28 =	vadd.f32 v49, v15;
	v29 =	vadd.f32 v50, v16;
	_ =	sdelay $0x1  }
0x119: {  	vm11 =	vgt.f32 v54, v53;
	vm13 =	vge.f32 v53, v54;
	v26 =	vadd.f32 v29, v28  }
0x11a: {  	v55 =	vsel vm11, $0x3F800000, v0;
	v56 =	vsel vm13, $0x3F800000, v0;
	v18 =	vpop (erf)  }
0x11b: {  	vm12 =	vgt.f32 v26, v53;
	v30 =	vadd.f32 v51, v17;
	v31 =	vadd.f32 v52, v18  }
0x11c: {  	vm14 =	vgt.f32 v26, v54;
	vm5 =	vge.f32 v53, v26;
	vm6 =	vge.f32 v54, v26  }
0x11d: {  	v32 =	vsel vm12, $0x3F800000, v0;
	v33 =	vsel vm14, $0x3F800000, v0;
	v24 =	vadd.f32 v31, v30  }
0x11e: {  	v58 =	vsel vm5, $0x3F800000, v0;
	v59 =	vsel vm6, $0x3F800000, v0;
	v25 =	vadd.f32 v32, v55  }
0x11f: {  	v32 =	vadd.f32 v33, v56;
	vm15 =	vgt.f32 v24, v53;
	vm4 =	vgt.f32 v24, v54  }
0x120: {  	vm9 =	vgt.f32 v24, v26;
	vm10 =	vge.f32 v53, v24;
	vm11 =	vge.f32 v54, v24  }
0x121: {  	vm12 =	vge.f32 v26, v24;
	v34 =	vsel vm15, $0x3F800000, v0;
	v57 =	vsel vm4, $0x3F800000, v0  }
0x122: {  	v22 =	vsel vm10, $0x3F800000, v0;
	v23 =	vsel vm11, $0x3F800000, v0;
	v25 =	vadd.f32 v34, v25  }
0x123: {  	v60 =	vsel vm9, $0x3F800000, v0;
	v32 =	vadd.f32 v57, v32;
	v22 =	vadd.f32 v23, v22  }
0x124: {  	v62 =	vsel vm12, $0x3F800000, v0;
	vm7 =	vlt.f32 v25, $2.000000000e+00;
	v25 =	vadd.f32 v59, v58  }
0x125: {  	vm8 =	vlt.f32 v32, $2.000000000e+00;
	v63 =	vadd.f32 v22, v62;
	v26 =	vnsel vm7, $0xF149F2CA, v20  }
0x126: {  	v23 =	vnsel vm8, $0xF149F2CA, v21;
	v22 =	vnsel vm8, $0xF149F2CA, v27;
	v61 =	vadd.f32 v60, v25  }
0x127: {  	v25 =	vnsel vm7, $0xF149F2CA, v19;
	vm5 =	vlt.f32 v63, $2.000000000e+00;
	vm8 =	vgt.f32 v23, v26  }
0x128: {  	vm10 =	vgt.f32 v22, v26;
	vm13 =	vgt.f32 v26, v25;
	vm14 =	vgt.f32 v23, v25  }
0x129: {  	vm4 =	vgt.f32 v22, v25;
	v19 =	vnsel vm5, $0xF149F2CA, v30;
	vm7 =	vge.f32 v25, v26  }
0x12a: {  	v37 =	vsel vm8, $0x3F800000, v0;
	v39 =	vsel vm10, $0x3F800000, v0;
	v27 =	vsel vm13, $0x3F800000, v0  }
0x12b: {  	v32 =	vsel vm14, $0x3F800000, v0;
	vm15 =	vlt.f32 v61, $2.000000000e+00;
	v33 =	vsel vm4, $0x3F800000, v0  }
0x12c: {  	v36 =	vsel vm7, $0x3F800000, v0;
	vm11 =	vgt.f32 v19, v25;
	vm4 =	vge.f32 v26, v23  }
0x12d: {  	v20 =	vadd.f32 v32, v27;
	v24 =	vnsel vm15, $0xF149F2CA, v28;
	v21 =	vnsel vm15, $0xF149F2CA, v29  }
0x12e: {  	v28 =	vadd.f32 v37, v36;
	v40 =	vsel vm11, $0x3F800000, v0;
	vm15 =	vge.f32 v25, v23  }
0x12f: {  	v45 =	vsel vm4, $0x3F800000, v0;
	vm6 =	vgt.f32 v24, v25;
	vm9 =	vgt.f32 v21, v25  }
0x130: {  	vm12 =	vgt.f32 v24, v26;
	vm14 =	vgt.f32 v21, v26;
	v44 =	vsel vm15, $0x3F800000, v0  }
0x131: {  	vm8 =	vgt.f32 v24, v23;
	vm10 =	vgt.f32 v21, v23;
	vm15 =	vge.f32 v23, v22  }
0x132: {  	v34 =	vadd.f32 v20, v33;
	v20 =	vnsel vm5, $0xF149F2CA, v31;
	v35 =	vsel vm6, $0x3F800000, v0  }
0x133: {  	v38 =	vsel vm9, $0x3F800000, v0;
	v28 =	vadd.f32 v28, v39;
	v41 =	vsel vm12, $0x3F800000, v0  }
0x134: {  	v43 =	vsel vm14, $0x3F800000, v0;
	vm5 =	vgt.f32 v19, v26;
	v29 =	vadd.f32 v45, v44  }
0x135: {  	vm6 =	vgt.f32 v22, v23;
	v49 =	vsel vm8, $0x3F800000, v0;
	v51 =	vsel vm10, $0x3F800000, v0  }
0x136: {  	vm12 =	vge.f32 v25, v22;
	vm14 =	vgt.f32 v19, v23;
	v55 =	vsel vm15, $0x3F800000, v0  }
0x137: {  	vm8 =	vgt.f32 v21, v22;
	vm10 =	vgt.f32 v19, v22;
	vm15 =	vge.f32 v25, v21  }
0x138: {  	vm13 =	vgt.f32 v20, v25;
	v46 =	vsel vm5, $0x3F800000, v0;
	vm7 =	vgt.f32 v20, v26  }
0x139: {  	v47 =	vsel vm6, $0x3F800000, v0;
	v52 =	vsel vm12, $0x3F800000, v0;
	v54 =	vsel vm14, $0x3F800000, v0  }
0x13a: {  	vm4 =	vgt.f32 v20, v23;
	vm5 =	vgt.f32 v24, v22;
	vm6 =	vge.f32 v25, v24  }
0x13b: {  	v60 =	vsel vm8, $0x3F800000, v0;
	v62 =	vsel vm10, $0x3F800000, v0;
	vm12 =	vgt.f32 v20, v22  }
0x13c: {  	v36 =	vsel vm15, $0x3F800000, v0;
	vm8 =	vge.f32 v23, v21;
	vm10 =	vge.f32 v22, v21  }
0x13d: {  	vm15 =	vge.f32 v26, v19;
	v27 =	vadd.f32 v34, v35;
	v42 =	vsel vm13, $0x3F800000, v0  }
0x13e: {  	v28 =	vadd.f32 v28, v41;
	v48 =	vsel vm7, $0x3F800000, v0;
	v29 =	vadd.f32 v29, v47  }
0x13f: {  	vm13 =	vge.f32 v26, v22;
	v56 =	vsel vm4, $0x3F800000, v0;
	v57 =	vsel vm5, $0x3F800000, v0  }
0x140: {  	vm7 =	vge.f32 v26, v24;
	v58 =	vsel vm6, $0x3F800000, v0;
	v33 =	vsel vm12, $0x3F800000, v0  }
0x141: {  	vm6 =	vge.f32 v26, v21;
	v39 =	vsel vm8, $0x3F800000, v0;
	v41 =	vsel vm10, $0x3F800000, v0  }
0x142: {  	vm12 =	vge.f32 v24, v21;
	v45 =	vsel vm15, $0x3F800000, v0;
	v28 =	vadd.f32 v28, v43  }
0x143: {  	vm8 =	vgt.f32 v20, v21;
	vm10 =	vge.f32 v25, v20;
	vm15 =	vge.f32 v22, v20  }
0x144: {  	vm4 =	vgt.f32 v20, v19;
	vm5 =	vge.f32 v24, v20;
	v28 =	vadd.f32 v28, v46  }
0x145: {  	v53 =	vsel vm13, $0x3F800000, v0;
	v59 =	vsel vm7, $0x3F800000, v0;
	v27 =	vadd.f32 v27, v38  }
0x146: {  	vm13 =	vgt.f32 v21, v24;
	vm7 =	vgt.f32 v19, v24;
	v28 =	vadd.f32 v28, v48  }
0x147: {  	v37 =	vsel vm6, $0x3F800000, v0;
	vm6 =	vgt.f32 v19, v21;
	v27 =	vadd.f32 v27, v40  }
0x148: {  	v50 =	vadd.f32 v29, v49;
	vm11 =	vlt.f32 v28, $2.000000000e+00;
	v28 =	vadd.f32 v53, v52  }
0x149: {  	v29 =	vadd.f32 v59, v58;
	v35 =	vsel vm13, $0x3F800000, v0;
	v27 =	vadd.f32 v27, v42  }
0x14a: {  	v38 =	vsel vm7, $0x3F800000, v0;
	v43 =	vsel vm12, $0x3F800000, v0;
	v28 =	vadd.f32 v28, v55  }
0x14b: {  	vm7 =	vge.f32 v23, v19;
	vm12 =	vge.f32 v24, v19;
	vm9 =	vlt.f32 v27, $2.000000000e+00  }
0x14c: {  	v11 =	vnsel vm9, $0x0, v11;
	vm9 =	vge.f32 v23, v24;
	v28 =	vadd.f32 v28, v57  }
0x14d: {  	v27 =	vadd.f32 v50, v51;
	v12 =	vnsel vm11, $0x0, v12;
	v61 =	vsel vm9, $0x3F800000, v0  }
0x14e: {  	vm11 =	vge.f32 v22, v24;
	v29 =	vadd.f32 v29, v61;
	v28 =	vadd.f32 v28, v60  }
0x14f: {  	v47 =	vsel vm7, $0x3F800000, v0;
	v27 =	vadd.f32 v27, v54;
	v63 =	vsel vm11, $0x3F800000, v0  }
0x150: {  	v46 =	vsel vm6, $0x3F800000, v0;
	v29 =	vadd.f32 v29, v63;
	v28 =	vadd.f32 v28, v62  }
0x151: {  	vm6 =	vge.f32 v21, v20;
	v48 =	vsel vm8, $0x3F800000, v0;
	v27 =	vadd.f32 v27, v56  }
0x152: {  	v50 =	vsel vm12, $0x3F800000, v0;
	v34 =	vadd.f32 v28, v33;
	v28 =	vadd.f32 v29, v35  }
0x153: {  	vm9 =	vgt.f32 v20, v24;
	v53 =	vadd.f32 v12, v11;
	vm14 =	vlt.f32 v27, $2.000000000e+00  }
0x154: {  	v40 =	vsel vm9, $0x3F800000, v0;
	v13 =	vnsel vm14, $0x0, v13;
	v28 =	vadd.f32 v28, v38  }
0x155: {  	vm14 =	vge.f32 v25, v19;
	v25 =	vsel vm10, $0x3F800000, v0;
	v29 =	vadd.f32 v37, v36  }
0x156: {  	v44 =	vsel vm14, $0x3F800000, v0;
	vm11 =	vlt.f32 v34, $2.000000000e+00;
	v28 =	vadd.f32 v28, v40  }
0x157: {  	v29 =	vadd.f32 v29, v39;
	v14 =	vnsel vm11, $0x0, v14;
	vm11 =	vge.f32 v26, v20  }
0x158: {  	v26 =	vsel vm11, $0x3F800000, v0;
	vm13 =	vlt.f32 v28, $2.000000000e+00;
	v28 =	vadd.f32 v45, v44  }
0x159: {  	vm9 =	vge.f32 v22, v19;
	v42 =	vadd.f32 v29, v41;
	v25 =	vadd.f32 v26, v25  }
0x15a: {  	v15 =	vnsel vm13, $0x0, v15;
	vm13 =	vge.f32 v23, v20;
	v28 =	vadd.f32 v28, v47  }
0x15b: {  	v49 =	vsel vm9, $0x3F800000, v0;
	v27 =	vadd.f32 v42, v43;
	v52 =	vsel vm13, $0x3F800000, v0  }
0x15c: {  	v55 =	vsel vm15, $0x3F800000, v0;
	v25 =	vadd.f32 v25, v52;
	v28 =	vadd.f32 v28, v49  }
0x15d: {  	v57 =	vsel vm5, $0x3F800000, v0;
	v22 =	vadd.f32 v53, v13;
	v27 =	vadd.f32 v27, v46  }
0x15e: {  	vm14 =	vge.f32 v21, v19;
	v25 =	vadd.f32 v25, v55;
	v51 =	vadd.f32 v28, v50  }
0x15f: {  	v54 =	vsel vm14, $0x3F800000, v0;
	v58 =	vadd.f32 v22, v14;
	v27 =	vadd.f32 v27, v48  }
0x160: {  	vm8 =	vge.f32 v19, v20;
	v25 =	vadd.f32 v25, v57;
	v23 =	vadd.f32 v51, v54  }
0x161: {  	v56 =	vsel vm4, $0x3F800000, v0;
	v60 =	vsel vm6, $0x3F800000, v0;
	v61 =	vadd.f32 v58, v15  }
0x162: {  	vm7 =	vlt.f32 v27, $2.000000000e+00;
	v59 =	vadd.f32 v23, v56;
	v23 =	vadd.f32 v25, v60  }
0x163: {  	v20 =	vsel vm8, $0x3F800000, v0;
	v16 =	vnsel vm7, $0x0, v16  }
0x164: {  	v62 =	vld [tilespmem:$0x20];
	v19 =	vadd.f32 v61, v16;
	vm9 =	vlt.f32 v59, $2.000000000e+00;
	v20 =	vadd.f32 v23, v20  }
0x165: {  	v17 =	vnsel vm9, $0x0, v17  }
0x166: {  	vm10 =	vlt.f32 v20, $2.000000000e+00;
	v19 =	vadd.f32 v19, v17  }
0x167: {  	v18 =	vnsel vm10, $0x0, v18  }
0x168: {  	v19 =	vadd.f32 v19, v18  }
0x169: {  	v63 =	vsub.f32 $0.0e+00, v62  }
0x16a: {  	v19 =	vadd.f32 $9.999999680e-21, v19  }
0x16b: {  	v20 =	vmul.f32 $1.442695020e+00, v63  }
0x16c: {  	(erf) = vrcp.f32 v19  }
0x16d: {  	(erf) = vpow2.f32 v20;
	_ =	sdelay $0x3  }
0x16e: {  	v24 =	vld [tilespmem:$0xA0];
	_ =	sdelay $0x3  }
0x16f: {  	v19 =	vpop (erf)  }
0x170: {  	v20 =	vsub.f32 $0.0e+00, v24;
	v25 =	vpop (erf)  }
0x171: {  	v21 =	vadd.f32 $1.000000000e+00, v25  }
0x172: {  	v20 =	vmul.f32 $1.442695020e+00, v20  }
0x173: {  	(erf) = vrcp.f32 v21  }
0x174: {  	(erf) = vpow2.f32 v20;
	_ =	sdelay $0x3  }
0x175: {  	v26 =	vld [tilespmem:$0x120];
	_ =	sdelay $0x3  }
0x176: {  	v20 =	vpop (erf)  }
0x177: {  	v21 =	vsub.f32 $0.0e+00, v26;
	v27 =	vpop (erf)  }
0x178: {  	v22 =	vadd.f32 $1.000000000e+00, v27  }
0x179: {  	v21 =	vmul.f32 $1.442695020e+00, v21  }
0x17a: {  	(erf) = vrcp.f32 v22  }
0x17b: {  	(erf) = vpow2.f32 v21;
	_ =	sdelay $0x3  }
0x17c: {  	v28 =	vld [tilespmem:$0x1A0];
	_ =	sdelay $0x3  }
0x17d: {  	v21 =	vpop (erf)  }
0x17e: {  	v22 =	vsub.f32 $0.0e+00, v28;
	v29 =	vpop (erf)  }
0x17f: {  	v23 =	vadd.f32 $1.000000000e+00, v29  }
0x180: {  	v22 =	vmul.f32 $1.442695020e+00, v22  }
0x181: {  	(erf) = vrcp.f32 v23  }
0x182: {  	(erf) = vpow2.f32 v22;
	_ =	sdelay $0x3  }
0x183: {  	v30 =	vld [tilespmem:$0x220];
	_ =	sdelay $0x3  }
0x184: {  	v22 =	vpop (erf)  }
0x185: {  	v23 =	vsub.f32 $0.0e+00, v30;
	v31 =	vpop (erf)  }
0x186: {  	v24 =	vadd.f32 $1.000000000e+00, v31  }
0x187: {  	v23 =	vmul.f32 $1.442695020e+00, v23  }
0x188: {  	(erf) = vrcp.f32 v24  }
0x189: {  	(erf) = vpow2.f32 v23;
	_ =	sdelay $0x3  }
0x18a: {  	v32 =	vld [tilespmem:$0x2A0];
	_ =	sdelay $0x3  }
0x18b: {  	v23 =	vpop (erf)  }
0x18c: {  	v24 =	vsub.f32 $0.0e+00, v32;
	v33 =	vpop (erf)  }
0x18d: {  	v25 =	vadd.f32 $1.000000000e+00, v33  }
0x18e: {  	v24 =	vmul.f32 $1.442695020e+00, v24  }
0x18f: {  	(erf) = vrcp.f32 v25  }
0x190: {  	(erf) = vpow2.f32 v24;
	_ =	sdelay $0x3  }
0x191: {  	v34 =	vld [tilespmem:$0x320];
	_ =	sdelay $0x3  }
0x192: {  	v24 =	vpop (erf)  }
0x193: {  	v25 =	vsub.f32 $0.0e+00, v34;
	v35 =	vpop (erf)  }
0x194: {  	v26 =	vadd.f32 $1.000000000e+00, v35  }
0x195: {  	v25 =	vmul.f32 $1.442695020e+00, v25  }
0x196: {  	(erf) = vrcp.f32 v26  }
0x197: {  	(erf) = vpow2.f32 v25;
	_ =	sdelay $0x3  }
0x198: {  	v36 =	vld [tilespmem:$0x3A0];
	_ =	sdelay $0x3  }
0x199: {  	v25 =	vpop (erf)  }
0x19a: {  	v26 =	vsub.f32 $0.0e+00, v36;
	v37 =	vpop (erf)  }
0x19b: {  	v27 =	vadd.f32 $1.000000000e+00, v37  }
0x19c: {  	v26 =	vmul.f32 $1.442695020e+00, v26  }
0x19d: {  	(erf) = vrcp.f32 v27  }
0x19e: {  	(erf) = vpow2.f32 v26;
	_ =	sdelay $0x6  }
0x19f: {  	v39 =	vld [tilespmem:$0xC00]  }
0x1a0: {  	v40 =	vld [tilespmem:$0xC80];
	v26 =	vpop (erf)  }
0x1a1: {  	v41 =	vld [tilespmem:$0xD00];
	v38 =	vpop (erf)  }
0x1a2: {  	v42 =	vld [tilespmem:$0xD80];
	v27 =	vadd.f32 $1.000000000e+00, v38;
	_ =	sdelay $0x1  }
0x1a3: {  	v43 =	vld [tilespmem:$0xE00];
	(erf) = vrcp.f32 v27  }
0x1a4: {  	v44 =	vld [tilespmem:$0xE80]  }
0x1a5: {  	v28 =	vadd.f32 v39, v20;
	v29 =	vadd.f32 v40, v21  }
0x1a6: {  	v30 =	vadd.f32 v41, v22;
	v36 =	vadd.f32 v42, v23  }
0x1a7: {  	v45 =	vld [tilespmem:$0xF00]  }
0x1a8: {  	v46 =	vld [tilespmem:$0xF80];
	v47 =	vadd.f32 v29, v28;
	v48 =	vadd.f32 v36, v30  }
0x1a9: {  	v37 =	vadd.f32 v43, v24;
	v38 =	vadd.f32 v44, v25;
	_ =	sdelay $0x1  }
0x1aa: {  	vm11 =	vgt.f32 v48, v47;
	vm13 =	vge.f32 v47, v48;
	v35 =	vadd.f32 v38, v37  }
0x1ab: {  	v49 =	vsel vm11, $0x3F800000, v0;
	v50 =	vsel vm13, $0x3F800000, v0;
	v27 =	vpop (erf)  }
0x1ac: {  	v39 =	vadd.f32 v45, v26;
	vm12 =	vgt.f32 v35, v47;
	v40 =	vadd.f32 v46, v27  }
0x1ad: {  	vm14 =	vgt.f32 v35, v48;
	vm5 =	vge.f32 v47, v35;
	vm6 =	vge.f32 v48, v35  }
0x1ae: {  	v41 =	vsel vm12, $0x3F800000, v0;
	v42 =	vsel vm14, $0x3F800000, v0;
	v33 =	vadd.f32 v40, v39  }
0x1af: {  	v52 =	vsel vm5, $0x3F800000, v0;
	v53 =	vsel vm6, $0x3F800000, v0;
	v34 =	vadd.f32 v41, v49  }
0x1b0: {  	v41 =	vadd.f32 v42, v50;
	vm15 =	vgt.f32 v33, v47;
	vm4 =	vgt.f32 v33, v48  }
0x1b1: {  	vm9 =	vgt.f32 v33, v35;
	vm10 =	vge.f32 v47, v33;
	vm11 =	vge.f32 v48, v33  }
0x1b2: {  	vm12 =	vge.f32 v35, v33;
	v43 =	vsel vm15, $0x3F800000, v0;
	v51 =	vsel vm4, $0x3F800000, v0  }
0x1b3: {  	v31 =	vsel vm10, $0x3F800000, v0;
	v32 =	vsel vm11, $0x3F800000, v0;
	v34 =	vadd.f32 v43, v34  }
0x1b4: {  	v54 =	vsel vm9, $0x3F800000, v0;
	v41 =	vadd.f32 v51, v41;
	v31 =	vadd.f32 v32, v31  }
0x1b5: {  	v56 =	vsel vm12, $0x3F800000, v0;
	vm7 =	vlt.f32 v34, $2.000000000e+00;
	v34 =	vadd.f32 v53, v52  }
0x1b6: {  	vm8 =	vlt.f32 v41, $2.000000000e+00;
	v57 =	vadd.f32 v31, v56;
	v35 =	vnsel vm7, $0xF149F2CA, v29  }
0x1b7: {  	v32 =	vnsel vm8, $0xF149F2CA, v30;
	v31 =	vnsel vm8, $0xF149F2CA, v36;
	v55 =	vadd.f32 v54, v34  }
0x1b8: {  	v34 =	vnsel vm7, $0xF149F2CA, v28;
	vm5 =	vlt.f32 v57, $2.000000000e+00;
	vm8 =	vgt.f32 v32, v35  }
0x1b9: {  	vm10 =	vgt.f32 v31, v35;
	vm13 =	vgt.f32 v35, v34;
	vm14 =	vgt.f32 v32, v34  }
0x1ba: {  	vm4 =	vgt.f32 v31, v34;
	v28 =	vnsel vm5, $0xF149F2CA, v39;
	vm7 =	vge.f32 v34, v35  }
0x1bb: {  	v42 =	vsel vm8, $0x3F800000, v0;
	v44 =	vsel vm10, $0x3F800000, v0;
	v58 =	vsel vm13, $0x3F800000, v0  }
0x1bc: {  	v59 =	vsel vm14, $0x3F800000, v0;
	vm15 =	vlt.f32 v55, $2.000000000e+00;
	v60 =	vsel vm4, $0x3F800000, v0  }
0x1bd: {  	v63 =	vsel vm7, $0x3F800000, v0;
	vm11 =	vgt.f32 v28, v34;
	vm4 =	vge.f32 v35, v32  }
0x1be: {  	v29 =	vadd.f32 v59, v58;
	v33 =	vnsel vm15, $0xF149F2CA, v37;
	v30 =	vnsel vm15, $0xF149F2CA, v38  }
0x1bf: {  	v37 =	vadd.f32 v42, v63;
	v45 =	vsel vm11, $0x3F800000, v0;
	vm15 =	vge.f32 v34, v32  }
0x1c0: {  	v50 =	vsel vm4, $0x3F800000, v0;
	vm6 =	vgt.f32 v33, v34;
	vm9 =	vgt.f32 v30, v34  }
0x1c1: {  	vm12 =	vgt.f32 v33, v35;
	vm14 =	vgt.f32 v30, v35;
	v49 =	vsel vm15, $0x3F800000, v0  }
0x1c2: {  	vm8 =	vgt.f32 v33, v32;
	vm10 =	vgt.f32 v30, v32;
	vm15 =	vge.f32 v32, v31  }
0x1c3: {  	v61 =	vadd.f32 v29, v60;
	v29 =	vnsel vm5, $0xF149F2CA, v40;
	v62 =	vsel vm6, $0x3F800000, v0  }
0x1c4: {  	v43 =	vsel vm9, $0x3F800000, v0;
	v37 =	vadd.f32 v37, v44;
	v46 =	vsel vm12, $0x3F800000, v0  }
0x1c5: {  	v48 =	vsel vm14, $0x3F800000, v0;
	vm5 =	vgt.f32 v28, v35;
	v38 =	vadd.f32 v50, v49  }
0x1c6: {  	vm6 =	vgt.f32 v31, v32;
	v54 =	vsel vm8, $0x3F800000, v0;
	v56 =	vsel vm10, $0x3F800000, v0  }
0x1c7: {  	vm12 =	vge.f32 v34, v31;
	vm14 =	vgt.f32 v28, v32;
	v60 =	vsel vm15, $0x3F800000, v0  }
0x1c8: {  	vm8 =	vgt.f32 v30, v31;
	vm10 =	vgt.f32 v28, v31;
	vm15 =	vge.f32 v34, v30  }
0x1c9: {  	vm13 =	vgt.f32 v29, v34;
	v51 =	vsel vm5, $0x3F800000, v0;
	vm7 =	vgt.f32 v29, v35  }
0x1ca: {  	v52 =	vsel vm6, $0x3F800000, v0;
	v57 =	vsel vm12, $0x3F800000, v0;
	v59 =	vsel vm14, $0x3F800000, v0  }
0x1cb: {  	vm4 =	vgt.f32 v29, v32;
	vm5 =	vgt.f32 v33, v31;
	vm6 =	vge.f32 v34, v33  }
0x1cc: {  	vm12 =	vgt.f32 v29, v31;
	v36 =	vadd.f32 v61, v62;
	v47 =	vsel vm13, $0x3F800000, v0  }
0x1cd: {  	v37 =	vadd.f32 v37, v46;
	v53 =	vsel vm7, $0x3F800000, v0;
	v38 =	vadd.f32 v38, v52  }
0x1ce: {  	vm13 =	vge.f32 v35, v31;
	v61 =	vsel vm4, $0x3F800000, v0;
	v62 =	vsel vm5, $0x3F800000, v0  }
0x1cf: {  	vm7 =	vge.f32 v35, v33;
	v63 =	vsel vm6, $0x3F800000, v0;
	v49 =	vsel vm12, $0x3F800000, v0  }
0x1d0: {  	vm6 =	vge.f32 v35, v30;
	v52 =	vsel vm15, $0x3F800000, v0;
	vm12 =	vge.f32 v33, v30  }
0x1d1: {  	vm15 =	vge.f32 v35, v28;
	vm4 =	vgt.f32 v29, v28;
	vm5 =	vge.f32 v33, v29  }
0x1d2: {  	v58 =	vsel vm13, $0x3F800000, v0;
	v44 =	vsel vm7, $0x3F800000, v0;
	vm13 =	vgt.f32 v30, v33  }
0x1d3: {  	vm7 =	vgt.f32 v28, v33;
	v36 =	vadd.f32 v36, v43;
	v37 =	vadd.f32 v37, v48  }
0x1d4: {  	v55 =	vadd.f32 v38, v54;
	v38 =	vadd.f32 v44, v63;
	v54 =	vsel vm7, $0x3F800000, v0  }
0x1d5: {  	vm7 =	vge.f32 v32, v28;
	v36 =	vadd.f32 v36, v45;
	v37 =	vadd.f32 v37, v51  }
0x1d6: {  	v63 =	vsel vm7, $0x3F800000, v0;
	v45 =	vsel vm8, $0x3F800000, v0;
	v51 =	vsel vm13, $0x3F800000, v0  }
0x1d7: {  	vm8 =	vge.f32 v32, v30;
	v36 =	vadd.f32 v36, v47;
	v37 =	vadd.f32 v37, v53  }
0x1d8: {  	v47 =	vsel vm10, $0x3F800000, v0;
	v53 =	vsel vm6, $0x3F800000, v0;
	vm10 =	vge.f32 v31, v30  }
0x1d9: {  	vm6 =	vgt.f32 v28, v30;
	vm11 =	vlt.f32 v37, $2.000000000e+00;
	v37 =	vadd.f32 v58, v57  }
0x1da: {  	vm9 =	vlt.f32 v36, $2.000000000e+00;
	v36 =	vadd.f32 v55, v56;
	v55 =	vsel vm8, $0x3F800000, v0  }
0x1db: {  	v57 =	vsel vm10, $0x3F800000, v0;
	vm8 =	vgt.f32 v29, v30;
	v37 =	vadd.f32 v37, v60  }
0x1dc: {  	vm10 =	vge.f32 v34, v29;
	v20 =	vnsel vm9, $0x0, v20;
	v21 =	vnsel vm11, $0x0, v21  }
0x1dd: {  	vm9 =	vge.f32 v32, v33;
	vm11 =	vge.f32 v31, v33;
	v37 =	vadd.f32 v37, v62  }
0x1de: {  	v42 =	vsel vm8, $0x3F800000, v0;
	v36 =	vadd.f32 v36, v59;
	v46 =	vsel vm9, $0x3F800000, v0  }
0x1df: {  	vm8 =	vge.f32 v28, v29;
	v38 =	vadd.f32 v38, v46;
	v37 =	vadd.f32 v37, v45  }
0x1e0: {  	v48 =	vsel vm11, $0x3F800000, v0;
	vm9 =	vgt.f32 v29, v33;
	v59 =	vsel vm12, $0x3F800000, v0  }
0x1e1: {  	vm12 =	vge.f32 v33, v28;
	v38 =	vadd.f32 v38, v48;
	v37 =	vadd.f32 v37, v47  }
0x1e2: {  	v56 =	vsel vm9, $0x3F800000, v0;
	vm9 =	vge.f32 v31, v28;
	v36 =	vadd.f32 v36, v61  }
0x1e3: {  	v44 =	vsel vm12, $0x3F800000, v0;
	v50 =	vadd.f32 v37, v49;
	v37 =	vadd.f32 v38, v51  }
0x1e4: {  	v61 =	vsel vm15, $0x3F800000, v0;
	v62 =	vsel vm6, $0x3F800000, v0;
	vm14 =	vlt.f32 v36, $2.000000000e+00  }
0x1e5: {  	v43 =	vsel vm9, $0x3F800000, v0;
	v22 =	vnsel vm14, $0x0, v22;
	v37 =	vadd.f32 v37, v54  }
0x1e6: {  	vm14 =	vge.f32 v34, v28;
	v34 =	vsel vm10, $0x3F800000, v0;
	v38 =	vadd.f32 v53, v52  }
0x1e7: {  	v60 =	vsel vm14, $0x3F800000, v0;
	vm11 =	vlt.f32 v50, $2.000000000e+00;
	v37 =	vadd.f32 v37, v56  }
0x1e8: {  	v38 =	vadd.f32 v38, v55;
	v23 =	vnsel vm11, $0x0, v23;
	vm11 =	vge.f32 v35, v29  }
0x1e9: {  	v35 =	vsel vm11, $0x3F800000, v0;
	vm13 =	vlt.f32 v37, $2.000000000e+00;
	v37 =	vadd.f32 v61, v60  }
0x1ea: {  	vm15 =	vge.f32 v31, v29;
	v58 =	vadd.f32 v38, v57;
	v34 =	vadd.f32 v35, v34  }
0x1eb: {  	v24 =	vnsel vm13, $0x0, v24;
	vm13 =	vge.f32 v32, v29;
	v37 =	vadd.f32 v37, v63  }
0x1ec: {  	v47 =	vadd.f32 v21, v20;
	v36 =	vadd.f32 v58, v59;
	v46 =	vsel vm13, $0x3F800000, v0  }
0x1ed: {  	vm14 =	vge.f32 v30, v28;
	v34 =	vadd.f32 v34, v46;
	v37 =	vadd.f32 v37, v43  }
0x1ee: {  	v49 =	vsel vm15, $0x3F800000, v0;
	v31 =	vadd.f32 v47, v22;
	v36 =	vadd.f32 v36, v62  }
0x1ef: {  	v48 =	vsel vm14, $0x3F800000, v0;
	v34 =	vadd.f32 v34, v49;
	v45 =	vadd.f32 v37, v44  }
0x1f0: {  	v51 =	vsel vm5, $0x3F800000, v0;
	v52 =	vadd.f32 v31, v23;
	v36 =	vadd.f32 v36, v42  }
0x1f1: {  	vm6 =	vge.f32 v30, v29;
	v34 =	vadd.f32 v34, v51;
	v32 =	vadd.f32 v45, v48  }
0x1f2: {  	v50 =	vsel vm4, $0x3F800000, v0;
	v54 =	vsel vm6, $0x3F800000, v0;
	v55 =	vadd.f32 v52, v24  }
0x1f3: {  	vm7 =	vlt.f32 v36, $2.000000000e+00;
	v53 =	vadd.f32 v32, v50;
	v32 =	vadd.f32 v34, v54  }
0x1f4: {  	v29 =	vsel vm8, $0x3F800000, v0;
	v25 =	vnsel vm7, $0x0, v25  }
0x1f5: {  	v56 =	vld [tilespmem:$0x30];
	v28 =	vadd.f32 v55, v25;
	vm9 =	vlt.f32 v53, $2.000000000e+00;
	v29 =	vadd.f32 v32, v29  }
0x1f6: {  	v26 =	vnsel vm9, $0x0, v26  }
0x1f7: {  	vm10 =	vlt.f32 v29, $2.000000000e+00;
	v28 =	vadd.f32 v28, v26  }
0x1f8: {  	v27 =	vnsel vm10, $0x0, v27  }
0x1f9: {  	v28 =	vadd.f32 v28, v27  }
0x1fa: {  	v57 =	vsub.f32 $0.0e+00, v56  }
0x1fb: {  	v28 =	vadd.f32 $9.999999680e-21, v28  }
0x1fc: {  	v29 =	vmul.f32 $1.442695020e+00, v57  }
0x1fd: {  	(erf) = vrcp.f32 v28  }
0x1fe: {  	(erf) = vpow2.f32 v29;
	_ =	sdelay $0x3  }
0x1ff: {  	v58 =	vld [tilespmem:$0xB0];
	_ =	sdelay $0x3  }
0x200: {  	v28 =	vpop (erf)  }
0x201: {  	v29 =	vsub.f32 $0.0e+00, v58;
	v59 =	vpop (erf)  }
0x202: {  	v30 =	vadd.f32 $1.000000000e+00, v59  }
0x203: {  	v29 =	vmul.f32 $1.442695020e+00, v29  }
0x204: {  	(erf) = vrcp.f32 v30  }
0x205: {  	(erf) = vpow2.f32 v29;
	_ =	sdelay $0x3  }
0x206: {  	v60 =	vld [tilespmem:$0x130];
	_ =	sdelay $0x3  }
0x207: {  	v34 =	vpop (erf)  }
0x208: {  	v29 =	vsub.f32 $0.0e+00, v60;
	v61 =	vpop (erf)  }
0x209: {  	v30 =	vadd.f32 $1.000000000e+00, v61  }
0x20a: {  	v29 =	vmul.f32 $1.442695020e+00, v29  }
0x20b: {  	(erf) = vrcp.f32 v30  }
0x20c: {  	(erf) = vpow2.f32 v29;
	_ =	sdelay $0x3  }
0x20d: {  	v62 =	vld [tilespmem:$0x1B0];
	_ =	sdelay $0x3  }
0x20e: {  	v35 =	vpop (erf)  }
0x20f: {  	v29 =	vsub.f32 $0.0e+00, v62;
	v63 =	vpop (erf)  }
0x210: {  	v30 =	vadd.f32 $1.000000000e+00, v63  }
0x211: {  	v29 =	vmul.f32 $1.442695020e+00, v29  }
0x212: {  	(erf) = vrcp.f32 v30  }
0x213: {  	(erf) = vpow2.f32 v29;
	_ =	sdelay $0x3  }
0x214: {  	v33 =	vld [tilespmem:$0x230];
	_ =	sdelay $0x3  }
0x215: {  	v36 =	vpop (erf)  }
0x216: {  	v29 =	vsub.f32 $0.0e+00, v33;
	v40 =	vpop (erf)  }
0x217: {  	v30 =	vadd.f32 $1.000000000e+00, v40  }
0x218: {  	v29 =	vmul.f32 $1.442695020e+00, v29  }
0x219: {  	(erf) = vrcp.f32 v30  }
0x21a: {  	(erf) = vpow2.f32 v29;
	_ =	sdelay $0x3  }
0x21b: {  	v41 =	vld [tilespmem:$0x2B0];
	_ =	sdelay $0x3  }
0x21c: {  	v30 =	vpop (erf)  }
0x21d: {  	v29 =	vsub.f32 $0.0e+00, v41;
	v42 =	vpop (erf)  }
0x21e: {  	v31 =	vadd.f32 $1.000000000e+00, v42  }
0x21f: {  	v29 =	vmul.f32 $1.442695020e+00, v29  }
0x220: {  	(erf) = vrcp.f32 v31  }
0x221: {  	(erf) = vpow2.f32 v29;
	_ =	sdelay $0x3  }
0x222: {  	v43 =	vld [tilespmem:$0x330];
	_ =	sdelay $0x3  }
0x223: {  	v31 =	vpop (erf)  }
0x224: {  	v29 =	vsub.f32 $0.0e+00, v43;
	v44 =	vpop (erf)  }
0x225: {  	v32 =	vadd.f32 $1.000000000e+00, v44  }
0x226: {  	v29 =	vmul.f32 $1.442695020e+00, v29  }
0x227: {  	(erf) = vrcp.f32 v32  }
0x228: {  	(erf) = vpow2.f32 v29;
	_ =	sdelay $0x3  }
0x229: {  	v45 =	vld [tilespmem:$0x3B0];
	_ =	sdelay $0x3  }
0x22a: {  	v32 =	vpop (erf)  }
0x22b: {  	v29 =	vsub.f32 $0.0e+00, v45;
	v46 =	vpop (erf)  }
0x22c: {  	v33 =	vadd.f32 $1.000000000e+00, v46  }
0x22d: {  	v29 =	vmul.f32 $1.442695020e+00, v29  }
0x22e: {  	(erf) = vrcp.f32 v33  }
0x22f: {  	(erf) = vpow2.f32 v29;
	_ =	sdelay $0x5  }
0x230: {  	v49 =	vld [tilespmem:$0xC80]  }
0x231: {  	v51 =	vld [tilespmem:$0xD80]  }
0x232: {  	v48 =	vld [tilespmem:$0xC00];
	v29 =	vpop (erf)  }
0x233: {  	v50 =	vld [tilespmem:$0xD00];
	v47 =	vpop (erf)  }
0x234: {  	v33 =	vadd.f32 $1.000000000e+00, v47  }
0x235: {  	v52 =	vld [tilespmem:$0xE00]  }
0x236: {  	v53 =	vld [tilespmem:$0xE80];
	(erf) = vrcp.f32 v33  }
0x237: {  	v37 =	vadd.f32 v48, v34;
	v38 =	vadd.f32 v49, v35  }
0x238: {  	v39 =	vadd.f32 v51, v30;
	v44 =	vadd.f32 v50, v36  }
0x239: {  	v2 =	vmul.f32 v8, v2;
	v3 =	vmul.f32 v8, v3  }
0x23a: {  	v4 =	vmul.f32 v8, v4;
	v55 =	vld [tilespmem:$0xF80];
	v56 =	vadd.f32 v38, v37;
	v57 =	vadd.f32 v39, v44  }
0x23b: {  	v6 =	vmul.f32 v8, v6;
	v54 =	vld [tilespmem:$0xF00];
	v45 =	vadd.f32 v52, v31;
	v46 =	vadd.f32 v53, v32  }
0x23c: {  	v2 =	vmul.f32 $2.500000000e+00, v2;
	v3 =	vmul.f32 $2.500000000e+00, v3  }
0x23d: {  	vm11 =	vgt.f32 v57, v56;
	vm14 =	vge.f32 v56, v57;
	v58 =	vadd.f32 v46, v45  }
0x23e: {  	v4 =	vmul.f32 $2.500000000e+00, v4;
	v49 =	vsel vm11, $0x3F800000, v0;
	v60 =	vsel vm14, $0x3F800000, v0  }
0x23f: {  	vm12 =	vgt.f32 v58, v56;
	vm15 =	vgt.f32 v58, v57;
	vm4 =	vge.f32 v56, v58;
	v33 =	vpop (erf)  }
0x240: {  	vm5 =	vge.f32 v57, v58;
	v47 =	vadd.f32 v54, v29;
	v48 =	vadd.f32 v55, v33  }
0x241: {  	v50 =	vsel vm12, $0x3F800000, v0;
	v51 =	vsel vm15, $0x3F800000, v0;
	v61 =	vsel vm4, $0x3F800000, v0  }
0x242: {  	v52 =	vsel vm5, $0x3F800000, v0;
	v49 =	vadd.f32 v50, v49;
	v43 =	vadd.f32 v48, v47  }
0x243: {  	v6 =	vmul.f32 $2.500000000e+00, v6;
	v50 =	vadd.f32 v51, v60;
	v51 =	vadd.f32 v52, v61  }
0x244: {  	vm13 =	vgt.f32 v43, v56;
	vm6 =	vgt.f32 v43, v57;
	vm7 =	vgt.f32 v43, v58  }
0x245: {  	vm10 =	vge.f32 v56, v43;
	vm11 =	vge.f32 v57, v43;
	vm14 =	vge.f32 v58, v43  }
0x246: {  	v59 =	vsel vm13, $0x3F800000, v0;
	v53 =	vsel vm6, $0x3F800000, v0;
	v62 =	vsel vm7, $0x3F800000, v0  }
0x247: {  	v52 =	vsel vm10, $0x3F800000, v0;
	v49 =	vadd.f32 v59, v49;
	v50 =	vadd.f32 v53, v50  }
0x248: {  	v43 =	vsel vm14, $0x3F800000, v0;
	v63 =	vadd.f32 v62, v51;
	v53 =	vsel vm11, $0x3F800000, v0  }
0x249: {  	v54 =	vadd.f32 v53, v52;
	vm8 =	vlt.f32 v49, $2.000000000e+00;
	vm9 =	vlt.f32 v50, $2.000000000e+00  }
0x24a: {  	vm12 =	vlt.f32 v63, $2.000000000e+00;
	v49 =	vmul.f32 v8, v10;
	v40 =	vnsel vm8, $0xF149F2CA, v37  }
0x24b: {  	v38 =	vnsel vm8, $0xF149F2CA, v38;
	v37 =	vnsel vm9, $0xF149F2CA, v44;
	v39 =	vnsel vm9, $0xF149F2CA, v39  }
0x24c: {  	v41 =	vnsel vm12, $0xF149F2CA, v45;
	v43 =	vadd.f32 v54, v43;
	v42 =	vnsel vm12, $0xF149F2CA, v46  }
0x24d: {  	vm0 =	vgt.f32 v38, v40;
	vm13 =	vgt.f32 v37, v40;
	vm1 =	vgt.f32 v39, v40  }
0x24e: {  	vm15 =	vgt.f32 v41, v40;
	vm5 =	vgt.f32 v42, v40;
	vm7 =	vge.f32 v40, v38  }
0x24f: {  	vm8 =	vgt.f32 v37, v38;
	vm9 =	vgt.f32 v39, v38;
	vm10 =	vgt.f32 v41, v38  }
0x250: {  	vm11 =	vge.f32 v40, v37;
	vm12 =	vge.f32 v38, v37;
	vm14 =	vgt.f32 v39, v37  }
0x251: {  	v55 =	vsel vm0, $0x3F800000, v0;
	v56 =	vsel vm13, $0x3F800000, v0;
	v58 =	vsel vm1, $0x3F800000, v0  }
0x252: {  	v60 =	vsel vm15, $0x3F800000, v0;
	vm4 =	vlt.f32 v43, $2.000000000e+00;
	v61 =	vsel vm5, $0x3F800000, v0  }
0x253: {  	v52 =	vsel vm7, $0x3F800000, v0;
	v53 =	vsel vm8, $0x3F800000, v0;
	vm13 =	vgt.f32 v42, v38  }
0x254: {  	vm7 =	vge.f32 v40, v39;
	vm8 =	vge.f32 v38, v39;
	v57 =	vadd.f32 v56, v55  }
0x255: {  	v43 =	vnsel vm4, $0xF149F2CA, v47;
	v46 =	vnsel vm4, $0xF149F2CA, v48;
	v54 =	vadd.f32 v53, v52  }
0x256: {  	v47 =	vmul.f32 v8, v5;
	v48 =	vmul.f32 v8, v9;
	v55 =	vsel vm9, $0x3F800000, v0  }
0x257: {  	v56 =	vsel vm10, $0x3F800000, v0;
	vm4 =	vgt.f32 v41, v37;
	v53 =	vsel vm7, $0x3F800000, v0  }
0x258: {  	vm10 =	vge.f32 v37, v39;
	vm6 =	vgt.f32 v43, v40;
	vm0 =	vgt.f32 v46, v40  }
0x259: {  	vm15 =	vgt.f32 v43, v38;
	vm5 =	vgt.f32 v46, v38;
	vm9 =	vgt.f32 v43, v37  }
0x25a: {  	vm7 =	vgt.f32 v46, v39;
	v59 =	vadd.f32 v57, v58;
	v62 =	vsel vm6, $0x3F800000, v0  }
0x25b: {  	v63 =	vsel vm0, $0x3F800000, v0;
	v5 =	vadd.f32 v54, v55;
	v57 =	vsel vm11, $0x3F800000, v0  }
0x25c: {  	v58 =	vsel vm12, $0x3F800000, v0;
	vm6 =	vgt.f32 v42, v37;
	v54 =	vsel vm8, $0x3F800000, v0  }
0x25d: {  	v55 =	vsel vm9, $0x3F800000, v0;
	vm11 =	vgt.f32 v46, v37;
	vm12 =	vgt.f32 v41, v39  }
0x25e: {  	vm8 =	vge.f32 v37, v41;
	vm9 =	vge.f32 v39, v41;
	v10 =	vadd.f32 v58, v57  }
0x25f: {  	v52 =	vsel vm6, $0x3F800000, v0;
	v57 =	vsel vm11, $0x3F800000, v0;
	v58 =	vsel vm12, $0x3F800000, v0  }
0x260: {  	vm6 =	vge.f32 v38, v41;
	v45 =	vsel vm9, $0x3F800000, v0;
	vm11 =	vgt.f32 v43, v41  }
0x261: {  	vm12 =	vgt.f32 v46, v41;
	vm9 =	vge.f32 v38, v43;
	v44 =	vadd.f32 v59, v60  }
0x262: {  	v5 =	vadd.f32 v5, v56;
	v59 =	vsel vm13, $0x3F800000, v0;
	v60 =	vsel vm14, $0x3F800000, v0  }
0x263: {  	v56 =	vsel vm10, $0x3F800000, v0;
	vm13 =	vgt.f32 v42, v39;
	vm10 =	vgt.f32 v42, v41  }
0x264: {  	v51 =	vsel vm11, $0x3F800000, v0;
	vm11 =	vge.f32 v39, v43;
	v10 =	vadd.f32 v10, v60  }
0x265: {  	v60 =	vsel vm13, $0x3F800000, v0;
	v50 =	vsel vm10, $0x3F800000, v0;
	v44 =	vadd.f32 v44, v61  }
0x266: {  	vm13 =	vge.f32 v40, v42;
	vm10 =	vge.f32 v37, v43;
	v5 =	vadd.f32 v5, v59  }
0x267: {  	v61 =	vsel vm15, $0x3F800000, v0;
	v44 =	vadd.f32 v44, v62;
	v62 =	vsel vm4, $0x3F800000, v0  }
0x268: {  	v5 =	vadd.f32 v5, v61;
	vm4 =	vgt.f32 v43, v39;
	v10 =	vadd.f32 v10, v62  }
0x269: {  	v62 =	vsel vm6, $0x3F800000, v0;
	vm6 =	vgt.f32 v43, v42;
	v44 =	vadd.f32 v44, v63  }
0x26a: {  	v63 =	vsel vm5, $0x3F800000, v0;
	vm5 =	vge.f32 v40, v41;
	v10 =	vadd.f32 v10, v52  }
0x26b: {  	v9 =	vadd.f32 v5, v63;
	v61 =	vsel vm5, $0x3F800000, v0;
	v63 =	vsel vm8, $0x3F800000, v0  }
0x26c: {  	v52 =	vsel vm12, $0x3F800000, v0;
	vm5 =	vge.f32 v41, v42;
	vm8 =	vge.f32 v40, v43  }
0x26d: {  	vm12 =	vge.f32 v41, v43;
	vm0 =	vlt.f32 v44, $2.000000000e+00;
	v44 =	vadd.f32 v54, v53  }
0x26e: {  	v53 =	vsel vm13, $0x3F800000, v0;
	vm13 =	vge.f32 v40, v46;
	v10 =	vadd.f32 v10, v55  }
0x26f: {  	v40 =	vsel vm12, $0x3F800000, v0;
	v5 =	vnsel vm0, $0x0, v34;
	v44 =	vadd.f32 v44, v56  }
0x270: {  	vm14 =	vlt.f32 v9, $2.000000000e+00;
	v10 =	vadd.f32 v10, v57;
	v57 =	vsel vm5, $0x3F800000, v0  }
0x271: {  	vm5 =	vge.f32 v37, v46;
	v59 =	vadd.f32 v44, v58;
	v44 =	vsel vm7, $0x3F800000, v0  }
0x272: {  	v58 =	vsel vm6, $0x3F800000, v0;
	vm7 =	vgt.f32 v46, v42;
	vm15 =	vlt.f32 v10, $2.000000000e+00  }
0x273: {  	v10 =	vnsel vm14, $0x0, v35;
	v35 =	vsel vm4, $0x3F800000, v0;
	vm14 =	vge.f32 v38, v42  }
0x274: {  	vm4 =	vge.f32 v39, v42;
	v9 =	vnsel vm15, $0x0, v36;
	v34 =	vadd.f32 v59, v60  }
0x275: {  	v36 =	vadd.f32 v62, v61;
	vm15 =	vge.f32 v37, v42;
	v54 =	vsel vm14, $0x3F800000, v0  }
0x276: {  	v56 =	vsel vm4, $0x3F800000, v0;
	v59 =	vsel vm7, $0x3F800000, v0;
	v60 =	vsel vm8, $0x3F800000, v0  }
0x277: {  	v61 =	vsel vm9, $0x3F800000, v0;
	v62 =	vsel vm10, $0x3F800000, v0;
	v36 =	vadd.f32 v36, v63  }
0x278: {  	vm14 =	vge.f32 v42, v43;
	vm4 =	vge.f32 v38, v46;
	vm7 =	vge.f32 v39, v46  }
0x279: {  	v39 =	vsel vm13, $0x3F800000, v0;
	vm8 =	vge.f32 v41, v46;
	v36 =	vadd.f32 v36, v45  }
0x27a: {  	[tilespmem:$0x400] =	vst v1;
	vm9 =	vge.f32 v42, v46;
	v42 =	vsel vm5, $0x3F800000, v0;
	v55 =	vsel vm15, $0x3F800000, v0  }
0x27b: {  	[tilespmem:$0x480] =	vst v1;
	vm15 =	vgt.f32 v46, v43;
	v34 =	vadd.f32 v34, v35;
	v36 =	vadd.f32 v36, v50  }
0x27c: {  	[tilespmem:$0x500] =	vst v1;
	v35 =	vmul.f32 $2.500000000e+00, v48;
	v48 =	vmul.f32 $2.500000000e+00, v49;
	v49 =	vadd.f32 v54, v53  }
0x27d: {  	[tilespmem:$0x580] =	vst v1;
	v38 =	vsel vm14, $0x3F800000, v0;
	v41 =	vsel vm4, $0x3F800000, v0;
	v50 =	vadd.f32 v36, v51  }
0x27e: {  	[tilespmem:$0x410] =	vst v1;
	v63 =	vsel vm11, $0x3F800000, v0;
	v34 =	vadd.f32 v34, v44;
	v51 =	vadd.f32 v49, v55  }
0x27f: {  	[tilespmem:$0x780] =	vst v2;
	v37 =	vsel vm15, $0x3F800000, v0;
	v2 =	vadd.f32 v50, v52;
	v52 =	vadd.f32 v61, v60  }
0x280: {  	[tilespmem:$0x800] =	vst v3;
	vm11 =	vlt.f32 v34, $2.000000000e+00;
	v34 =	vsel vm8, $0x3F800000, v0;
	v3 =	vadd.f32 v51, v56  }
0x281: {  	[tilespmem:$0x490] =	vst v1;
	v56 =	vmul.f32 v19, v13;
	v61 =	vadd.f32 v41, v39;
	v53 =	vadd.f32 v52, v62  }
0x282: {  	[tilespmem:$0x880] =	vst v4;
	v60 =	vmul.f32 v19, v14;
	v13 =	vadd.f32 v10, v5;
	v3 =	vadd.f32 v3, v57  }
0x283: {  	[tilespmem:$0x900] =	vst v6;
	v14 =	vsel vm7, $0x3F800000, v0;
	v6 =	vadd.f32 v61, v42;
	v4 =	vadd.f32 v53, v63  }
0x284: {  	[tilespmem:$0x510] =	vst v1;
	v62 =	vmul.f32 v19, v15;
	v15 =	vadd.f32 v13, v9;
	v3 =	vadd.f32 v3, v58  }
0x285: {  	[tilespmem:$0x590] =	vst v1;
	v30 =	vnsel vm11, $0x0, v30;
	v6 =	vadd.f32 v6, v14;
	v4 =	vadd.f32 v4, v40  }
0x286: {  	[tilespmem:$0x680] =	vst v35;
	vm12 =	vlt.f32 v2, $2.000000000e+00;
	v35 =	vadd.f32 v15, v30;
	v3 =	vadd.f32 v3, v59  }
0x287: {  	[tilespmem:$0x420] =	vst v1;
	v36 =	vnsel vm12, $0x0, v31;
	v2 =	vadd.f32 v6, v34;
	v4 =	vadd.f32 v4, v38  }
0x288: {  	[tilespmem:$0x4A0] =	vst v1;
	v6 =	vadd.f32 v35, v36;
	vm13 =	vlt.f32 v3, $2.000000000e+00;
	v3 =	vsel vm9, $0x3F800000, v0  }
0x289: {  	[tilespmem:$0x520] =	vst v1;
	vm10 =	vge.f32 v43, v46;
	v2 =	vadd.f32 v2, v3;
	v4 =	vadd.f32 v4, v37  }
0x28a: {  	[tilespmem:$0x5A0] =	vst v1;
	v38 =	vsel vm10, $0x3F800000, v0;
	v3 =	vnsel vm13, $0x0, v32  }
0x28b: {  	[tilespmem:$0x430] =	vst v1;
	v6 =	vadd.f32 v6, v3;
	v2 =	vadd.f32 v2, v38;
	vm14 =	vlt.f32 v4, $2.000000000e+00  }
0x28c: {  	[tilespmem:$0x4B0] =	vst v1;
	v7 =	vmul.f32 v8, v7;
	v43 =	vmul.f32 $2.500000000e+00, v47;
	v41 =	vnsel vm14, $0x0, v29  }
0x28d: {  	[tilespmem:$0x530] =	vst v1;
	vm15 =	vlt.f32 v2, $2.000000000e+00;
	v2 =	vadd.f32 v6, v41  }
0x28e: {  	v7 =	vmul.f32 $2.500000000e+00, v7;
	v46 =	vmul.f32 v28, v22;
	[tilespmem:$0x600] =	vst v43;
	v43 =	vnsel vm15, $0x0, v33  }
0x28f: {  	[tilespmem:$0x5B0] =	vst v1;
	v11 =	vmul.f32 v19, v11;
	v47 =	vmul.f32 v28, v23;
	v2 =	vadd.f32 v2, v43  }
0x290: {  	[tilespmem:$0x700] =	vst v48;
	v48 =	vmul.f32 $2.500000000e+00, v46;
	v49 =	vmul.f32 v28, v24  }
0x291: {  	[tilespmem:$0x980] =	vst v7;
	v45 =	vmul.f32 v28, v21;
	v55 =	vmul.f32 $2.500000000e+00, v11;
	v2 =	vadd.f32 $9.999999680e-21, v2  }
0x292: {  	v54 =	vmul.f32 v19, v12;
	[tilespmem:$0x720] =	vst v48;
	v51 =	vmul.f32 $2.500000000e+00, v49  }
0x293: {  	[tilespmem:$0x610] =	vst v55;
	(erf) = vrcp.f32 v2;
	v2 =	vmul.f32 $2.500000000e+00, v45  }
0x294: {  	v57 =	vmul.f32 $2.500000000e+00, v54;
	[tilespmem:$0x820] =	vst v51  }
0x295: {  	v50 =	vmul.f32 v28, v25;
	[tilespmem:$0x6A0] =	vst v2;
	v2 =	vmul.f32 $2.500000000e+00, v47  }
0x296: {  	v11 =	vmul.f32 $2.500000000e+00, v56;
	[tilespmem:$0x690] =	vst v57  }
0x297: {  	v53 =	vmul.f32 v28, v27;
	[tilespmem:$0x7A0] =	vst v2;
	v2 =	vmul.f32 $2.500000000e+00, v50  }
0x298: {  	v52 =	vmul.f32 v28, v26;
	v63 =	vmul.f32 $2.500000000e+00, v60;
	[tilespmem:$0x710] =	vst v11  }
0x299: {  	v12 =	vmul.f32 $2.500000000e+00, v62;
	[tilespmem:$0x8A0] =	vst v2;
	v2 =	vmul.f32 $2.500000000e+00, v53  }
0x29a: {  	v39 =	vmul.f32 v19, v17;
	v54 =	vmul.f32 $2.500000000e+00, v52;
	[tilespmem:$0x790] =	vst v63  }
0x29b: {  	[tilespmem:$0x810] =	vst v12;
	v40 =	vmul.f32 v19, v18  }
0x29c: {  	v44 =	vmul.f32 v28, v20;
	[tilespmem:$0x920] =	vst v54;
	v4 =	vmul.f32 $2.500000000e+00, v39  }
0x29d: {  	v42 =	vmul.f32 $2.500000000e+00, v40;
	v37 =	vmul.f32 v19, v16;
	[tilespmem:$0x9A0] =	vst v2;
	v2 =	vpop (erf)  }
0x29e: {  	[tilespmem:$0x910] =	vst v4;
	v4 =	vmul.f32 $2.500000000e+00, v44;
	v55 =	vmul.f32 v2, v5  }
0x29f: {  	[tilespmem:$0x990] =	vst v42;
	v11 =	vmul.f32 $2.500000000e+00, v37;
	v56 =	vmul.f32 v2, v10  }
0x2a0: {  	[tilespmem:$0x620] =	vst v4;
	v57 =	vmul.f32 v2, v9;
	v4 =	vmul.f32 $2.500000000e+00, v55  }
0x2a1: {  	[tilespmem:$0x890] =	vst v11;
	v8 =	vmul.f32 v2, v30;
	v5 =	vmul.f32 $2.500000000e+00, v56  }
0x2a2: {  	v59 =	vmul.f32 v2, v36;
	v58 =	vmul.f32 $2.500000000e+00, v57;
	[tilespmem:$0x630] =	vst v4  }
0x2a3: {  	v3 =	vmul.f32 v2, v3;
	v60 =	vmul.f32 $2.500000000e+00, v8;
	[tilespmem:$0x6B0] =	vst v5  }
0x2a4: {  	v62 =	vmul.f32 v2, v41;
	v61 =	vmul.f32 $2.500000000e+00, v59;
	[tilespmem:$0x730] =	vst v58  }
0x2a5: {  	v2 =	vmul.f32 v2, v43;
	v3 =	vmul.f32 $2.500000000e+00, v3;
	[tilespmem:$0x7B0] =	vst v60  }
0x2a6: {  	v63 =	vmul.f32 $2.500000000e+00, v62;
	[tilespmem:$0x830] =	vst v61  }
0x2a7: {  	v2 =	vmul.f32 $2.500000000e+00, v2;
	[tilespmem:$0x8B0] =	vst v3  }
0x2a8: {  	[tilespmem:$0x930] =	vst v63  }
0x2a9: {  	[tilespmem:$0x9B0] =	vst v2  }
0x2aa: {  	[hbm4b:s3+s2] =	stream.linear.scatter [tilespmem:s20], [sflag:$0x1], $0x40, $0x38;
	[tilespmem:$0x1000] =	vst v63  }
0x2ab: {  	s12 =	rddreg [dreg:$0xc]  }
0x2ac: {  	[hbm4b:s12+s2] =	stream.linear.scatter [tilespmem:s21], [sflag:$0x1], $0x40, $0x38;
	[tilespmem:$0x1000] =	vst v63  }
0x2ad: {  	s11 =	rddreg [dreg:$0xd]  }
0x2ae: {  	[hbm4b:s11+s2] =	stream.linear.scatter [tilespmem:s22], [sflag:$0x1], $0x40, $0x38;
	[tilespmem:$0x1000] =	vst v63  }
0x2af: {  	s12 =	rddreg [dreg:$0xe]  }
0x2b0: {  	[hbm4b:s12+s2] =	stream.linear.scatter [tilespmem:s23], [sflag:$0x1], $0x40, $0x38;
	[tilespmem:$0x1000] =	vst v63  }
0x2b1: {  	s11 =	rddreg [dreg:$0xf]  }
0x2b2: {  	[hbm4b:s11+s2] =	stream.linear.scatter [tilespmem:s24], [sflag:$0x1], $0x40, $0x38;
	[tilespmem:$0x1000] =	vst v63  }
0x2b3: {  	s12 =	rddreg [dreg:$0x10]  }
0x2b4: {  	[hbm4b:s12+s2] =	stream.linear.scatter [tilespmem:s25], [sflag:$0x1], $0x40, $0x38;
	[tilespmem:$0x1000] =	vst v63  }
0x2b5: {  	_ = 	snop  }
0x2b6: {  	[hbm4b:s4+s2] =	stream.linear.scatter [tilespmem:s26], [sflag:$0x1], $0x40, $0x38;
	[tilespmem:$0x1000] =	vst v63  }
0x2b7: {  	_ = 	snop  }
0x2b8: {  	[hbm4b:s5+s2] =	stream.linear.scatter [tilespmem:s28], [sflag:$0x1], $0x40, $0x38;
	[tilespmem:$0x1000] =	vst v63  }
0x2b9: {  	_ = 	snop  }
0x2ba: {  	[hbm4b:s6+s2] =	stream.linear.scatter [tilespmem:s29], [sflag:$0x1], $0x40, $0x38;
	[tilespmem:$0x1000] =	vst v63  }
0x2bb: {  	_ = 	snop  }
0x2bc: {  	[hbm4b:s7+s2] =	stream.linear.scatter [tilespmem:s30], [sflag:$0x1], $0x40, $0x38;
	[tilespmem:$0x1000] =	vst v63  }
0x2bd: {  	_ = 	snop  }
0x2be: {  	[hbm4b:s8+s2] =	stream.linear.scatter [tilespmem:s31], [sflag:$0x1], $0x40, $0x38;
	[tilespmem:$0x1000] =	vst v63  }
0x2bf: {  	_ = 	snop  }
0x2c0: {  	[hbm4b:s9+s2] =	stream.linear.scatter [tilespmem:s0], [sflag:$0x1], $0x40, $0x38;
	[tilespmem:$0x1000] =	vst v63  }
0x2c1: {  	_ =	swait.ge [sflag:s19], $0x40  }
0x2c2: {  	[sflag:s19] =	ssyncset.done $0x0  }
0x2c3: {  	[sflag:s19] =	ssyncadd.s32 $0xFFFFFFC0  }
0x2c4: {  	_ =	swait.ge [sflag:s19], $0x40  }
0x2c5: {  	[sflag:s19] =	ssyncset.done $0x0  }
0x2c6: {  	[sflag:s19] =	ssyncadd.s32 $0xFFFFFFC0  }
0x2c7: {  	_ =	swait.ge [sflag:s19], $0x40  }
0x2c8: {  	[sflag:s19] =	ssyncset.done $0x0  }
0x2c9: {  	[sflag:s19] =	ssyncadd.s32 $0xFFFFFFC0  }
0x2ca: {  	_ =	swait.ge [sflag:s19], $0x40  }
0x2cb: {  	[sflag:s19] =	ssyncset.done $0x0  }
0x2cc: {  	[sflag:s19] =	ssyncadd.s32 $0xFFFFFFC0  }
0x2cd: {  	_ =	swait.ge [sflag:s19], $0x40  }
0x2ce: {  	[sflag:s19] =	ssyncset.done $0x0  }
0x2cf: {  	[sflag:s19] =	ssyncadd.s32 $0xFFFFFFC0  }
0x2d0: {  	_ =	swait.ge [sflag:s19], $0x40  }
0x2d1: {  	[sflag:s19] =	ssyncset.done $0x0  }
0x2d2: {  	[sflag:s19] =	ssyncadd.s32 $0xFFFFFFC0  }
0x2d3: {  	_ =	swait.ge [sflag:s19], $0x40  }
0x2d4: {  	[sflag:s19] =	ssyncset.done $0x0  }
0x2d5: {  	[sflag:s19] =	ssyncadd.s32 $0xFFFFFFC0  }
0x2d6: {  	_ =	swait.ge [sflag:s19], $0x40  }
0x2d7: {  	[sflag:s19] =	ssyncset.done $0x0  }
0x2d8: {  	[sflag:s19] =	ssyncadd.s32 $0xFFFFFFC0  }
0x2d9: {  	_ =	swait.ge [sflag:s19], $0x40  }
0x2da: {  	[sflag:s19] =	ssyncset.done $0x0  }
0x2db: {  	[sflag:s19] =	ssyncadd.s32 $0xFFFFFFC0  }
0x2dc: {  	_ =	swait.ge [sflag:s19], $0x40  }
0x2dd: {  	[sflag:s19] =	ssyncset.done $0x0  }
0x2de: {  	[sflag:s19] =	ssyncadd.s32 $0xFFFFFFC0  }
0x2df: {  	p0 =	sne.s32 s10, $0x1;
	_ =	swait.ge [sflag:s19], $0x40  }
.Ltmp0:
0x2e0: {  	[sflag:s19] =	ssyncset.done $0x0;
	(pc) =	sbr.rel @p0 .LBB2_1-.Ltmp0, $4  }
0x2e1: {  	[sflag:s19] =	ssyncadd.s32 $0xFFFFFFC0  }
0x2e2: {  	_ =	swait.ge [sflag:s19], $0x40  }
0x2e3: {  	[sflag:s19] =	ssyncset.done $0x0  }
0x2e4: {  	s10 =	sadd.s32 $0xFFFFFFFF, s10;
	[sflag:s19] =	ssyncadd.s32 $0xFFFFFFC0  }
0x2e5: {  	_ =	sfence.sel $0x180000  }
0x2e6: {  	[bflag:$0x0] =	sbarrier.arrive $0xFFFF  }
0x2e7: {  	_ =	strace $0x90000047  }
0x2e8: {  	s0 =	stileid.u32;
	[bflag:$0x2] =	sbarrier.arrive $0xFFFF  }
0x2e9: {  	p0 =	sne.s32 s0, $0x0;
	s0 =	rddreg [dreg:$0x2]  }
0x2ea: {  	s0 =	sadd.s32 @!p0 $0x100000, s0  }
0x2eb: {  	[sflag:s0] =	ssyncadd.tile.s32 @!p0 $0x1;
	_ =	shalt  }
.Lfunc_end2:
_tile_overlayer_lowered:
.L_overlay_start_2:
0x2ec: {  	(tag) =	ssettag $0x2  }
0x2ed: {  	s0 =	rddreg [dreg:$0x0];
	s2 =	stileid.u32  }
0x2ee: {  	s1 =	rddreg [dreg:$0x1];
	p0 =	sne.s32 s2, $0x0  }
0x2ef: {  	s3 =	rddreg [dreg:$0x2];
	[bflag:$0x3] =	sbarrier.arrive $0xFFFF;
	s2 =	simm.s32 @!p0 $0x1C02  }
0x2f0: {  	[timem:s3], [sflag:s2] =	dma.local @!p0 [hbm:s0], s1  }
0x2f1: {  	s0 =	simm.s32 @!p0 $0x2  }
0x2f2: {  	_ =	swait.ge @!p0 [sflag:s0], s1  }
0x2f3: {  	s1 =	ssub.s32 @!p0 $0x0, s1;
	[sflag:s0] =	ssyncset.done @!p0 $0x0  }
0x2f4: {  	[sflag:s0] =	ssyncadd.s32 @!p0 s1  }
0x2f5: {  	[bflag:$0x3] =	sbarrier.arrive $0xFFFF  }
0x2f6: {  	_ =	shalt  }

</sc_bundles>
